<compile_context>
chip_gen: v7x
topology: tpu7x:2x2x1
jax: 0.10.2.dev20260603
libtpu: 0.0.44.dev20260713+nightly
codegen_flags: <defaults>
</compile_context>

<pallas_src>
import jax
import jax.numpy as jnp
from jax import lax
from jax.experimental import pallas as pl
from jax.experimental.pallas import tpu as pltpu
from jax.experimental.pallas import tpu_sc as plsc

_BM = 1024


_SUB = 128
_NSUB = 3
_NBUF = 4


def _sc_gather(table, wlin, n_idx, E):
    mesh = plsc.VectorSubcoreMesh(core_axis_name="core", subcore_axis_name="subcore")
    blk = _SUB * _NSUB
    n_steps = n_idx // blk
    info = plsc.get_sparse_core_info()
    nw = info.num_cores * info.num_subcores
    spt = n_steps // nw
    NB = _NBUF

    @pl.kernel(
        out_type=jax.ShapeDtypeStruct((n_steps, blk, E), table.dtype),
        mesh=mesh,
        scratch_types=[
            pltpu.VMEM((NB, blk), jnp.int32),
            pltpu.VMEM((NB, blk, E), jnp.float32),
            pltpu.SemaphoreType.DMA((NB,)),
            pltpu.SemaphoreType.DMA((NB,)),
            pltpu.SemaphoreType.DMA((NB,)),
        ],
        compiler_params=pltpu.CompilerParams(use_tc_tiling_on_sc=False),
    )
    def k(tab_hbm, w_hbm, o_hbm, idx_v, rows_v, isem, gsem, osem):
        wid = lax.axis_index("subcore") * info.num_cores + lax.axis_index("core")
        base = wid * spt

        def idx_cp(s, b):
            return pltpu.make_async_copy(
                w_hbm.at[pl.ds((base + s) * blk, blk)], idx_v.at[b], isem.at[b])

        def gath(b, j):
            return pltpu.make_async_copy(
                tab_hbm.at[idx_v.at[b, pl.ds(j * _SUB, _SUB)]],
                rows_v.at[b, pl.ds(j * _SUB, _SUB), :],
                gsem.at[b])

        def out_cp(s, b):
            return pltpu.make_async_copy(rows_v.at[b], o_hbm.at[base + s], osem.at[b])

        for b in range(NB):
            idx_cp(b, b).start()

        @pl.loop(0, spt // NB)
        def _(oi):
            for b in range(NB):
                s = oi * NB + b
                bp = (b - 1) % NB
                idx_cp(s, b).wait()

                @pl.when(oi > 0)
                def _():
                    out_cp(s - NB, b).wait()

                for j in range(_NSUB):
                    gath(b, j).start()

                @pl.when(s > 0)
                def _():
                    for j in range(_NSUB):
                        gath(bp, j).wait()

                    @pl.when(s - 1 + NB < spt)
                    def _():
                        idx_cp(s - 1 + NB, bp).start()

                    out_cp(s - 1, bp).start()

        bl = (spt - 1) % NB
        for j in range(_NSUB):
            gath(bl, j).wait()
        out_cp(spt - 1, bl).start()
        for b in range(NB):
            out_cp(spt - NB + b, (spt - NB + b) % NB).wait()

    return k(table, wlin)


def _tc_mlp(x2d, W1, b1, W2, b2):
    K, H = W1.shape
    C = W2.shape[1]
    G = K // 128
    B = x2d.shape[0] // G

    def body(x_ref, W1_ref, b1_ref, W2_ref, b2_ref, o_ref):
        acc = jnp.zeros((_BM, H), jnp.float32)
        for g in range(G):
            xg = x_ref[pl.Slice(g, _BM, G), :].astype(jnp.bfloat16)
            acc += jnp.dot(xg, W1_ref[pl.ds(g * 128, 128), :],
                           preferred_element_type=jnp.float32)
        h = jnp.maximum(acc + b1_ref[...], 0.0).astype(jnp.bfloat16)
        o_ref[...] = jnp.dot(h, W2_ref[...], preferred_element_type=jnp.float32) + b2_ref[...]

    return pl.pallas_call(
        body,
        grid=(B // _BM,),
        in_specs=[
            pl.BlockSpec((_BM * G, 128), lambda i: (i, 0)),
            pl.BlockSpec((K, H), lambda i: (0, 0)),
            pl.BlockSpec((1, H), lambda i: (0, 0)),
            pl.BlockSpec((H, C), lambda i: (0, 0)),
            pl.BlockSpec((1, C), lambda i: (0, 0)),
        ],
        out_specs=pl.BlockSpec((_BM, C), lambda i: (i, 0)),
        out_shape=jax.ShapeDtypeStruct((B, C), jnp.float32),
    )(x2d, W1.astype(jnp.bfloat16), b1.reshape(1, -1), W2.astype(jnp.bfloat16),
      b2.reshape(1, -1))


def kernel(w, embeddings, W1, b1, W2, b2):
    B, F = w.shape
    V, E = embeddings.shape
    wlin = w.astype(jnp.int32).reshape(-1)
    half = B * F // 2
    outs = []
    for h in range(2):
        xh = _sc_gather(embeddings, jax.lax.dynamic_slice(wlin, (h * half,), (half,)),
                        half, E)
        x2d = xh.reshape(half * E // 128, 128)
        outs.append(_tc_mlp(x2d, W1, b1, W2, b2))
    return jnp.concatenate(outs, axis=0)

# --- scband reference (transcript-rebuilt; emitter-appended) ---
"""Pipeline reference for scband-parser-model-18811956756485 (READ-ONLY COPY).

The authoritative reference and input builder live on the scoring server;
editing this copy changes nothing except your own understanding.
"""

import jax, jax.numpy as jnp
import numpy as np

VOCAB = 1000000
EMBED = 64
N_FEATURES = 36
HIDDEN = 200
N_CLASSES = 3
BATCH = 16384


def setup_inputs(seed: int = 0) -> dict:
    key = jax.random.key(seed)
    k1, k2, k3, k4, k5, k6 = jax.random.split(key, 6)
    embeddings = jax.random.normal(k1, (VOCAB, EMBED), dtype=jnp.float32) * 0.1
    # xavier-uniform init for embed_to_hidden_weight
    fan_in = N_FEATURES * EMBED
    bound1 = float(np.sqrt(6.0 / (fan_in + HIDDEN)))
    W1 = jax.random.uniform(k2, (fan_in, HIDDEN), dtype=jnp.float32, minval=-bound1, maxval=bound1)
    b1 = jax.random.uniform(k3, (HIDDEN,), dtype=jnp.float32)
    bound2 = float(np.sqrt(6.0 / (HIDDEN + N_CLASSES)))
    W2 = jax.random.uniform(k4, (HIDDEN, N_CLASSES), dtype=jnp.float32, minval=-bound2, maxval=bound2)
    b2 = jax.random.uniform(k5, (N_CLASSES,), dtype=jnp.float32)
    w = jax.random.randint(k6, (BATCH, N_FEATURES), 0, VOCAB, dtype=jnp.int64 if jax.config.jax_enable_x64 else jnp.int32)
    return {"w": w, "embeddings": embeddings, "W1": W1, "b1": b1, "W2": W2, "b2": b2}


def reference(w, embeddings, W1, b1, W2, b2):
    # embedding_lookup: gather rows of the embedding table and flatten per example
    # (batch, n_features) -> (batch, n_features * embed_size)
    x = jnp.take(embeddings, w, axis=0).reshape(w.shape[0], -1)
    # embed_to_hidden affine + relu (dropout is identity in eval/deterministic mode)
    h = jax.nn.relu(x @ W1 + b1)
    # hidden_to_logits affine
    logits = h @ W2 + b2
    return logits

if __name__ == "__main__":
    import jax
    _d = setup_inputs()
    print(jax.jit(kernel)(*tuple(_d.values())))

</pallas_src>

<mosaic_0001>
#map = affine_map<(d0, d1) -> (0, 0)>
#map1 = affine_map<(d0, d1) -> (0)>
#map2 = affine_map<(d0, d1) -> (0, 0, 0)>
module attributes {stable_mosaic.version = 14 : i64} {
  func.func @k(%arg0: i32, %arg1: i32, %arg2: memref<1000000x64xf32, #tpu.memory_space<hbm>>, %arg3: memref<294912xi32, #tpu.memory_space<hbm>>, %arg4: memref<768x384x64xf32, #tpu.memory_space<hbm>>, %arg5: memref<4x384xi32, #tpu.memory_space<vmem>>, %arg6: memref<4x384x64xf32, #tpu.memory_space<vmem>>, %arg7: memref<4x!tpu.dma_semaphore, #tpu.memory_space<semaphore_mem>>, %arg8: memref<4x!tpu.dma_semaphore, #tpu.memory_space<semaphore_mem>>, %arg9: memref<4x!tpu.dma_semaphore, #tpu.memory_space<semaphore_mem>>) attributes {dimension_semantics = [#tpu.dimension_semantics<core_parallel>, #tpu.dimension_semantics<subcore_parallel>], iteration_bounds = array<i64: 2, 16>, scalar_prefetch = 0 : i64, scratch_operands = 5 : i64, tpu.core_type = #tpu.core_type<sc_vector_subcore>, window_params = [{transform_indices = #map}, {transform_indices = #map1}, {transform_indices = #map2}]} {
    %mul3A = arith.constant 2 : i32
    %mul3A_0 = arith.muli %arg1, %mul3A : i32
    %add3A = arith.addi %mul3A_0, %arg0 : i32
    %mul3A_1 = arith.constant 24 : i32
    %mul3A_2 = arith.muli %add3A, %mul3A_1 : i32
    %add3A_3 = arith.constant 0 : i32
    %add3A_4 = arith.addi %mul3A_2, %add3A_3 : i32
    %mul3A_5 = arith.constant 384 : i32
    %mul3A_6 = arith.muli %add3A_4, %mul3A_5 : i32
    %dma_start3A = arith.constant 0 : i32
    %dma_start3A_7 = arith.constant 0 : i32
    %dma_start3A_8 = arith.constant 0 : i32
    %dma_start3A_9 = tpu.memref_slice %arg5[%dma_start3A, %dma_start3A_8] : memref<4x384xi32, #tpu.memory_space<vmem>> -> memref<1x384xi32, #tpu.memory_space<vmem>>
    %dma_start3A_10 = tpu.memref_squeeze %dma_start3A_9 : memref<1x384xi32, #tpu.memory_space<vmem>> -> memref<384xi32, #tpu.memory_space<vmem>>
    %dma_start3A_11 = tpu.memref_slice %arg3[%mul3A_6] : memref<294912xi32, #tpu.memory_space<hbm>> -> memref<384xi32, #tpu.memory_space<hbm>>
    %dma_start3A_12 = tpu.memref_slice %arg7[%dma_start3A_7] : memref<4x!tpu.dma_semaphore, #tpu.memory_space<semaphore_mem>> -> memref<1x!tpu.dma_semaphore, #tpu.memory_space<semaphore_mem>>
    %dma_start3A_13 = tpu.memref_squeeze %dma_start3A_12 : memref<1x!tpu.dma_semaphore, #tpu.memory_space<semaphore_mem>> -> memref<!tpu.dma_semaphore, #tpu.memory_space<semaphore_mem>>
    %dma_start3A_14 = arith.constant 0 : i32
    %dma_start3A_15 = tpu.memref_slice %arg5[%dma_start3A, %dma_start3A_14] : memref<4x384xi32, #tpu.memory_space<vmem>> -> memref<1x384xi32, #tpu.memory_space<vmem>>
    %dma_start3A_16 = tpu.memref_squeeze %dma_start3A_15 : memref<1x384xi32, #tpu.memory_space<vmem>> -> memref<384xi32, #tpu.memory_space<vmem>>
    %dma_start3A_17 = tpu.memref_slice %arg3[%mul3A_6] : memref<294912xi32, #tpu.memory_space<hbm>> -> memref<384xi32, #tpu.memory_space<hbm>>
    tpu.enqueue_dma source(%dma_start3A_17 : memref<384xi32, #tpu.memory_space<hbm>>) target(%dma_start3A_16 : memref<384xi32, #tpu.memory_space<vmem>>) target_semaphore(%dma_start3A_13 : memref<!tpu.dma_semaphore, #tpu.memory_space<semaphore_mem>>)
    %add3A_18 = arith.constant 1 : i32
    %add3A_19 = arith.addi %mul3A_2, %add3A_18 : i32
    %mul3A_20 = arith.constant 384 : i32
    %mul3A_21 = arith.muli %add3A_19, %mul3A_20 : i32
    %dma_start3A_22 = arith.constant 1 : i32
    %dma_start3A_23 = arith.constant 1 : i32
    %dma_start3A_24 = arith.constant 0 : i32
    %dma_start3A_25 = tpu.memref_slice %arg5[%dma_start3A_22, %dma_start3A_24] : memref<4x384xi32, #tpu.memory_space<vmem>> -> memref<1x384xi32, #tpu.memory_space<vmem>>
    %dma_start3A_26 = tpu.memref_squeeze %dma_start3A_25 : memref<1x384xi32, #tpu.memory_space<vmem>> -> memref<384xi32, #tpu.memory_space<vmem>>
    %dma_start3A_27 = tpu.memref_slice %arg3[%mul3A_21] : memref<294912xi32, #tpu.memory_space<hbm>> -> memref<384xi32, #tpu.memory_space<hbm>>
    %dma_start3A_28 = tpu.memref_slice %arg7[%dma_start3A_23] : memref<4x!tpu.dma_semaphore, #tpu.memory_space<semaphore_mem>> -> memref<1x!tpu.dma_semaphore, #tpu.memory_space<semaphore_mem>>
    %dma_start3A_29 = tpu.memref_squeeze %dma_start3A_28 : memref<1x!tpu.dma_semaphore, #tpu.memory_space<semaphore_mem>> -> memref<!tpu.dma_semaphore, #tpu.memory_space<semaphore_mem>>
    %dma_start3A_30 = arith.constant 0 : i32
    %dma_start3A_31 = tpu.memref_slice %arg5[%dma_start3A_22, %dma_start3A_30] : memref<4x384xi32, #tpu.memory_space<vmem>> -> memref<1x384xi32, #tpu.memory_space<vmem>>
    %dma_start3A_32 = tpu.memref_squeeze %dma_start3A_31 : memref<1x384xi32, #tpu.memory_space<vmem>> -> memref<384xi32, #tpu.memory_space<vmem>>
    %dma_start3A_33 = tpu.memref_slice %arg3[%mul3A_21] : memref<294912xi32, #tpu.memory_space<hbm>> -> memref<384xi32, #tpu.memory_space<hbm>>
    tpu.enqueue_dma source(%dma_start3A_33 : memref<384xi32, #tpu.memory_space<hbm>>) target(%dma_start3A_32 : memref<384xi32, #tpu.memory_space<vmem>>) target_semaphore(%dma_start3A_29 : memref<!tpu.dma_semaphore, #tpu.memory_space<semaphore_mem>>)
    %add3A_34 = arith.constant 2 : i32
    %add3A_35 = arith.addi %mul3A_2, %add3A_34 : i32
    %mul3A_36 = arith.constant 384 : i32
    %mul3A_37 = arith.muli %add3A_35, %mul3A_36 : i32
    %dma_start3A_38 = arith.constant 2 : i32
    %dma_start3A_39 = arith.constant 2 : i32
    %dma_start3A_40 = arith.constant 0 : i32
    %dma_start3A_41 = tpu.memref_slice %arg5[%dma_start3A_38, %dma_start3A_40] : memref<4x384xi32, #tpu.memory_space<vmem>> -> memref<1x384xi32, #tpu.memory_space<vmem>>
    %dma_start3A_42 = tpu.memref_squeeze %dma_start3A_41 : memref<1x384xi32, #tpu.memory_space<vmem>> -> memref<384xi32, #tpu.memory_space<vmem>>
    %dma_start3A_43 = tpu.memref_slice %arg3[%mul3A_37] : memref<294912xi32, #tpu.memory_space<hbm>> -> memref<384xi32, #tpu.memory_space<hbm>>
    %dma_start3A_44 = tpu.memref_slice %arg7[%dma_start3A_39] : memref<4x!tpu.dma_semaphore, #tpu.memory_space<semaphore_mem>> -> memref<1x!tpu.dma_semaphore, #tpu.memory_space<semaphore_mem>>
    %dma_start3A_45 = tpu.memref_squeeze %dma_start3A_44 : memref<1x!tpu.dma_semaphore, #tpu.memory_space<semaphore_mem>> -> memref<!tpu.dma_semaphore, #tpu.memory_space<semaphore_mem>>
    %dma_start3A_46 = arith.constant 0 : i32
    %dma_start3A_47 = tpu.memref_slice %arg5[%dma_start3A_38, %dma_start3A_46] : memref<4x384xi32, #tpu.memory_space<vmem>> -> memref<1x384xi32, #tpu.memory_space<vmem>>
    %dma_start3A_48 = tpu.memref_squeeze %dma_start3A_47 : memref<1x384xi32, #tpu.memory_space<vmem>> -> memref<384xi32, #tpu.memory_space<vmem>>
    %dma_start3A_49 = tpu.memref_slice %arg3[%mul3A_37] : memref<294912xi32, #tpu.memory_space<hbm>> -> memref<384xi32, #tpu.memory_space<hbm>>
    tpu.enqueue_dma source(%dma_start3A_49 : memref<384xi32, #tpu.memory_space<hbm>>) target(%dma_start3A_48 : memref<384xi32, #tpu.memory_space<vmem>>) target_semaphore(%dma_start3A_45 : memref<!tpu.dma_semaphore, #tpu.memory_space<semaphore_mem>>)
    %add3A_50 = arith.constant 3 : i32
    %add3A_51 = arith.addi %mul3A_2, %add3A_50 : i32
    %mul3A_52 = arith.constant 384 : i32
    %mul3A_53 = arith.muli %add3A_51, %mul3A_52 : i32
    %dma_start3A_54 = arith.constant 3 : i32
    %dma_start3A_55 = arith.constant 3 : i32
    %dma_start3A_56 = arith.constant 0 : i32
    %dma_start3A_57 = tpu.memref_slice %arg5[%dma_start3A_54, %dma_start3A_56] : memref<4x384xi32, #tpu.memory_space<vmem>> -> memref<1x384xi32, #tpu.memory_space<vmem>>
    %dma_start3A_58 = tpu.memref_squeeze %dma_start3A_57 : memref<1x384xi32, #tpu.memory_space<vmem>> -> memref<384xi32, #tpu.memory_space<vmem>>
    %dma_start3A_59 = tpu.memref_slice %arg3[%mul3A_53] : memref<294912xi32, #tpu.memory_space<hbm>> -> memref<384xi32, #tpu.memory_space<hbm>>
    %dma_start3A_60 = tpu.memref_slice %arg7[%dma_start3A_55] : memref<4x!tpu.dma_semaphore, #tpu.memory_space<semaphore_mem>> -> memref<1x!tpu.dma_semaphore, #tpu.memory_space<semaphore_mem>>
    %dma_start3A_61 = tpu.memref_squeeze %dma_start3A_60 : memref<1x!tpu.dma_semaphore, #tpu.memory_space<semaphore_mem>> -> memref<!tpu.dma_semaphore, #tpu.memory_space<semaphore_mem>>
    %dma_start3A_62 = arith.constant 0 : i32
    %dma_start3A_63 = tpu.memref_slice %arg5[%dma_start3A_54, %dma_start3A_62] : memref<4x384xi32, #tpu.memory_space<vmem>> -> memref<1x384xi32, #tpu.memory_space<vmem>>
    %dma_start3A_64 = tpu.memref_squeeze %dma_start3A_63 : memref<1x384xi32, #tpu.memory_space<vmem>> -> memref<384xi32, #tpu.memory_space<vmem>>
    %dma_start3A_65 = tpu.memref_slice %arg3[%mul3A_53] : memref<294912xi32, #tpu.memory_space<hbm>> -> memref<384xi32, #tpu.memory_space<hbm>>
    tpu.enqueue_dma source(%dma_start3A_65 : memref<384xi32, #tpu.memory_space<hbm>>) target(%dma_start3A_64 : memref<384xi32, #tpu.memory_space<vmem>>) target_semaphore(%dma_start3A_61 : memref<!tpu.dma_semaphore, #tpu.memory_space<semaphore_mem>>)
    %scan3A = arith.constant 0 : i32
    %scan3A_66 = arith.constant 6 : i32
    %scan3A_67 = arith.addi %scan3A, %scan3A_66 : i32
    %scan3A_68 = arith.constant 1 : i32
    scf.for %scan3A_224 = %scan3A to %scan3A_67 step %scan3A_68  : i32 {
      %mul3A_225 = arith.constant 1 : i32
      %mul3A_226 = arith.muli %scan3A_224, %mul3A_225 : i32
      %add3A_227 = arith.constant 0 : i32
      %add3A_228 = arith.addi %add3A_227, %mul3A_226 : i32
      %mul3A_229 = arith.constant 4 : i32
      %mul3A_230 = arith.muli %add3A_228, %mul3A_229 : i32
      %add3A_231 = arith.constant 0 : i32
      %add3A_232 = arith.addi %mul3A_230, %add3A_231 : i32
      %add3A_233 = arith.addi %mul3A_2, %add3A_232 : i32
      %mul3A_234 = arith.constant 384 : i32
      %mul3A_235 = arith.muli %add3A_233, %mul3A_234 : i32
      %dma_wait3A_236 = arith.constant 0 : i32
      %dma_wait3A_237 = arith.constant 0 : i32
      %dma_wait3A_238 = arith.constant 0 : i32
      %dma_wait3A_239 = tpu.memref_slice %arg5[%dma_wait3A_236, %dma_wait3A_238] : memref<4x384xi32, #tpu.memory_space<vmem>> -> memref<1x384xi32, #tpu.memory_space<vmem>>
      %dma_wait3A_240 = tpu.memref_squeeze %dma_wait3A_239 : memref<1x384xi32, #tpu.memory_space<vmem>> -> memref<384xi32, #tpu.memory_space<vmem>>
      %dma_wait3A_241 = tpu.memref_slice %arg3[%mul3A_235] : memref<294912xi32, #tpu.memory_space<hbm>> -> memref<384xi32, #tpu.memory_space<hbm>>
      %dma_wait3A_242 = tpu.memref_slice %arg7[%dma_wait3A_237] : memref<4x!tpu.dma_semaphore, #tpu.memory_space<semaphore_mem>> -> memref<1x!tpu.dma_semaphore, #tpu.memory_space<semaphore_mem>>
      %dma_wait3A_243 = tpu.memref_squeeze %dma_wait3A_242 : memref<1x!tpu.dma_semaphore, #tpu.memory_space<semaphore_mem>> -> memref<!tpu.dma_semaphore, #tpu.memory_space<semaphore_mem>>
      %dma_wait3A_244 = arith.constant 0 : i32
      %dma_wait3A_245 = tpu.memref_slice %arg5[%dma_wait3A_236, %dma_wait3A_244] : memref<4x384xi32, #tpu.memory_space<vmem>> -> memref<1x384xi32, #tpu.memory_space<vmem>>
      %dma_wait3A_246 = tpu.memref_squeeze %dma_wait3A_245 : memref<1x384xi32, #tpu.memory_space<vmem>> -> memref<384xi32, #tpu.memory_space<vmem>>
      %dma_wait3A_247 = tpu.memref_slice %arg3[%mul3A_235] : memref<294912xi32, #tpu.memory_space<hbm>> -> memref<384xi32, #tpu.memory_space<hbm>>
      tpu.wait_dma2 semaphore(%dma_wait3A_243 : memref<!tpu.dma_semaphore, #tpu.memory_space<semaphore_mem>>) src(%dma_wait3A_247 : memref<384xi32, #tpu.memory_space<hbm>>) dst(%dma_wait3A_246 : memref<384xi32, #tpu.memory_space<vmem>>)
      %gt3A = arith.constant 0 : i32
      %gt3A_248 = arith.cmpi sgt, %add3A_228, %gt3A : i32
      %convert_element_type3A = arith.extui %gt3A_248 : i1 to i32
      %cond3A = arith.constant 0 : i32
      %cond3A_249 = arith.cmpi ne, %convert_element_type3A, %cond3A : i32
      scf.if %cond3A_249 {
        %sub3A = arith.constant 4 : i32
        %sub3A_522 = arith.subi %add3A_232, %sub3A : i32
        %add3A_523 = arith.addi %mul3A_2, %sub3A_522 : i32
        %dma_wait3A_524 = arith.constant 0 : i32
        %dma_wait3A_525 = arith.constant 0 : i32
        %dma_wait3A_526 = arith.constant 0 : i32
        %dma_wait3A_527 = arith.constant 0 : i32
        %dma_wait3A_528 = tpu.memref_slice %arg6[%dma_wait3A_524, %dma_wait3A_526, %dma_wait3A_527] : memref<4x384x64xf32, #tpu.memory_space<vmem>> -> memref<1x384x64xf32, #tpu.memory_space<vmem>>
        %dma_wait3A_529 = tpu.memref_squeeze %dma_wait3A_528 : memref<1x384x64xf32, #tpu.memory_space<vmem>> -> memref<384x64xf32, #tpu.memory_space<vmem>>
        %dma_wait3A_530 = arith.constant 0 : i32
        %dma_wait3A_531 = arith.constant 0 : i32
        %dma_wait3A_532 = tpu.memref_slice %arg4[%add3A_523, %dma_wait3A_530, %dma_wait3A_531] : memref<768x384x64xf32, #tpu.memory_space<hbm>> -> memref<1x384x64xf32, #tpu.memory_space<hbm>>
        %dma_wait3A_533 = tpu.memref_squeeze %dma_wait3A_532 : memref<1x384x64xf32, #tpu.memory_space<hbm>> -> memref<384x64xf32, #tpu.memory_space<hbm>>
        %dma_wait3A_534 = tpu.memref_slice %arg9[%dma_wait3A_525] : memref<4x!tpu.dma_semaphore, #tpu.memory_space<semaphore_mem>> -> memref<1x!tpu.dma_semaphore, #tpu.memory_space<semaphore_mem>>
        %dma_wait3A_535 = tpu.memref_squeeze %dma_wait3A_534 : memref<1x!tpu.dma_semaphore, #tpu.memory_space<semaphore_mem>> -> memref<!tpu.dma_semaphore, #tpu.memory_space<semaphore_mem>>
        %dma_wait3A_536 = arith.constant 0 : i32
        %dma_wait3A_537 = arith.constant 0 : i32
        %dma_wait3A_538 = tpu.memref_slice %arg4[%add3A_523, %dma_wait3A_536, %dma_wait3A_537] : memref<768x384x64xf32, #tpu.memory_space<hbm>> -> memref<1x384x64xf32, #tpu.memory_space<hbm>>
        %dma_wait3A_539 = tpu.memref_squeeze %dma_wait3A_538 : memref<1x384x64xf32, #tpu.memory_space<hbm>> -> memref<384x64xf32, #tpu.memory_space<hbm>>
        %dma_wait3A_540 = arith.constant 0 : i32
        %dma_wait3A_541 = arith.constant 0 : i32
        %dma_wait3A_542 = tpu.memref_slice %arg6[%dma_wait3A_524, %dma_wait3A_540, %dma_wait3A_541] : memref<4x384x64xf32, #tpu.memory_space<vmem>> -> memref<1x384x64xf32, #tpu.memory_space<vmem>>
        %dma_wait3A_543 = tpu.memref_squeeze %dma_wait3A_542 : memref<1x384x64xf32, #tpu.memory_space<vmem>> -> memref<384x64xf32, #tpu.memory_space<vmem>>
        tpu.wait_dma2 semaphore(%dma_wait3A_535 : memref<!tpu.dma_semaphore, #tpu.memory_space<semaphore_mem>>) src(%dma_wait3A_543 : memref<384x64xf32, #tpu.memory_space<vmem>>) dst(%dma_wait3A_539 : memref<384x64xf32, #tpu.memory_space<hbm>>)
      } else {
      }
      %dma_start3A_250 = arith.constant 0 : i32
      %dma_start3A_251 = arith.constant 0 : i32
      %dma_start3A_252 = arith.constant 0 : i32
      %dma_start3A_253 = arith.constant 0 : i32
      %dma_start3A_254 = arith.constant 0 : i32
      %dma_start3A_255 = tpu.memref_slice %arg6[%dma_start3A_251, %dma_start3A_253, %dma_start3A_254] : memref<4x384x64xf32, #tpu.memory_space<vmem>> -> memref<1x128x64xf32, #tpu.memory_space<vmem>>
      %dma_start3A_256 = tpu.memref_squeeze %dma_start3A_255 : memref<1x128x64xf32, #tpu.memory_space<vmem>> -> memref<128x64xf32, #tpu.memory_space<vmem>>
      %dma_start3A_257 = arith.constant 0 : i32
      %dma_start3A_258 = tpu.memref_slice %arg5[%dma_start3A_250, %dma_start3A_257] : memref<4x384xi32, #tpu.memory_space<vmem>> -> memref<1x128xi32, #tpu.memory_space<vmem>>
      %dma_start3A_259 = tpu.memref_squeeze %dma_start3A_258 : memref<1x128xi32, #tpu.memory_space<vmem>> -> memref<128xi32, #tpu.memory_space<vmem>>
      %dma_start3A_260 = arith.constant 0 : i32
      %dma_start3A_261 = arith.constant 0 : i32
      %dma_start3A_262 = tpu.memref_slice %arg2[%dma_start3A_260, %dma_start3A_261] : memref<1000000x64xf32, #tpu.memory_space<hbm>> -> memref<1000000x64xf32, #tpu.memory_space<hbm>>
      %dma_start3A_263 = tpu.memref_slice %arg8[%dma_start3A_252] : memref<4x!tpu.dma_semaphore, #tpu.memory_space<semaphore_mem>> -> memref<1x!tpu.dma_semaphore, #tpu.memory_space<semaphore_mem>>
      %dma_start3A_264 = tpu.memref_squeeze %dma_start3A_263 : memref<1x!tpu.dma_semaphore, #tpu.memory_space<semaphore_mem>> -> memref<!tpu.dma_semaphore, #tpu.memory_space<semaphore_mem>>
      tpu.enqueue_indirect_dma source(%dma_start3A_262 : memref<1000000x64xf32, #tpu.memory_space<hbm>>) target(%dma_start3A_256 : memref<128x64xf32, #tpu.memory_space<vmem>>) offsets(%dma_start3A_259 : memref<128xi32, #tpu.memory_space<vmem>>) semaphore(%dma_start3A_264 : memref<!tpu.dma_semaphore, #tpu.memory_space<semaphore_mem>>)
      %dma_start3A_265 = arith.constant 0 : i32
      %dma_start3A_266 = arith.constant 0 : i32
      %dma_start3A_267 = arith.constant 0 : i32
      %dma_start3A_268 = arith.constant 128 : i32
      %dma_start3A_269 = arith.constant 0 : i32
      %dma_start3A_270 = tpu.memref_slice %arg6[%dma_start3A_266, %dma_start3A_268, %dma_start3A_269] : memref<4x384x64xf32, #tpu.memory_space<vmem>> -> memref<1x128x64xf32, #tpu.memory_space<vmem>>
      %dma_start3A_271 = tpu.memref_squeeze %dma_start3A_270 : memref<1x128x64xf32, #tpu.memory_space<vmem>> -> memref<128x64xf32, #tpu.memory_space<vmem>>
      %dma_start3A_272 = arith.constant 128 : i32
      %dma_start3A_273 = tpu.memref_slice %arg5[%dma_start3A_265, %dma_start3A_272] : memref<4x384xi32, #tpu.memory_space<vmem>> -> memref<1x128xi32, #tpu.memory_space<vmem>>
      %dma_start3A_274 = tpu.memref_squeeze %dma_start3A_273 : memref<1x128xi32, #tpu.memory_space<vmem>> -> memref<128xi32, #tpu.memory_space<vmem>>
      %dma_start3A_275 = arith.constant 0 : i32
      %dma_start3A_276 = arith.constant 0 : i32
      %dma_start3A_277 = tpu.memref_slice %arg2[%dma_start3A_275, %dma_start3A_276] : memref<1000000x64xf32, #tpu.memory_space<hbm>> -> memref<1000000x64xf32, #tpu.memory_space<hbm>>
      %dma_start3A_278 = tpu.memref_slice %arg8[%dma_start3A_267] : memref<4x!tpu.dma_semaphore, #tpu.memory_space<semaphore_mem>> -> memref<1x!tpu.dma_semaphore, #tpu.memory_space<semaphore_mem>>
      %dma_start3A_279 = tpu.memref_squeeze %dma_start3A_278 : memref<1x!tpu.dma_semaphore, #tpu.memory_space<semaphore_mem>> -> memref<!tpu.dma_semaphore, #tpu.memory_space<semaphore_mem>>
      tpu.enqueue_indirect_dma source(%dma_start3A_277 : memref<1000000x64xf32, #tpu.memory_space<hbm>>) target(%dma_start3A_271 : memref<128x64xf32, #tpu.memory_space<vmem>>) offsets(%dma_start3A_274 : memref<128xi32, #tpu.memory_space<vmem>>) semaphore(%dma_start3A_279 : memref<!tpu.dma_semaphore, #tpu.memory_space<semaphore_mem>>)
      %dma_start3A_280 = arith.constant 0 : i32
      %dma_start3A_281 = arith.constant 0 : i32
      %dma_start3A_282 = arith.constant 0 : i32
      %dma_start3A_283 = arith.constant 256 : i32
      %dma_start3A_284 = arith.constant 0 : i32
      %dma_start3A_285 = tpu.memref_slice %arg6[%dma_start3A_281, %dma_start3A_283, %dma_start3A_284] : memref<4x384x64xf32, #tpu.memory_space<vmem>> -> memref<1x128x64xf32, #tpu.memory_space<vmem>>
      %dma_start3A_286 = tpu.memref_squeeze %dma_start3A_285 : memref<1x128x64xf32, #tpu.memory_space<vmem>> -> memref<128x64xf32, #tpu.memory_space<vmem>>
      %dma_start3A_287 = arith.constant 256 : i32
      %dma_start3A_288 = tpu.memref_slice %arg5[%dma_start3A_280, %dma_start3A_287] : memref<4x384xi32, #tpu.memory_space<vmem>> -> memref<1x128xi32, #tpu.memory_space<vmem>>
      %dma_start3A_289 = tpu.memref_squeeze %dma_start3A_288 : memref<1x128xi32, #tpu.memory_space<vmem>> -> memref<128xi32, #tpu.memory_space<vmem>>
      %dma_start3A_290 = arith.constant 0 : i32
      %dma_start3A_291 = arith.constant 0 : i32
      %dma_start3A_292 = tpu.memref_slice %arg2[%dma_start3A_290, %dma_start3A_291] : memref<1000000x64xf32, #tpu.memory_space<hbm>> -> memref<1000000x64xf32, #tpu.memory_space<hbm>>
      %dma_start3A_293 = tpu.memref_slice %arg8[%dma_start3A_282] : memref<4x!tpu.dma_semaphore, #tpu.memory_space<semaphore_mem>> -> memref<1x!tpu.dma_semaphore, #tpu.memory_space<semaphore_mem>>
      %dma_start3A_294 = tpu.memref_squeeze %dma_start3A_293 : memref<1x!tpu.dma_semaphore, #tpu.memory_space<semaphore_mem>> -> memref<!tpu.dma_semaphore, #tpu.memory_space<semaphore_mem>>
      tpu.enqueue_indirect_dma source(%dma_start3A_292 : memref<1000000x64xf32, #tpu.memory_space<hbm>>) target(%dma_start3A_286 : memref<128x64xf32, #tpu.memory_space<vmem>>) offsets(%dma_start3A_289 : memref<128xi32, #tpu.memory_space<vmem>>) semaphore(%dma_start3A_294 : memref<!tpu.dma_semaphore, #tpu.memory_space<semaphore_mem>>)
      %gt3A_295 = arith.constant 0 : i32
      %gt3A_296 = arith.cmpi sgt, %add3A_232, %gt3A_295 : i32
      %convert_element_type3A_297 = arith.extui %gt3A_296 : i1 to i32
      %cond3A_298 = arith.constant 0 : i32
      %cond3A_299 = arith.cmpi ne, %convert_element_type3A_297, %cond3A_298 : i32
      scf.if %cond3A_299 {
        %dma_wait3A_522 = arith.constant 3 : i32
        %dma_wait3A_523 = arith.constant 3 : i32
        %dma_wait3A_524 = arith.constant 3 : i32
        %dma_wait3A_525 = arith.constant 0 : i32
        %dma_wait3A_526 = arith.constant 0 : i32
        %dma_wait3A_527 = tpu.memref_slice %arg6[%dma_wait3A_523, %dma_wait3A_525, %dma_wait3A_526] : memref<4x384x64xf32, #tpu.memory_space<vmem>> -> memref<1x128x64xf32, #tpu.memory_space<vmem>>
        %dma_wait3A_528 = tpu.memref_squeeze %dma_wait3A_527 : memref<1x128x64xf32, #tpu.memory_space<vmem>> -> memref<128x64xf32, #tpu.memory_space<vmem>>
        %dma_wait3A_529 = arith.constant 0 : i32
        %dma_wait3A_530 = tpu.memref_slice %arg5[%dma_wait3A_522, %dma_wait3A_529] : memref<4x384xi32, #tpu.memory_space<vmem>> -> memref<1x128xi32, #tpu.memory_space<vmem>>
        %dma_wait3A_531 = tpu.memref_squeeze %dma_wait3A_530 : memref<1x128xi32, #tpu.memory_space<vmem>> -> memref<128xi32, #tpu.memory_space<vmem>>
        %dma_wait3A_532 = arith.constant 0 : i32
        %dma_wait3A_533 = arith.constant 0 : i32
        %dma_wait3A_534 = tpu.memref_slice %arg2[%dma_wait3A_532, %dma_wait3A_533] : memref<1000000x64xf32, #tpu.memory_space<hbm>> -> memref<1000000x64xf32, #tpu.memory_space<hbm>>
        %dma_wait3A_535 = tpu.memref_slice %arg8[%dma_wait3A_524] : memref<4x!tpu.dma_semaphore, #tpu.memory_space<semaphore_mem>> -> memref<1x!tpu.dma_semaphore, #tpu.memory_space<semaphore_mem>>
        %dma_wait3A_536 = tpu.memref_squeeze %dma_wait3A_535 : memref<1x!tpu.dma_semaphore, #tpu.memory_space<semaphore_mem>> -> memref<!tpu.dma_semaphore, #tpu.memory_space<semaphore_mem>>
        tpu.wait_indirect_dma semaphore(%dma_wait3A_536 : memref<!tpu.dma_semaphore, #tpu.memory_space<semaphore_mem>>) src(%dma_wait3A_534 : memref<1000000x64xf32, #tpu.memory_space<hbm>>) dst(%dma_wait3A_528 : memref<128x64xf32, #tpu.memory_space<vmem>>)
        %dma_wait3A_537 = arith.constant 3 : i32
        %dma_wait3A_538 = arith.constant 3 : i32
        %dma_wait3A_539 = arith.constant 3 : i32
        %dma_wait3A_540 = arith.constant 128 : i32
        %dma_wait3A_541 = arith.constant 0 : i32
        %dma_wait3A_542 = tpu.memref_slice %arg6[%dma_wait3A_538, %dma_wait3A_540, %dma_wait3A_541] : memref<4x384x64xf32, #tpu.memory_space<vmem>> -> memref<1x128x64xf32, #tpu.memory_space<vmem>>
        %dma_wait3A_543 = tpu.memref_squeeze %dma_wait3A_542 : memref<1x128x64xf32, #tpu.memory_space<vmem>> -> memref<128x64xf32, #tpu.memory_space<vmem>>
        %dma_wait3A_544 = arith.constant 128 : i32
        %dma_wait3A_545 = tpu.memref_slice %arg5[%dma_wait3A_537, %dma_wait3A_544] : memref<4x384xi32, #tpu.memory_space<vmem>> -> memref<1x128xi32, #tpu.memory_space<vmem>>
        %dma_wait3A_546 = tpu.memref_squeeze %dma_wait3A_545 : memref<1x128xi32, #tpu.memory_space<vmem>> -> memref<128xi32, #tpu.memory_space<vmem>>
        %dma_wait3A_547 = arith.constant 0 : i32
        %dma_wait3A_548 = arith.constant 0 : i32
        %dma_wait3A_549 = tpu.memref_slice %arg2[%dma_wait3A_547, %dma_wait3A_548] : memref<1000000x64xf32, #tpu.memory_space<hbm>> -> memref<1000000x64xf32, #tpu.memory_space<hbm>>
        %dma_wait3A_550 = tpu.memref_slice %arg8[%dma_wait3A_539] : memref<4x!tpu.dma_semaphore, #tpu.memory_space<semaphore_mem>> -> memref<1x!tpu.dma_semaphore, #tpu.memory_space<semaphore_mem>>
        %dma_wait3A_551 = tpu.memref_squeeze %dma_wait3A_550 : memref<1x!tpu.dma_semaphore, #tpu.memory_space<semaphore_mem>> -> memref<!tpu.dma_semaphore, #tpu.memory_space<semaphore_mem>>
        tpu.wait_indirect_dma semaphore(%dma_wait3A_551 : memref<!tpu.dma_semaphore, #tpu.memory_space<semaphore_mem>>) src(%dma_wait3A_549 : memref<1000000x64xf32, #tpu.memory_space<hbm>>) dst(%dma_wait3A_543 : memref<128x64xf32, #tpu.memory_space<vmem>>)
        %dma_wait3A_552 = arith.constant 3 : i32
        %dma_wait3A_553 = arith.constant 3 : i32
        %dma_wait3A_554 = arith.constant 3 : i32
        %dma_wait3A_555 = arith.constant 256 : i32
        %dma_wait3A_556 = arith.constant 0 : i32
        %dma_wait3A_557 = tpu.memref_slice %arg6[%dma_wait3A_553, %dma_wait3A_555, %dma_wait3A_556] : memref<4x384x64xf32, #tpu.memory_space<vmem>> -> memref<1x128x64xf32, #tpu.memory_space<vmem>>
        %dma_wait3A_558 = tpu.memref_squeeze %dma_wait3A_557 : memref<1x128x64xf32, #tpu.memory_space<vmem>> -> memref<128x64xf32, #tpu.memory_space<vmem>>
        %dma_wait3A_559 = arith.constant 256 : i32
        %dma_wait3A_560 = tpu.memref_slice %arg5[%dma_wait3A_552, %dma_wait3A_559] : memref<4x384xi32, #tpu.memory_space<vmem>> -> memref<1x128xi32, #tpu.memory_space<vmem>>
        %dma_wait3A_561 = tpu.memref_squeeze %dma_wait3A_560 : memref<1x128xi32, #tpu.memory_space<vmem>> -> memref<128xi32, #tpu.memory_space<vmem>>
        %dma_wait3A_562 = arith.constant 0 : i32
        %dma_wait3A_563 = arith.constant 0 : i32
        %dma_wait3A_564 = tpu.memref_slice %arg2[%dma_wait3A_562, %dma_wait3A_563] : memref<1000000x64xf32, #tpu.memory_space<hbm>> -> memref<1000000x64xf32, #tpu.memory_space<hbm>>
        %dma_wait3A_565 = tpu.memref_slice %arg8[%dma_wait3A_554] : memref<4x!tpu.dma_semaphore, #tpu.memory_space<semaphore_mem>> -> memref<1x!tpu.dma_semaphore, #tpu.memory_space<semaphore_mem>>
        %dma_wait3A_566 = tpu.memref_squeeze %dma_wait3A_565 : memref<1x!tpu.dma_semaphore, #tpu.memory_space<semaphore_mem>> -> memref<!tpu.dma_semaphore, #tpu.memory_space<semaphore_mem>>
        tpu.wait_indirect_dma semaphore(%dma_wait3A_566 : memref<!tpu.dma_semaphore, #tpu.memory_space<semaphore_mem>>) src(%dma_wait3A_564 : memref<1000000x64xf32, #tpu.memory_space<hbm>>) dst(%dma_wait3A_558 : memref<128x64xf32, #tpu.memory_space<vmem>>)
        %sub3A = arith.constant 1 : i32
        %sub3A_567 = arith.subi %add3A_232, %sub3A : i32
        %add3A_568 = arith.constant 4 : i32
        %add3A_569 = arith.addi %sub3A_567, %add3A_568 : i32
        %lt3A = arith.constant 24 : i32
        %lt3A_570 = arith.cmpi slt, %add3A_569, %lt3A : i32
        %convert_element_type3A_571 = arith.extui %lt3A_570 : i1 to i32
        %cond3A_572 = arith.constant 0 : i32
        %cond3A_573 = arith.cmpi ne, %convert_element_type3A_571, %cond3A_572 : i32
        scf.if %cond3A_573 {
          %sub3A_597 = arith.constant 1 : i32
          %sub3A_598 = arith.subi %add3A_232, %sub3A_597 : i32
          %add3A_599 = arith.constant 4 : i32
          %add3A_600 = arith.addi %sub3A_598, %add3A_599 : i32
          %add3A_601 = arith.addi %mul3A_2, %add3A_600 : i32
          %mul3A_602 = arith.constant 384 : i32
          %mul3A_603 = arith.muli %add3A_601, %mul3A_602 : i32
          %dma_start3A_604 = arith.constant 3 : i32
          %dma_start3A_605 = arith.constant 3 : i32
          %dma_start3A_606 = arith.constant 0 : i32
          %dma_start3A_607 = tpu.memref_slice %arg5[%dma_start3A_604, %dma_start3A_606] : memref<4x384xi32, #tpu.memory_space<vmem>> -> memref<1x384xi32, #tpu.memory_space<vmem>>
          %dma_start3A_608 = tpu.memref_squeeze %dma_start3A_607 : memref<1x384xi32, #tpu.memory_space<vmem>> -> memref<384xi32, #tpu.memory_space<vmem>>
          %dma_start3A_609 = tpu.memref_slice %arg3[%mul3A_603] : memref<294912xi32, #tpu.memory_space<hbm>> -> memref<384xi32, #tpu.memory_space<hbm>>
          %dma_start3A_610 = tpu.memref_slice %arg7[%dma_start3A_605] : memref<4x!tpu.dma_semaphore, #tpu.memory_space<semaphore_mem>> -> memref<1x!tpu.dma_semaphore, #tpu.memory_space<semaphore_mem>>
          %dma_start3A_611 = tpu.memref_squeeze %dma_start3A_610 : memref<1x!tpu.dma_semaphore, #tpu.memory_space<semaphore_mem>> -> memref<!tpu.dma_semaphore, #tpu.memory_space<semaphore_mem>>
          %dma_start3A_612 = arith.constant 0 : i32
          %dma_start3A_613 = tpu.memref_slice %arg5[%dma_start3A_604, %dma_start3A_612] : memref<4x384xi32, #tpu.memory_space<vmem>> -> memref<1x384xi32, #tpu.memory_space<vmem>>
          %dma_start3A_614 = tpu.memref_squeeze %dma_start3A_613 : memref<1x384xi32, #tpu.memory_space<vmem>> -> memref<384xi32, #tpu.memory_space<vmem>>
          %dma_start3A_615 = tpu.memref_slice %arg3[%mul3A_603] : memref<294912xi32, #tpu.memory_space<hbm>> -> memref<384xi32, #tpu.memory_space<hbm>>
          tpu.enqueue_dma source(%dma_start3A_615 : memref<384xi32, #tpu.memory_space<hbm>>) target(%dma_start3A_614 : memref<384xi32, #tpu.memory_space<vmem>>) target_semaphore(%dma_start3A_611 : memref<!tpu.dma_semaphore, #tpu.memory_space<semaphore_mem>>)
        } else {
        }
        %sub3A_574 = arith.constant 1 : i32
        %sub3A_575 = arith.subi %add3A_232, %sub3A_574 : i32
        %add3A_576 = arith.addi %mul3A_2, %sub3A_575 : i32
        %dma_start3A_577 = arith.constant 3 : i32
        %dma_start3A_578 = arith.constant 3 : i32
        %dma_start3A_579 = arith.constant 0 : i32
        %dma_start3A_580 = arith.constant 0 : i32
        %dma_start3A_581 = tpu.memref_slice %arg6[%dma_start3A_577, %dma_start3A_579, %dma_start3A_580] : memref<4x384x64xf32, #tpu.memory_space<vmem>> -> memref<1x384x64xf32, #tpu.memory_space<vmem>>
        %dma_start3A_582 = tpu.memref_squeeze %dma_start3A_581 : memref<1x384x64xf32, #tpu.memory_space<vmem>> -> memref<384x64xf32, #tpu.memory_space<vmem>>
        %dma_start3A_583 = arith.constant 0 : i32
        %dma_start3A_584 = arith.constant 0 : i32
        %dma_start3A_585 = tpu.memref_slice %arg4[%add3A_576, %dma_start3A_583, %dma_start3A_584] : memref<768x384x64xf32, #tpu.memory_space<hbm>> -> memref<1x384x64xf32, #tpu.memory_space<hbm>>
        %dma_start3A_586 = tpu.memref_squeeze %dma_start3A_585 : memref<1x384x64xf32, #tpu.memory_space<hbm>> -> memref<384x64xf32, #tpu.memory_space<hbm>>
        %dma_start3A_587 = tpu.memref_slice %arg9[%dma_start3A_578] : memref<4x!tpu.dma_semaphore, #tpu.memory_space<semaphore_mem>> -> memref<1x!tpu.dma_semaphore, #tpu.memory_space<semaphore_mem>>
        %dma_start3A_588 = tpu.memref_squeeze %dma_start3A_587 : memref<1x!tpu.dma_semaphore, #tpu.memory_space<semaphore_mem>> -> memref<!tpu.dma_semaphore, #tpu.memory_space<semaphore_mem>>
        %dma_start3A_589 = arith.constant 0 : i32
        %dma_start3A_590 = arith.constant 0 : i32
        %dma_start3A_591 = tpu.memref_slice %arg4[%add3A_576, %dma_start3A_589, %dma_start3A_590] : memref<768x384x64xf32, #tpu.memory_space<hbm>> -> memref<1x384x64xf32, #tpu.memory_space<hbm>>
        %dma_start3A_592 = tpu.memref_squeeze %dma_start3A_591 : memref<1x384x64xf32, #tpu.memory_space<hbm>> -> memref<384x64xf32, #tpu.memory_space<hbm>>
        %dma_start3A_593 = arith.constant 0 : i32
        %dma_start3A_594 = arith.constant 0 : i32
        %dma_start3A_595 = tpu.memref_slice %arg6[%dma_start3A_577, %dma_start3A_593, %dma_start3A_594] : memref<4x384x64xf32, #tpu.memory_space<vmem>> -> memref<1x384x64xf32, #tpu.memory_space<vmem>>
        %dma_start3A_596 = tpu.memref_squeeze %dma_start3A_595 : memref<1x384x64xf32, #tpu.memory_space<vmem>> -> memref<384x64xf32, #tpu.memory_space<vmem>>
        tpu.enqueue_dma source(%dma_start3A_596 : memref<384x64xf32, #tpu.memory_space<vmem>>) target(%dma_start3A_592 : memref<384x64xf32, #tpu.memory_space<hbm>>) target_semaphore(%dma_start3A_588 : memref<!tpu.dma_semaphore, #tpu.memory_space<semaphore_mem>>)
      } else {
      }
      %mul3A_300 = arith.constant 4 : i32
      %mul3A_301 = arith.muli %add3A_228, %mul3A_300 : i32
      %add3A_302 = arith.constant 1 : i32
      %add3A_303 = arith.addi %mul3A_301, %add3A_302 : i32
      %add3A_304 = arith.addi %mul3A_2, %add3A_303 : i32
      %mul3A_305 = arith.constant 384 : i32
      %mul3A_306 = arith.muli %add3A_304, %mul3A_305 : i32
      %dma_wait3A_307 = arith.constant 1 : i32
      %dma_wait3A_308 = arith.constant 1 : i32
      %dma_wait3A_309 = arith.constant 0 : i32
      %dma_wait3A_310 = tpu.memref_slice %arg5[%dma_wait3A_307, %dma_wait3A_309] : memref<4x384xi32, #tpu.memory_space<vmem>> -> memref<1x384xi32, #tpu.memory_space<vmem>>
      %dma_wait3A_311 = tpu.memref_squeeze %dma_wait3A_310 : memref<1x384xi32, #tpu.memory_space<vmem>> -> memref<384xi32, #tpu.memory_space<vmem>>
      %dma_wait3A_312 = tpu.memref_slice %arg3[%mul3A_306] : memref<294912xi32, #tpu.memory_space<hbm>> -> memref<384xi32, #tpu.memory_space<hbm>>
      %dma_wait3A_313 = tpu.memref_slice %arg7[%dma_wait3A_308] : memref<4x!tpu.dma_semaphore, #tpu.memory_space<semaphore_mem>> -> memref<1x!tpu.dma_semaphore, #tpu.memory_space<semaphore_mem>>
      %dma_wait3A_314 = tpu.memref_squeeze %dma_wait3A_313 : memref<1x!tpu.dma_semaphore, #tpu.memory_space<semaphore_mem>> -> memref<!tpu.dma_semaphore, #tpu.memory_space<semaphore_mem>>
      %dma_wait3A_315 = arith.constant 0 : i32
      %dma_wait3A_316 = tpu.memref_slice %arg5[%dma_wait3A_307, %dma_wait3A_315] : memref<4x384xi32, #tpu.memory_space<vmem>> -> memref<1x384xi32, #tpu.memory_space<vmem>>
      %dma_wait3A_317 = tpu.memref_squeeze %dma_wait3A_316 : memref<1x384xi32, #tpu.memory_space<vmem>> -> memref<384xi32, #tpu.memory_space<vmem>>
      %dma_wait3A_318 = tpu.memref_slice %arg3[%mul3A_306] : memref<294912xi32, #tpu.memory_space<hbm>> -> memref<384xi32, #tpu.memory_space<hbm>>
      tpu.wait_dma2 semaphore(%dma_wait3A_314 : memref<!tpu.dma_semaphore, #tpu.memory_space<semaphore_mem>>) src(%dma_wait3A_318 : memref<384xi32, #tpu.memory_space<hbm>>) dst(%dma_wait3A_317 : memref<384xi32, #tpu.memory_space<vmem>>)
      %gt3A_319 = arith.constant 0 : i32
      %gt3A_320 = arith.cmpi sgt, %add3A_228, %gt3A_319 : i32
      %convert_element_type3A_321 = arith.extui %gt3A_320 : i1 to i32
      %cond3A_322 = arith.constant 0 : i32
      %cond3A_323 = arith.cmpi ne, %convert_element_type3A_321, %cond3A_322 : i32
      scf.if %cond3A_323 {
        %sub3A = arith.constant 4 : i32
        %sub3A_522 = arith.subi %add3A_303, %sub3A : i32
        %add3A_523 = arith.addi %mul3A_2, %sub3A_522 : i32
        %dma_wait3A_524 = arith.constant 1 : i32
        %dma_wait3A_525 = arith.constant 1 : i32
        %dma_wait3A_526 = arith.constant 0 : i32
        %dma_wait3A_527 = arith.constant 0 : i32
        %dma_wait3A_528 = tpu.memref_slice %arg6[%dma_wait3A_524, %dma_wait3A_526, %dma_wait3A_527] : memref<4x384x64xf32, #tpu.memory_space<vmem>> -> memref<1x384x64xf32, #tpu.memory_space<vmem>>
        %dma_wait3A_529 = tpu.memref_squeeze %dma_wait3A_528 : memref<1x384x64xf32, #tpu.memory_space<vmem>> -> memref<384x64xf32, #tpu.memory_space<vmem>>
        %dma_wait3A_530 = arith.constant 0 : i32
        %dma_wait3A_531 = arith.constant 0 : i32
        %dma_wait3A_532 = tpu.memref_slice %arg4[%add3A_523, %dma_wait3A_530, %dma_wait3A_531] : memref<768x384x64xf32, #tpu.memory_space<hbm>> -> memref<1x384x64xf32, #tpu.memory_space<hbm>>
        %dma_wait3A_533 = tpu.memref_squeeze %dma_wait3A_532 : memref<1x384x64xf32, #tpu.memory_space<hbm>> -> memref<384x64xf32, #tpu.memory_space<hbm>>
        %dma_wait3A_534 = tpu.memref_slice %arg9[%dma_wait3A_525] : memref<4x!tpu.dma_semaphore, #tpu.memory_space<semaphore_mem>> -> memref<1x!tpu.dma_semaphore, #tpu.memory_space<semaphore_mem>>
        %dma_wait3A_535 = tpu.memref_squeeze %dma_wait3A_534 : memref<1x!tpu.dma_semaphore, #tpu.memory_space<semaphore_mem>> -> memref<!tpu.dma_semaphore, #tpu.memory_space<semaphore_mem>>
        %dma_wait3A_536 = arith.constant 0 : i32
        %dma_wait3A_537 = arith.constant 0 : i32
        %dma_wait3A_538 = tpu.memref_slice %arg4[%add3A_523, %dma_wait3A_536, %dma_wait3A_537] : memref<768x384x64xf32, #tpu.memory_space<hbm>> -> memref<1x384x64xf32, #tpu.memory_space<hbm>>
        %dma_wait3A_539 = tpu.memref_squeeze %dma_wait3A_538 : memref<1x384x64xf32, #tpu.memory_space<hbm>> -> memref<384x64xf32, #tpu.memory_space<hbm>>
        %dma_wait3A_540 = arith.constant 0 : i32
        %dma_wait3A_541 = arith.constant 0 : i32
        %dma_wait3A_542 = tpu.memref_slice %arg6[%dma_wait3A_524, %dma_wait3A_540, %dma_wait3A_541] : memref<4x384x64xf32, #tpu.memory_space<vmem>> -> memref<1x384x64xf32, #tpu.memory_space<vmem>>
        %dma_wait3A_543 = tpu.memref_squeeze %dma_wait3A_542 : memref<1x384x64xf32, #tpu.memory_space<vmem>> -> memref<384x64xf32, #tpu.memory_space<vmem>>
        tpu.wait_dma2 semaphore(%dma_wait3A_535 : memref<!tpu.dma_semaphore, #tpu.memory_space<semaphore_mem>>) src(%dma_wait3A_543 : memref<384x64xf32, #tpu.memory_space<vmem>>) dst(%dma_wait3A_539 : memref<384x64xf32, #tpu.memory_space<hbm>>)
      } else {
      }
      %dma_start3A_324 = arith.constant 1 : i32
      %dma_start3A_325 = arith.constant 1 : i32
      %dma_start3A_326 = arith.constant 1 : i32
      %dma_start3A_327 = arith.constant 0 : i32
      %dma_start3A_328 = arith.constant 0 : i32
      %dma_start3A_329 = tpu.memref_slice %arg6[%dma_start3A_325, %dma_start3A_327, %dma_start3A_328] : memref<4x384x64xf32, #tpu.memory_space<vmem>> -> memref<1x128x64xf32, #tpu.memory_space<vmem>>
      %dma_start3A_330 = tpu.memref_squeeze %dma_start3A_329 : memref<1x128x64xf32, #tpu.memory_space<vmem>> -> memref<128x64xf32, #tpu.memory_space<vmem>>
      %dma_start3A_331 = arith.constant 0 : i32
      %dma_start3A_332 = tpu.memref_slice %arg5[%dma_start3A_324, %dma_start3A_331] : memref<4x384xi32, #tpu.memory_space<vmem>> -> memref<1x128xi32, #tpu.memory_space<vmem>>
      %dma_start3A_333 = tpu.memref_squeeze %dma_start3A_332 : memref<1x128xi32, #tpu.memory_space<vmem>> -> memref<128xi32, #tpu.memory_space<vmem>>
      %dma_start3A_334 = arith.constant 0 : i32
      %dma_start3A_335 = arith.constant 0 : i32
      %dma_start3A_336 = tpu.memref_slice %arg2[%dma_start3A_334, %dma_start3A_335] : memref<1000000x64xf32, #tpu.memory_space<hbm>> -> memref<1000000x64xf32, #tpu.memory_space<hbm>>
      %dma_start3A_337 = tpu.memref_slice %arg8[%dma_start3A_326] : memref<4x!tpu.dma_semaphore, #tpu.memory_space<semaphore_mem>> -> memref<1x!tpu.dma_semaphore, #tpu.memory_space<semaphore_mem>>
      %dma_start3A_338 = tpu.memref_squeeze %dma_start3A_337 : memref<1x!tpu.dma_semaphore, #tpu.memory_space<semaphore_mem>> -> memref<!tpu.dma_semaphore, #tpu.memory_space<semaphore_mem>>
      tpu.enqueue_indirect_dma source(%dma_start3A_336 : memref<1000000x64xf32, #tpu.memory_space<hbm>>) target(%dma_start3A_330 : memref<128x64xf32, #tpu.memory_space<vmem>>) offsets(%dma_start3A_333 : memref<128xi32, #tpu.memory_space<vmem>>) semaphore(%dma_start3A_338 : memref<!tpu.dma_semaphore, #tpu.memory_space<semaphore_mem>>)
      %dma_start3A_339 = arith.constant 1 : i32
      %dma_start3A_340 = arith.constant 1 : i32
      %dma_start3A_341 = arith.constant 1 : i32
      %dma_start3A_342 = arith.constant 128 : i32
      %dma_start3A_343 = arith.constant 0 : i32
      %dma_start3A_344 = tpu.memref_slice %arg6[%dma_start3A_340, %dma_start3A_342, %dma_start3A_343] : memref<4x384x64xf32, #tpu.memory_space<vmem>> -> memref<1x128x64xf32, #tpu.memory_space<vmem>>
      %dma_start3A_345 = tpu.memref_squeeze %dma_start3A_344 : memref<1x128x64xf32, #tpu.memory_space<vmem>> -> memref<128x64xf32, #tpu.memory_space<vmem>>
      %dma_start3A_346 = arith.constant 128 : i32
      %dma_start3A_347 = tpu.memref_slice %arg5[%dma_start3A_339, %dma_start3A_346] : memref<4x384xi32, #tpu.memory_space<vmem>> -> memref<1x128xi32, #tpu.memory_space<vmem>>
      %dma_start3A_348 = tpu.memref_squeeze %dma_start3A_347 : memref<1x128xi32, #tpu.memory_space<vmem>> -> memref<128xi32, #tpu.memory_space<vmem>>
      %dma_start3A_349 = arith.constant 0 : i32
      %dma_start3A_350 = arith.constant 0 : i32
      %dma_start3A_351 = tpu.memref_slice %arg2[%dma_start3A_349, %dma_start3A_350] : memref<1000000x64xf32, #tpu.memory_space<hbm>> -> memref<1000000x64xf32, #tpu.memory_space<hbm>>
      %dma_start3A_352 = tpu.memref_slice %arg8[%dma_start3A_341] : memref<4x!tpu.dma_semaphore, #tpu.memory_space<semaphore_mem>> -> memref<1x!tpu.dma_semaphore, #tpu.memory_space<semaphore_mem>>
      %dma_start3A_353 = tpu.memref_squeeze %dma_start3A_352 : memref<1x!tpu.dma_semaphore, #tpu.memory_space<semaphore_mem>> -> memref<!tpu.dma_semaphore, #tpu.memory_space<semaphore_mem>>
      tpu.enqueue_indirect_dma source(%dma_start3A_351 : memref<1000000x64xf32, #tpu.memory_space<hbm>>) target(%dma_start3A_345 : memref<128x64xf32, #tpu.memory_space<vmem>>) offsets(%dma_start3A_348 : memref<128xi32, #tpu.memory_space<vmem>>) semaphore(%dma_start3A_353 : memref<!tpu.dma_semaphore, #tpu.memory_space<semaphore_mem>>)
      %dma_start3A_354 = arith.constant 1 : i32
      %dma_start3A_355 = arith.constant 1 : i32
      %dma_start3A_356 = arith.constant 1 : i32
      %dma_start3A_357 = arith.constant 256 : i32
      %dma_start3A_358 = arith.constant 0 : i32
      %dma_start3A_359 = tpu.memref_slice %arg6[%dma_start3A_355, %dma_start3A_357, %dma_start3A_358] : memref<4x384x64xf32, #tpu.memory_space<vmem>> -> memref<1x128x64xf32, #tpu.memory_space<vmem>>
      %dma_start3A_360 = tpu.memref_squeeze %dma_start3A_359 : memref<1x128x64xf32, #tpu.memory_space<vmem>> -> memref<128x64xf32, #tpu.memory_space<vmem>>
      %dma_start3A_361 = arith.constant 256 : i32
      %dma_start3A_362 = tpu.memref_slice %arg5[%dma_start3A_354, %dma_start3A_361] : memref<4x384xi32, #tpu.memory_space<vmem>> -> memref<1x128xi32, #tpu.memory_space<vmem>>
      %dma_start3A_363 = tpu.memref_squeeze %dma_start3A_362 : memref<1x128xi32, #tpu.memory_space<vmem>> -> memref<128xi32, #tpu.memory_space<vmem>>
      %dma_start3A_364 = arith.constant 0 : i32
      %dma_start3A_365 = arith.constant 0 : i32
      %dma_start3A_366 = tpu.memref_slice %arg2[%dma_start3A_364, %dma_start3A_365] : memref<1000000x64xf32, #tpu.memory_space<hbm>> -> memref<1000000x64xf32, #tpu.memory_space<hbm>>
      %dma_start3A_367 = tpu.memref_slice %arg8[%dma_start3A_356] : memref<4x!tpu.dma_semaphore, #tpu.memory_space<semaphore_mem>> -> memref<1x!tpu.dma_semaphore, #tpu.memory_space<semaphore_mem>>
      %dma_start3A_368 = tpu.memref_squeeze %dma_start3A_367 : memref<1x!tpu.dma_semaphore, #tpu.memory_space<semaphore_mem>> -> memref<!tpu.dma_semaphore, #tpu.memory_space<semaphore_mem>>
      tpu.enqueue_indirect_dma source(%dma_start3A_366 : memref<1000000x64xf32, #tpu.memory_space<hbm>>) target(%dma_start3A_360 : memref<128x64xf32, #tpu.memory_space<vmem>>) offsets(%dma_start3A_363 : memref<128xi32, #tpu.memory_space<vmem>>) semaphore(%dma_start3A_368 : memref<!tpu.dma_semaphore, #tpu.memory_space<semaphore_mem>>)
      %gt3A_369 = arith.constant 0 : i32
      %gt3A_370 = arith.cmpi sgt, %add3A_303, %gt3A_369 : i32
      %convert_element_type3A_371 = arith.extui %gt3A_370 : i1 to i32
      %cond3A_372 = arith.constant 0 : i32
      %cond3A_373 = arith.cmpi ne, %convert_element_type3A_371, %cond3A_372 : i32
      scf.if %cond3A_373 {
        %dma_wait3A_522 = arith.constant 0 : i32
        %dma_wait3A_523 = arith.constant 0 : i32
        %dma_wait3A_524 = arith.constant 0 : i32
        %dma_wait3A_525 = arith.constant 0 : i32
        %dma_wait3A_526 = arith.constant 0 : i32
        %dma_wait3A_527 = tpu.memref_slice %arg6[%dma_wait3A_523, %dma_wait3A_525, %dma_wait3A_526] : memref<4x384x64xf32, #tpu.memory_space<vmem>> -> memref<1x128x64xf32, #tpu.memory_space<vmem>>
        %dma_wait3A_528 = tpu.memref_squeeze %dma_wait3A_527 : memref<1x128x64xf32, #tpu.memory_space<vmem>> -> memref<128x64xf32, #tpu.memory_space<vmem>>
        %dma_wait3A_529 = arith.constant 0 : i32
        %dma_wait3A_530 = tpu.memref_slice %arg5[%dma_wait3A_522, %dma_wait3A_529] : memref<4x384xi32, #tpu.memory_space<vmem>> -> memref<1x128xi32, #tpu.memory_space<vmem>>
        %dma_wait3A_531 = tpu.memref_squeeze %dma_wait3A_530 : memref<1x128xi32, #tpu.memory_space<vmem>> -> memref<128xi32, #tpu.memory_space<vmem>>
        %dma_wait3A_532 = arith.constant 0 : i32
        %dma_wait3A_533 = arith.constant 0 : i32
        %dma_wait3A_534 = tpu.memref_slice %arg2[%dma_wait3A_532, %dma_wait3A_533] : memref<1000000x64xf32, #tpu.memory_space<hbm>> -> memref<1000000x64xf32, #tpu.memory_space<hbm>>
        %dma_wait3A_535 = tpu.memref_slice %arg8[%dma_wait3A_524] : memref<4x!tpu.dma_semaphore, #tpu.memory_space<semaphore_mem>> -> memref<1x!tpu.dma_semaphore, #tpu.memory_space<semaphore_mem>>
        %dma_wait3A_536 = tpu.memref_squeeze %dma_wait3A_535 : memref<1x!tpu.dma_semaphore, #tpu.memory_space<semaphore_mem>> -> memref<!tpu.dma_semaphore, #tpu.memory_space<semaphore_mem>>
        tpu.wait_indirect_dma semaphore(%dma_wait3A_536 : memref<!tpu.dma_semaphore, #tpu.memory_space<semaphore_mem>>) src(%dma_wait3A_534 : memref<1000000x64xf32, #tpu.memory_space<hbm>>) dst(%dma_wait3A_528 : memref<128x64xf32, #tpu.memory_space<vmem>>)
        %dma_wait3A_537 = arith.constant 0 : i32
        %dma_wait3A_538 = arith.constant 0 : i32
        %dma_wait3A_539 = arith.constant 0 : i32
        %dma_wait3A_540 = arith.constant 128 : i32
        %dma_wait3A_541 = arith.constant 0 : i32
        %dma_wait3A_542 = tpu.memref_slice %arg6[%dma_wait3A_538, %dma_wait3A_540, %dma_wait3A_541] : memref<4x384x64xf32, #tpu.memory_space<vmem>> -> memref<1x128x64xf32, #tpu.memory_space<vmem>>
        %dma_wait3A_543 = tpu.memref_squeeze %dma_wait3A_542 : memref<1x128x64xf32, #tpu.memory_space<vmem>> -> memref<128x64xf32, #tpu.memory_space<vmem>>
        %dma_wait3A_544 = arith.constant 128 : i32
        %dma_wait3A_545 = tpu.memref_slice %arg5[%dma_wait3A_537, %dma_wait3A_544] : memref<4x384xi32, #tpu.memory_space<vmem>> -> memref<1x128xi32, #tpu.memory_space<vmem>>
        %dma_wait3A_546 = tpu.memref_squeeze %dma_wait3A_545 : memref<1x128xi32, #tpu.memory_space<vmem>> -> memref<128xi32, #tpu.memory_space<vmem>>
        %dma_wait3A_547 = arith.constant 0 : i32
        %dma_wait3A_548 = arith.constant 0 : i32
        %dma_wait3A_549 = tpu.memref_slice %arg2[%dma_wait3A_547, %dma_wait3A_548] : memref<1000000x64xf32, #tpu.memory_space<hbm>> -> memref<1000000x64xf32, #tpu.memory_space<hbm>>
        %dma_wait3A_550 = tpu.memref_slice %arg8[%dma_wait3A_539] : memref<4x!tpu.dma_semaphore, #tpu.memory_space<semaphore_mem>> -> memref<1x!tpu.dma_semaphore, #tpu.memory_space<semaphore_mem>>
        %dma_wait3A_551 = tpu.memref_squeeze %dma_wait3A_550 : memref<1x!tpu.dma_semaphore, #tpu.memory_space<semaphore_mem>> -> memref<!tpu.dma_semaphore, #tpu.memory_space<semaphore_mem>>
        tpu.wait_indirect_dma semaphore(%dma_wait3A_551 : memref<!tpu.dma_semaphore, #tpu.memory_space<semaphore_mem>>) src(%dma_wait3A_549 : memref<1000000x64xf32, #tpu.memory_space<hbm>>) dst(%dma_wait3A_543 : memref<128x64xf32, #tpu.memory_space<vmem>>)
        %dma_wait3A_552 = arith.constant 0 : i32
        %dma_wait3A_553 = arith.constant 0 : i32
        %dma_wait3A_554 = arith.constant 0 : i32
        %dma_wait3A_555 = arith.constant 256 : i32
        %dma_wait3A_556 = arith.constant 0 : i32
        %dma_wait3A_557 = tpu.memref_slice %arg6[%dma_wait3A_553, %dma_wait3A_555, %dma_wait3A_556] : memref<4x384x64xf32, #tpu.memory_space<vmem>> -> memref<1x128x64xf32, #tpu.memory_space<vmem>>
        %dma_wait3A_558 = tpu.memref_squeeze %dma_wait3A_557 : memref<1x128x64xf32, #tpu.memory_space<vmem>> -> memref<128x64xf32, #tpu.memory_space<vmem>>
        %dma_wait3A_559 = arith.constant 256 : i32
        %dma_wait3A_560 = tpu.memref_slice %arg5[%dma_wait3A_552, %dma_wait3A_559] : memref<4x384xi32, #tpu.memory_space<vmem>> -> memref<1x128xi32, #tpu.memory_space<vmem>>
        %dma_wait3A_561 = tpu.memref_squeeze %dma_wait3A_560 : memref<1x128xi32, #tpu.memory_space<vmem>> -> memref<128xi32, #tpu.memory_space<vmem>>
        %dma_wait3A_562 = arith.constant 0 : i32
        %dma_wait3A_563 = arith.constant 0 : i32
        %dma_wait3A_564 = tpu.memref_slice %arg2[%dma_wait3A_562, %dma_wait3A_563] : memref<1000000x64xf32, #tpu.memory_space<hbm>> -> memref<1000000x64xf32, #tpu.memory_space<hbm>>
        %dma_wait3A_565 = tpu.memref_slice %arg8[%dma_wait3A_554] : memref<4x!tpu.dma_semaphore, #tpu.memory_space<semaphore_mem>> -> memref<1x!tpu.dma_semaphore, #tpu.memory_space<semaphore_mem>>
        %dma_wait3A_566 = tpu.memref_squeeze %dma_wait3A_565 : memref<1x!tpu.dma_semaphore, #tpu.memory_space<semaphore_mem>> -> memref<!tpu.dma_semaphore, #tpu.memory_space<semaphore_mem>>
        tpu.wait_indirect_dma semaphore(%dma_wait3A_566 : memref<!tpu.dma_semaphore, #tpu.memory_space<semaphore_mem>>) src(%dma_wait3A_564 : memref<1000000x64xf32, #tpu.memory_space<hbm>>) dst(%dma_wait3A_558 : memref<128x64xf32, #tpu.memory_space<vmem>>)
        %sub3A = arith.constant 1 : i32
        %sub3A_567 = arith.subi %add3A_303, %sub3A : i32
        %add3A_568 = arith.constant 4 : i32
        %add3A_569 = arith.addi %sub3A_567, %add3A_568 : i32
        %lt3A = arith.constant 24 : i32
        %lt3A_570 = arith.cmpi slt, %add3A_569, %lt3A : i32
        %convert_element_type3A_571 = arith.extui %lt3A_570 : i1 to i32
        %cond3A_572 = arith.constant 0 : i32
        %cond3A_573 = arith.cmpi ne, %convert_element_type3A_571, %cond3A_572 : i32
        scf.if %cond3A_573 {
          %sub3A_597 = arith.constant 1 : i32
          %sub3A_598 = arith.subi %add3A_303, %sub3A_597 : i32
          %add3A_599 = arith.constant 4 : i32
          %add3A_600 = arith.addi %sub3A_598, %add3A_599 : i32
          %add3A_601 = arith.addi %mul3A_2, %add3A_600 : i32
          %mul3A_602 = arith.constant 384 : i32
          %mul3A_603 = arith.muli %add3A_601, %mul3A_602 : i32
          %dma_start3A_604 = arith.constant 0 : i32
          %dma_start3A_605 = arith.constant 0 : i32
          %dma_start3A_606 = arith.constant 0 : i32
          %dma_start3A_607 = tpu.memref_slice %arg5[%dma_start3A_604, %dma_start3A_606] : memref<4x384xi32, #tpu.memory_space<vmem>> -> memref<1x384xi32, #tpu.memory_space<vmem>>
          %dma_start3A_608 = tpu.memref_squeeze %dma_start3A_607 : memref<1x384xi32, #tpu.memory_space<vmem>> -> memref<384xi32, #tpu.memory_space<vmem>>
          %dma_start3A_609 = tpu.memref_slice %arg3[%mul3A_603] : memref<294912xi32, #tpu.memory_space<hbm>> -> memref<384xi32, #tpu.memory_space<hbm>>
          %dma_start3A_610 = tpu.memref_slice %arg7[%dma_start3A_605] : memref<4x!tpu.dma_semaphore, #tpu.memory_space<semaphore_mem>> -> memref<1x!tpu.dma_semaphore, #tpu.memory_space<semaphore_mem>>
          %dma_start3A_611 = tpu.memref_squeeze %dma_start3A_610 : memref<1x!tpu.dma_semaphore, #tpu.memory_space<semaphore_mem>> -> memref<!tpu.dma_semaphore, #tpu.memory_space<semaphore_mem>>
          %dma_start3A_612 = arith.constant 0 : i32
          %dma_start3A_613 = tpu.memref_slice %arg5[%dma_start3A_604, %dma_start3A_612] : memref<4x384xi32, #tpu.memory_space<vmem>> -> memref<1x384xi32, #tpu.memory_space<vmem>>
          %dma_start3A_614 = tpu.memref_squeeze %dma_start3A_613 : memref<1x384xi32, #tpu.memory_space<vmem>> -> memref<384xi32, #tpu.memory_space<vmem>>
          %dma_start3A_615 = tpu.memref_slice %arg3[%mul3A_603] : memref<294912xi32, #tpu.memory_space<hbm>> -> memref<384xi32, #tpu.memory_space<hbm>>
          tpu.enqueue_dma source(%dma_start3A_615 : memref<384xi32, #tpu.memory_space<hbm>>) target(%dma_start3A_614 : memref<384xi32, #tpu.memory_space<vmem>>) target_semaphore(%dma_start3A_611 : memref<!tpu.dma_semaphore, #tpu.memory_space<semaphore_mem>>)
        } else {
        }
        %sub3A_574 = arith.constant 1 : i32
        %sub3A_575 = arith.subi %add3A_303, %sub3A_574 : i32
        %add3A_576 = arith.addi %mul3A_2, %sub3A_575 : i32
        %dma_start3A_577 = arith.constant 0 : i32
        %dma_start3A_578 = arith.constant 0 : i32
        %dma_start3A_579 = arith.constant 0 : i32
        %dma_start3A_580 = arith.constant 0 : i32
        %dma_start3A_581 = tpu.memref_slice %arg6[%dma_start3A_577, %dma_start3A_579, %dma_start3A_580] : memref<4x384x64xf32, #tpu.memory_space<vmem>> -> memref<1x384x64xf32, #tpu.memory_space<vmem>>
        %dma_start3A_582 = tpu.memref_squeeze %dma_start3A_581 : memref<1x384x64xf32, #tpu.memory_space<vmem>> -> memref<384x64xf32, #tpu.memory_space<vmem>>
        %dma_start3A_583 = arith.constant 0 : i32
        %dma_start3A_584 = arith.constant 0 : i32
        %dma_start3A_585 = tpu.memref_slice %arg4[%add3A_576, %dma_start3A_583, %dma_start3A_584] : memref<768x384x64xf32, #tpu.memory_space<hbm>> -> memref<1x384x64xf32, #tpu.memory_space<hbm>>
        %dma_start3A_586 = tpu.memref_squeeze %dma_start3A_585 : memref<1x384x64xf32, #tpu.memory_space<hbm>> -> memref<384x64xf32, #tpu.memory_space<hbm>>
        %dma_start3A_587 = tpu.memref_slice %arg9[%dma_start3A_578] : memref<4x!tpu.dma_semaphore, #tpu.memory_space<semaphore_mem>> -> memref<1x!tpu.dma_semaphore, #tpu.memory_space<semaphore_mem>>
        %dma_start3A_588 = tpu.memref_squeeze %dma_start3A_587 : memref<1x!tpu.dma_semaphore, #tpu.memory_space<semaphore_mem>> -> memref<!tpu.dma_semaphore, #tpu.memory_space<semaphore_mem>>
        %dma_start3A_589 = arith.constant 0 : i32
        %dma_start3A_590 = arith.constant 0 : i32
        %dma_start3A_591 = tpu.memref_slice %arg4[%add3A_576, %dma_start3A_589, %dma_start3A_590] : memref<768x384x64xf32, #tpu.memory_space<hbm>> -> memref<1x384x64xf32, #tpu.memory_space<hbm>>
        %dma_start3A_592 = tpu.memref_squeeze %dma_start3A_591 : memref<1x384x64xf32, #tpu.memory_space<hbm>> -> memref<384x64xf32, #tpu.memory_space<hbm>>
        %dma_start3A_593 = arith.constant 0 : i32
        %dma_start3A_594 = arith.constant 0 : i32
        %dma_start3A_595 = tpu.memref_slice %arg6[%dma_start3A_577, %dma_start3A_593, %dma_start3A_594] : memref<4x384x64xf32, #tpu.memory_space<vmem>> -> memref<1x384x64xf32, #tpu.memory_space<vmem>>
        %dma_start3A_596 = tpu.memref_squeeze %dma_start3A_595 : memref<1x384x64xf32, #tpu.memory_space<vmem>> -> memref<384x64xf32, #tpu.memory_space<vmem>>
        tpu.enqueue_dma source(%dma_start3A_596 : memref<384x64xf32, #tpu.memory_space<vmem>>) target(%dma_start3A_592 : memref<384x64xf32, #tpu.memory_space<hbm>>) target_semaphore(%dma_start3A_588 : memref<!tpu.dma_semaphore, #tpu.memory_space<semaphore_mem>>)
      } else {
      }
      %mul3A_374 = arith.constant 4 : i32
      %mul3A_375 = arith.muli %add3A_228, %mul3A_374 : i32
      %add3A_376 = arith.constant 2 : i32
      %add3A_377 = arith.addi %mul3A_375, %add3A_376 : i32
      %add3A_378 = arith.addi %mul3A_2, %add3A_377 : i32
      %mul3A_379 = arith.constant 384 : i32
      %mul3A_380 = arith.muli %add3A_378, %mul3A_379 : i32
      %dma_wait3A_381 = arith.constant 2 : i32
      %dma_wait3A_382 = arith.constant 2 : i32
      %dma_wait3A_383 = arith.constant 0 : i32
      %dma_wait3A_384 = tpu.memref_slice %arg5[%dma_wait3A_381, %dma_wait3A_383] : memref<4x384xi32, #tpu.memory_space<vmem>> -> memref<1x384xi32, #tpu.memory_space<vmem>>
      %dma_wait3A_385 = tpu.memref_squeeze %dma_wait3A_384 : memref<1x384xi32, #tpu.memory_space<vmem>> -> memref<384xi32, #tpu.memory_space<vmem>>
      %dma_wait3A_386 = tpu.memref_slice %arg3[%mul3A_380] : memref<294912xi32, #tpu.memory_space<hbm>> -> memref<384xi32, #tpu.memory_space<hbm>>
      %dma_wait3A_387 = tpu.memref_slice %arg7[%dma_wait3A_382] : memref<4x!tpu.dma_semaphore, #tpu.memory_space<semaphore_mem>> -> memref<1x!tpu.dma_semaphore, #tpu.memory_space<semaphore_mem>>
      %dma_wait3A_388 = tpu.memref_squeeze %dma_wait3A_387 : memref<1x!tpu.dma_semaphore, #tpu.memory_space<semaphore_mem>> -> memref<!tpu.dma_semaphore, #tpu.memory_space<semaphore_mem>>
      %dma_wait3A_389 = arith.constant 0 : i32
      %dma_wait3A_390 = tpu.memref_slice %arg5[%dma_wait3A_381, %dma_wait3A_389] : memref<4x384xi32, #tpu.memory_space<vmem>> -> memref<1x384xi32, #tpu.memory_space<vmem>>
      %dma_wait3A_391 = tpu.memref_squeeze %dma_wait3A_390 : memref<1x384xi32, #tpu.memory_space<vmem>> -> memref<384xi32, #tpu.memory_space<vmem>>
      %dma_wait3A_392 = tpu.memref_slice %arg3[%mul3A_380] : memref<294912xi32, #tpu.memory_space<hbm>> -> memref<384xi32, #tpu.memory_space<hbm>>
      tpu.wait_dma2 semaphore(%dma_wait3A_388 : memref<!tpu.dma_semaphore, #tpu.memory_space<semaphore_mem>>) src(%dma_wait3A_392 : memref<384xi32, #tpu.memory_space<hbm>>) dst(%dma_wait3A_391 : memref<384xi32, #tpu.memory_space<vmem>>)
      %gt3A_393 = arith.constant 0 : i32
      %gt3A_394 = arith.cmpi sgt, %add3A_228, %gt3A_393 : i32
      %convert_element_type3A_395 = arith.extui %gt3A_394 : i1 to i32
      %cond3A_396 = arith.constant 0 : i32
      %cond3A_397 = arith.cmpi ne, %convert_element_type3A_395, %cond3A_396 : i32
      scf.if %cond3A_397 {
        %sub3A = arith.constant 4 : i32
        %sub3A_522 = arith.subi %add3A_377, %sub3A : i32
        %add3A_523 = arith.addi %mul3A_2, %sub3A_522 : i32
        %dma_wait3A_524 = arith.constant 2 : i32
        %dma_wait3A_525 = arith.constant 2 : i32
        %dma_wait3A_526 = arith.constant 0 : i32
        %dma_wait3A_527 = arith.constant 0 : i32
        %dma_wait3A_528 = tpu.memref_slice %arg6[%dma_wait3A_524, %dma_wait3A_526, %dma_wait3A_527] : memref<4x384x64xf32, #tpu.memory_space<vmem>> -> memref<1x384x64xf32, #tpu.memory_space<vmem>>
        %dma_wait3A_529 = tpu.memref_squeeze %dma_wait3A_528 : memref<1x384x64xf32, #tpu.memory_space<vmem>> -> memref<384x64xf32, #tpu.memory_space<vmem>>
        %dma_wait3A_530 = arith.constant 0 : i32
        %dma_wait3A_531 = arith.constant 0 : i32
        %dma_wait3A_532 = tpu.memref_slice %arg4[%add3A_523, %dma_wait3A_530, %dma_wait3A_531] : memref<768x384x64xf32, #tpu.memory_space<hbm>> -> memref<1x384x64xf32, #tpu.memory_space<hbm>>
        %dma_wait3A_533 = tpu.memref_squeeze %dma_wait3A_532 : memref<1x384x64xf32, #tpu.memory_space<hbm>> -> memref<384x64xf32, #tpu.memory_space<hbm>>
        %dma_wait3A_534 = tpu.memref_slice %arg9[%dma_wait3A_525] : memref<4x!tpu.dma_semaphore, #tpu.memory_space<semaphore_mem>> -> memref<1x!tpu.dma_semaphore, #tpu.memory_space<semaphore_mem>>
        %dma_wait3A_535 = tpu.memref_squeeze %dma_wait3A_534 : memref<1x!tpu.dma_semaphore, #tpu.memory_space<semaphore_mem>> -> memref<!tpu.dma_semaphore, #tpu.memory_space<semaphore_mem>>
        %dma_wait3A_536 = arith.constant 0 : i32
        %dma_wait3A_537 = arith.constant 0 : i32
        %dma_wait3A_538 = tpu.memref_slice %arg4[%add3A_523, %dma_wait3A_536, %dma_wait3A_537] : memref<768x384x64xf32, #tpu.memory_space<hbm>> -> memref<1x384x64xf32, #tpu.memory_space<hbm>>
        %dma_wait3A_539 = tpu.memref_squeeze %dma_wait3A_538 : memref<1x384x64xf32, #tpu.memory_space<hbm>> -> memref<384x64xf32, #tpu.memory_space<hbm>>
        %dma_wait3A_540 = arith.constant 0 : i32
        %dma_wait3A_541 = arith.constant 0 : i32
        %dma_wait3A_542 = tpu.memref_slice %arg6[%dma_wait3A_524, %dma_wait3A_540, %dma_wait3A_541] : memref<4x384x64xf32, #tpu.memory_space<vmem>> -> memref<1x384x64xf32, #tpu.memory_space<vmem>>
        %dma_wait3A_543 = tpu.memref_squeeze %dma_wait3A_542 : memref<1x384x64xf32, #tpu.memory_space<vmem>> -> memref<384x64xf32, #tpu.memory_space<vmem>>
        tpu.wait_dma2 semaphore(%dma_wait3A_535 : memref<!tpu.dma_semaphore, #tpu.memory_space<semaphore_mem>>) src(%dma_wait3A_543 : memref<384x64xf32, #tpu.memory_space<vmem>>) dst(%dma_wait3A_539 : memref<384x64xf32, #tpu.memory_space<hbm>>)
      } else {
      }
      %dma_start3A_398 = arith.constant 2 : i32
      %dma_start3A_399 = arith.constant 2 : i32
      %dma_start3A_400 = arith.constant 2 : i32
      %dma_start3A_401 = arith.constant 0 : i32
      %dma_start3A_402 = arith.constant 0 : i32
      %dma_start3A_403 = tpu.memref_slice %arg6[%dma_start3A_399, %dma_start3A_401, %dma_start3A_402] : memref<4x384x64xf32, #tpu.memory_space<vmem>> -> memref<1x128x64xf32, #tpu.memory_space<vmem>>
      %dma_start3A_404 = tpu.memref_squeeze %dma_start3A_403 : memref<1x128x64xf32, #tpu.memory_space<vmem>> -> memref<128x64xf32, #tpu.memory_space<vmem>>
      %dma_start3A_405 = arith.constant 0 : i32
      %dma_start3A_406 = tpu.memref_slice %arg5[%dma_start3A_398, %dma_start3A_405] : memref<4x384xi32, #tpu.memory_space<vmem>> -> memref<1x128xi32, #tpu.memory_space<vmem>>
      %dma_start3A_407 = tpu.memref_squeeze %dma_start3A_406 : memref<1x128xi32, #tpu.memory_space<vmem>> -> memref<128xi32, #tpu.memory_space<vmem>>
      %dma_start3A_408 = arith.constant 0 : i32
      %dma_start3A_409 = arith.constant 0 : i32
      %dma_start3A_410 = tpu.memref_slice %arg2[%dma_start3A_408, %dma_start3A_409] : memref<1000000x64xf32, #tpu.memory_space<hbm>> -> memref<1000000x64xf32, #tpu.memory_space<hbm>>
      %dma_start3A_411 = tpu.memref_slice %arg8[%dma_start3A_400] : memref<4x!tpu.dma_semaphore, #tpu.memory_space<semaphore_mem>> -> memref<1x!tpu.dma_semaphore, #tpu.memory_space<semaphore_mem>>
      %dma_start3A_412 = tpu.memref_squeeze %dma_start3A_411 : memref<1x!tpu.dma_semaphore, #tpu.memory_space<semaphore_mem>> -> memref<!tpu.dma_semaphore, #tpu.memory_space<semaphore_mem>>
      tpu.enqueue_indirect_dma source(%dma_start3A_410 : memref<1000000x64xf32, #tpu.memory_space<hbm>>) target(%dma_start3A_404 : memref<128x64xf32, #tpu.memory_space<vmem>>) offsets(%dma_start3A_407 : memref<128xi32, #tpu.memory_space<vmem>>) semaphore(%dma_start3A_412 : memref<!tpu.dma_semaphore, #tpu.memory_space<semaphore_mem>>)
      %dma_start3A_413 = arith.constant 2 : i32
      %dma_start3A_414 = arith.constant 2 : i32
      %dma_start3A_415 = arith.constant 2 : i32
      %dma_start3A_416 = arith.constant 128 : i32
      %dma_start3A_417 = arith.constant 0 : i32
      %dma_start3A_418 = tpu.memref_slice %arg6[%dma_start3A_414, %dma_start3A_416, %dma_start3A_417] : memref<4x384x64xf32, #tpu.memory_space<vmem>> -> memref<1x128x64xf32, #tpu.memory_space<vmem>>
      %dma_start3A_419 = tpu.memref_squeeze %dma_start3A_418 : memref<1x128x64xf32, #tpu.memory_space<vmem>> -> memref<128x64xf32, #tpu.memory_space<vmem>>
      %dma_start3A_420 = arith.constant 128 : i32
      %dma_start3A_421 = tpu.memref_slice %arg5[%dma_start3A_413, %dma_start3A_420] : memref<4x384xi32, #tpu.memory_space<vmem>> -> memref<1x128xi32, #tpu.memory_space<vmem>>
      %dma_start3A_422 = tpu.memref_squeeze %dma_start3A_421 : memref<1x128xi32, #tpu.memory_space<vmem>> -> memref<128xi32, #tpu.memory_space<vmem>>
      %dma_start3A_423 = arith.constant 0 : i32
      %dma_start3A_424 = arith.constant 0 : i32
      %dma_start3A_425 = tpu.memref_slice %arg2[%dma_start3A_423, %dma_start3A_424] : memref<1000000x64xf32, #tpu.memory_space<hbm>> -> memref<1000000x64xf32, #tpu.memory_space<hbm>>
      %dma_start3A_426 = tpu.memref_slice %arg8[%dma_start3A_415] : memref<4x!tpu.dma_semaphore, #tpu.memory_space<semaphore_mem>> -> memref<1x!tpu.dma_semaphore, #tpu.memory_space<semaphore_mem>>
      %dma_start3A_427 = tpu.memref_squeeze %dma_start3A_426 : memref<1x!tpu.dma_semaphore, #tpu.memory_space<semaphore_mem>> -> memref<!tpu.dma_semaphore, #tpu.memory_space<semaphore_mem>>
      tpu.enqueue_indirect_dma source(%dma_start3A_425 : memref<1000000x64xf32, #tpu.memory_space<hbm>>) target(%dma_start3A_419 : memref<128x64xf32, #tpu.memory_space<vmem>>) offsets(%dma_start3A_422 : memref<128xi32, #tpu.memory_space<vmem>>) semaphore(%dma_start3A_427 : memref<!tpu.dma_semaphore, #tpu.memory_space<semaphore_mem>>)
      %dma_start3A_428 = arith.constant 2 : i32
      %dma_start3A_429 = arith.constant 2 : i32
      %dma_start3A_430 = arith.constant 2 : i32
      %dma_start3A_431 = arith.constant 256 : i32
      %dma_start3A_432 = arith.constant 0 : i32
      %dma_start3A_433 = tpu.memref_slice %arg6[%dma_start3A_429, %dma_start3A_431, %dma_start3A_432] : memref<4x384x64xf32, #tpu.memory_space<vmem>> -> memref<1x128x64xf32, #tpu.memory_space<vmem>>
      %dma_start3A_434 = tpu.memref_squeeze %dma_start3A_433 : memref<1x128x64xf32, #tpu.memory_space<vmem>> -> memref<128x64xf32, #tpu.memory_space<vmem>>
      %dma_start3A_435 = arith.constant 256 : i32
      %dma_start3A_436 = tpu.memref_slice %arg5[%dma_start3A_428, %dma_start3A_435] : memref<4x384xi32, #tpu.memory_space<vmem>> -> memref<1x128xi32, #tpu.memory_space<vmem>>
      %dma_start3A_437 = tpu.memref_squeeze %dma_start3A_436 : memref<1x128xi32, #tpu.memory_space<vmem>> -> memref<128xi32, #tpu.memory_space<vmem>>
      %dma_start3A_438 = arith.constant 0 : i32
      %dma_start3A_439 = arith.constant 0 : i32
      %dma_start3A_440 = tpu.memref_slice %arg2[%dma_start3A_438, %dma_start3A_439] : memref<1000000x64xf32, #tpu.memory_space<hbm>> -> memref<1000000x64xf32, #tpu.memory_space<hbm>>
      %dma_start3A_441 = tpu.memref_slice %arg8[%dma_start3A_430] : memref<4x!tpu.dma_semaphore, #tpu.memory_space<semaphore_mem>> -> memref<1x!tpu.dma_semaphore, #tpu.memory_space<semaphore_mem>>
      %dma_start3A_442 = tpu.memref_squeeze %dma_start3A_441 : memref<1x!tpu.dma_semaphore, #tpu.memory_space<semaphore_mem>> -> memref<!tpu.dma_semaphore, #tpu.memory_space<semaphore_mem>>
      tpu.enqueue_indirect_dma source(%dma_start3A_440 : memref<1000000x64xf32, #tpu.memory_space<hbm>>) target(%dma_start3A_434 : memref<128x64xf32, #tpu.memory_space<vmem>>) offsets(%dma_start3A_437 : memref<128xi32, #tpu.memory_space<vmem>>) semaphore(%dma_start3A_442 : memref<!tpu.dma_semaphore, #tpu.memory_space<semaphore_mem>>)
      %gt3A_443 = arith.constant 0 : i32
      %gt3A_444 = arith.cmpi sgt, %add3A_377, %gt3A_443 : i32
      %convert_element_type3A_445 = arith.extui %gt3A_444 : i1 to i32
      %cond3A_446 = arith.constant 0 : i32
      %cond3A_447 = arith.cmpi ne, %convert_element_type3A_445, %cond3A_446 : i32
      scf.if %cond3A_447 {
        %dma_wait3A_522 = arith.constant 1 : i32
        %dma_wait3A_523 = arith.constant 1 : i32
        %dma_wait3A_524 = arith.constant 1 : i32
        %dma_wait3A_525 = arith.constant 0 : i32
        %dma_wait3A_526 = arith.constant 0 : i32
        %dma_wait3A_527 = tpu.memref_slice %arg6[%dma_wait3A_523, %dma_wait3A_525, %dma_wait3A_526] : memref<4x384x64xf32, #tpu.memory_space<vmem>> -> memref<1x128x64xf32, #tpu.memory_space<vmem>>
        %dma_wait3A_528 = tpu.memref_squeeze %dma_wait3A_527 : memref<1x128x64xf32, #tpu.memory_space<vmem>> -> memref<128x64xf32, #tpu.memory_space<vmem>>
        %dma_wait3A_529 = arith.constant 0 : i32
        %dma_wait3A_530 = tpu.memref_slice %arg5[%dma_wait3A_522, %dma_wait3A_529] : memref<4x384xi32, #tpu.memory_space<vmem>> -> memref<1x128xi32, #tpu.memory_space<vmem>>
        %dma_wait3A_531 = tpu.memref_squeeze %dma_wait3A_530 : memref<1x128xi32, #tpu.memory_space<vmem>> -> memref<128xi32, #tpu.memory_space<vmem>>
        %dma_wait3A_532 = arith.constant 0 : i32
        %dma_wait3A_533 = arith.constant 0 : i32
        %dma_wait3A_534 = tpu.memref_slice %arg2[%dma_wait3A_532, %dma_wait3A_533] : memref<1000000x64xf32, #tpu.memory_space<hbm>> -> memref<1000000x64xf32, #tpu.memory_space<hbm>>
        %dma_wait3A_535 = tpu.memref_slice %arg8[%dma_wait3A_524] : memref<4x!tpu.dma_semaphore, #tpu.memory_space<semaphore_mem>> -> memref<1x!tpu.dma_semaphore, #tpu.memory_space<semaphore_mem>>
        %dma_wait3A_536 = tpu.memref_squeeze %dma_wait3A_535 : memref<1x!tpu.dma_semaphore, #tpu.memory_space<semaphore_mem>> -> memref<!tpu.dma_semaphore, #tpu.memory_space<semaphore_mem>>
        tpu.wait_indirect_dma semaphore(%dma_wait3A_536 : memref<!tpu.dma_semaphore, #tpu.memory_space<semaphore_mem>>) src(%dma_wait3A_534 : memref<1000000x64xf32, #tpu.memory_space<hbm>>) dst(%dma_wait3A_528 : memref<128x64xf32, #tpu.memory_space<vmem>>)
        %dma_wait3A_537 = arith.constant 1 : i32
        %dma_wait3A_538 = arith.constant 1 : i32
        %dma_wait3A_539 = arith.constant 1 : i32
        %dma_wait3A_540 = arith.constant 128 : i32
        %dma_wait3A_541 = arith.constant 0 : i32
        %dma_wait3A_542 = tpu.memref_slice %arg6[%dma_wait3A_538, %dma_wait3A_540, %dma_wait3A_541] : memref<4x384x64xf32, #tpu.memory_space<vmem>> -> memref<1x128x64xf32, #tpu.memory_space<vmem>>
        %dma_wait3A_543 = tpu.memref_squeeze %dma_wait3A_542 : memref<1x128x64xf32, #tpu.memory_space<vmem>> -> memref<128x64xf32, #tpu.memory_space<vmem>>
        %dma_wait3A_544 = arith.constant 128 : i32
        %dma_wait3A_545 = tpu.memref_slice %arg5[%dma_wait3A_537, %dma_wait3A_544] : memref<4x384xi32, #tpu.memory_space<vmem>> -> memref<1x128xi32, #tpu.memory_space<vmem>>
        %dma_wait3A_546 = tpu.memref_squeeze %dma_wait3A_545 : memref<1x128xi32, #tpu.memory_space<vmem>> -> memref<128xi32, #tpu.memory_space<vmem>>
        %dma_wait3A_547 = arith.constant 0 : i32
        %dma_wait3A_548 = arith.constant 0 : i32
        %dma_wait3A_549 = tpu.memref_slice %arg2[%dma_wait3A_547, %dma_wait3A_548] : memref<1000000x64xf32, #tpu.memory_space<hbm>> -> memref<1000000x64xf32, #tpu.memory_space<hbm>>
        %dma_wait3A_550 = tpu.memref_slice %arg8[%dma_wait3A_539] : memref<4x!tpu.dma_semaphore, #tpu.memory_space<semaphore_mem>> -> memref<1x!tpu.dma_semaphore, #tpu.memory_space<semaphore_mem>>
        %dma_wait3A_551 = tpu.memref_squeeze %dma_wait3A_550 : memref<1x!tpu.dma_semaphore, #tpu.memory_space<semaphore_mem>> -> memref<!tpu.dma_semaphore, #tpu.memory_space<semaphore_mem>>
        tpu.wait_indirect_dma semaphore(%dma_wait3A_551 : memref<!tpu.dma_semaphore, #tpu.memory_space<semaphore_mem>>) src(%dma_wait3A_549 : memref<1000000x64xf32, #tpu.memory_space<hbm>>) dst(%dma_wait3A_543 : memref<128x64xf32, #tpu.memory_space<vmem>>)
        %dma_wait3A_552 = arith.constant 1 : i32
        %dma_wait3A_553 = arith.constant 1 : i32
        %dma_wait3A_554 = arith.constant 1 : i32
        %dma_wait3A_555 = arith.constant 256 : i32
        %dma_wait3A_556 = arith.constant 0 : i32
        %dma_wait3A_557 = tpu.memref_slice %arg6[%dma_wait3A_553, %dma_wait3A_555, %dma_wait3A_556] : memref<4x384x64xf32, #tpu.memory_space<vmem>> -> memref<1x128x64xf32, #tpu.memory_space<vmem>>
        %dma_wait3A_558 = tpu.memref_squeeze %dma_wait3A_557 : memref<1x128x64xf32, #tpu.memory_space<vmem>> -> memref<128x64xf32, #tpu.memory_space<vmem>>
        %dma_wait3A_559 = arith.constant 256 : i32
        %dma_wait3A_560 = tpu.memref_slice %arg5[%dma_wait3A_552, %dma_wait3A_559] : memref<4x384xi32, #tpu.memory_space<vmem>> -> memref<1x128xi32, #tpu.memory_space<vmem>>
        %dma_wait3A_561 = tpu.memref_squeeze %dma_wait3A_560 : memref<1x128xi32, #tpu.memory_space<vmem>> -> memref<128xi32, #tpu.memory_space<vmem>>
        %dma_wait3A_562 = arith.constant 0 : i32
        %dma_wait3A_563 = arith.constant 0 : i32
        %dma_wait3A_564 = tpu.memref_slice %arg2[%dma_wait3A_562, %dma_wait3A_563] : memref<1000000x64xf32, #tpu.memory_space<hbm>> -> memref<1000000x64xf32, #tpu.memory_space<hbm>>
        %dma_wait3A_565 = tpu.memref_slice %arg8[%dma_wait3A_554] : memref<4x!tpu.dma_semaphore, #tpu.memory_space<semaphore_mem>> -> memref<1x!tpu.dma_semaphore, #tpu.memory_space<semaphore_mem>>
        %dma_wait3A_566 = tpu.memref_squeeze %dma_wait3A_565 : memref<1x!tpu.dma_semaphore, #tpu.memory_space<semaphore_mem>> -> memref<!tpu.dma_semaphore, #tpu.memory_space<semaphore_mem>>
        tpu.wait_indirect_dma semaphore(%dma_wait3A_566 : memref<!tpu.dma_semaphore, #tpu.memory_space<semaphore_mem>>) src(%dma_wait3A_564 : memref<1000000x64xf32, #tpu.memory_space<hbm>>) dst(%dma_wait3A_558 : memref<128x64xf32, #tpu.memory_space<vmem>>)
        %sub3A = arith.constant 1 : i32
        %sub3A_567 = arith.subi %add3A_377, %sub3A : i32
        %add3A_568 = arith.constant 4 : i32
        %add3A_569 = arith.addi %sub3A_567, %add3A_568 : i32
        %lt3A = arith.constant 24 : i32
        %lt3A_570 = arith.cmpi slt, %add3A_569, %lt3A : i32
        %convert_element_type3A_571 = arith.extui %lt3A_570 : i1 to i32
        %cond3A_572 = arith.constant 0 : i32
        %cond3A_573 = arith.cmpi ne, %convert_element_type3A_571, %cond3A_572 : i32
        scf.if %cond3A_573 {
          %sub3A_597 = arith.constant 1 : i32
          %sub3A_598 = arith.subi %add3A_377, %sub3A_597 : i32
          %add3A_599 = arith.constant 4 : i32
          %add3A_600 = arith.addi %sub3A_598, %add3A_599 : i32
          %add3A_601 = arith.addi %mul3A_2, %add3A_600 : i32
          %mul3A_602 = arith.constant 384 : i32
          %mul3A_603 = arith.muli %add3A_601, %mul3A_602 : i32
          %dma_start3A_604 = arith.constant 1 : i32
          %dma_start3A_605 = arith.constant 1 : i32
          %dma_start3A_606 = arith.constant 0 : i32
          %dma_start3A_607 = tpu.memref_slice %arg5[%dma_start3A_604, %dma_start3A_606] : memref<4x384xi32, #tpu.memory_space<vmem>> -> memref<1x384xi32, #tpu.memory_space<vmem>>
          %dma_start3A_608 = tpu.memref_squeeze %dma_start3A_607 : memref<1x384xi32, #tpu.memory_space<vmem>> -> memref<384xi32, #tpu.memory_space<vmem>>
          %dma_start3A_609 = tpu.memref_slice %arg3[%mul3A_603] : memref<294912xi32, #tpu.memory_space<hbm>> -> memref<384xi32, #tpu.memory_space<hbm>>
          %dma_start3A_610 = tpu.memref_slice %arg7[%dma_start3A_605] : memref<4x!tpu.dma_semaphore, #tpu.memory_space<semaphore_mem>> -> memref<1x!tpu.dma_semaphore, #tpu.memory_space<semaphore_mem>>
          %dma_start3A_611 = tpu.memref_squeeze %dma_start3A_610 : memref<1x!tpu.dma_semaphore, #tpu.memory_space<semaphore_mem>> -> memref<!tpu.dma_semaphore, #tpu.memory_space<semaphore_mem>>
          %dma_start3A_612 = arith.constant 0 : i32
          %dma_start3A_613 = tpu.memref_slice %arg5[%dma_start3A_604, %dma_start3A_612] : memref<4x384xi32, #tpu.memory_space<vmem>> -> memref<1x384xi32, #tpu.memory_space<vmem>>
          %dma_start3A_614 = tpu.memref_squeeze %dma_start3A_613 : memref<1x384xi32, #tpu.memory_space<vmem>> -> memref<384xi32, #tpu.memory_space<vmem>>
          %dma_start3A_615 = tpu.memref_slice %arg3[%mul3A_603] : memref<294912xi32, #tpu.memory_space<hbm>> -> memref<384xi32, #tpu.memory_space<hbm>>
          tpu.enqueue_dma source(%dma_start3A_615 : memref<384xi32, #tpu.memory_space<hbm>>) target(%dma_start3A_614 : memref<384xi32, #tpu.memory_space<vmem>>) target_semaphore(%dma_start3A_611 : memref<!tpu.dma_semaphore, #tpu.memory_space<semaphore_mem>>)
        } else {
        }
        %sub3A_574 = arith.constant 1 : i32
        %sub3A_575 = arith.subi %add3A_377, %sub3A_574 : i32
        %add3A_576 = arith.addi %mul3A_2, %sub3A_575 : i32
        %dma_start3A_577 = arith.constant 1 : i32
        %dma_start3A_578 = arith.constant 1 : i32
        %dma_start3A_579 = arith.constant 0 : i32
        %dma_start3A_580 = arith.constant 0 : i32
        %dma_start3A_581 = tpu.memref_slice %arg6[%dma_start3A_577, %dma_start3A_579, %dma_start3A_580] : memref<4x384x64xf32, #tpu.memory_space<vmem>> -> memref<1x384x64xf32, #tpu.memory_space<vmem>>
        %dma_start3A_582 = tpu.memref_squeeze %dma_start3A_581 : memref<1x384x64xf32, #tpu.memory_space<vmem>> -> memref<384x64xf32, #tpu.memory_space<vmem>>
        %dma_start3A_583 = arith.constant 0 : i32
        %dma_start3A_584 = arith.constant 0 : i32
        %dma_start3A_585 = tpu.memref_slice %arg4[%add3A_576, %dma_start3A_583, %dma_start3A_584] : memref<768x384x64xf32, #tpu.memory_space<hbm>> -> memref<1x384x64xf32, #tpu.memory_space<hbm>>
        %dma_start3A_586 = tpu.memref_squeeze %dma_start3A_585 : memref<1x384x64xf32, #tpu.memory_space<hbm>> -> memref<384x64xf32, #tpu.memory_space<hbm>>
        %dma_start3A_587 = tpu.memref_slice %arg9[%dma_start3A_578] : memref<4x!tpu.dma_semaphore, #tpu.memory_space<semaphore_mem>> -> memref<1x!tpu.dma_semaphore, #tpu.memory_space<semaphore_mem>>
        %dma_start3A_588 = tpu.memref_squeeze %dma_start3A_587 : memref<1x!tpu.dma_semaphore, #tpu.memory_space<semaphore_mem>> -> memref<!tpu.dma_semaphore, #tpu.memory_space<semaphore_mem>>
        %dma_start3A_589 = arith.constant 0 : i32
        %dma_start3A_590 = arith.constant 0 : i32
        %dma_start3A_591 = tpu.memref_slice %arg4[%add3A_576, %dma_start3A_589, %dma_start3A_590] : memref<768x384x64xf32, #tpu.memory_space<hbm>> -> memref<1x384x64xf32, #tpu.memory_space<hbm>>
        %dma_start3A_592 = tpu.memref_squeeze %dma_start3A_591 : memref<1x384x64xf32, #tpu.memory_space<hbm>> -> memref<384x64xf32, #tpu.memory_space<hbm>>
        %dma_start3A_593 = arith.constant 0 : i32
        %dma_start3A_594 = arith.constant 0 : i32
        %dma_start3A_595 = tpu.memref_slice %arg6[%dma_start3A_577, %dma_start3A_593, %dma_start3A_594] : memref<4x384x64xf32, #tpu.memory_space<vmem>> -> memref<1x384x64xf32, #tpu.memory_space<vmem>>
        %dma_start3A_596 = tpu.memref_squeeze %dma_start3A_595 : memref<1x384x64xf32, #tpu.memory_space<vmem>> -> memref<384x64xf32, #tpu.memory_space<vmem>>
        tpu.enqueue_dma source(%dma_start3A_596 : memref<384x64xf32, #tpu.memory_space<vmem>>) target(%dma_start3A_592 : memref<384x64xf32, #tpu.memory_space<hbm>>) target_semaphore(%dma_start3A_588 : memref<!tpu.dma_semaphore, #tpu.memory_space<semaphore_mem>>)
      } else {
      }
      %mul3A_448 = arith.constant 4 : i32
      %mul3A_449 = arith.muli %add3A_228, %mul3A_448 : i32
      %add3A_450 = arith.constant 3 : i32
      %add3A_451 = arith.addi %mul3A_449, %add3A_450 : i32
      %add3A_452 = arith.addi %mul3A_2, %add3A_451 : i32
      %mul3A_453 = arith.constant 384 : i32
      %mul3A_454 = arith.muli %add3A_452, %mul3A_453 : i32
      %dma_wait3A_455 = arith.constant 3 : i32
      %dma_wait3A_456 = arith.constant 3 : i32
      %dma_wait3A_457 = arith.constant 0 : i32
      %dma_wait3A_458 = tpu.memref_slice %arg5[%dma_wait3A_455, %dma_wait3A_457] : memref<4x384xi32, #tpu.memory_space<vmem>> -> memref<1x384xi32, #tpu.memory_space<vmem>>
      %dma_wait3A_459 = tpu.memref_squeeze %dma_wait3A_458 : memref<1x384xi32, #tpu.memory_space<vmem>> -> memref<384xi32, #tpu.memory_space<vmem>>
      %dma_wait3A_460 = tpu.memref_slice %arg3[%mul3A_454] : memref<294912xi32, #tpu.memory_space<hbm>> -> memref<384xi32, #tpu.memory_space<hbm>>
      %dma_wait3A_461 = tpu.memref_slice %arg7[%dma_wait3A_456] : memref<4x!tpu.dma_semaphore, #tpu.memory_space<semaphore_mem>> -> memref<1x!tpu.dma_semaphore, #tpu.memory_space<semaphore_mem>>
      %dma_wait3A_462 = tpu.memref_squeeze %dma_wait3A_461 : memref<1x!tpu.dma_semaphore, #tpu.memory_space<semaphore_mem>> -> memref<!tpu.dma_semaphore, #tpu.memory_space<semaphore_mem>>
      %dma_wait3A_463 = arith.constant 0 : i32
      %dma_wait3A_464 = tpu.memref_slice %arg5[%dma_wait3A_455, %dma_wait3A_463] : memref<4x384xi32, #tpu.memory_space<vmem>> -> memref<1x384xi32, #tpu.memory_space<vmem>>
      %dma_wait3A_465 = tpu.memref_squeeze %dma_wait3A_464 : memref<1x384xi32, #tpu.memory_space<vmem>> -> memref<384xi32, #tpu.memory_space<vmem>>
      %dma_wait3A_466 = tpu.memref_slice %arg3[%mul3A_454] : memref<294912xi32, #tpu.memory_space<hbm>> -> memref<384xi32, #tpu.memory_space<hbm>>
      tpu.wait_dma2 semaphore(%dma_wait3A_462 : memref<!tpu.dma_semaphore, #tpu.memory_space<semaphore_mem>>) src(%dma_wait3A_466 : memref<384xi32, #tpu.memory_space<hbm>>) dst(%dma_wait3A_465 : memref<384xi32, #tpu.memory_space<vmem>>)
      %gt3A_467 = arith.constant 0 : i32
      %gt3A_468 = arith.cmpi sgt, %add3A_228, %gt3A_467 : i32
      %convert_element_type3A_469 = arith.extui %gt3A_468 : i1 to i32
      %cond3A_470 = arith.constant 0 : i32
      %cond3A_471 = arith.cmpi ne, %convert_element_type3A_469, %cond3A_470 : i32
      scf.if %cond3A_471 {
        %sub3A = arith.constant 4 : i32
        %sub3A_522 = arith.subi %add3A_451, %sub3A : i32
        %add3A_523 = arith.addi %mul3A_2, %sub3A_522 : i32
        %dma_wait3A_524 = arith.constant 3 : i32
        %dma_wait3A_525 = arith.constant 3 : i32
        %dma_wait3A_526 = arith.constant 0 : i32
        %dma_wait3A_527 = arith.constant 0 : i32
        %dma_wait3A_528 = tpu.memref_slice %arg6[%dma_wait3A_524, %dma_wait3A_526, %dma_wait3A_527] : memref<4x384x64xf32, #tpu.memory_space<vmem>> -> memref<1x384x64xf32, #tpu.memory_space<vmem>>
        %dma_wait3A_529 = tpu.memref_squeeze %dma_wait3A_528 : memref<1x384x64xf32, #tpu.memory_space<vmem>> -> memref<384x64xf32, #tpu.memory_space<vmem>>
        %dma_wait3A_530 = arith.constant 0 : i32
        %dma_wait3A_531 = arith.constant 0 : i32
        %dma_wait3A_532 = tpu.memref_slice %arg4[%add3A_523, %dma_wait3A_530, %dma_wait3A_531] : memref<768x384x64xf32, #tpu.memory_space<hbm>> -> memref<1x384x64xf32, #tpu.memory_space<hbm>>
        %dma_wait3A_533 = tpu.memref_squeeze %dma_wait3A_532 : memref<1x384x64xf32, #tpu.memory_space<hbm>> -> memref<384x64xf32, #tpu.memory_space<hbm>>
        %dma_wait3A_534 = tpu.memref_slice %arg9[%dma_wait3A_525] : memref<4x!tpu.dma_semaphore, #tpu.memory_space<semaphore_mem>> -> memref<1x!tpu.dma_semaphore, #tpu.memory_space<semaphore_mem>>
        %dma_wait3A_535 = tpu.memref_squeeze %dma_wait3A_534 : memref<1x!tpu.dma_semaphore, #tpu.memory_space<semaphore_mem>> -> memref<!tpu.dma_semaphore, #tpu.memory_space<semaphore_mem>>
        %dma_wait3A_536 = arith.constant 0 : i32
        %dma_wait3A_537 = arith.constant 0 : i32
        %dma_wait3A_538 = tpu.memref_slice %arg4[%add3A_523, %dma_wait3A_536, %dma_wait3A_537] : memref<768x384x64xf32, #tpu.memory_space<hbm>> -> memref<1x384x64xf32, #tpu.memory_space<hbm>>
        %dma_wait3A_539 = tpu.memref_squeeze %dma_wait3A_538 : memref<1x384x64xf32, #tpu.memory_space<hbm>> -> memref<384x64xf32, #tpu.memory_space<hbm>>
        %dma_wait3A_540 = arith.constant 0 : i32
        %dma_wait3A_541 = arith.constant 0 : i32
        %dma_wait3A_542 = tpu.memref_slice %arg6[%dma_wait3A_524, %dma_wait3A_540, %dma_wait3A_541] : memref<4x384x64xf32, #tpu.memory_space<vmem>> -> memref<1x384x64xf32, #tpu.memory_space<vmem>>
        %dma_wait3A_543 = tpu.memref_squeeze %dma_wait3A_542 : memref<1x384x64xf32, #tpu.memory_space<vmem>> -> memref<384x64xf32, #tpu.memory_space<vmem>>
        tpu.wait_dma2 semaphore(%dma_wait3A_535 : memref<!tpu.dma_semaphore, #tpu.memory_space<semaphore_mem>>) src(%dma_wait3A_543 : memref<384x64xf32, #tpu.memory_space<vmem>>) dst(%dma_wait3A_539 : memref<384x64xf32, #tpu.memory_space<hbm>>)
      } else {
      }
      %dma_start3A_472 = arith.constant 3 : i32
      %dma_start3A_473 = arith.constant 3 : i32
      %dma_start3A_474 = arith.constant 3 : i32
      %dma_start3A_475 = arith.constant 0 : i32
      %dma_start3A_476 = arith.constant 0 : i32
      %dma_start3A_477 = tpu.memref_slice %arg6[%dma_start3A_473, %dma_start3A_475, %dma_start3A_476] : memref<4x384x64xf32, #tpu.memory_space<vmem>> -> memref<1x128x64xf32, #tpu.memory_space<vmem>>
      %dma_start3A_478 = tpu.memref_squeeze %dma_start3A_477 : memref<1x128x64xf32, #tpu.memory_space<vmem>> -> memref<128x64xf32, #tpu.memory_space<vmem>>
      %dma_start3A_479 = arith.constant 0 : i32
      %dma_start3A_480 = tpu.memref_slice %arg5[%dma_start3A_472, %dma_start3A_479] : memref<4x384xi32, #tpu.memory_space<vmem>> -> memref<1x128xi32, #tpu.memory_space<vmem>>
      %dma_start3A_481 = tpu.memref_squeeze %dma_start3A_480 : memref<1x128xi32, #tpu.memory_space<vmem>> -> memref<128xi32, #tpu.memory_space<vmem>>
      %dma_start3A_482 = arith.constant 0 : i32
      %dma_start3A_483 = arith.constant 0 : i32
      %dma_start3A_484 = tpu.memref_slice %arg2[%dma_start3A_482, %dma_start3A_483] : memref<1000000x64xf32, #tpu.memory_space<hbm>> -> memref<1000000x64xf32, #tpu.memory_space<hbm>>
      %dma_start3A_485 = tpu.memref_slice %arg8[%dma_start3A_474] : memref<4x!tpu.dma_semaphore, #tpu.memory_space<semaphore_mem>> -> memref<1x!tpu.dma_semaphore, #tpu.memory_space<semaphore_mem>>
      %dma_start3A_486 = tpu.memref_squeeze %dma_start3A_485 : memref<1x!tpu.dma_semaphore, #tpu.memory_space<semaphore_mem>> -> memref<!tpu.dma_semaphore, #tpu.memory_space<semaphore_mem>>
      tpu.enqueue_indirect_dma source(%dma_start3A_484 : memref<1000000x64xf32, #tpu.memory_space<hbm>>) target(%dma_start3A_478 : memref<128x64xf32, #tpu.memory_space<vmem>>) offsets(%dma_start3A_481 : memref<128xi32, #tpu.memory_space<vmem>>) semaphore(%dma_start3A_486 : memref<!tpu.dma_semaphore, #tpu.memory_space<semaphore_mem>>)
      %dma_start3A_487 = arith.constant 3 : i32
      %dma_start3A_488 = arith.constant 3 : i32
      %dma_start3A_489 = arith.constant 3 : i32
      %dma_start3A_490 = arith.constant 128 : i32
      %dma_start3A_491 = arith.constant 0 : i32
      %dma_start3A_492 = tpu.memref_slice %arg6[%dma_start3A_488, %dma_start3A_490, %dma_start3A_491] : memref<4x384x64xf32, #tpu.memory_space<vmem>> -> memref<1x128x64xf32, #tpu.memory_space<vmem>>
      %dma_start3A_493 = tpu.memref_squeeze %dma_start3A_492 : memref<1x128x64xf32, #tpu.memory_space<vmem>> -> memref<128x64xf32, #tpu.memory_space<vmem>>
      %dma_start3A_494 = arith.constant 128 : i32
      %dma_start3A_495 = tpu.memref_slice %arg5[%dma_start3A_487, %dma_start3A_494] : memref<4x384xi32, #tpu.memory_space<vmem>> -> memref<1x128xi32, #tpu.memory_space<vmem>>
      %dma_start3A_496 = tpu.memref_squeeze %dma_start3A_495 : memref<1x128xi32, #tpu.memory_space<vmem>> -> memref<128xi32, #tpu.memory_space<vmem>>
      %dma_start3A_497 = arith.constant 0 : i32
      %dma_start3A_498 = arith.constant 0 : i32
      %dma_start3A_499 = tpu.memref_slice %arg2[%dma_start3A_497, %dma_start3A_498] : memref<1000000x64xf32, #tpu.memory_space<hbm>> -> memref<1000000x64xf32, #tpu.memory_space<hbm>>
      %dma_start3A_500 = tpu.memref_slice %arg8[%dma_start3A_489] : memref<4x!tpu.dma_semaphore, #tpu.memory_space<semaphore_mem>> -> memref<1x!tpu.dma_semaphore, #tpu.memory_space<semaphore_mem>>
      %dma_start3A_501 = tpu.memref_squeeze %dma_start3A_500 : memref<1x!tpu.dma_semaphore, #tpu.memory_space<semaphore_mem>> -> memref<!tpu.dma_semaphore, #tpu.memory_space<semaphore_mem>>
      tpu.enqueue_indirect_dma source(%dma_start3A_499 : memref<1000000x64xf32, #tpu.memory_space<hbm>>) target(%dma_start3A_493 : memref<128x64xf32, #tpu.memory_space<vmem>>) offsets(%dma_start3A_496 : memref<128xi32, #tpu.memory_space<vmem>>) semaphore(%dma_start3A_501 : memref<!tpu.dma_semaphore, #tpu.memory_space<semaphore_mem>>)
      %dma_start3A_502 = arith.constant 3 : i32
      %dma_start3A_503 = arith.constant 3 : i32
      %dma_start3A_504 = arith.constant 3 : i32
      %dma_start3A_505 = arith.constant 256 : i32
      %dma_start3A_506 = arith.constant 0 : i32
      %dma_start3A_507 = tpu.memref_slice %arg6[%dma_start3A_503, %dma_start3A_505, %dma_start3A_506] : memref<4x384x64xf32, #tpu.memory_space<vmem>> -> memref<1x128x64xf32, #tpu.memory_space<vmem>>
      %dma_start3A_508 = tpu.memref_squeeze %dma_start3A_507 : memref<1x128x64xf32, #tpu.memory_space<vmem>> -> memref<128x64xf32, #tpu.memory_space<vmem>>
      %dma_start3A_509 = arith.constant 256 : i32
      %dma_start3A_510 = tpu.memref_slice %arg5[%dma_start3A_502, %dma_start3A_509] : memref<4x384xi32, #tpu.memory_space<vmem>> -> memref<1x128xi32, #tpu.memory_space<vmem>>
      %dma_start3A_511 = tpu.memref_squeeze %dma_start3A_510 : memref<1x128xi32, #tpu.memory_space<vmem>> -> memref<128xi32, #tpu.memory_space<vmem>>
      %dma_start3A_512 = arith.constant 0 : i32
      %dma_start3A_513 = arith.constant 0 : i32
      %dma_start3A_514 = tpu.memref_slice %arg2[%dma_start3A_512, %dma_start3A_513] : memref<1000000x64xf32, #tpu.memory_space<hbm>> -> memref<1000000x64xf32, #tpu.memory_space<hbm>>
      %dma_start3A_515 = tpu.memref_slice %arg8[%dma_start3A_504] : memref<4x!tpu.dma_semaphore, #tpu.memory_space<semaphore_mem>> -> memref<1x!tpu.dma_semaphore, #tpu.memory_space<semaphore_mem>>
      %dma_start3A_516 = tpu.memref_squeeze %dma_start3A_515 : memref<1x!tpu.dma_semaphore, #tpu.memory_space<semaphore_mem>> -> memref<!tpu.dma_semaphore, #tpu.memory_space<semaphore_mem>>
      tpu.enqueue_indirect_dma source(%dma_start3A_514 : memref<1000000x64xf32, #tpu.memory_space<hbm>>) target(%dma_start3A_508 : memref<128x64xf32, #tpu.memory_space<vmem>>) offsets(%dma_start3A_511 : memref<128xi32, #tpu.memory_space<vmem>>) semaphore(%dma_start3A_516 : memref<!tpu.dma_semaphore, #tpu.memory_space<semaphore_mem>>)
      %gt3A_517 = arith.constant 0 : i32
      %gt3A_518 = arith.cmpi sgt, %add3A_451, %gt3A_517 : i32
      %convert_element_type3A_519 = arith.extui %gt3A_518 : i1 to i32
      %cond3A_520 = arith.constant 0 : i32
      %cond3A_521 = arith.cmpi ne, %convert_element_type3A_519, %cond3A_520 : i32
      scf.if %cond3A_521 {
        %dma_wait3A_522 = arith.constant 2 : i32
        %dma_wait3A_523 = arith.constant 2 : i32
        %dma_wait3A_524 = arith.constant 2 : i32
        %dma_wait3A_525 = arith.constant 0 : i32
        %dma_wait3A_526 = arith.constant 0 : i32
        %dma_wait3A_527 = tpu.memref_slice %arg6[%dma_wait3A_523, %dma_wait3A_525, %dma_wait3A_526] : memref<4x384x64xf32, #tpu.memory_space<vmem>> -> memref<1x128x64xf32, #tpu.memory_space<vmem>>
        %dma_wait3A_528 = tpu.memref_squeeze %dma_wait3A_527 : memref<1x128x64xf32, #tpu.memory_space<vmem>> -> memref<128x64xf32, #tpu.memory_space<vmem>>
        %dma_wait3A_529 = arith.constant 0 : i32
        %dma_wait3A_530 = tpu.memref_slice %arg5[%dma_wait3A_522, %dma_wait3A_529] : memref<4x384xi32, #tpu.memory_space<vmem>> -> memref<1x128xi32, #tpu.memory_space<vmem>>
        %dma_wait3A_531 = tpu.memref_squeeze %dma_wait3A_530 : memref<1x128xi32, #tpu.memory_space<vmem>> -> memref<128xi32, #tpu.memory_space<vmem>>
        %dma_wait3A_532 = arith.constant 0 : i32
        %dma_wait3A_533 = arith.constant 0 : i32
        %dma_wait3A_534 = tpu.memref_slice %arg2[%dma_wait3A_532, %dma_wait3A_533] : memref<1000000x64xf32, #tpu.memory_space<hbm>> -> memref<1000000x64xf32, #tpu.memory_space<hbm>>
        %dma_wait3A_535 = tpu.memref_slice %arg8[%dma_wait3A_524] : memref<4x!tpu.dma_semaphore, #tpu.memory_space<semaphore_mem>> -> memref<1x!tpu.dma_semaphore, #tpu.memory_space<semaphore_mem>>
        %dma_wait3A_536 = tpu.memref_squeeze %dma_wait3A_535 : memref<1x!tpu.dma_semaphore, #tpu.memory_space<semaphore_mem>> -> memref<!tpu.dma_semaphore, #tpu.memory_space<semaphore_mem>>
        tpu.wait_indirect_dma semaphore(%dma_wait3A_536 : memref<!tpu.dma_semaphore, #tpu.memory_space<semaphore_mem>>) src(%dma_wait3A_534 : memref<1000000x64xf32, #tpu.memory_space<hbm>>) dst(%dma_wait3A_528 : memref<128x64xf32, #tpu.memory_space<vmem>>)
        %dma_wait3A_537 = arith.constant 2 : i32
        %dma_wait3A_538 = arith.constant 2 : i32
        %dma_wait3A_539 = arith.constant 2 : i32
        %dma_wait3A_540 = arith.constant 128 : i32
        %dma_wait3A_541 = arith.constant 0 : i32
        %dma_wait3A_542 = tpu.memref_slice %arg6[%dma_wait3A_538, %dma_wait3A_540, %dma_wait3A_541] : memref<4x384x64xf32, #tpu.memory_space<vmem>> -> memref<1x128x64xf32, #tpu.memory_space<vmem>>
        %dma_wait3A_543 = tpu.memref_squeeze %dma_wait3A_542 : memref<1x128x64xf32, #tpu.memory_space<vmem>> -> memref<128x64xf32, #tpu.memory_space<vmem>>
        %dma_wait3A_544 = arith.constant 128 : i32
        %dma_wait3A_545 = tpu.memref_slice %arg5[%dma_wait3A_537, %dma_wait3A_544] : memref<4x384xi32, #tpu.memory_space<vmem>> -> memref<1x128xi32, #tpu.memory_space<vmem>>
        %dma_wait3A_546 = tpu.memref_squeeze %dma_wait3A_545 : memref<1x128xi32, #tpu.memory_space<vmem>> -> memref<128xi32, #tpu.memory_space<vmem>>
        %dma_wait3A_547 = arith.constant 0 : i32
        %dma_wait3A_548 = arith.constant 0 : i32
        %dma_wait3A_549 = tpu.memref_slice %arg2[%dma_wait3A_547, %dma_wait3A_548] : memref<1000000x64xf32, #tpu.memory_space<hbm>> -> memref<1000000x64xf32, #tpu.memory_space<hbm>>
        %dma_wait3A_550 = tpu.memref_slice %arg8[%dma_wait3A_539] : memref<4x!tpu.dma_semaphore, #tpu.memory_space<semaphore_mem>> -> memref<1x!tpu.dma_semaphore, #tpu.memory_space<semaphore_mem>>
        %dma_wait3A_551 = tpu.memref_squeeze %dma_wait3A_550 : memref<1x!tpu.dma_semaphore, #tpu.memory_space<semaphore_mem>> -> memref<!tpu.dma_semaphore, #tpu.memory_space<semaphore_mem>>
        tpu.wait_indirect_dma semaphore(%dma_wait3A_551 : memref<!tpu.dma_semaphore, #tpu.memory_space<semaphore_mem>>) src(%dma_wait3A_549 : memref<1000000x64xf32, #tpu.memory_space<hbm>>) dst(%dma_wait3A_543 : memref<128x64xf32, #tpu.memory_space<vmem>>)
        %dma_wait3A_552 = arith.constant 2 : i32
        %dma_wait3A_553 = arith.constant 2 : i32
        %dma_wait3A_554 = arith.constant 2 : i32
        %dma_wait3A_555 = arith.constant 256 : i32
        %dma_wait3A_556 = arith.constant 0 : i32
        %dma_wait3A_557 = tpu.memref_slice %arg6[%dma_wait3A_553, %dma_wait3A_555, %dma_wait3A_556] : memref<4x384x64xf32, #tpu.memory_space<vmem>> -> memref<1x128x64xf32, #tpu.memory_space<vmem>>
        %dma_wait3A_558 = tpu.memref_squeeze %dma_wait3A_557 : memref<1x128x64xf32, #tpu.memory_space<vmem>> -> memref<128x64xf32, #tpu.memory_space<vmem>>
        %dma_wait3A_559 = arith.constant 256 : i32
        %dma_wait3A_560 = tpu.memref_slice %arg5[%dma_wait3A_552, %dma_wait3A_559] : memref<4x384xi32, #tpu.memory_space<vmem>> -> memref<1x128xi32, #tpu.memory_space<vmem>>
        %dma_wait3A_561 = tpu.memref_squeeze %dma_wait3A_560 : memref<1x128xi32, #tpu.memory_space<vmem>> -> memref<128xi32, #tpu.memory_space<vmem>>
        %dma_wait3A_562 = arith.constant 0 : i32
        %dma_wait3A_563 = arith.constant 0 : i32
        %dma_wait3A_564 = tpu.memref_slice %arg2[%dma_wait3A_562, %dma_wait3A_563] : memref<1000000x64xf32, #tpu.memory_space<hbm>> -> memref<1000000x64xf32, #tpu.memory_space<hbm>>
        %dma_wait3A_565 = tpu.memref_slice %arg8[%dma_wait3A_554] : memref<4x!tpu.dma_semaphore, #tpu.memory_space<semaphore_mem>> -> memref<1x!tpu.dma_semaphore, #tpu.memory_space<semaphore_mem>>
        %dma_wait3A_566 = tpu.memref_squeeze %dma_wait3A_565 : memref<1x!tpu.dma_semaphore, #tpu.memory_space<semaphore_mem>> -> memref<!tpu.dma_semaphore, #tpu.memory_space<semaphore_mem>>
        tpu.wait_indirect_dma semaphore(%dma_wait3A_566 : memref<!tpu.dma_semaphore, #tpu.memory_space<semaphore_mem>>) src(%dma_wait3A_564 : memref<1000000x64xf32, #tpu.memory_space<hbm>>) dst(%dma_wait3A_558 : memref<128x64xf32, #tpu.memory_space<vmem>>)
        %sub3A = arith.constant 1 : i32
        %sub3A_567 = arith.subi %add3A_451, %sub3A : i32
        %add3A_568 = arith.constant 4 : i32
        %add3A_569 = arith.addi %sub3A_567, %add3A_568 : i32
        %lt3A = arith.constant 24 : i32
        %lt3A_570 = arith.cmpi slt, %add3A_569, %lt3A : i32
        %convert_element_type3A_571 = arith.extui %lt3A_570 : i1 to i32
        %cond3A_572 = arith.constant 0 : i32
        %cond3A_573 = arith.cmpi ne, %convert_element_type3A_571, %cond3A_572 : i32
        scf.if %cond3A_573 {
          %sub3A_597 = arith.constant 1 : i32
          %sub3A_598 = arith.subi %add3A_451, %sub3A_597 : i32
          %add3A_599 = arith.constant 4 : i32
          %add3A_600 = arith.addi %sub3A_598, %add3A_599 : i32
          %add3A_601 = arith.addi %mul3A_2, %add3A_600 : i32
          %mul3A_602 = arith.constant 384 : i32
          %mul3A_603 = arith.muli %add3A_601, %mul3A_602 : i32
          %dma_start3A_604 = arith.constant 2 : i32
          %dma_start3A_605 = arith.constant 2 : i32
          %dma_start3A_606 = arith.constant 0 : i32
          %dma_start3A_607 = tpu.memref_slice %arg5[%dma_start3A_604, %dma_start3A_606] : memref<4x384xi32, #tpu.memory_space<vmem>> -> memref<1x384xi32, #tpu.memory_space<vmem>>
          %dma_start3A_608 = tpu.memref_squeeze %dma_start3A_607 : memref<1x384xi32, #tpu.memory_space<vmem>> -> memref<384xi32, #tpu.memory_space<vmem>>
          %dma_start3A_609 = tpu.memref_slice %arg3[%mul3A_603] : memref<294912xi32, #tpu.memory_space<hbm>> -> memref<384xi32, #tpu.memory_space<hbm>>
          %dma_start3A_610 = tpu.memref_slice %arg7[%dma_start3A_605] : memref<4x!tpu.dma_semaphore, #tpu.memory_space<semaphore_mem>> -> memref<1x!tpu.dma_semaphore, #tpu.memory_space<semaphore_mem>>
          %dma_start3A_611 = tpu.memref_squeeze %dma_start3A_610 : memref<1x!tpu.dma_semaphore, #tpu.memory_space<semaphore_mem>> -> memref<!tpu.dma_semaphore, #tpu.memory_space<semaphore_mem>>
          %dma_start3A_612 = arith.constant 0 : i32
          %dma_start3A_613 = tpu.memref_slice %arg5[%dma_start3A_604, %dma_start3A_612] : memref<4x384xi32, #tpu.memory_space<vmem>> -> memref<1x384xi32, #tpu.memory_space<vmem>>
          %dma_start3A_614 = tpu.memref_squeeze %dma_start3A_613 : memref<1x384xi32, #tpu.memory_space<vmem>> -> memref<384xi32, #tpu.memory_space<vmem>>
          %dma_start3A_615 = tpu.memref_slice %arg3[%mul3A_603] : memref<294912xi32, #tpu.memory_space<hbm>> -> memref<384xi32, #tpu.memory_space<hbm>>
          tpu.enqueue_dma source(%dma_start3A_615 : memref<384xi32, #tpu.memory_space<hbm>>) target(%dma_start3A_614 : memref<384xi32, #tpu.memory_space<vmem>>) target_semaphore(%dma_start3A_611 : memref<!tpu.dma_semaphore, #tpu.memory_space<semaphore_mem>>)
        } else {
        }
        %sub3A_574 = arith.constant 1 : i32
        %sub3A_575 = arith.subi %add3A_451, %sub3A_574 : i32
        %add3A_576 = arith.addi %mul3A_2, %sub3A_575 : i32
        %dma_start3A_577 = arith.constant 2 : i32
        %dma_start3A_578 = arith.constant 2 : i32
        %dma_start3A_579 = arith.constant 0 : i32
        %dma_start3A_580 = arith.constant 0 : i32
        %dma_start3A_581 = tpu.memref_slice %arg6[%dma_start3A_577, %dma_start3A_579, %dma_start3A_580] : memref<4x384x64xf32, #tpu.memory_space<vmem>> -> memref<1x384x64xf32, #tpu.memory_space<vmem>>
        %dma_start3A_582 = tpu.memref_squeeze %dma_start3A_581 : memref<1x384x64xf32, #tpu.memory_space<vmem>> -> memref<384x64xf32, #tpu.memory_space<vmem>>
        %dma_start3A_583 = arith.constant 0 : i32
        %dma_start3A_584 = arith.constant 0 : i32
        %dma_start3A_585 = tpu.memref_slice %arg4[%add3A_576, %dma_start3A_583, %dma_start3A_584] : memref<768x384x64xf32, #tpu.memory_space<hbm>> -> memref<1x384x64xf32, #tpu.memory_space<hbm>>
        %dma_start3A_586 = tpu.memref_squeeze %dma_start3A_585 : memref<1x384x64xf32, #tpu.memory_space<hbm>> -> memref<384x64xf32, #tpu.memory_space<hbm>>
        %dma_start3A_587 = tpu.memref_slice %arg9[%dma_start3A_578] : memref<4x!tpu.dma_semaphore, #tpu.memory_space<semaphore_mem>> -> memref<1x!tpu.dma_semaphore, #tpu.memory_space<semaphore_mem>>
        %dma_start3A_588 = tpu.memref_squeeze %dma_start3A_587 : memref<1x!tpu.dma_semaphore, #tpu.memory_space<semaphore_mem>> -> memref<!tpu.dma_semaphore, #tpu.memory_space<semaphore_mem>>
        %dma_start3A_589 = arith.constant 0 : i32
        %dma_start3A_590 = arith.constant 0 : i32
        %dma_start3A_591 = tpu.memref_slice %arg4[%add3A_576, %dma_start3A_589, %dma_start3A_590] : memref<768x384x64xf32, #tpu.memory_space<hbm>> -> memref<1x384x64xf32, #tpu.memory_space<hbm>>
        %dma_start3A_592 = tpu.memref_squeeze %dma_start3A_591 : memref<1x384x64xf32, #tpu.memory_space<hbm>> -> memref<384x64xf32, #tpu.memory_space<hbm>>
        %dma_start3A_593 = arith.constant 0 : i32
        %dma_start3A_594 = arith.constant 0 : i32
        %dma_start3A_595 = tpu.memref_slice %arg6[%dma_start3A_577, %dma_start3A_593, %dma_start3A_594] : memref<4x384x64xf32, #tpu.memory_space<vmem>> -> memref<1x384x64xf32, #tpu.memory_space<vmem>>
        %dma_start3A_596 = tpu.memref_squeeze %dma_start3A_595 : memref<1x384x64xf32, #tpu.memory_space<vmem>> -> memref<384x64xf32, #tpu.memory_space<vmem>>
        tpu.enqueue_dma source(%dma_start3A_596 : memref<384x64xf32, #tpu.memory_space<vmem>>) target(%dma_start3A_592 : memref<384x64xf32, #tpu.memory_space<hbm>>) target_semaphore(%dma_start3A_588 : memref<!tpu.dma_semaphore, #tpu.memory_space<semaphore_mem>>)
      } else {
      }
    }
    %scan3A_69 = arith.constant 6 : i32
    %dma_wait3A = arith.constant 3 : i32
    %dma_wait3A_70 = arith.constant 3 : i32
    %dma_wait3A_71 = arith.constant 3 : i32
    %dma_wait3A_72 = arith.constant 0 : i32
    %dma_wait3A_73 = arith.constant 0 : i32
    %dma_wait3A_74 = tpu.memref_slice %arg6[%dma_wait3A_70, %dma_wait3A_72, %dma_wait3A_73] : memref<4x384x64xf32, #tpu.memory_space<vmem>> -> memref<1x128x64xf32, #tpu.memory_space<vmem>>
    %dma_wait3A_75 = tpu.memref_squeeze %dma_wait3A_74 : memref<1x128x64xf32, #tpu.memory_space<vmem>> -> memref<128x64xf32, #tpu.memory_space<vmem>>
    %dma_wait3A_76 = arith.constant 0 : i32
    %dma_wait3A_77 = tpu.memref_slice %arg5[%dma_wait3A, %dma_wait3A_76] : memref<4x384xi32, #tpu.memory_space<vmem>> -> memref<1x128xi32, #tpu.memory_space<vmem>>
    %dma_wait3A_78 = tpu.memref_squeeze %dma_wait3A_77 : memref<1x128xi32, #tpu.memory_space<vmem>> -> memref<128xi32, #tpu.memory_space<vmem>>
    %dma_wait3A_79 = arith.constant 0 : i32
    %dma_wait3A_80 = arith.constant 0 : i32
    %dma_wait3A_81 = tpu.memref_slice %arg2[%dma_wait3A_79, %dma_wait3A_80] : memref<1000000x64xf32, #tpu.memory_space<hbm>> -> memref<1000000x64xf32, #tpu.memory_space<hbm>>
    %dma_wait3A_82 = tpu.memref_slice %arg8[%dma_wait3A_71] : memref<4x!tpu.dma_semaphore, #tpu.memory_space<semaphore_mem>> -> memref<1x!tpu.dma_semaphore, #tpu.memory_space<semaphore_mem>>
    %dma_wait3A_83 = tpu.memref_squeeze %dma_wait3A_82 : memref<1x!tpu.dma_semaphore, #tpu.memory_space<semaphore_mem>> -> memref<!tpu.dma_semaphore, #tpu.memory_space<semaphore_mem>>
    tpu.wait_indirect_dma semaphore(%dma_wait3A_83 : memref<!tpu.dma_semaphore, #tpu.memory_space<semaphore_mem>>) src(%dma_wait3A_81 : memref<1000000x64xf32, #tpu.memory_space<hbm>>) dst(%dma_wait3A_75 : memref<128x64xf32, #tpu.memory_space<vmem>>)
    %dma_wait3A_84 = arith.constant 3 : i32
    %dma_wait3A_85 = arith.constant 3 : i32
    %dma_wait3A_86 = arith.constant 3 : i32
    %dma_wait3A_87 = arith.constant 128 : i32
    %dma_wait3A_88 = arith.constant 0 : i32
    %dma_wait3A_89 = tpu.memref_slice %arg6[%dma_wait3A_85, %dma_wait3A_87, %dma_wait3A_88] : memref<4x384x64xf32, #tpu.memory_space<vmem>> -> memref<1x128x64xf32, #tpu.memory_space<vmem>>
    %dma_wait3A_90 = tpu.memref_squeeze %dma_wait3A_89 : memref<1x128x64xf32, #tpu.memory_space<vmem>> -> memref<128x64xf32, #tpu.memory_space<vmem>>
    %dma_wait3A_91 = arith.constant 128 : i32
    %dma_wait3A_92 = tpu.memref_slice %arg5[%dma_wait3A_84, %dma_wait3A_91] : memref<4x384xi32, #tpu.memory_space<vmem>> -> memref<1x128xi32, #tpu.memory_space<vmem>>
    %dma_wait3A_93 = tpu.memref_squeeze %dma_wait3A_92 : memref<1x128xi32, #tpu.memory_space<vmem>> -> memref<128xi32, #tpu.memory_space<vmem>>
    %dma_wait3A_94 = arith.constant 0 : i32
    %dma_wait3A_95 = arith.constant 0 : i32
    %dma_wait3A_96 = tpu.memref_slice %arg2[%dma_wait3A_94, %dma_wait3A_95] : memref<1000000x64xf32, #tpu.memory_space<hbm>> -> memref<1000000x64xf32, #tpu.memory_space<hbm>>
    %dma_wait3A_97 = tpu.memref_slice %arg8[%dma_wait3A_86] : memref<4x!tpu.dma_semaphore, #tpu.memory_space<semaphore_mem>> -> memref<1x!tpu.dma_semaphore, #tpu.memory_space<semaphore_mem>>
    %dma_wait3A_98 = tpu.memref_squeeze %dma_wait3A_97 : memref<1x!tpu.dma_semaphore, #tpu.memory_space<semaphore_mem>> -> memref<!tpu.dma_semaphore, #tpu.memory_space<semaphore_mem>>
    tpu.wait_indirect_dma semaphore(%dma_wait3A_98 : memref<!tpu.dma_semaphore, #tpu.memory_space<semaphore_mem>>) src(%dma_wait3A_96 : memref<1000000x64xf32, #tpu.memory_space<hbm>>) dst(%dma_wait3A_90 : memref<128x64xf32, #tpu.memory_space<vmem>>)
    %dma_wait3A_99 = arith.constant 3 : i32
    %dma_wait3A_100 = arith.constant 3 : i32
    %dma_wait3A_101 = arith.constant 3 : i32
    %dma_wait3A_102 = arith.constant 256 : i32
    %dma_wait3A_103 = arith.constant 0 : i32
    %dma_wait3A_104 = tpu.memref_slice %arg6[%dma_wait3A_100, %dma_wait3A_102, %dma_wait3A_103] : memref<4x384x64xf32, #tpu.memory_space<vmem>> -> memref<1x128x64xf32, #tpu.memory_space<vmem>>
    %dma_wait3A_105 = tpu.memref_squeeze %dma_wait3A_104 : memref<1x128x64xf32, #tpu.memory_space<vmem>> -> memref<128x64xf32, #tpu.memory_space<vmem>>
    %dma_wait3A_106 = arith.constant 256 : i32
    %dma_wait3A_107 = tpu.memref_slice %arg5[%dma_wait3A_99, %dma_wait3A_106] : memref<4x384xi32, #tpu.memory_space<vmem>> -> memref<1x128xi32, #tpu.memory_space<vmem>>
    %dma_wait3A_108 = tpu.memref_squeeze %dma_wait3A_107 : memref<1x128xi32, #tpu.memory_space<vmem>> -> memref<128xi32, #tpu.memory_space<vmem>>
    %dma_wait3A_109 = arith.constant 0 : i32
    %dma_wait3A_110 = arith.constant 0 : i32
    %dma_wait3A_111 = tpu.memref_slice %arg2[%dma_wait3A_109, %dma_wait3A_110] : memref<1000000x64xf32, #tpu.memory_space<hbm>> -> memref<1000000x64xf32, #tpu.memory_space<hbm>>
    %dma_wait3A_112 = tpu.memref_slice %arg8[%dma_wait3A_101] : memref<4x!tpu.dma_semaphore, #tpu.memory_space<semaphore_mem>> -> memref<1x!tpu.dma_semaphore, #tpu.memory_space<semaphore_mem>>
    %dma_wait3A_113 = tpu.memref_squeeze %dma_wait3A_112 : memref<1x!tpu.dma_semaphore, #tpu.memory_space<semaphore_mem>> -> memref<!tpu.dma_semaphore, #tpu.memory_space<semaphore_mem>>
    tpu.wait_indirect_dma semaphore(%dma_wait3A_113 : memref<!tpu.dma_semaphore, #tpu.memory_space<semaphore_mem>>) src(%dma_wait3A_111 : memref<1000000x64xf32, #tpu.memory_space<hbm>>) dst(%dma_wait3A_105 : memref<128x64xf32, #tpu.memory_space<vmem>>)
    %add3A_114 = arith.constant 23 : i32
    %add3A_115 = arith.addi %mul3A_2, %add3A_114 : i32
    %dma_start3A_116 = arith.constant 3 : i32
    %dma_start3A_117 = arith.constant 3 : i32
    %dma_start3A_118 = arith.constant 0 : i32
    %dma_start3A_119 = arith.constant 0 : i32
    %dma_start3A_120 = tpu.memref_slice %arg6[%dma_start3A_116, %dma_start3A_118, %dma_start3A_119] : memref<4x384x64xf32, #tpu.memory_space<vmem>> -> memref<1x384x64xf32, #tpu.memory_space<vmem>>
    %dma_start3A_121 = tpu.memref_squeeze %dma_start3A_120 : memref<1x384x64xf32, #tpu.memory_space<vmem>> -> memref<384x64xf32, #tpu.memory_space<vmem>>
    %dma_start3A_122 = arith.constant 0 : i32
    %dma_start3A_123 = arith.constant 0 : i32
    %dma_start3A_124 = tpu.memref_slice %arg4[%add3A_115, %dma_start3A_122, %dma_start3A_123] : memref<768x384x64xf32, #tpu.memory_space<hbm>> -> memref<1x384x64xf32, #tpu.memory_space<hbm>>
    %dma_start3A_125 = tpu.memref_squeeze %dma_start3A_124 : memref<1x384x64xf32, #tpu.memory_space<hbm>> -> memref<384x64xf32, #tpu.memory_space<hbm>>
    %dma_start3A_126 = tpu.memref_slice %arg9[%dma_start3A_117] : memref<4x!tpu.dma_semaphore, #tpu.memory_space<semaphore_mem>> -> memref<1x!tpu.dma_semaphore, #tpu.memory_space<semaphore_mem>>
    %dma_start3A_127 = tpu.memref_squeeze %dma_start3A_126 : memref<1x!tpu.dma_semaphore, #tpu.memory_space<semaphore_mem>> -> memref<!tpu.dma_semaphore, #tpu.memory_space<semaphore_mem>>
    %dma_start3A_128 = arith.constant 0 : i32
    %dma_start3A_129 = arith.constant 0 : i32
    %dma_start3A_130 = tpu.memref_slice %arg4[%add3A_115, %dma_start3A_128, %dma_start3A_129] : memref<768x384x64xf32, #tpu.memory_space<hbm>> -> memref<1x384x64xf32, #tpu.memory_space<hbm>>
    %dma_start3A_131 = tpu.memref_squeeze %dma_start3A_130 : memref<1x384x64xf32, #tpu.memory_space<hbm>> -> memref<384x64xf32, #tpu.memory_space<hbm>>
    %dma_start3A_132 = arith.constant 0 : i32
    %dma_start3A_133 = arith.constant 0 : i32
    %dma_start3A_134 = tpu.memref_slice %arg6[%dma_start3A_116, %dma_start3A_132, %dma_start3A_133] : memref<4x384x64xf32, #tpu.memory_space<vmem>> -> memref<1x384x64xf32, #tpu.memory_space<vmem>>
    %dma_start3A_135 = tpu.memref_squeeze %dma_start3A_134 : memref<1x384x64xf32, #tpu.memory_space<vmem>> -> memref<384x64xf32, #tpu.memory_space<vmem>>
    tpu.enqueue_dma source(%dma_start3A_135 : memref<384x64xf32, #tpu.memory_space<vmem>>) target(%dma_start3A_131 : memref<384x64xf32, #tpu.memory_space<hbm>>) target_semaphore(%dma_start3A_127 : memref<!tpu.dma_semaphore, #tpu.memory_space<semaphore_mem>>)
    %add3A_136 = arith.constant 20 : i32
    %add3A_137 = arith.addi %mul3A_2, %add3A_136 : i32
    %dma_wait3A_138 = arith.constant 0 : i32
    %dma_wait3A_139 = arith.constant 0 : i32
    %dma_wait3A_140 = arith.constant 0 : i32
    %dma_wait3A_141 = arith.constant 0 : i32
    %dma_wait3A_142 = tpu.memref_slice %arg6[%dma_wait3A_138, %dma_wait3A_140, %dma_wait3A_141] : memref<4x384x64xf32, #tpu.memory_space<vmem>> -> memref<1x384x64xf32, #tpu.memory_space<vmem>>
    %dma_wait3A_143 = tpu.memref_squeeze %dma_wait3A_142 : memref<1x384x64xf32, #tpu.memory_space<vmem>> -> memref<384x64xf32, #tpu.memory_space<vmem>>
    %dma_wait3A_144 = arith.constant 0 : i32
    %dma_wait3A_145 = arith.constant 0 : i32
    %dma_wait3A_146 = tpu.memref_slice %arg4[%add3A_137, %dma_wait3A_144, %dma_wait3A_145] : memref<768x384x64xf32, #tpu.memory_space<hbm>> -> memref<1x384x64xf32, #tpu.memory_space<hbm>>
    %dma_wait3A_147 = tpu.memref_squeeze %dma_wait3A_146 : memref<1x384x64xf32, #tpu.memory_space<hbm>> -> memref<384x64xf32, #tpu.memory_space<hbm>>
    %dma_wait3A_148 = tpu.memref_slice %arg9[%dma_wait3A_139] : memref<4x!tpu.dma_semaphore, #tpu.memory_space<semaphore_mem>> -> memref<1x!tpu.dma_semaphore, #tpu.memory_space<semaphore_mem>>
    %dma_wait3A_149 = tpu.memref_squeeze %dma_wait3A_148 : memref<1x!tpu.dma_semaphore, #tpu.memory_space<semaphore_mem>> -> memref<!tpu.dma_semaphore, #tpu.memory_space<semaphore_mem>>
    %dma_wait3A_150 = arith.constant 0 : i32
    %dma_wait3A_151 = arith.constant 0 : i32
    %dma_wait3A_152 = tpu.memref_slice %arg4[%add3A_137, %dma_wait3A_150, %dma_wait3A_151] : memref<768x384x64xf32, #tpu.memory_space<hbm>> -> memref<1x384x64xf32, #tpu.memory_space<hbm>>
    %dma_wait3A_153 = tpu.memref_squeeze %dma_wait3A_152 : memref<1x384x64xf32, #tpu.memory_space<hbm>> -> memref<384x64xf32, #tpu.memory_space<hbm>>
    %dma_wait3A_154 = arith.constant 0 : i32
    %dma_wait3A_155 = arith.constant 0 : i32
    %dma_wait3A_156 = tpu.memref_slice %arg6[%dma_wait3A_138, %dma_wait3A_154, %dma_wait3A_155] : memref<4x384x64xf32, #tpu.memory_space<vmem>> -> memref<1x384x64xf32, #tpu.memory_space<vmem>>
    %dma_wait3A_157 = tpu.memref_squeeze %dma_wait3A_156 : memref<1x384x64xf32, #tpu.memory_space<vmem>> -> memref<384x64xf32, #tpu.memory_space<vmem>>
    tpu.wait_dma2 semaphore(%dma_wait3A_149 : memref<!tpu.dma_semaphore, #tpu.memory_space<semaphore_mem>>) src(%dma_wait3A_157 : memref<384x64xf32, #tpu.memory_space<vmem>>) dst(%dma_wait3A_153 : memref<384x64xf32, #tpu.memory_space<hbm>>)
    %add3A_158 = arith.constant 21 : i32
    %add3A_159 = arith.addi %mul3A_2, %add3A_158 : i32
    %dma_wait3A_160 = arith.constant 1 : i32
    %dma_wait3A_161 = arith.constant 1 : i32
    %dma_wait3A_162 = arith.constant 0 : i32
    %dma_wait3A_163 = arith.constant 0 : i32
    %dma_wait3A_164 = tpu.memref_slice %arg6[%dma_wait3A_160, %dma_wait3A_162, %dma_wait3A_163] : memref<4x384x64xf32, #tpu.memory_space<vmem>> -> memref<1x384x64xf32, #tpu.memory_space<vmem>>
    %dma_wait3A_165 = tpu.memref_squeeze %dma_wait3A_164 : memref<1x384x64xf32, #tpu.memory_space<vmem>> -> memref<384x64xf32, #tpu.memory_space<vmem>>
    %dma_wait3A_166 = arith.constant 0 : i32
    %dma_wait3A_167 = arith.constant 0 : i32
    %dma_wait3A_168 = tpu.memref_slice %arg4[%add3A_159, %dma_wait3A_166, %dma_wait3A_167] : memref<768x384x64xf32, #tpu.memory_space<hbm>> -> memref<1x384x64xf32, #tpu.memory_space<hbm>>
    %dma_wait3A_169 = tpu.memref_squeeze %dma_wait3A_168 : memref<1x384x64xf32, #tpu.memory_space<hbm>> -> memref<384x64xf32, #tpu.memory_space<hbm>>
    %dma_wait3A_170 = tpu.memref_slice %arg9[%dma_wait3A_161] : memref<4x!tpu.dma_semaphore, #tpu.memory_space<semaphore_mem>> -> memref<1x!tpu.dma_semaphore, #tpu.memory_space<semaphore_mem>>
    %dma_wait3A_171 = tpu.memref_squeeze %dma_wait3A_170 : memref<1x!tpu.dma_semaphore, #tpu.memory_space<semaphore_mem>> -> memref<!tpu.dma_semaphore, #tpu.memory_space<semaphore_mem>>
    %dma_wait3A_172 = arith.constant 0 : i32
    %dma_wait3A_173 = arith.constant 0 : i32
    %dma_wait3A_174 = tpu.memref_slice %arg4[%add3A_159, %dma_wait3A_172, %dma_wait3A_173] : memref<768x384x64xf32, #tpu.memory_space<hbm>> -> memref<1x384x64xf32, #tpu.memory_space<hbm>>
    %dma_wait3A_175 = tpu.memref_squeeze %dma_wait3A_174 : memref<1x384x64xf32, #tpu.memory_space<hbm>> -> memref<384x64xf32, #tpu.memory_space<hbm>>
    %dma_wait3A_176 = arith.constant 0 : i32
    %dma_wait3A_177 = arith.constant 0 : i32
    %dma_wait3A_178 = tpu.memref_slice %arg6[%dma_wait3A_160, %dma_wait3A_176, %dma_wait3A_177] : memref<4x384x64xf32, #tpu.memory_space<vmem>> -> memref<1x384x64xf32, #tpu.memory_space<vmem>>
    %dma_wait3A_179 = tpu.memref_squeeze %dma_wait3A_178 : memref<1x384x64xf32, #tpu.memory_space<vmem>> -> memref<384x64xf32, #tpu.memory_space<vmem>>
    tpu.wait_dma2 semaphore(%dma_wait3A_171 : memref<!tpu.dma_semaphore, #tpu.memory_space<semaphore_mem>>) src(%dma_wait3A_179 : memref<384x64xf32, #tpu.memory_space<vmem>>) dst(%dma_wait3A_175 : memref<384x64xf32, #tpu.memory_space<hbm>>)
    %add3A_180 = arith.constant 22 : i32
    %add3A_181 = arith.addi %mul3A_2, %add3A_180 : i32
    %dma_wait3A_182 = arith.constant 2 : i32
    %dma_wait3A_183 = arith.constant 2 : i32
    %dma_wait3A_184 = arith.constant 0 : i32
    %dma_wait3A_185 = arith.constant 0 : i32
    %dma_wait3A_186 = tpu.memref_slice %arg6[%dma_wait3A_182, %dma_wait3A_184, %dma_wait3A_185] : memref<4x384x64xf32, #tpu.memory_space<vmem>> -> memref<1x384x64xf32, #tpu.memory_space<vmem>>
    %dma_wait3A_187 = tpu.memref_squeeze %dma_wait3A_186 : memref<1x384x64xf32, #tpu.memory_space<vmem>> -> memref<384x64xf32, #tpu.memory_space<vmem>>
    %dma_wait3A_188 = arith.constant 0 : i32
    %dma_wait3A_189 = arith.constant 0 : i32
    %dma_wait3A_190 = tpu.memref_slice %arg4[%add3A_181, %dma_wait3A_188, %dma_wait3A_189] : memref<768x384x64xf32, #tpu.memory_space<hbm>> -> memref<1x384x64xf32, #tpu.memory_space<hbm>>
    %dma_wait3A_191 = tpu.memref_squeeze %dma_wait3A_190 : memref<1x384x64xf32, #tpu.memory_space<hbm>> -> memref<384x64xf32, #tpu.memory_space<hbm>>
    %dma_wait3A_192 = tpu.memref_slice %arg9[%dma_wait3A_183] : memref<4x!tpu.dma_semaphore, #tpu.memory_space<semaphore_mem>> -> memref<1x!tpu.dma_semaphore, #tpu.memory_space<semaphore_mem>>
    %dma_wait3A_193 = tpu.memref_squeeze %dma_wait3A_192 : memref<1x!tpu.dma_semaphore, #tpu.memory_space<semaphore_mem>> -> memref<!tpu.dma_semaphore, #tpu.memory_space<semaphore_mem>>
    %dma_wait3A_194 = arith.constant 0 : i32
    %dma_wait3A_195 = arith.constant 0 : i32
    %dma_wait3A_196 = tpu.memref_slice %arg4[%add3A_181, %dma_wait3A_194, %dma_wait3A_195] : memref<768x384x64xf32, #tpu.memory_space<hbm>> -> memref<1x384x64xf32, #tpu.memory_space<hbm>>
    %dma_wait3A_197 = tpu.memref_squeeze %dma_wait3A_196 : memref<1x384x64xf32, #tpu.memory_space<hbm>> -> memref<384x64xf32, #tpu.memory_space<hbm>>
    %dma_wait3A_198 = arith.constant 0 : i32
    %dma_wait3A_199 = arith.constant 0 : i32
    %dma_wait3A_200 = tpu.memref_slice %arg6[%dma_wait3A_182, %dma_wait3A_198, %dma_wait3A_199] : memref<4x384x64xf32, #tpu.memory_space<vmem>> -> memref<1x384x64xf32, #tpu.memory_space<vmem>>
    %dma_wait3A_201 = tpu.memref_squeeze %dma_wait3A_200 : memref<1x384x64xf32, #tpu.memory_space<vmem>> -> memref<384x64xf32, #tpu.memory_space<vmem>>
    tpu.wait_dma2 semaphore(%dma_wait3A_193 : memref<!tpu.dma_semaphore, #tpu.memory_space<semaphore_mem>>) src(%dma_wait3A_201 : memref<384x64xf32, #tpu.memory_space<vmem>>) dst(%dma_wait3A_197 : memref<384x64xf32, #tpu.memory_space<hbm>>)
    %add3A_202 = arith.constant 23 : i32
    %add3A_203 = arith.addi %mul3A_2, %add3A_202 : i32
    %dma_wait3A_204 = arith.constant 3 : i32
    %dma_wait3A_205 = arith.constant 3 : i32
    %dma_wait3A_206 = arith.constant 0 : i32
    %dma_wait3A_207 = arith.constant 0 : i32
    %dma_wait3A_208 = tpu.memref_slice %arg6[%dma_wait3A_204, %dma_wait3A_206, %dma_wait3A_207] : memref<4x384x64xf32, #tpu.memory_space<vmem>> -> memref<1x384x64xf32, #tpu.memory_space<vmem>>
    %dma_wait3A_209 = tpu.memref_squeeze %dma_wait3A_208 : memref<1x384x64xf32, #tpu.memory_space<vmem>> -> memref<384x64xf32, #tpu.memory_space<vmem>>
    %dma_wait3A_210 = arith.constant 0 : i32
    %dma_wait3A_211 = arith.constant 0 : i32
    %dma_wait3A_212 = tpu.memref_slice %arg4[%add3A_203, %dma_wait3A_210, %dma_wait3A_211] : memref<768x384x64xf32, #tpu.memory_space<hbm>> -> memref<1x384x64xf32, #tpu.memory_space<hbm>>
    %dma_wait3A_213 = tpu.memref_squeeze %dma_wait3A_212 : memref<1x384x64xf32, #tpu.memory_space<hbm>> -> memref<384x64xf32, #tpu.memory_space<hbm>>
    %dma_wait3A_214 = tpu.memref_slice %arg9[%dma_wait3A_205] : memref<4x!tpu.dma_semaphore, #tpu.memory_space<semaphore_mem>> -> memref<1x!tpu.dma_semaphore, #tpu.memory_space<semaphore_mem>>
    %dma_wait3A_215 = tpu.memref_squeeze %dma_wait3A_214 : memref<1x!tpu.dma_semaphore, #tpu.memory_space<semaphore_mem>> -> memref<!tpu.dma_semaphore, #tpu.memory_space<semaphore_mem>>
    %dma_wait3A_216 = arith.constant 0 : i32
    %dma_wait3A_217 = arith.constant 0 : i32
    %dma_wait3A_218 = tpu.memref_slice %arg4[%add3A_203, %dma_wait3A_216, %dma_wait3A_217] : memref<768x384x64xf32, #tpu.memory_space<hbm>> -> memref<1x384x64xf32, #tpu.memory_space<hbm>>
    %dma_wait3A_219 = tpu.memref_squeeze %dma_wait3A_218 : memref<1x384x64xf32, #tpu.memory_space<hbm>> -> memref<384x64xf32, #tpu.memory_space<hbm>>
    %dma_wait3A_220 = arith.constant 0 : i32
    %dma_wait3A_221 = arith.constant 0 : i32
    %dma_wait3A_222 = tpu.memref_slice %arg6[%dma_wait3A_204, %dma_wait3A_220, %dma_wait3A_221] : memref<4x384x64xf32, #tpu.memory_space<vmem>> -> memref<1x384x64xf32, #tpu.memory_space<vmem>>
    %dma_wait3A_223 = tpu.memref_squeeze %dma_wait3A_222 : memref<1x384x64xf32, #tpu.memory_space<vmem>> -> memref<384x64xf32, #tpu.memory_space<vmem>>
    tpu.wait_dma2 semaphore(%dma_wait3A_215 : memref<!tpu.dma_semaphore, #tpu.memory_space<semaphore_mem>>) src(%dma_wait3A_223 : memref<384x64xf32, #tpu.memory_space<vmem>>) dst(%dma_wait3A_219 : memref<384x64xf32, #tpu.memory_space<hbm>>)
    return
  }
}

#map = affine_map<(d0, d1) -> (0, 0)>
#map1 = affine_map<(d0, d1) -> (0)>
#map2 = affine_map<(d0, d1) -> (0, 0, 0)>
module attributes {stable_mosaic.version = 14 : i64} {
  func.func @k(%arg0: i32, %arg1: i32, %arg2: memref<1000000x64xf32, #tpu.memory_space<hbm>>, %arg3: memref<294912xi32, #tpu.memory_space<hbm>>, %arg4: memref<768x384x64xf32, #tpu.memory_space<hbm>>, %arg5: memref<4x384xi32, #tpu.memory_space<vmem>>, %arg6: memref<4x384x64xf32, #tpu.memory_space<vmem>>, %arg7: memref<4x!tpu.dma_semaphore, #tpu.memory_space<semaphore_mem>>, %arg8: memref<4x!tpu.dma_semaphore, #tpu.memory_space<semaphore_mem>>, %arg9: memref<4x!tpu.dma_semaphore, #tpu.memory_space<semaphore_mem>>) attributes {dimension_semantics = [#tpu.dimension_semantics<core_parallel>, #tpu.dimension_semantics<subcore_parallel>], iteration_bounds = array<i64: 2, 16>, scalar_prefetch = 0 : i64, scratch_operands = 5 : i64, tpu.core_type = #tpu.core_type<sc_vector_subcore>, window_params = [{transform_indices = #map}, {transform_indices = #map1}, {transform_indices = #map2}]} {
    %mul3A = arith.constant 2 : i32
    %mul3A_0 = arith.muli %arg1, %mul3A : i32
    %add3A = arith.addi %mul3A_0, %arg0 : i32
    %mul3A_1 = arith.constant 24 : i32
    %mul3A_2 = arith.muli %add3A, %mul3A_1 : i32
    %add3A_3 = arith.constant 0 : i32
    %add3A_4 = arith.addi %mul3A_2, %add3A_3 : i32
    %mul3A_5 = arith.constant 384 : i32
    %mul3A_6 = arith.muli %add3A_4, %mul3A_5 : i32
    %dma_start3A = arith.constant 0 : i32
    %dma_start3A_7 = arith.constant 0 : i32
    %dma_start3A_8 = arith.constant 0 : i32
    %dma_start3A_9 = tpu.memref_slice %arg5[%dma_start3A, %dma_start3A_8] : memref<4x384xi32, #tpu.memory_space<vmem>> -> memref<1x384xi32, #tpu.memory_space<vmem>>
    %dma_start3A_10 = tpu.memref_squeeze %dma_start3A_9 : memref<1x384xi32, #tpu.memory_space<vmem>> -> memref<384xi32, #tpu.memory_space<vmem>>
    %dma_start3A_11 = tpu.memref_slice %arg3[%mul3A_6] : memref<294912xi32, #tpu.memory_space<hbm>> -> memref<384xi32, #tpu.memory_space<hbm>>
    %dma_start3A_12 = tpu.memref_slice %arg7[%dma_start3A_7] : memref<4x!tpu.dma_semaphore, #tpu.memory_space<semaphore_mem>> -> memref<1x!tpu.dma_semaphore, #tpu.memory_space<semaphore_mem>>
    %dma_start3A_13 = tpu.memref_squeeze %dma_start3A_12 : memref<1x!tpu.dma_semaphore, #tpu.memory_space<semaphore_mem>> -> memref<!tpu.dma_semaphore, #tpu.memory_space<semaphore_mem>>
    %dma_start3A_14 = arith.constant 0 : i32
    %dma_start3A_15 = tpu.memref_slice %arg5[%dma_start3A, %dma_start3A_14] : memref<4x384xi32, #tpu.memory_space<vmem>> -> memref<1x384xi32, #tpu.memory_space<vmem>>
    %dma_start3A_16 = tpu.memref_squeeze %dma_start3A_15 : memref<1x384xi32, #tpu.memory_space<vmem>> -> memref<384xi32, #tpu.memory_space<vmem>>
    %dma_start3A_17 = tpu.memref_slice %arg3[%mul3A_6] : memref<294912xi32, #tpu.memory_space<hbm>> -> memref<384xi32, #tpu.memory_space<hbm>>
    tpu.enqueue_dma source(%dma_start3A_17 : memref<384xi32, #tpu.memory_space<hbm>>) target(%dma_start3A_16 : memref<384xi32, #tpu.memory_space<vmem>>) target_semaphore(%dma_start3A_13 : memref<!tpu.dma_semaphore, #tpu.memory_space<semaphore_mem>>)
    %add3A_18 = arith.constant 1 : i32
    %add3A_19 = arith.addi %mul3A_2, %add3A_18 : i32
    %mul3A_20 = arith.constant 384 : i32
    %mul3A_21 = arith.muli %add3A_19, %mul3A_20 : i32
    %dma_start3A_22 = arith.constant 1 : i32
    %dma_start3A_23 = arith.constant 1 : i32
    %dma_start3A_24 = arith.constant 0 : i32
    %dma_start3A_25 = tpu.memref_slice %arg5[%dma_start3A_22, %dma_start3A_24] : memref<4x384xi32, #tpu.memory_space<vmem>> -> memref<1x384xi32, #tpu.memory_space<vmem>>
    %dma_start3A_26 = tpu.memref_squeeze %dma_start3A_25 : memref<1x384xi32, #tpu.memory_space<vmem>> -> memref<384xi32, #tpu.memory_space<vmem>>
    %dma_start3A_27 = tpu.memref_slice %arg3[%mul3A_21] : memref<294912xi32, #tpu.memory_space<hbm>> -> memref<384xi32, #tpu.memory_space<hbm>>
    %dma_start3A_28 = tpu.memref_slice %arg7[%dma_start3A_23] : memref<4x!tpu.dma_semaphore, #tpu.memory_space<semaphore_mem>> -> memref<1x!tpu.dma_semaphore, #tpu.memory_space<semaphore_mem>>
    %dma_start3A_29 = tpu.memref_squeeze %dma_start3A_28 : memref<1x!tpu.dma_semaphore, #tpu.memory_space<semaphore_mem>> -> memref<!tpu.dma_semaphore, #tpu.memory_space<semaphore_mem>>
    %dma_start3A_30 = arith.constant 0 : i32
    %dma_start3A_31 = tpu.memref_slice %arg5[%dma_start3A_22, %dma_start3A_30] : memref<4x384xi32, #tpu.memory_space<vmem>> -> memref<1x384xi32, #tpu.memory_space<vmem>>
    %dma_start3A_32 = tpu.memref_squeeze %dma_start3A_31 : memref<1x384xi32, #tpu.memory_space<vmem>> -> memref<384xi32, #tpu.memory_space<vmem>>
    %dma_start3A_33 = tpu.memref_slice %arg3[%mul3A_21] : memref<294912xi32, #tpu.memory_space<hbm>> -> memref<384xi32, #tpu.memory_space<hbm>>
    tpu.enqueue_dma source(%dma_start3A_33 : memref<384xi32, #tpu.memory_space<hbm>>) target(%dma_start3A_32 : memref<384xi32, #tpu.memory_space<vmem>>) target_semaphore(%dma_start3A_29 : memref<!tpu.dma_semaphore, #tpu.memory_space<semaphore_mem>>)
    %add3A_34 = arith.constant 2 : i32
    %add3A_35 = arith.addi %mul3A_2, %add3A_34 : i32
    %mul3A_36 = arith.constant 384 : i32
    %mul3A_37 = arith.muli %add3A_35, %mul3A_36 : i32
    %dma_start3A_38 = arith.constant 2 : i32
    %dma_start3A_39 = arith.constant 2 : i32
    %dma_start3A_40 = arith.constant 0 : i32
    %dma_start3A_41 = tpu.memref_slice %arg5[%dma_start3A_38, %dma_start3A_40] : memref<4x384xi32, #tpu.memory_space<vmem>> -> memref<1x384xi32, #tpu.memory_space<vmem>>
    %dma_start3A_42 = tpu.memref_squeeze %dma_start3A_41 : memref<1x384xi32, #tpu.memory_space<vmem>> -> memref<384xi32, #tpu.memory_space<vmem>>
    %dma_start3A_43 = tpu.memref_slice %arg3[%mul3A_37] : memref<294912xi32, #tpu.memory_space<hbm>> -> memref<384xi32, #tpu.memory_space<hbm>>
    %dma_start3A_44 = tpu.memref_slice %arg7[%dma_start3A_39] : memref<4x!tpu.dma_semaphore, #tpu.memory_space<semaphore_mem>> -> memref<1x!tpu.dma_semaphore, #tpu.memory_space<semaphore_mem>>
    %dma_start3A_45 = tpu.memref_squeeze %dma_start3A_44 : memref<1x!tpu.dma_semaphore, #tpu.memory_space<semaphore_mem>> -> memref<!tpu.dma_semaphore, #tpu.memory_space<semaphore_mem>>
    %dma_start3A_46 = arith.constant 0 : i32
    %dma_start3A_47 = tpu.memref_slice %arg5[%dma_start3A_38, %dma_start3A_46] : memref<4x384xi32, #tpu.memory_space<vmem>> -> memref<1x384xi32, #tpu.memory_space<vmem>>
    %dma_start3A_48 = tpu.memref_squeeze %dma_start3A_47 : memref<1x384xi32, #tpu.memory_space<vmem>> -> memref<384xi32, #tpu.memory_space<vmem>>
    %dma_start3A_49 = tpu.memref_slice %arg3[%mul3A_37] : memref<294912xi32, #tpu.memory_space<hbm>> -> memref<384xi32, #tpu.memory_space<hbm>>
    tpu.enqueue_dma source(%dma_start3A_49 : memref<384xi32, #tpu.memory_space<hbm>>) target(%dma_start3A_48 : memref<384xi32, #tpu.memory_space<vmem>>) target_semaphore(%dma_start3A_45 : memref<!tpu.dma_semaphore, #tpu.memory_space<semaphore_mem>>)
    %add3A_50 = arith.constant 3 : i32
    %add3A_51 = arith.addi %mul3A_2, %add3A_50 : i32
    %mul3A_52 = arith.constant 384 : i32
    %mul3A_53 = arith.muli %add3A_51, %mul3A_52 : i32
    %dma_start3A_54 = arith.constant 3 : i32
    %dma_start3A_55 = arith.constant 3 : i32
    %dma_start3A_56 = arith.constant 0 : i32
    %dma_start3A_57 = tpu.memref_slice %arg5[%dma_start3A_54, %dma_start3A_56] : memref<4x384xi32, #tpu.memory_space<vmem>> -> memref<1x384xi32, #tpu.memory_space<vmem>>
    %dma_start3A_58 = tpu.memref_squeeze %dma_start3A_57 : memref<1x384xi32, #tpu.memory_space<vmem>> -> memref<384xi32, #tpu.memory_space<vmem>>
    %dma_start3A_59 = tpu.memref_slice %arg3[%mul3A_53] : memref<294912xi32, #tpu.memory_space<hbm>> -> memref<384xi32, #tpu.memory_space<hbm>>
    %dma_start3A_60 = tpu.memref_slice %arg7[%dma_start3A_55] : memref<4x!tpu.dma_semaphore, #tpu.memory_space<semaphore_mem>> -> memref<1x!tpu.dma_semaphore, #tpu.memory_space<semaphore_mem>>
    %dma_start3A_61 = tpu.memref_squeeze %dma_start3A_60 : memref<1x!tpu.dma_semaphore, #tpu.memory_space<semaphore_mem>> -> memref<!tpu.dma_semaphore, #tpu.memory_space<semaphore_mem>>
    %dma_start3A_62 = arith.constant 0 : i32
    %dma_start3A_63 = tpu.memref_slice %arg5[%dma_start3A_54, %dma_start3A_62] : memref<4x384xi32, #tpu.memory_space<vmem>> -> memref<1x384xi32, #tpu.memory_space<vmem>>
    %dma_start3A_64 = tpu.memref_squeeze %dma_start3A_63 : memref<1x384xi32, #tpu.memory_space<vmem>> -> memref<384xi32, #tpu.memory_space<vmem>>
    %dma_start3A_65 = tpu.memref_slice %arg3[%mul3A_53] : memref<294912xi32, #tpu.memory_space<hbm>> -> memref<384xi32, #tpu.memory_space<hbm>>
    tpu.enqueue_dma source(%dma_start3A_65 : memref<384xi32, #tpu.memory_space<hbm>>) target(%dma_start3A_64 : memref<384xi32, #tpu.memory_space<vmem>>) target_semaphore(%dma_start3A_61 : memref<!tpu.dma_semaphore, #tpu.memory_space<semaphore_mem>>)
    %scan3A = arith.constant 0 : i32
    %scan3A_66 = arith.constant 6 : i32
    %scan3A_67 = arith.addi %scan3A, %scan3A_66 : i32
    %scan3A_68 = arith.constant 1 : i32
    scf.for %scan3A_224 = %scan3A to %scan3A_67 step %scan3A_68  : i32 {
      %mul3A_225 = arith.constant 1 : i32
      %mul3A_226 = arith.muli %scan3A_224, %mul3A_225 : i32
      %add3A_227 = arith.constant 0 : i32
      %add3A_228 = arith.addi %add3A_227, %mul3A_226 : i32
      %mul3A_229 = arith.constant 4 : i32
      %mul3A_230 = arith.muli %add3A_228, %mul3A_229 : i32
      %add3A_231 = arith.constant 0 : i32
      %add3A_232 = arith.addi %mul3A_230, %add3A_231 : i32
      %add3A_233 = arith.addi %mul3A_2, %add3A_232 : i32
      %mul3A_234 = arith.constant 384 : i32
      %mul3A_235 = arith.muli %add3A_233, %mul3A_234 : i32
      %dma_wait3A_236 = arith.constant 0 : i32
      %dma_wait3A_237 = arith.constant 0 : i32
      %dma_wait3A_238 = arith.constant 0 : i32
      %dma_wait3A_239 = tpu.memref_slice %arg5[%dma_wait3A_236, %dma_wait3A_238] : memref<4x384xi32, #tpu.memory_space<vmem>> -> memref<1x384xi32, #tpu.memory_space<vmem>>
      %dma_wait3A_240 = tpu.memref_squeeze %dma_wait3A_239 : memref<1x384xi32, #tpu.memory_space<vmem>> -> memref<384xi32, #tpu.memory_space<vmem>>
      %dma_wait3A_241 = tpu.memref_slice %arg3[%mul3A_235] : memref<294912xi32, #tpu.memory_space<hbm>> -> memref<384xi32, #tpu.memory_space<hbm>>
      %dma_wait3A_242 = tpu.memref_slice %arg7[%dma_wait3A_237] : memref<4x!tpu.dma_semaphore, #tpu.memory_space<semaphore_mem>> -> memref<1x!tpu.dma_semaphore, #tpu.memory_space<semaphore_mem>>
      %dma_wait3A_243 = tpu.memref_squeeze %dma_wait3A_242 : memref<1x!tpu.dma_semaphore, #tpu.memory_space<semaphore_mem>> -> memref<!tpu.dma_semaphore, #tpu.memory_space<semaphore_mem>>
      %dma_wait3A_244 = arith.constant 0 : i32
      %dma_wait3A_245 = tpu.memref_slice %arg5[%dma_wait3A_236, %dma_wait3A_244] : memref<4x384xi32, #tpu.memory_space<vmem>> -> memref<1x384xi32, #tpu.memory_space<vmem>>
      %dma_wait3A_246 = tpu.memref_squeeze %dma_wait3A_245 : memref<1x384xi32, #tpu.memory_space<vmem>> -> memref<384xi32, #tpu.memory_space<vmem>>
      %dma_wait3A_247 = tpu.memref_slice %arg3[%mul3A_235] : memref<294912xi32, #tpu.memory_space<hbm>> -> memref<384xi32, #tpu.memory_space<hbm>>
      tpu.wait_dma2 semaphore(%dma_wait3A_243 : memref<!tpu.dma_semaphore, #tpu.memory_space<semaphore_mem>>) src(%dma_wait3A_247 : memref<384xi32, #tpu.memory_space<hbm>>) dst(%dma_wait3A_246 : memref<384xi32, #tpu.memory_space<vmem>>)
      %gt3A = arith.constant 0 : i32
      %gt3A_248 = arith.cmpi sgt, %add3A_228, %gt3A : i32
      %convert_element_type3A = arith.extui %gt3A_248 : i1 to i32
      %cond3A = arith.constant 0 : i32
      %cond3A_249 = arith.cmpi ne, %convert_element_type3A, %cond3A : i32
      scf.if %cond3A_249 {
        %sub3A = arith.constant 4 : i32
        %sub3A_522 = arith.subi %add3A_232, %sub3A : i32
        %add3A_523 = arith.addi %mul3A_2, %sub3A_522 : i32
        %dma_wait3A_524 = arith.constant 0 : i32
        %dma_wait3A_525 = arith.constant 0 : i32
        %dma_wait3A_526 = arith.constant 0 : i32
        %dma_wait3A_527 = arith.constant 0 : i32
        %dma_wait3A_528 = tpu.memref_slice %arg6[%dma_wait3A_524, %dma_wait3A_526, %dma_wait3A_527] : memref<4x384x64xf32, #tpu.memory_space<vmem>> -> memref<1x384x64xf32, #tpu.memory_space<vmem>>
        %dma_wait3A_529 = tpu.memref_squeeze %dma_wait3A_528 : memref<1x384x64xf32, #tpu.memory_space<vmem>> -> memref<384x64xf32, #tpu.memory_space<vmem>>
        %dma_wait3A_530 = arith.constant 0 : i32
        %dma_wait3A_531 = arith.constant 0 : i32
        %dma_wait3A_532 = tpu.memref_slice %arg4[%add3A_523, %dma_wait3A_530, %dma_wait3A_531] : memref<768x384x64xf32, #tpu.memory_space<hbm>> -> memref<1x384x64xf32, #tpu.memory_space<hbm>>
        %dma_wait3A_533 = tpu.memref_squeeze %dma_wait3A_532 : memref<1x384x64xf32, #tpu.memory_space<hbm>> -> memref<384x64xf32, #tpu.memory_space<hbm>>
        %dma_wait3A_534 = tpu.memref_slice %arg9[%dma_wait3A_525] : memref<4x!tpu.dma_semaphore, #tpu.memory_space<semaphore_mem>> -> memref<1x!tpu.dma_semaphore, #tpu.memory_space<semaphore_mem>>
        %dma_wait3A_535 = tpu.memref_squeeze %dma_wait3A_534 : memref<1x!tpu.dma_semaphore, #tpu.memory_space<semaphore_mem>> -> memref<!tpu.dma_semaphore, #tpu.memory_space<semaphore_mem>>
        %dma_wait3A_536 = arith.constant 0 : i32
        %dma_wait3A_537 = arith.constant 0 : i32
        %dma_wait3A_538 = tpu.memref_slice %arg4[%add3A_523, %dma_wait3A_536, %dma_wait3A_537] : memref<768x384x64xf32, #tpu.memory_space<hbm>> -> memref<1x384x64xf32, #tpu.memory_space<hbm>>
        %dma_wait3A_539 = tpu.memref_squeeze %dma_wait3A_538 : memref<1x384x64xf32, #tpu.memory_space<hbm>> -> memref<384x64xf32, #tpu.memory_space<hbm>>
        %dma_wait3A_540 = arith.constant 0 : i32
        %dma_wait3A_541 = arith.constant 0 : i32
        %dma_wait3A_542 = tpu.memref_slice %arg6[%dma_wait3A_524, %dma_wait3A_540, %dma_wait3A_541] : memref<4x384x64xf32, #tpu.memory_space<vmem>> -> memref<1x384x64xf32, #tpu.memory_space<vmem>>
        %dma_wait3A_543 = tpu.memref_squeeze %dma_wait3A_542 : memref<1x384x64xf32, #tpu.memory_space<vmem>> -> memref<384x64xf32, #tpu.memory_space<vmem>>
        tpu.wait_dma2 semaphore(%dma_wait3A_535 : memref<!tpu.dma_semaphore, #tpu.memory_space<semaphore_mem>>) src(%dma_wait3A_543 : memref<384x64xf32, #tpu.memory_space<vmem>>) dst(%dma_wait3A_539 : memref<384x64xf32, #tpu.memory_space<hbm>>)
      } else {
      }
      %dma_start3A_250 = arith.constant 0 : i32
      %dma_start3A_251 = arith.constant 0 : i32
      %dma_start3A_252 = arith.constant 0 : i32
      %dma_start3A_253 = arith.constant 0 : i32
      %dma_start3A_254 = arith.constant 0 : i32
      %dma_start3A_255 = tpu.memref_slice %arg6[%dma_start3A_251, %dma_start3A_253, %dma_start3A_254] : memref<4x384x64xf32, #tpu.memory_space<vmem>> -> memref<1x128x64xf32, #tpu.memory_space<vmem>>
      %dma_start3A_256 = tpu.memref_squeeze %dma_start3A_255 : memref<1x128x64xf32, #tpu.memory_space<vmem>> -> memref<128x64xf32, #tpu.memory_space<vmem>>
      %dma_start3A_257 = arith.constant 0 : i32
      %dma_start3A_258 = tpu.memref_slice %arg5[%dma_start3A_250, %dma_start3A_257] : memref<4x384xi32, #tpu.memory_space<vmem>> -> memref<1x128xi32, #tpu.memory_space<vmem>>
      %dma_start3A_259 = tpu.memref_squeeze %dma_start3A_258 : memref<1x128xi32, #tpu.memory_space<vmem>> -> memref<128xi32, #tpu.memory_space<vmem>>
      %dma_start3A_260 = arith.constant 0 : i32
      %dma_start3A_261 = arith.constant 0 : i32
      %dma_start3A_262 = tpu.memref_slice %arg2[%dma_start3A_260, %dma_start3A_261] : memref<1000000x64xf32, #tpu.memory_space<hbm>> -> memref<1000000x64xf32, #tpu.memory_space<hbm>>
      %dma_start3A_263 = tpu.memref_slice %arg8[%dma_start3A_252] : memref<4x!tpu.dma_semaphore, #tpu.memory_space<semaphore_mem>> -> memref<1x!tpu.dma_semaphore, #tpu.memory_space<semaphore_mem>>
      %dma_start3A_264 = tpu.memref_squeeze %dma_start3A_263 : memref<1x!tpu.dma_semaphore, #tpu.memory_space<semaphore_mem>> -> memref<!tpu.dma_semaphore, #tpu.memory_space<semaphore_mem>>
      tpu.enqueue_indirect_dma source(%dma_start3A_262 : memref<1000000x64xf32, #tpu.memory_space<hbm>>) target(%dma_start3A_256 : memref<128x64xf32, #tpu.memory_space<vmem>>) offsets(%dma_start3A_259 : memref<128xi32, #tpu.memory_space<vmem>>) semaphore(%dma_start3A_264 : memref<!tpu.dma_semaphore, #tpu.memory_space<semaphore_mem>>)
      %dma_start3A_265 = arith.constant 0 : i32
      %dma_start3A_266 = arith.constant 0 : i32
      %dma_start3A_267 = arith.constant 0 : i32
      %dma_start3A_268 = arith.constant 128 : i32
      %dma_start3A_269 = arith.constant 0 : i32
      %dma_start3A_270 = tpu.memref_slice %arg6[%dma_start3A_266, %dma_start3A_268, %dma_start3A_269] : memref<4x384x64xf32, #tpu.memory_space<vmem>> -> memref<1x128x64xf32, #tpu.memory_space<vmem>>
      %dma_start3A_271 = tpu.memref_squeeze %dma_start3A_270 : memref<1x128x64xf32, #tpu.memory_space<vmem>> -> memref<128x64xf32, #tpu.memory_space<vmem>>
      %dma_start3A_272 = arith.constant 128 : i32
      %dma_start3A_273 = tpu.memref_slice %arg5[%dma_start3A_265, %dma_start3A_272] : memref<4x384xi32, #tpu.memory_space<vmem>> -> memref<1x128xi32, #tpu.memory_space<vmem>>
      %dma_start3A_274 = tpu.memref_squeeze %dma_start3A_273 : memref<1x128xi32, #tpu.memory_space<vmem>> -> memref<128xi32, #tpu.memory_space<vmem>>
      %dma_start3A_275 = arith.constant 0 : i32
      %dma_start3A_276 = arith.constant 0 : i32
      %dma_start3A_277 = tpu.memref_slice %arg2[%dma_start3A_275, %dma_start3A_276] : memref<1000000x64xf32, #tpu.memory_space<hbm>> -> memref<1000000x64xf32, #tpu.memory_space<hbm>>
      %dma_start3A_278 = tpu.memref_slice %arg8[%dma_start3A_267] : memref<4x!tpu.dma_semaphore, #tpu.memory_space<semaphore_mem>> -> memref<1x!tpu.dma_semaphore, #tpu.memory_space<semaphore_mem>>
      %dma_start3A_279 = tpu.memref_squeeze %dma_start3A_278 : memref<1x!tpu.dma_semaphore, #tpu.memory_space<semaphore_mem>> -> memref<!tpu.dma_semaphore, #tpu.memory_space<semaphore_mem>>
      tpu.enqueue_indirect_dma source(%dma_start3A_277 : memref<1000000x64xf32, #tpu.memory_space<hbm>>) target(%dma_start3A_271 : memref<128x64xf32, #tpu.memory_space<vmem>>) offsets(%dma_start3A_274 : memref<128xi32, #tpu.memory_space<vmem>>) semaphore(%dma_start3A_279 : memref<!tpu.dma_semaphore, #tpu.memory_space<semaphore_mem>>)
      %dma_start3A_280 = arith.constant 0 : i32
      %dma_start3A_281 = arith.constant 0 : i32
      %dma_start3A_282 = arith.constant 0 : i32
      %dma_start3A_283 = arith.constant 256 : i32
      %dma_start3A_284 = arith.constant 0 : i32
      %dma_start3A_285 = tpu.memref_slice %arg6[%dma_start3A_281, %dma_start3A_283, %dma_start3A_284] : memref<4x384x64xf32, #tpu.memory_space<vmem>> -> memref<1x128x64xf32, #tpu.memory_space<vmem>>
      %dma_start3A_286 = tpu.memref_squeeze %dma_start3A_285 : memref<1x128x64xf32, #tpu.memory_space<vmem>> -> memref<128x64xf32, #tpu.memory_space<vmem>>
      %dma_start3A_287 = arith.constant 256 : i32
      %dma_start3A_288 = tpu.memref_slice %arg5[%dma_start3A_280, %dma_start3A_287] : memref<4x384xi32, #tpu.memory_space<vmem>> -> memref<1x128xi32, #tpu.memory_space<vmem>>
      %dma_start3A_289 = tpu.memref_squeeze %dma_start3A_288 : memref<1x128xi32, #tpu.memory_space<vmem>> -> memref<128xi32, #tpu.memory_space<vmem>>
      %dma_start3A_290 = arith.constant 0 : i32
      %dma_start3A_291 = arith.constant 0 : i32
      %dma_start3A_292 = tpu.memref_slice %arg2[%dma_start3A_290, %dma_start3A_291] : memref<1000000x64xf32, #tpu.memory_space<hbm>> -> memref<1000000x64xf32, #tpu.memory_space<hbm>>
      %dma_start3A_293 = tpu.memref_slice %arg8[%dma_start3A_282] : memref<4x!tpu.dma_semaphore, #tpu.memory_space<semaphore_mem>> -> memref<1x!tpu.dma_semaphore, #tpu.memory_space<semaphore_mem>>
      %dma_start3A_294 = tpu.memref_squeeze %dma_start3A_293 : memref<1x!tpu.dma_semaphore, #tpu.memory_space<semaphore_mem>> -> memref<!tpu.dma_semaphore, #tpu.memory_space<semaphore_mem>>
      tpu.enqueue_indirect_dma source(%dma_start3A_292 : memref<1000000x64xf32, #tpu.memory_space<hbm>>) target(%dma_start3A_286 : memref<128x64xf32, #tpu.memory_space<vmem>>) offsets(%dma_start3A_289 : memref<128xi32, #tpu.memory_space<vmem>>) semaphore(%dma_start3A_294 : memref<!tpu.dma_semaphore, #tpu.memory_space<semaphore_mem>>)
      %gt3A_295 = arith.constant 0 : i32
      %gt3A_296 = arith.cmpi sgt, %add3A_232, %gt3A_295 : i32
      %convert_element_type3A_297 = arith.extui %gt3A_296 : i1 to i32
      %cond3A_298 = arith.constant 0 : i32
      %cond3A_299 = arith.cmpi ne, %convert_element_type3A_297, %cond3A_298 : i32
      scf.if %cond3A_299 {
        %dma_wait3A_522 = arith.constant 3 : i32
        %dma_wait3A_523 = arith.constant 3 : i32
        %dma_wait3A_524 = arith.constant 3 : i32
        %dma_wait3A_525 = arith.constant 0 : i32
        %dma_wait3A_526 = arith.constant 0 : i32
        %dma_wait3A_527 = tpu.memref_slice %arg6[%dma_wait3A_523, %dma_wait3A_525, %dma_wait3A_526] : memref<4x384x64xf32, #tpu.memory_space<vmem>> -> memref<1x128x64xf32, #tpu.memory_space<vmem>>
        %dma_wait3A_528 = tpu.memref_squeeze %dma_wait3A_527 : memref<1x128x64xf32, #tpu.memory_space<vmem>> -> memref<128x64xf32, #tpu.memory_space<vmem>>
        %dma_wait3A_529 = arith.constant 0 : i32
        %dma_wait3A_530 = tpu.memref_slice %arg5[%dma_wait3A_522, %dma_wait3A_529] : memref<4x384xi32, #tpu.memory_space<vmem>> -> memref<1x128xi32, #tpu.memory_space<vmem>>
        %dma_wait3A_531 = tpu.memref_squeeze %dma_wait3A_530 : memref<1x128xi32, #tpu.memory_space<vmem>> -> memref<128xi32, #tpu.memory_space<vmem>>
        %dma_wait3A_532 = arith.constant 0 : i32
        %dma_wait3A_533 = arith.constant 0 : i32
        %dma_wait3A_534 = tpu.memref_slice %arg2[%dma_wait3A_532, %dma_wait3A_533] : memref<1000000x64xf32, #tpu.memory_space<hbm>> -> memref<1000000x64xf32, #tpu.memory_space<hbm>>
        %dma_wait3A_535 = tpu.memref_slice %arg8[%dma_wait3A_524] : memref<4x!tpu.dma_semaphore, #tpu.memory_space<semaphore_mem>> -> memref<1x!tpu.dma_semaphore, #tpu.memory_space<semaphore_mem>>
        %dma_wait3A_536 = tpu.memref_squeeze %dma_wait3A_535 : memref<1x!tpu.dma_semaphore, #tpu.memory_space<semaphore_mem>> -> memref<!tpu.dma_semaphore, #tpu.memory_space<semaphore_mem>>
        tpu.wait_indirect_dma semaphore(%dma_wait3A_536 : memref<!tpu.dma_semaphore, #tpu.memory_space<semaphore_mem>>) src(%dma_wait3A_534 : memref<1000000x64xf32, #tpu.memory_space<hbm>>) dst(%dma_wait3A_528 : memref<128x64xf32, #tpu.memory_space<vmem>>)
        %dma_wait3A_537 = arith.constant 3 : i32
        %dma_wait3A_538 = arith.constant 3 : i32
        %dma_wait3A_539 = arith.constant 3 : i32
        %dma_wait3A_540 = arith.constant 128 : i32
        %dma_wait3A_541 = arith.constant 0 : i32
        %dma_wait3A_542 = tpu.memref_slice %arg6[%dma_wait3A_538, %dma_wait3A_540, %dma_wait3A_541] : memref<4x384x64xf32, #tpu.memory_space<vmem>> -> memref<1x128x64xf32, #tpu.memory_space<vmem>>
        %dma_wait3A_543 = tpu.memref_squeeze %dma_wait3A_542 : memref<1x128x64xf32, #tpu.memory_space<vmem>> -> memref<128x64xf32, #tpu.memory_space<vmem>>
        %dma_wait3A_544 = arith.constant 128 : i32
        %dma_wait3A_545 = tpu.memref_slice %arg5[%dma_wait3A_537, %dma_wait3A_544] : memref<4x384xi32, #tpu.memory_space<vmem>> -> memref<1x128xi32, #tpu.memory_space<vmem>>
        %dma_wait3A_546 = tpu.memref_squeeze %dma_wait3A_545 : memref<1x128xi32, #tpu.memory_space<vmem>> -> memref<128xi32, #tpu.memory_space<vmem>>
        %dma_wait3A_547 = arith.constant 0 : i32
        %dma_wait3A_548 = arith.constant 0 : i32
        %dma_wait3A_549 = tpu.memref_slice %arg2[%dma_wait3A_547, %dma_wait3A_548] : memref<1000000x64xf32, #tpu.memory_space<hbm>> -> memref<1000000x64xf32, #tpu.memory_space<hbm>>
        %dma_wait3A_550 = tpu.memref_slice %arg8[%dma_wait3A_539] : memref<4x!tpu.dma_semaphore, #tpu.memory_space<semaphore_mem>> -> memref<1x!tpu.dma_semaphore, #tpu.memory_space<semaphore_mem>>
        %dma_wait3A_551 = tpu.memref_squeeze %dma_wait3A_550 : memref<1x!tpu.dma_semaphore, #tpu.memory_space<semaphore_mem>> -> memref<!tpu.dma_semaphore, #tpu.memory_space<semaphore_mem>>
        tpu.wait_indirect_dma semaphore(%dma_wait3A_551 : memref<!tpu.dma_semaphore, #tpu.memory_space<semaphore_mem>>) src(%dma_wait3A_549 : memref<1000000x64xf32, #tpu.memory_space<hbm>>) dst(%dma_wait3A_543 : memref<128x64xf32, #tpu.memory_space<vmem>>)
        %dma_wait3A_552 = arith.constant 3 : i32
        %dma_wait3A_553 = arith.constant 3 : i32
        %dma_wait3A_554 = arith.constant 3 : i32
        %dma_wait3A_555 = arith.constant 256 : i32
        %dma_wait3A_556 = arith.constant 0 : i32
        %dma_wait3A_557 = tpu.memref_slice %arg6[%dma_wait3A_553, %dma_wait3A_555, %dma_wait3A_556] : memref<4x384x64xf32, #tpu.memory_space<vmem>> -> memref<1x128x64xf32, #tpu.memory_space<vmem>>
        %dma_wait3A_558 = tpu.memref_squeeze %dma_wait3A_557 : memref<1x128x64xf32, #tpu.memory_space<vmem>> -> memref<128x64xf32, #tpu.memory_space<vmem>>
        %dma_wait3A_559 = arith.constant 256 : i32
        %dma_wait3A_560 = tpu.memref_slice %arg5[%dma_wait3A_552, %dma_wait3A_559] : memref<4x384xi32, #tpu.memory_space<vmem>> -> memref<1x128xi32, #tpu.memory_space<vmem>>
        %dma_wait3A_561 = tpu.memref_squeeze %dma_wait3A_560 : memref<1x128xi32, #tpu.memory_space<vmem>> -> memref<128xi32, #tpu.memory_space<vmem>>
        %dma_wait3A_562 = arith.constant 0 : i32
        %dma_wait3A_563 = arith.constant 0 : i32
        %dma_wait3A_564 = tpu.memref_slice %arg2[%dma_wait3A_562, %dma_wait3A_563] : memref<1000000x64xf32, #tpu.memory_space<hbm>> -> memref<1000000x64xf32, #tpu.memory_space<hbm>>
        %dma_wait3A_565 = tpu.memref_slice %arg8[%dma_wait3A_554] : memref<4x!tpu.dma_semaphore, #tpu.memory_space<semaphore_mem>> -> memref<1x!tpu.dma_semaphore, #tpu.memory_space<semaphore_mem>>
        %dma_wait3A_566 = tpu.memref_squeeze %dma_wait3A_565 : memref<1x!tpu.dma_semaphore, #tpu.memory_space<semaphore_mem>> -> memref<!tpu.dma_semaphore, #tpu.memory_space<semaphore_mem>>
        tpu.wait_indirect_dma semaphore(%dma_wait3A_566 : memref<!tpu.dma_semaphore, #tpu.memory_space<semaphore_mem>>) src(%dma_wait3A_564 : memref<1000000x64xf32, #tpu.memory_space<hbm>>) dst(%dma_wait3A_558 : memref<128x64xf32, #tpu.memory_space<vmem>>)
        %sub3A = arith.constant 1 : i32
        %sub3A_567 = arith.subi %add3A_232, %sub3A : i32
        %add3A_568 = arith.constant 4 : i32
        %add3A_569 = arith.addi %sub3A_567, %add3A_568 : i32
        %lt3A = arith.constant 24 : i32
        %lt3A_570 = arith.cmpi slt, %add3A_569, %lt3A : i32
        %convert_element_type3A_571 = arith.extui %lt3A_570 : i1 to i32
        %cond3A_572 = arith.constant 0 : i32
        %cond3A_573 = arith.cmpi ne, %convert_element_type3A_571, %cond3A_572 : i32
        scf.if %cond3A_573 {
          %sub3A_597 = arith.constant 1 : i32
          %sub3A_598 = arith.subi %add3A_232, %sub3A_597 : i32
          %add3A_599 = arith.constant 4 : i32
          %add3A_600 = arith.addi %sub3A_598, %add3A_599 : i32
          %add3A_601 = arith.addi %mul3A_2, %add3A_600 : i32
          %mul3A_602 = arith.constant 384 : i32
          %mul3A_603 = arith.muli %add3A_601, %mul3A_602 : i32
          %dma_start3A_604 = arith.constant 3 : i32
          %dma_start3A_605 = arith.constant 3 : i32
          %dma_start3A_606 = arith.constant 0 : i32
          %dma_start3A_607 = tpu.memref_slice %arg5[%dma_start3A_604, %dma_start3A_606] : memref<4x384xi32, #tpu.memory_space<vmem>> -> memref<1x384xi32, #tpu.memory_space<vmem>>
          %dma_start3A_608 = tpu.memref_squeeze %dma_start3A_607 : memref<1x384xi32, #tpu.memory_space<vmem>> -> memref<384xi32, #tpu.memory_space<vmem>>
          %dma_start3A_609 = tpu.memref_slice %arg3[%mul3A_603] : memref<294912xi32, #tpu.memory_space<hbm>> -> memref<384xi32, #tpu.memory_space<hbm>>
          %dma_start3A_610 = tpu.memref_slice %arg7[%dma_start3A_605] : memref<4x!tpu.dma_semaphore, #tpu.memory_space<semaphore_mem>> -> memref<1x!tpu.dma_semaphore, #tpu.memory_space<semaphore_mem>>
          %dma_start3A_611 = tpu.memref_squeeze %dma_start3A_610 : memref<1x!tpu.dma_semaphore, #tpu.memory_space<semaphore_mem>> -> memref<!tpu.dma_semaphore, #tpu.memory_space<semaphore_mem>>
          %dma_start3A_612 = arith.constant 0 : i32
          %dma_start3A_613 = tpu.memref_slice %arg5[%dma_start3A_604, %dma_start3A_612] : memref<4x384xi32, #tpu.memory_space<vmem>> -> memref<1x384xi32, #tpu.memory_space<vmem>>
          %dma_start3A_614 = tpu.memref_squeeze %dma_start3A_613 : memref<1x384xi32, #tpu.memory_space<vmem>> -> memref<384xi32, #tpu.memory_space<vmem>>
          %dma_start3A_615 = tpu.memref_slice %arg3[%mul3A_603] : memref<294912xi32, #tpu.memory_space<hbm>> -> memref<384xi32, #tpu.memory_space<hbm>>
          tpu.enqueue_dma source(%dma_start3A_615 : memref<384xi32, #tpu.memory_space<hbm>>) target(%dma_start3A_614 : memref<384xi32, #tpu.memory_space<vmem>>) target_semaphore(%dma_start3A_611 : memref<!tpu.dma_semaphore, #tpu.memory_space<semaphore_mem>>)
        } else {
        }
        %sub3A_574 = arith.constant 1 : i32
        %sub3A_575 = arith.subi %add3A_232, %sub3A_574 : i32
        %add3A_576 = arith.addi %mul3A_2, %sub3A_575 : i32
        %dma_start3A_577 = arith.constant 3 : i32
        %dma_start3A_578 = arith.constant 3 : i32
        %dma_start3A_579 = arith.constant 0 : i32
        %dma_start3A_580 = arith.constant 0 : i32
        %dma_start3A_581 = tpu.memref_slice %arg6[%dma_start3A_577, %dma_start3A_579, %dma_start3A_580] : memref<4x384x64xf32, #tpu.memory_space<vmem>> -> memref<1x384x64xf32, #tpu.memory_space<vmem>>
        %dma_start3A_582 = tpu.memref_squeeze %dma_start3A_581 : memref<1x384x64xf32, #tpu.memory_space<vmem>> -> memref<384x64xf32, #tpu.memory_space<vmem>>
        %dma_start3A_583 = arith.constant 0 : i32
        %dma_start3A_584 = arith.constant 0 : i32
        %dma_start3A_585 = tpu.memref_slice %arg4[%add3A_576, %dma_start3A_583, %dma_start3A_584] : memref<768x384x64xf32, #tpu.memory_space<hbm>> -> memref<1x384x64xf32, #tpu.memory_space<hbm>>
        %dma_start3A_586 = tpu.memref_squeeze %dma_start3A_585 : memref<1x384x64xf32, #tpu.memory_space<hbm>> -> memref<384x64xf32, #tpu.memory_space<hbm>>
        %dma_start3A_587 = tpu.memref_slice %arg9[%dma_start3A_578] : memref<4x!tpu.dma_semaphore, #tpu.memory_space<semaphore_mem>> -> memref<1x!tpu.dma_semaphore, #tpu.memory_space<semaphore_mem>>
        %dma_start3A_588 = tpu.memref_squeeze %dma_start3A_587 : memref<1x!tpu.dma_semaphore, #tpu.memory_space<semaphore_mem>> -> memref<!tpu.dma_semaphore, #tpu.memory_space<semaphore_mem>>
        %dma_start3A_589 = arith.constant 0 : i32
        %dma_start3A_590 = arith.constant 0 : i32
        %dma_start3A_591 = tpu.memref_slice %arg4[%add3A_576, %dma_start3A_589, %dma_start3A_590] : memref<768x384x64xf32, #tpu.memory_space<hbm>> -> memref<1x384x64xf32, #tpu.memory_space<hbm>>
        %dma_start3A_592 = tpu.memref_squeeze %dma_start3A_591 : memref<1x384x64xf32, #tpu.memory_space<hbm>> -> memref<384x64xf32, #tpu.memory_space<hbm>>
        %dma_start3A_593 = arith.constant 0 : i32
        %dma_start3A_594 = arith.constant 0 : i32
        %dma_start3A_595 = tpu.memref_slice %arg6[%dma_start3A_577, %dma_start3A_593, %dma_start3A_594] : memref<4x384x64xf32, #tpu.memory_space<vmem>> -> memref<1x384x64xf32, #tpu.memory_space<vmem>>
        %dma_start3A_596 = tpu.memref_squeeze %dma_start3A_595 : memref<1x384x64xf32, #tpu.memory_space<vmem>> -> memref<384x64xf32, #tpu.memory_space<vmem>>
        tpu.enqueue_dma source(%dma_start3A_596 : memref<384x64xf32, #tpu.memory_space<vmem>>) target(%dma_start3A_592 : memref<384x64xf32, #tpu.memory_space<hbm>>) target_semaphore(%dma_start3A_588 : memref<!tpu.dma_semaphore, #tpu.memory_space<semaphore_mem>>)
      } else {
      }
      %mul3A_300 = arith.constant 4 : i32
      %mul3A_301 = arith.muli %add3A_228, %mul3A_300 : i32
      %add3A_302 = arith.constant 1 : i32
      %add3A_303 = arith.addi %mul3A_301, %add3A_302 : i32
      %add3A_304 = arith.addi %mul3A_2, %add3A_303 : i32
      %mul3A_305 = arith.constant 384 : i32
      %mul3A_306 = arith.muli %add3A_304, %mul3A_305 : i32
      %dma_wait3A_307 = arith.constant 1 : i32
      %dma_wait3A_308 = arith.constant 1 : i32
      %dma_wait3A_309 = arith.constant 0 : i32
      %dma_wait3A_310 = tpu.memref_slice %arg5[%dma_wait3A_307, %dma_wait3A_309] : memref<4x384xi32, #tpu.memory_space<vmem>> -> memref<1x384xi32, #tpu.memory_space<vmem>>
      %dma_wait3A_311 = tpu.memref_squeeze %dma_wait3A_310 : memref<1x384xi32, #tpu.memory_space<vmem>> -> memref<384xi32, #tpu.memory_space<vmem>>
      %dma_wait3A_312 = tpu.memref_slice %arg3[%mul3A_306] : memref<294912xi32, #tpu.memory_space<hbm>> -> memref<384xi32, #tpu.memory_space<hbm>>
      %dma_wait3A_313 = tpu.memref_slice %arg7[%dma_wait3A_308] : memref<4x!tpu.dma_semaphore, #tpu.memory_space<semaphore_mem>> -> memref<1x!tpu.dma_semaphore, #tpu.memory_space<semaphore_mem>>
      %dma_wait3A_314 = tpu.memref_squeeze %dma_wait3A_313 : memref<1x!tpu.dma_semaphore, #tpu.memory_space<semaphore_mem>> -> memref<!tpu.dma_semaphore, #tpu.memory_space<semaphore_mem>>
      %dma_wait3A_315 = arith.constant 0 : i32
      %dma_wait3A_316 = tpu.memref_slice %arg5[%dma_wait3A_307, %dma_wait3A_315] : memref<4x384xi32, #tpu.memory_space<vmem>> -> memref<1x384xi32, #tpu.memory_space<vmem>>
      %dma_wait3A_317 = tpu.memref_squeeze %dma_wait3A_316 : memref<1x384xi32, #tpu.memory_space<vmem>> -> memref<384xi32, #tpu.memory_space<vmem>>
      %dma_wait3A_318 = tpu.memref_slice %arg3[%mul3A_306] : memref<294912xi32, #tpu.memory_space<hbm>> -> memref<384xi32, #tpu.memory_space<hbm>>
      tpu.wait_dma2 semaphore(%dma_wait3A_314 : memref<!tpu.dma_semaphore, #tpu.memory_space<semaphore_mem>>) src(%dma_wait3A_318 : memref<384xi32, #tpu.memory_space<hbm>>) dst(%dma_wait3A_317 : memref<384xi32, #tpu.memory_space<vmem>>)
      %gt3A_319 = arith.constant 0 : i32
      %gt3A_320 = arith.cmpi sgt, %add3A_228, %gt3A_319 : i32
      %convert_element_type3A_321 = arith.extui %gt3A_320 : i1 to i32
      %cond3A_322 = arith.constant 0 : i32
      %cond3A_323 = arith.cmpi ne, %convert_element_type3A_321, %cond3A_322 : i32
      scf.if %cond3A_323 {
        %sub3A = arith.constant 4 : i32
        %sub3A_522 = arith.subi %add3A_303, %sub3A : i32
        %add3A_523 = arith.addi %mul3A_2, %sub3A_522 : i32
        %dma_wait3A_524 = arith.constant 1 : i32
        %dma_wait3A_525 = arith.constant 1 : i32
        %dma_wait3A_526 = arith.constant 0 : i32
        %dma_wait3A_527 = arith.constant 0 : i32
        %dma_wait3A_528 = tpu.memref_slice %arg6[%dma_wait3A_524, %dma_wait3A_526, %dma_wait3A_527] : memref<4x384x64xf32, #tpu.memory_space<vmem>> -> memref<1x384x64xf32, #tpu.memory_space<vmem>>
        %dma_wait3A_529 = tpu.memref_squeeze %dma_wait3A_528 : memref<1x384x64xf32, #tpu.memory_space<vmem>> -> memref<384x64xf32, #tpu.memory_space<vmem>>
        %dma_wait3A_530 = arith.constant 0 : i32
        %dma_wait3A_531 = arith.constant 0 : i32
        %dma_wait3A_532 = tpu.memref_slice %arg4[%add3A_523, %dma_wait3A_530, %dma_wait3A_531] : memref<768x384x64xf32, #tpu.memory_space<hbm>> -> memref<1x384x64xf32, #tpu.memory_space<hbm>>
        %dma_wait3A_533 = tpu.memref_squeeze %dma_wait3A_532 : memref<1x384x64xf32, #tpu.memory_space<hbm>> -> memref<384x64xf32, #tpu.memory_space<hbm>>
        %dma_wait3A_534 = tpu.memref_slice %arg9[%dma_wait3A_525] : memref<4x!tpu.dma_semaphore, #tpu.memory_space<semaphore_mem>> -> memref<1x!tpu.dma_semaphore, #tpu.memory_space<semaphore_mem>>
        %dma_wait3A_535 = tpu.memref_squeeze %dma_wait3A_534 : memref<1x!tpu.dma_semaphore, #tpu.memory_space<semaphore_mem>> -> memref<!tpu.dma_semaphore, #tpu.memory_space<semaphore_mem>>
        %dma_wait3A_536 = arith.constant 0 : i32
        %dma_wait3A_537 = arith.constant 0 : i32
        %dma_wait3A_538 = tpu.memref_slice %arg4[%add3A_523, %dma_wait3A_536, %dma_wait3A_537] : memref<768x384x64xf32, #tpu.memory_space<hbm>> -> memref<1x384x64xf32, #tpu.memory_space<hbm>>
        %dma_wait3A_539 = tpu.memref_squeeze %dma_wait3A_538 : memref<1x384x64xf32, #tpu.memory_space<hbm>> -> memref<384x64xf32, #tpu.memory_space<hbm>>
        %dma_wait3A_540 = arith.constant 0 : i32
        %dma_wait3A_541 = arith.constant 0 : i32
        %dma_wait3A_542 = tpu.memref_slice %arg6[%dma_wait3A_524, %dma_wait3A_540, %dma_wait3A_541] : memref<4x384x64xf32, #tpu.memory_space<vmem>> -> memref<1x384x64xf32, #tpu.memory_space<vmem>>
        %dma_wait3A_543 = tpu.memref_squeeze %dma_wait3A_542 : memref<1x384x64xf32, #tpu.memory_space<vmem>> -> memref<384x64xf32, #tpu.memory_space<vmem>>
        tpu.wait_dma2 semaphore(%dma_wait3A_535 : memref<!tpu.dma_semaphore, #tpu.memory_space<semaphore_mem>>) src(%dma_wait3A_543 : memref<384x64xf32, #tpu.memory_space<vmem>>) dst(%dma_wait3A_539 : memref<384x64xf32, #tpu.memory_space<hbm>>)
      } else {
      }
      %dma_start3A_324 = arith.constant 1 : i32
      %dma_start3A_325 = arith.constant 1 : i32
      %dma_start3A_326 = arith.constant 1 : i32
      %dma_start3A_327 = arith.constant 0 : i32
      %dma_start3A_328 = arith.constant 0 : i32
      %dma_start3A_329 = tpu.memref_slice %arg6[%dma_start3A_325, %dma_start3A_327, %dma_start3A_328] : memref<4x384x64xf32, #tpu.memory_space<vmem>> -> memref<1x128x64xf32, #tpu.memory_space<vmem>>
      %dma_start3A_330 = tpu.memref_squeeze %dma_start3A_329 : memref<1x128x64xf32, #tpu.memory_space<vmem>> -> memref<128x64xf32, #tpu.memory_space<vmem>>
      %dma_start3A_331 = arith.constant 0 : i32
      %dma_start3A_332 = tpu.memref_slice %arg5[%dma_start3A_324, %dma_start3A_331] : memref<4x384xi32, #tpu.memory_space<vmem>> -> memref<1x128xi32, #tpu.memory_space<vmem>>
      %dma_start3A_333 = tpu.memref_squeeze %dma_start3A_332 : memref<1x128xi32, #tpu.memory_space<vmem>> -> memref<128xi32, #tpu.memory_space<vmem>>
      %dma_start3A_334 = arith.constant 0 : i32
      %dma_start3A_335 = arith.constant 0 : i32
      %dma_start3A_336 = tpu.memref_slice %arg2[%dma_start3A_334, %dma_start3A_335] : memref<1000000x64xf32, #tpu.memory_space<hbm>> -> memref<1000000x64xf32, #tpu.memory_space<hbm>>
      %dma_start3A_337 = tpu.memref_slice %arg8[%dma_start3A_326] : memref<4x!tpu.dma_semaphore, #tpu.memory_space<semaphore_mem>> -> memref<1x!tpu.dma_semaphore, #tpu.memory_space<semaphore_mem>>
      %dma_start3A_338 = tpu.memref_squeeze %dma_start3A_337 : memref<1x!tpu.dma_semaphore, #tpu.memory_space<semaphore_mem>> -> memref<!tpu.dma_semaphore, #tpu.memory_space<semaphore_mem>>
      tpu.enqueue_indirect_dma source(%dma_start3A_336 : memref<1000000x64xf32, #tpu.memory_space<hbm>>) target(%dma_start3A_330 : memref<128x64xf32, #tpu.memory_space<vmem>>) offsets(%dma_start3A_333 : memref<128xi32, #tpu.memory_space<vmem>>) semaphore(%dma_start3A_338 : memref<!tpu.dma_semaphore, #tpu.memory_space<semaphore_mem>>)
      %dma_start3A_339 = arith.constant 1 : i32
      %dma_start3A_340 = arith.constant 1 : i32
      %dma_start3A_341 = arith.constant 1 : i32
      %dma_start3A_342 = arith.constant 128 : i32
      %dma_start3A_343 = arith.constant 0 : i32
      %dma_start3A_344 = tpu.memref_slice %arg6[%dma_start3A_340, %dma_start3A_342, %dma_start3A_343] : memref<4x384x64xf32, #tpu.memory_space<vmem>> -> memref<1x128x64xf32, #tpu.memory_space<vmem>>
      %dma_start3A_345 = tpu.memref_squeeze %dma_start3A_344 : memref<1x128x64xf32, #tpu.memory_space<vmem>> -> memref<128x64xf32, #tpu.memory_space<vmem>>
      %dma_start3A_346 = arith.constant 128 : i32
      %dma_start3A_347 = tpu.memref_slice %arg5[%dma_start3A_339, %dma_start3A_346] : memref<4x384xi32, #tpu.memory_space<vmem>> -> memref<1x128xi32, #tpu.memory_space<vmem>>
      %dma_start3A_348 = tpu.memref_squeeze %dma_start3A_347 : memref<1x128xi32, #tpu.memory_space<vmem>> -> memref<128xi32, #tpu.memory_space<vmem>>
      %dma_start3A_349 = arith.constant 0 : i32
      %dma_start3A_350 = arith.constant 0 : i32
      %dma_start3A_351 = tpu.memref_slice %arg2[%dma_start3A_349, %dma_start3A_350] : memref<1000000x64xf32, #tpu.memory_space<hbm>> -> memref<1000000x64xf32, #tpu.memory_space<hbm>>
      %dma_start3A_352 = tpu.memref_slice %arg8[%dma_start3A_341] : memref<4x!tpu.dma_semaphore, #tpu.memory_space<semaphore_mem>> -> memref<1x!tpu.dma_semaphore, #tpu.memory_space<semaphore_mem>>
      %dma_start3A_353 = tpu.memref_squeeze %dma_start3A_352 : memref<1x!tpu.dma_semaphore, #tpu.memory_space<semaphore_mem>> -> memref<!tpu.dma_semaphore, #tpu.memory_space<semaphore_mem>>
      tpu.enqueue_indirect_dma source(%dma_start3A_351 : memref<1000000x64xf32, #tpu.memory_space<hbm>>) target(%dma_start3A_345 : memref<128x64xf32, #tpu.memory_space<vmem>>) offsets(%dma_start3A_348 : memref<128xi32, #tpu.memory_space<vmem>>) semaphore(%dma_start3A_353 : memref<!tpu.dma_semaphore, #tpu.memory_space<semaphore_mem>>)
      %dma_start3A_354 = arith.constant 1 : i32
      %dma_start3A_355 = arith.constant 1 : i32
      %dma_start3A_356 = arith.constant 1 : i32
      %dma_start3A_357 = arith.constant 256 : i32
      %dma_start3A_358 = arith.constant 0 : i32
      %dma_start3A_359 = tpu.memref_slice %arg6[%dma_start3A_355, %dma_start3A_357, %dma_start3A_358] : memref<4x384x64xf32, #tpu.memory_space<vmem>> -> memref<1x128x64xf32, #tpu.memory_space<vmem>>
      %dma_start3A_360 = tpu.memref_squeeze %dma_start3A_359 : memref<1x128x64xf32, #tpu.memory_space<vmem>> -> memref<128x64xf32, #tpu.memory_space<vmem>>
      %dma_start3A_361 = arith.constant 256 : i32
      %dma_start3A_362 = tpu.memref_slice %arg5[%dma_start3A_354, %dma_start3A_361] : memref<4x384xi32, #tpu.memory_space<vmem>> -> memref<1x128xi32, #tpu.memory_space<vmem>>
      %dma_start3A_363 = tpu.memref_squeeze %dma_start3A_362 : memref<1x128xi32, #tpu.memory_space<vmem>> -> memref<128xi32, #tpu.memory_space<vmem>>
      %dma_start3A_364 = arith.constant 0 : i32
      %dma_start3A_365 = arith.constant 0 : i32
      %dma_start3A_366 = tpu.memref_slice %arg2[%dma_start3A_364, %dma_start3A_365] : memref<1000000x64xf32, #tpu.memory_space<hbm>> -> memref<1000000x64xf32, #tpu.memory_space<hbm>>
      %dma_start3A_367 = tpu.memref_slice %arg8[%dma_start3A_356] : memref<4x!tpu.dma_semaphore, #tpu.memory_space<semaphore_mem>> -> memref<1x!tpu.dma_semaphore, #tpu.memory_space<semaphore_mem>>
      %dma_start3A_368 = tpu.memref_squeeze %dma_start3A_367 : memref<1x!tpu.dma_semaphore, #tpu.memory_space<semaphore_mem>> -> memref<!tpu.dma_semaphore, #tpu.memory_space<semaphore_mem>>
      tpu.enqueue_indirect_dma source(%dma_start3A_366 : memref<1000000x64xf32, #tpu.memory_space<hbm>>) target(%dma_start3A_360 : memref<128x64xf32, #tpu.memory_space<vmem>>) offsets(%dma_start3A_363 : memref<128xi32, #tpu.memory_space<vmem>>) semaphore(%dma_start3A_368 : memref<!tpu.dma_semaphore, #tpu.memory_space<semaphore_mem>>)
      %gt3A_369 = arith.constant 0 : i32
      %gt3A_370 = arith.cmpi sgt, %add3A_303, %gt3A_369 : i32
      %convert_element_type3A_371 = arith.extui %gt3A_370 : i1 to i32
      %cond3A_372 = arith.constant 0 : i32
      %cond3A_373 = arith.cmpi ne, %convert_element_type3A_371, %cond3A_372 : i32
      scf.if %cond3A_373 {
        %dma_wait3A_522 = arith.constant 0 : i32
        %dma_wait3A_523 = arith.constant 0 : i32
        %dma_wait3A_524 = arith.constant 0 : i32
        %dma_wait3A_525 = arith.constant 0 : i32
        %dma_wait3A_526 = arith.constant 0 : i32
        %dma_wait3A_527 = tpu.memref_slice %arg6[%dma_wait3A_523, %dma_wait3A_525, %dma_wait3A_526] : memref<4x384x64xf32, #tpu.memory_space<vmem>> -> memref<1x128x64xf32, #tpu.memory_space<vmem>>
        %dma_wait3A_528 = tpu.memref_squeeze %dma_wait3A_527 : memref<1x128x64xf32, #tpu.memory_space<vmem>> -> memref<128x64xf32, #tpu.memory_space<vmem>>
        %dma_wait3A_529 = arith.constant 0 : i32
        %dma_wait3A_530 = tpu.memref_slice %arg5[%dma_wait3A_522, %dma_wait3A_529] : memref<4x384xi32, #tpu.memory_space<vmem>> -> memref<1x128xi32, #tpu.memory_space<vmem>>
        %dma_wait3A_531 = tpu.memref_squeeze %dma_wait3A_530 : memref<1x128xi32, #tpu.memory_space<vmem>> -> memref<128xi32, #tpu.memory_space<vmem>>
        %dma_wait3A_532 = arith.constant 0 : i32
        %dma_wait3A_533 = arith.constant 0 : i32
        %dma_wait3A_534 = tpu.memref_slice %arg2[%dma_wait3A_532, %dma_wait3A_533] : memref<1000000x64xf32, #tpu.memory_space<hbm>> -> memref<1000000x64xf32, #tpu.memory_space<hbm>>
        %dma_wait3A_535 = tpu.memref_slice %arg8[%dma_wait3A_524] : memref<4x!tpu.dma_semaphore, #tpu.memory_space<semaphore_mem>> -> memref<1x!tpu.dma_semaphore, #tpu.memory_space<semaphore_mem>>
        %dma_wait3A_536 = tpu.memref_squeeze %dma_wait3A_535 : memref<1x!tpu.dma_semaphore, #tpu.memory_space<semaphore_mem>> -> memref<!tpu.dma_semaphore, #tpu.memory_space<semaphore_mem>>
        tpu.wait_indirect_dma semaphore(%dma_wait3A_536 : memref<!tpu.dma_semaphore, #tpu.memory_space<semaphore_mem>>) src(%dma_wait3A_534 : memref<1000000x64xf32, #tpu.memory_space<hbm>>) dst(%dma_wait3A_528 : memref<128x64xf32, #tpu.memory_space<vmem>>)
        %dma_wait3A_537 = arith.constant 0 : i32
        %dma_wait3A_538 = arith.constant 0 : i32
        %dma_wait3A_539 = arith.constant 0 : i32
        %dma_wait3A_540 = arith.constant 128 : i32
        %dma_wait3A_541 = arith.constant 0 : i32
        %dma_wait3A_542 = tpu.memref_slice %arg6[%dma_wait3A_538, %dma_wait3A_540, %dma_wait3A_541] : memref<4x384x64xf32, #tpu.memory_space<vmem>> -> memref<1x128x64xf32, #tpu.memory_space<vmem>>
        %dma_wait3A_543 = tpu.memref_squeeze %dma_wait3A_542 : memref<1x128x64xf32, #tpu.memory_space<vmem>> -> memref<128x64xf32, #tpu.memory_space<vmem>>
        %dma_wait3A_544 = arith.constant 128 : i32
        %dma_wait3A_545 = tpu.memref_slice %arg5[%dma_wait3A_537, %dma_wait3A_544] : memref<4x384xi32, #tpu.memory_space<vmem>> -> memref<1x128xi32, #tpu.memory_space<vmem>>
        %dma_wait3A_546 = tpu.memref_squeeze %dma_wait3A_545 : memref<1x128xi32, #tpu.memory_space<vmem>> -> memref<128xi32, #tpu.memory_space<vmem>>
        %dma_wait3A_547 = arith.constant 0 : i32
        %dma_wait3A_548 = arith.constant 0 : i32
        %dma_wait3A_549 = tpu.memref_slice %arg2[%dma_wait3A_547, %dma_wait3A_548] : memref<1000000x64xf32, #tpu.memory_space<hbm>> -> memref<1000000x64xf32, #tpu.memory_space<hbm>>
        %dma_wait3A_550 = tpu.memref_slice %arg8[%dma_wait3A_539] : memref<4x!tpu.dma_semaphore, #tpu.memory_space<semaphore_mem>> -> memref<1x!tpu.dma_semaphore, #tpu.memory_space<semaphore_mem>>
        %dma_wait3A_551 = tpu.memref_squeeze %dma_wait3A_550 : memref<1x!tpu.dma_semaphore, #tpu.memory_space<semaphore_mem>> -> memref<!tpu.dma_semaphore, #tpu.memory_space<semaphore_mem>>
        tpu.wait_indirect_dma semaphore(%dma_wait3A_551 : memref<!tpu.dma_semaphore, #tpu.memory_space<semaphore_mem>>) src(%dma_wait3A_549 : memref<1000000x64xf32, #tpu.memory_space<hbm>>) dst(%dma_wait3A_543 : memref<128x64xf32, #tpu.memory_space<vmem>>)
        %dma_wait3A_552 = arith.constant 0 : i32
        %dma_wait3A_553 = arith.constant 0 : i32
        %dma_wait3A_554 = arith.constant 0 : i32
        %dma_wait3A_555 = arith.constant 256 : i32
        %dma_wait3A_556 = arith.constant 0 : i32
        %dma_wait3A_557 = tpu.memref_slice %arg6[%dma_wait3A_553, %dma_wait3A_555, %dma_wait3A_556] : memref<4x384x64xf32, #tpu.memory_space<vmem>> -> memref<1x128x64xf32, #tpu.memory_space<vmem>>
        %dma_wait3A_558 = tpu.memref_squeeze %dma_wait3A_557 : memref<1x128x64xf32, #tpu.memory_space<vmem>> -> memref<128x64xf32, #tpu.memory_space<vmem>>
        %dma_wait3A_559 = arith.constant 256 : i32
        %dma_wait3A_560 = tpu.memref_slice %arg5[%dma_wait3A_552, %dma_wait3A_559] : memref<4x384xi32, #tpu.memory_space<vmem>> -> memref<1x128xi32, #tpu.memory_space<vmem>>
        %dma_wait3A_561 = tpu.memref_squeeze %dma_wait3A_560 : memref<1x128xi32, #tpu.memory_space<vmem>> -> memref<128xi32, #tpu.memory_space<vmem>>
        %dma_wait3A_562 = arith.constant 0 : i32
        %dma_wait3A_563 = arith.constant 0 : i32
        %dma_wait3A_564 = tpu.memref_slice %arg2[%dma_wait3A_562, %dma_wait3A_563] : memref<1000000x64xf32, #tpu.memory_space<hbm>> -> memref<1000000x64xf32, #tpu.memory_space<hbm>>
        %dma_wait3A_565 = tpu.memref_slice %arg8[%dma_wait3A_554] : memref<4x!tpu.dma_semaphore, #tpu.memory_space<semaphore_mem>> -> memref<1x!tpu.dma_semaphore, #tpu.memory_space<semaphore_mem>>
        %dma_wait3A_566 = tpu.memref_squeeze %dma_wait3A_565 : memref<1x!tpu.dma_semaphore, #tpu.memory_space<semaphore_mem>> -> memref<!tpu.dma_semaphore, #tpu.memory_space<semaphore_mem>>
        tpu.wait_indirect_dma semaphore(%dma_wait3A_566 : memref<!tpu.dma_semaphore, #tpu.memory_space<semaphore_mem>>) src(%dma_wait3A_564 : memref<1000000x64xf32, #tpu.memory_space<hbm>>) dst(%dma_wait3A_558 : memref<128x64xf32, #tpu.memory_space<vmem>>)
        %sub3A = arith.constant 1 : i32
        %sub3A_567 = arith.subi %add3A_303, %sub3A : i32
        %add3A_568 = arith.constant 4 : i32
        %add3A_569 = arith.addi %sub3A_567, %add3A_568 : i32
        %lt3A = arith.constant 24 : i32
        %lt3A_570 = arith.cmpi slt, %add3A_569, %lt3A : i32
        %convert_element_type3A_571 = arith.extui %lt3A_570 : i1 to i32
        %cond3A_572 = arith.constant 0 : i32
        %cond3A_573 = arith.cmpi ne, %convert_element_type3A_571, %cond3A_572 : i32
        scf.if %cond3A_573 {
          %sub3A_597 = arith.constant 1 : i32
          %sub3A_598 = arith.subi %add3A_303, %sub3A_597 : i32
          %add3A_599 = arith.constant 4 : i32
          %add3A_600 = arith.addi %sub3A_598, %add3A_599 : i32
          %add3A_601 = arith.addi %mul3A_2, %add3A_600 : i32
          %mul3A_602 = arith.constant 384 : i32
          %mul3A_603 = arith.muli %add3A_601, %mul3A_602 : i32
          %dma_start3A_604 = arith.constant 0 : i32
          %dma_start3A_605 = arith.constant 0 : i32
          %dma_start3A_606 = arith.constant 0 : i32
          %dma_start3A_607 = tpu.memref_slice %arg5[%dma_start3A_604, %dma_start3A_606] : memref<4x384xi32, #tpu.memory_space<vmem>> -> memref<1x384xi32, #tpu.memory_space<vmem>>
          %dma_start3A_608 = tpu.memref_squeeze %dma_start3A_607 : memref<1x384xi32, #tpu.memory_space<vmem>> -> memref<384xi32, #tpu.memory_space<vmem>>
          %dma_start3A_609 = tpu.memref_slice %arg3[%mul3A_603] : memref<294912xi32, #tpu.memory_space<hbm>> -> memref<384xi32, #tpu.memory_space<hbm>>
          %dma_start3A_610 = tpu.memref_slice %arg7[%dma_start3A_605] : memref<4x!tpu.dma_semaphore, #tpu.memory_space<semaphore_mem>> -> memref<1x!tpu.dma_semaphore, #tpu.memory_space<semaphore_mem>>
          %dma_start3A_611 = tpu.memref_squeeze %dma_start3A_610 : memref<1x!tpu.dma_semaphore, #tpu.memory_space<semaphore_mem>> -> memref<!tpu.dma_semaphore, #tpu.memory_space<semaphore_mem>>
          %dma_start3A_612 = arith.constant 0 : i32
          %dma_start3A_613 = tpu.memref_slice %arg5[%dma_start3A_604, %dma_start3A_612] : memref<4x384xi32, #tpu.memory_space<vmem>> -> memref<1x384xi32, #tpu.memory_space<vmem>>
          %dma_start3A_614 = tpu.memref_squeeze %dma_start3A_613 : memref<1x384xi32, #tpu.memory_space<vmem>> -> memref<384xi32, #tpu.memory_space<vmem>>
          %dma_start3A_615 = tpu.memref_slice %arg3[%mul3A_603] : memref<294912xi32, #tpu.memory_space<hbm>> -> memref<384xi32, #tpu.memory_space<hbm>>
          tpu.enqueue_dma source(%dma_start3A_615 : memref<384xi32, #tpu.memory_space<hbm>>) target(%dma_start3A_614 : memref<384xi32, #tpu.memory_space<vmem>>) target_semaphore(%dma_start3A_611 : memref<!tpu.dma_semaphore, #tpu.memory_space<semaphore_mem>>)
        } else {
        }
        %sub3A_574 = arith.constant 1 : i32
        %sub3A_575 = arith.subi %add3A_303, %sub3A_574 : i32
        %add3A_576 = arith.addi %mul3A_2, %sub3A_575 : i32
        %dma_start3A_577 = arith.constant 0 : i32
        %dma_start3A_578 = arith.constant 0 : i32
        %dma_start3A_579 = arith.constant 0 : i32
        %dma_start3A_580 = arith.constant 0 : i32
        %dma_start3A_581 = tpu.memref_slice %arg6[%dma_start3A_577, %dma_start3A_579, %dma_start3A_580] : memref<4x384x64xf32, #tpu.memory_space<vmem>> -> memref<1x384x64xf32, #tpu.memory_space<vmem>>
        %dma_start3A_582 = tpu.memref_squeeze %dma_start3A_581 : memref<1x384x64xf32, #tpu.memory_space<vmem>> -> memref<384x64xf32, #tpu.memory_space<vmem>>
        %dma_start3A_583 = arith.constant 0 : i32
        %dma_start3A_584 = arith.constant 0 : i32
        %dma_start3A_585 = tpu.memref_slice %arg4[%add3A_576, %dma_start3A_583, %dma_start3A_584] : memref<768x384x64xf32, #tpu.memory_space<hbm>> -> memref<1x384x64xf32, #tpu.memory_space<hbm>>
        %dma_start3A_586 = tpu.memref_squeeze %dma_start3A_585 : memref<1x384x64xf32, #tpu.memory_space<hbm>> -> memref<384x64xf32, #tpu.memory_space<hbm>>
        %dma_start3A_587 = tpu.memref_slice %arg9[%dma_start3A_578] : memref<4x!tpu.dma_semaphore, #tpu.memory_space<semaphore_mem>> -> memref<1x!tpu.dma_semaphore, #tpu.memory_space<semaphore_mem>>
        %dma_start3A_588 = tpu.memref_squeeze %dma_start3A_587 : memref<1x!tpu.dma_semaphore, #tpu.memory_space<semaphore_mem>> -> memref<!tpu.dma_semaphore, #tpu.memory_space<semaphore_mem>>
        %dma_start3A_589 = arith.constant 0 : i32
        %dma_start3A_590 = arith.constant 0 : i32
        %dma_start3A_591 = tpu.memref_slice %arg4[%add3A_576, %dma_start3A_589, %dma_start3A_590] : memref<768x384x64xf32, #tpu.memory_space<hbm>> -> memref<1x384x64xf32, #tpu.memory_space<hbm>>
        %dma_start3A_592 = tpu.memref_squeeze %dma_start3A_591 : memref<1x384x64xf32, #tpu.memory_space<hbm>> -> memref<384x64xf32, #tpu.memory_space<hbm>>
        %dma_start3A_593 = arith.constant 0 : i32
        %dma_start3A_594 = arith.constant 0 : i32
        %dma_start3A_595 = tpu.memref_slice %arg6[%dma_start3A_577, %dma_start3A_593, %dma_start3A_594] : memref<4x384x64xf32, #tpu.memory_space<vmem>> -> memref<1x384x64xf32, #tpu.memory_space<vmem>>
        %dma_start3A_596 = tpu.memref_squeeze %dma_start3A_595 : memref<1x384x64xf32, #tpu.memory_space<vmem>> -> memref<384x64xf32, #tpu.memory_space<vmem>>
        tpu.enqueue_dma source(%dma_start3A_596 : memref<384x64xf32, #tpu.memory_space<vmem>>) target(%dma_start3A_592 : memref<384x64xf32, #tpu.memory_space<hbm>>) target_semaphore(%dma_start3A_588 : memref<!tpu.dma_semaphore, #tpu.memory_space<semaphore_mem>>)
      } else {
      }
      %mul3A_374 = arith.constant 4 : i32
      %mul3A_375 = arith.muli %add3A_228, %mul3A_374 : i32
      %add3A_376 = arith.constant 2 : i32
      %add3A_377 = arith.addi %mul3A_375, %add3A_376 : i32
      %add3A_378 = arith.addi %mul3A_2, %add3A_377 : i32
      %mul3A_379 = arith.constant 384 : i32
      %mul3A_380 = arith.muli %add3A_378, %mul3A_379 : i32
      %dma_wait3A_381 = arith.constant 2 : i32
      %dma_wait3A_382 = arith.constant 2 : i32
      %dma_wait3A_383 = arith.constant 0 : i32
      %dma_wait3A_384 = tpu.memref_slice %arg5[%dma_wait3A_381, %dma_wait3A_383] : memref<4x384xi32, #tpu.memory_space<vmem>> -> memref<1x384xi32, #tpu.memory_space<vmem>>
      %dma_wait3A_385 = tpu.memref_squeeze %dma_wait3A_384 : memref<1x384xi32, #tpu.memory_space<vmem>> -> memref<384xi32, #tpu.memory_space<vmem>>
      %dma_wait3A_386 = tpu.memref_slice %arg3[%mul3A_380] : memref<294912xi32, #tpu.memory_space<hbm>> -> memref<384xi32, #tpu.memory_space<hbm>>
      %dma_wait3A_387 = tpu.memref_slice %arg7[%dma_wait3A_382] : memref<4x!tpu.dma_semaphore, #tpu.memory_space<semaphore_mem>> -> memref<1x!tpu.dma_semaphore, #tpu.memory_space<semaphore_mem>>
      %dma_wait3A_388 = tpu.memref_squeeze %dma_wait3A_387 : memref<1x!tpu.dma_semaphore, #tpu.memory_space<semaphore_mem>> -> memref<!tpu.dma_semaphore, #tpu.memory_space<semaphore_mem>>
      %dma_wait3A_389 = arith.constant 0 : i32
      %dma_wait3A_390 = tpu.memref_slice %arg5[%dma_wait3A_381, %dma_wait3A_389] : memref<4x384xi32, #tpu.memory_space<vmem>> -> memref<1x384xi32, #tpu.memory_space<vmem>>
      %dma_wait3A_391 = tpu.memref_squeeze %dma_wait3A_390 : memref<1x384xi32, #tpu.memory_space<vmem>> -> memref<384xi32, #tpu.memory_space<vmem>>
      %dma_wait3A_392 = tpu.memref_slice %arg3[%mul3A_380] : memref<294912xi32, #tpu.memory_space<hbm>> -> memref<384xi32, #tpu.memory_space<hbm>>
      tpu.wait_dma2 semaphore(%dma_wait3A_388 : memref<!tpu.dma_semaphore, #tpu.memory_space<semaphore_mem>>) src(%dma_wait3A_392 : memref<384xi32, #tpu.memory_space<hbm>>) dst(%dma_wait3A_391 : memref<384xi32, #tpu.memory_space<vmem>>)
      %gt3A_393 = arith.constant 0 : i32
      %gt3A_394 = arith.cmpi sgt, %add3A_228, %gt3A_393 : i32
      %convert_element_type3A_395 = arith.extui %gt3A_394 : i1 to i32
      %cond3A_396 = arith.constant 0 : i32
      %cond3A_397 = arith.cmpi ne, %convert_element_type3A_395, %cond3A_396 : i32
      scf.if %cond3A_397 {
        %sub3A = arith.constant 4 : i32
        %sub3A_522 = arith.subi %add3A_377, %sub3A : i32
        %add3A_523 = arith.addi %mul3A_2, %sub3A_522 : i32
        %dma_wait3A_524 = arith.constant 2 : i32
        %dma_wait3A_525 = arith.constant 2 : i32
        %dma_wait3A_526 = arith.constant 0 : i32
        %dma_wait3A_527 = arith.constant 0 : i32
        %dma_wait3A_528 = tpu.memref_slice %arg6[%dma_wait3A_524, %dma_wait3A_526, %dma_wait3A_527] : memref<4x384x64xf32, #tpu.memory_space<vmem>> -> memref<1x384x64xf32, #tpu.memory_space<vmem>>
        %dma_wait3A_529 = tpu.memref_squeeze %dma_wait3A_528 : memref<1x384x64xf32, #tpu.memory_space<vmem>> -> memref<384x64xf32, #tpu.memory_space<vmem>>
        %dma_wait3A_530 = arith.constant 0 : i32
        %dma_wait3A_531 = arith.constant 0 : i32
        %dma_wait3A_532 = tpu.memref_slice %arg4[%add3A_523, %dma_wait3A_530, %dma_wait3A_531] : memref<768x384x64xf32, #tpu.memory_space<hbm>> -> memref<1x384x64xf32, #tpu.memory_space<hbm>>
        %dma_wait3A_533 = tpu.memref_squeeze %dma_wait3A_532 : memref<1x384x64xf32, #tpu.memory_space<hbm>> -> memref<384x64xf32, #tpu.memory_space<hbm>>
        %dma_wait3A_534 = tpu.memref_slice %arg9[%dma_wait3A_525] : memref<4x!tpu.dma_semaphore, #tpu.memory_space<semaphore_mem>> -> memref<1x!tpu.dma_semaphore, #tpu.memory_space<semaphore_mem>>
        %dma_wait3A_535 = tpu.memref_squeeze %dma_wait3A_534 : memref<1x!tpu.dma_semaphore, #tpu.memory_space<semaphore_mem>> -> memref<!tpu.dma_semaphore, #tpu.memory_space<semaphore_mem>>
        %dma_wait3A_536 = arith.constant 0 : i32
        %dma_wait3A_537 = arith.constant 0 : i32
        %dma_wait3A_538 = tpu.memref_slice %arg4[%add3A_523, %dma_wait3A_536, %dma_wait3A_537] : memref<768x384x64xf32, #tpu.memory_space<hbm>> -> memref<1x384x64xf32, #tpu.memory_space<hbm>>
        %dma_wait3A_539 = tpu.memref_squeeze %dma_wait3A_538 : memref<1x384x64xf32, #tpu.memory_space<hbm>> -> memref<384x64xf32, #tpu.memory_space<hbm>>
        %dma_wait3A_540 = arith.constant 0 : i32
        %dma_wait3A_541 = arith.constant 0 : i32
        %dma_wait3A_542 = tpu.memref_slice %arg6[%dma_wait3A_524, %dma_wait3A_540, %dma_wait3A_541] : memref<4x384x64xf32, #tpu.memory_space<vmem>> -> memref<1x384x64xf32, #tpu.memory_space<vmem>>
        %dma_wait3A_543 = tpu.memref_squeeze %dma_wait3A_542 : memref<1x384x64xf32, #tpu.memory_space<vmem>> -> memref<384x64xf32, #tpu.memory_space<vmem>>
        tpu.wait_dma2 semaphore(%dma_wait3A_535 : memref<!tpu.dma_semaphore, #tpu.memory_space<semaphore_mem>>) src(%dma_wait3A_543 : memref<384x64xf32, #tpu.memory_space<vmem>>) dst(%dma_wait3A_539 : memref<384x64xf32, #tpu.memory_space<hbm>>)
      } else {
      }
      %dma_start3A_398 = arith.constant 2 : i32
      %dma_start3A_399 = arith.constant 2 : i32
      %dma_start3A_400 = arith.constant 2 : i32
      %dma_start3A_401 = arith.constant 0 : i32
      %dma_start3A_402 = arith.constant 0 : i32
      %dma_start3A_403 = tpu.memref_slice %arg6[%dma_start3A_399, %dma_start3A_401, %dma_start3A_402] : memref<4x384x64xf32, #tpu.memory_space<vmem>> -> memref<1x128x64xf32, #tpu.memory_space<vmem>>
      %dma_start3A_404 = tpu.memref_squeeze %dma_start3A_403 : memref<1x128x64xf32, #tpu.memory_space<vmem>> -> memref<128x64xf32, #tpu.memory_space<vmem>>
      %dma_start3A_405 = arith.constant 0 : i32
      %dma_start3A_406 = tpu.memref_slice %arg5[%dma_start3A_398, %dma_start3A_405] : memref<4x384xi32, #tpu.memory_space<vmem>> -> memref<1x128xi32, #tpu.memory_space<vmem>>
      %dma_start3A_407 = tpu.memref_squeeze %dma_start3A_406 : memref<1x128xi32, #tpu.memory_space<vmem>> -> memref<128xi32, #tpu.memory_space<vmem>>
      %dma_start3A_408 = arith.constant 0 : i32
      %dma_start3A_409 = arith.constant 0 : i32
      %dma_start3A_410 = tpu.memref_slice %arg2[%dma_start3A_408, %dma_start3A_409] : memref<1000000x64xf32, #tpu.memory_space<hbm>> -> memref<1000000x64xf32, #tpu.memory_space<hbm>>
      %dma_start3A_411 = tpu.memref_slice %arg8[%dma_start3A_400] : memref<4x!tpu.dma_semaphore, #tpu.memory_space<semaphore_mem>> -> memref<1x!tpu.dma_semaphore, #tpu.memory_space<semaphore_mem>>
      %dma_start3A_412 = tpu.memref_squeeze %dma_start3A_411 : memref<1x!tpu.dma_semaphore, #tpu.memory_space<semaphore_mem>> -> memref<!tpu.dma_semaphore, #tpu.memory_space<semaphore_mem>>
      tpu.enqueue_indirect_dma source(%dma_start3A_410 : memref<1000000x64xf32, #tpu.memory_space<hbm>>) target(%dma_start3A_404 : memref<128x64xf32, #tpu.memory_space<vmem>>) offsets(%dma_start3A_407 : memref<128xi32, #tpu.memory_space<vmem>>) semaphore(%dma_start3A_412 : memref<!tpu.dma_semaphore, #tpu.memory_space<semaphore_mem>>)
      %dma_start3A_413 = arith.constant 2 : i32
      %dma_start3A_414 = arith.constant 2 : i32
      %dma_start3A_415 = arith.constant 2 : i32
      %dma_start3A_416 = arith.constant 128 : i32
      %dma_start3A_417 = arith.constant 0 : i32
      %dma_start3A_418 = tpu.memref_slice %arg6[%dma_start3A_414, %dma_start3A_416, %dma_start3A_417] : memref<4x384x64xf32, #tpu.memory_space<vmem>> -> memref<1x128x64xf32, #tpu.memory_space<vmem>>
      %dma_start3A_419 = tpu.memref_squeeze %dma_start3A_418 : memref<1x128x64xf32, #tpu.memory_space<vmem>> -> memref<128x64xf32, #tpu.memory_space<vmem>>
      %dma_start3A_420 = arith.constant 128 : i32
      %dma_start3A_421 = tpu.memref_slice %arg5[%dma_start3A_413, %dma_start3A_420] : memref<4x384xi32, #tpu.memory_space<vmem>> -> memref<1x128xi32, #tpu.memory_space<vmem>>
      %dma_start3A_422 = tpu.memref_squeeze %dma_start3A_421 : memref<1x128xi32, #tpu.memory_space<vmem>> -> memref<128xi32, #tpu.memory_space<vmem>>
      %dma_start3A_423 = arith.constant 0 : i32
      %dma_start3A_424 = arith.constant 0 : i32
      %dma_start3A_425 = tpu.memref_slice %arg2[%dma_start3A_423, %dma_start3A_424] : memref<1000000x64xf32, #tpu.memory_space<hbm>> -> memref<1000000x64xf32, #tpu.memory_space<hbm>>
      %dma_start3A_426 = tpu.memref_slice %arg8[%dma_start3A_415] : memref<4x!tpu.dma_semaphore, #tpu.memory_space<semaphore_mem>> -> memref<1x!tpu.dma_semaphore, #tpu.memory_space<semaphore_mem>>
      %dma_start3A_427 = tpu.memref_squeeze %dma_start3A_426 : memref<1x!tpu.dma_semaphore, #tpu.memory_space<semaphore_mem>> -> memref<!tpu.dma_semaphore, #tpu.memory_space<semaphore_mem>>
      tpu.enqueue_indirect_dma source(%dma_start3A_425 : memref<1000000x64xf32, #tpu.memory_space<hbm>>) target(%dma_start3A_419 : memref<128x64xf32, #tpu.memory_space<vmem>>) offsets(%dma_start3A_422 : memref<128xi32, #tpu.memory_space<vmem>>) semaphore(%dma_start3A_427 : memref<!tpu.dma_semaphore, #tpu.memory_space<semaphore_mem>>)
      %dma_start3A_428 = arith.constant 2 : i32
      %dma_start3A_429 = arith.constant 2 : i32
      %dma_start3A_430 = arith.constant 2 : i32
      %dma_start3A_431 = arith.constant 256 : i32
      %dma_start3A_432 = arith.constant 0 : i32
      %dma_start3A_433 = tpu.memref_slice %arg6[%dma_start3A_429, %dma_start3A_431, %dma_start3A_432] : memref<4x384x64xf32, #tpu.memory_space<vmem>> -> memref<1x128x64xf32, #tpu.memory_space<vmem>>
      %dma_start3A_434 = tpu.memref_squeeze %dma_start3A_433 : memref<1x128x64xf32, #tpu.memory_space<vmem>> -> memref<128x64xf32, #tpu.memory_space<vmem>>
      %dma_start3A_435 = arith.constant 256 : i32
      %dma_start3A_436 = tpu.memref_slice %arg5[%dma_start3A_428, %dma_start3A_435] : memref<4x384xi32, #tpu.memory_space<vmem>> -> memref<1x128xi32, #tpu.memory_space<vmem>>
      %dma_start3A_437 = tpu.memref_squeeze %dma_start3A_436 : memref<1x128xi32, #tpu.memory_space<vmem>> -> memref<128xi32, #tpu.memory_space<vmem>>
      %dma_start3A_438 = arith.constant 0 : i32
      %dma_start3A_439 = arith.constant 0 : i32
      %dma_start3A_440 = tpu.memref_slice %arg2[%dma_start3A_438, %dma_start3A_439] : memref<1000000x64xf32, #tpu.memory_space<hbm>> -> memref<1000000x64xf32, #tpu.memory_space<hbm>>
      %dma_start3A_441 = tpu.memref_slice %arg8[%dma_start3A_430] : memref<4x!tpu.dma_semaphore, #tpu.memory_space<semaphore_mem>> -> memref<1x!tpu.dma_semaphore, #tpu.memory_space<semaphore_mem>>
      %dma_start3A_442 = tpu.memref_squeeze %dma_start3A_441 : memref<1x!tpu.dma_semaphore, #tpu.memory_space<semaphore_mem>> -> memref<!tpu.dma_semaphore, #tpu.memory_space<semaphore_mem>>
      tpu.enqueue_indirect_dma source(%dma_start3A_440 : memref<1000000x64xf32, #tpu.memory_space<hbm>>) target(%dma_start3A_434 : memref<128x64xf32, #tpu.memory_space<vmem>>) offsets(%dma_start3A_437 : memref<128xi32, #tpu.memory_space<vmem>>) semaphore(%dma_start3A_442 : memref<!tpu.dma_semaphore, #tpu.memory_space<semaphore_mem>>)
      %gt3A_443 = arith.constant 0 : i32
      %gt3A_444 = arith.cmpi sgt, %add3A_377, %gt3A_443 : i32
      %convert_element_type3A_445 = arith.extui %gt3A_444 : i1 to i32
      %cond3A_446 = arith.constant 0 : i32
      %cond3A_447 = arith.cmpi ne, %convert_element_type3A_445, %cond3A_446 : i32
      scf.if %cond3A_447 {
        %dma_wait3A_522 = arith.constant 1 : i32
        %dma_wait3A_523 = arith.constant 1 : i32
        %dma_wait3A_524 = arith.constant 1 : i32
        %dma_wait3A_525 = arith.constant 0 : i32
        %dma_wait3A_526 = arith.constant 0 : i32
        %dma_wait3A_527 = tpu.memref_slice %arg6[%dma_wait3A_523, %dma_wait3A_525, %dma_wait3A_526] : memref<4x384x64xf32, #tpu.memory_space<vmem>> -> memref<1x128x64xf32, #tpu.memory_space<vmem>>
        %dma_wait3A_528 = tpu.memref_squeeze %dma_wait3A_527 : memref<1x128x64xf32, #tpu.memory_space<vmem>> -> memref<128x64xf32, #tpu.memory_space<vmem>>
        %dma_wait3A_529 = arith.constant 0 : i32
        %dma_wait3A_530 = tpu.memref_slice %arg5[%dma_wait3A_522, %dma_wait3A_529] : memref<4x384xi32, #tpu.memory_space<vmem>> -> memref<1x128xi32, #tpu.memory_space<vmem>>
        %dma_wait3A_531 = tpu.memref_squeeze %dma_wait3A_530 : memref<1x128xi32, #tpu.memory_space<vmem>> -> memref<128xi32, #tpu.memory_space<vmem>>
        %dma_wait3A_532 = arith.constant 0 : i32
        %dma_wait3A_533 = arith.constant 0 : i32
        %dma_wait3A_534 = tpu.memref_slice %arg2[%dma_wait3A_532, %dma_wait3A_533] : memref<1000000x64xf32, #tpu.memory_space<hbm>> -> memref<1000000x64xf32, #tpu.memory_space<hbm>>
        %dma_wait3A_535 = tpu.memref_slice %arg8[%dma_wait3A_524] : memref<4x!tpu.dma_semaphore, #tpu.memory_space<semaphore_mem>> -> memref<1x!tpu.dma_semaphore, #tpu.memory_space<semaphore_mem>>
        %dma_wait3A_536 = tpu.memref_squeeze %dma_wait3A_535 : memref<1x!tpu.dma_semaphore, #tpu.memory_space<semaphore_mem>> -> memref<!tpu.dma_semaphore, #tpu.memory_space<semaphore_mem>>
        tpu.wait_indirect_dma semaphore(%dma_wait3A_536 : memref<!tpu.dma_semaphore, #tpu.memory_space<semaphore_mem>>) src(%dma_wait3A_534 : memref<1000000x64xf32, #tpu.memory_space<hbm>>) dst(%dma_wait3A_528 : memref<128x64xf32, #tpu.memory_space<vmem>>)
        %dma_wait3A_537 = arith.constant 1 : i32
        %dma_wait3A_538 = arith.constant 1 : i32
        %dma_wait3A_539 = arith.constant 1 : i32
        %dma_wait3A_540 = arith.constant 128 : i32
        %dma_wait3A_541 = arith.constant 0 : i32
        %dma_wait3A_542 = tpu.memref_slice %arg6[%dma_wait3A_538, %dma_wait3A_540, %dma_wait3A_541] : memref<4x384x64xf32, #tpu.memory_space<vmem>> -> memref<1x128x64xf32, #tpu.memory_space<vmem>>
        %dma_wait3A_543 = tpu.memref_squeeze %dma_wait3A_542 : memref<1x128x64xf32, #tpu.memory_space<vmem>> -> memref<128x64xf32, #tpu.memory_space<vmem>>
        %dma_wait3A_544 = arith.constant 128 : i32
        %dma_wait3A_545 = tpu.memref_slice %arg5[%dma_wait3A_537, %dma_wait3A_544] : memref<4x384xi32, #tpu.memory_space<vmem>> -> memref<1x128xi32, #tpu.memory_space<vmem>>
        %dma_wait3A_546 = tpu.memref_squeeze %dma_wait3A_545 : memref<1x128xi32, #tpu.memory_space<vmem>> -> memref<128xi32, #tpu.memory_space<vmem>>
        %dma_wait3A_547 = arith.constant 0 : i32
        %dma_wait3A_548 = arith.constant 0 : i32
        %dma_wait3A_549 = tpu.memref_slice %arg2[%dma_wait3A_547, %dma_wait3A_548] : memref<1000000x64xf32, #tpu.memory_space<hbm>> -> memref<1000000x64xf32, #tpu.memory_space<hbm>>
        %dma_wait3A_550 = tpu.memref_slice %arg8[%dma_wait3A_539] : memref<4x!tpu.dma_semaphore, #tpu.memory_space<semaphore_mem>> -> memref<1x!tpu.dma_semaphore, #tpu.memory_space<semaphore_mem>>
        %dma_wait3A_551 = tpu.memref_squeeze %dma_wait3A_550 : memref<1x!tpu.dma_semaphore, #tpu.memory_space<semaphore_mem>> -> memref<!tpu.dma_semaphore, #tpu.memory_space<semaphore_mem>>
        tpu.wait_indirect_dma semaphore(%dma_wait3A_551 : memref<!tpu.dma_semaphore, #tpu.memory_space<semaphore_mem>>) src(%dma_wait3A_549 : memref<1000000x64xf32, #tpu.memory_space<hbm>>) dst(%dma_wait3A_543 : memref<128x64xf32, #tpu.memory_space<vmem>>)
        %dma_wait3A_552 = arith.constant 1 : i32
        %dma_wait3A_553 = arith.constant 1 : i32
        %dma_wait3A_554 = arith.constant 1 : i32
        %dma_wait3A_555 = arith.constant 256 : i32
        %dma_wait3A_556 = arith.constant 0 : i32
        %dma_wait3A_557 = tpu.memref_slice %arg6[%dma_wait3A_553, %dma_wait3A_555, %dma_wait3A_556] : memref<4x384x64xf32, #tpu.memory_space<vmem>> -> memref<1x128x64xf32, #tpu.memory_space<vmem>>
        %dma_wait3A_558 = tpu.memref_squeeze %dma_wait3A_557 : memref<1x128x64xf32, #tpu.memory_space<vmem>> -> memref<128x64xf32, #tpu.memory_space<vmem>>
        %dma_wait3A_559 = arith.constant 256 : i32
        %dma_wait3A_560 = tpu.memref_slice %arg5[%dma_wait3A_552, %dma_wait3A_559] : memref<4x384xi32, #tpu.memory_space<vmem>> -> memref<1x128xi32, #tpu.memory_space<vmem>>
        %dma_wait3A_561 = tpu.memref_squeeze %dma_wait3A_560 : memref<1x128xi32, #tpu.memory_space<vmem>> -> memref<128xi32, #tpu.memory_space<vmem>>
        %dma_wait3A_562 = arith.constant 0 : i32
        %dma_wait3A_563 = arith.constant 0 : i32
        %dma_wait3A_564 = tpu.memref_slice %arg2[%dma_wait3A_562, %dma_wait3A_563] : memref<1000000x64xf32, #tpu.memory_space<hbm>> -> memref<1000000x64xf32, #tpu.memory_space<hbm>>
        %dma_wait3A_565 = tpu.memref_slice %arg8[%dma_wait3A_554] : memref<4x!tpu.dma_semaphore, #tpu.memory_space<semaphore_mem>> -> memref<1x!tpu.dma_semaphore, #tpu.memory_space<semaphore_mem>>
        %dma_wait3A_566 = tpu.memref_squeeze %dma_wait3A_565 : memref<1x!tpu.dma_semaphore, #tpu.memory_space<semaphore_mem>> -> memref<!tpu.dma_semaphore, #tpu.memory_space<semaphore_mem>>
        tpu.wait_indirect_dma semaphore(%dma_wait3A_566 : memref<!tpu.dma_semaphore, #tpu.memory_space<semaphore_mem>>) src(%dma_wait3A_564 : memref<1000000x64xf32, #tpu.memory_space<hbm>>) dst(%dma_wait3A_558 : memref<128x64xf32, #tpu.memory_space<vmem>>)
        %sub3A = arith.constant 1 : i32
        %sub3A_567 = arith.subi %add3A_377, %sub3A : i32
        %add3A_568 = arith.constant 4 : i32
        %add3A_569 = arith.addi %sub3A_567, %add3A_568 : i32
        %lt3A = arith.constant 24 : i32
        %lt3A_570 = arith.cmpi slt, %add3A_569, %lt3A : i32
        %convert_element_type3A_571 = arith.extui %lt3A_570 : i1 to i32
        %cond3A_572 = arith.constant 0 : i32
        %cond3A_573 = arith.cmpi ne, %convert_element_type3A_571, %cond3A_572 : i32
        scf.if %cond3A_573 {
          %sub3A_597 = arith.constant 1 : i32
          %sub3A_598 = arith.subi %add3A_377, %sub3A_597 : i32
          %add3A_599 = arith.constant 4 : i32
          %add3A_600 = arith.addi %sub3A_598, %add3A_599 : i32
          %add3A_601 = arith.addi %mul3A_2, %add3A_600 : i32
          %mul3A_602 = arith.constant 384 : i32
          %mul3A_603 = arith.muli %add3A_601, %mul3A_602 : i32
          %dma_start3A_604 = arith.constant 1 : i32
          %dma_start3A_605 = arith.constant 1 : i32
          %dma_start3A_606 = arith.constant 0 : i32
          %dma_start3A_607 = tpu.memref_slice %arg5[%dma_start3A_604, %dma_start3A_606] : memref<4x384xi32, #tpu.memory_space<vmem>> -> memref<1x384xi32, #tpu.memory_space<vmem>>
          %dma_start3A_608 = tpu.memref_squeeze %dma_start3A_607 : memref<1x384xi32, #tpu.memory_space<vmem>> -> memref<384xi32, #tpu.memory_space<vmem>>
          %dma_start3A_609 = tpu.memref_slice %arg3[%mul3A_603] : memref<294912xi32, #tpu.memory_space<hbm>> -> memref<384xi32, #tpu.memory_space<hbm>>
          %dma_start3A_610 = tpu.memref_slice %arg7[%dma_start3A_605] : memref<4x!tpu.dma_semaphore, #tpu.memory_space<semaphore_mem>> -> memref<1x!tpu.dma_semaphore, #tpu.memory_space<semaphore_mem>>
          %dma_start3A_611 = tpu.memref_squeeze %dma_start3A_610 : memref<1x!tpu.dma_semaphore, #tpu.memory_space<semaphore_mem>> -> memref<!tpu.dma_semaphore, #tpu.memory_space<semaphore_mem>>
          %dma_start3A_612 = arith.constant 0 : i32
          %dma_start3A_613 = tpu.memref_slice %arg5[%dma_start3A_604, %dma_start3A_612] : memref<4x384xi32, #tpu.memory_space<vmem>> -> memref<1x384xi32, #tpu.memory_space<vmem>>
          %dma_start3A_614 = tpu.memref_squeeze %dma_start3A_613 : memref<1x384xi32, #tpu.memory_space<vmem>> -> memref<384xi32, #tpu.memory_space<vmem>>
          %dma_start3A_615 = tpu.memref_slice %arg3[%mul3A_603] : memref<294912xi32, #tpu.memory_space<hbm>> -> memref<384xi32, #tpu.memory_space<hbm>>
          tpu.enqueue_dma source(%dma_start3A_615 : memref<384xi32, #tpu.memory_space<hbm>>) target(%dma_start3A_614 : memref<384xi32, #tpu.memory_space<vmem>>) target_semaphore(%dma_start3A_611 : memref<!tpu.dma_semaphore, #tpu.memory_space<semaphore_mem>>)
        } else {
        }
        %sub3A_574 = arith.constant 1 : i32
        %sub3A_575 = arith.subi %add3A_377, %sub3A_574 : i32
        %add3A_576 = arith.addi %mul3A_2, %sub3A_575 : i32
        %dma_start3A_577 = arith.constant 1 : i32
        %dma_start3A_578 = arith.constant 1 : i32
        %dma_start3A_579 = arith.constant 0 : i32
        %dma_start3A_580 = arith.constant 0 : i32
        %dma_start3A_581 = tpu.memref_slice %arg6[%dma_start3A_577, %dma_start3A_579, %dma_start3A_580] : memref<4x384x64xf32, #tpu.memory_space<vmem>> -> memref<1x384x64xf32, #tpu.memory_space<vmem>>
        %dma_start3A_582 = tpu.memref_squeeze %dma_start3A_581 : memref<1x384x64xf32, #tpu.memory_space<vmem>> -> memref<384x64xf32, #tpu.memory_space<vmem>>
        %dma_start3A_583 = arith.constant 0 : i32
        %dma_start3A_584 = arith.constant 0 : i32
        %dma_start3A_585 = tpu.memref_slice %arg4[%add3A_576, %dma_start3A_583, %dma_start3A_584] : memref<768x384x64xf32, #tpu.memory_space<hbm>> -> memref<1x384x64xf32, #tpu.memory_space<hbm>>
        %dma_start3A_586 = tpu.memref_squeeze %dma_start3A_585 : memref<1x384x64xf32, #tpu.memory_space<hbm>> -> memref<384x64xf32, #tpu.memory_space<hbm>>
        %dma_start3A_587 = tpu.memref_slice %arg9[%dma_start3A_578] : memref<4x!tpu.dma_semaphore, #tpu.memory_space<semaphore_mem>> -> memref<1x!tpu.dma_semaphore, #tpu.memory_space<semaphore_mem>>
        %dma_start3A_588 = tpu.memref_squeeze %dma_start3A_587 : memref<1x!tpu.dma_semaphore, #tpu.memory_space<semaphore_mem>> -> memref<!tpu.dma_semaphore, #tpu.memory_space<semaphore_mem>>
        %dma_start3A_589 = arith.constant 0 : i32
        %dma_start3A_590 = arith.constant 0 : i32
        %dma_start3A_591 = tpu.memref_slice %arg4[%add3A_576, %dma_start3A_589, %dma_start3A_590] : memref<768x384x64xf32, #tpu.memory_space<hbm>> -> memref<1x384x64xf32, #tpu.memory_space<hbm>>
        %dma_start3A_592 = tpu.memref_squeeze %dma_start3A_591 : memref<1x384x64xf32, #tpu.memory_space<hbm>> -> memref<384x64xf32, #tpu.memory_space<hbm>>
        %dma_start3A_593 = arith.constant 0 : i32
        %dma_start3A_594 = arith.constant 0 : i32
        %dma_start3A_595 = tpu.memref_slice %arg6[%dma_start3A_577, %dma_start3A_593, %dma_start3A_594] : memref<4x384x64xf32, #tpu.memory_space<vmem>> -> memref<1x384x64xf32, #tpu.memory_space<vmem>>
        %dma_start3A_596 = tpu.memref_squeeze %dma_start3A_595 : memref<1x384x64xf32, #tpu.memory_space<vmem>> -> memref<384x64xf32, #tpu.memory_space<vmem>>
        tpu.enqueue_dma source(%dma_start3A_596 : memref<384x64xf32, #tpu.memory_space<vmem>>) target(%dma_start3A_592 : memref<384x64xf32, #tpu.memory_space<hbm>>) target_semaphore(%dma_start3A_588 : memref<!tpu.dma_semaphore, #tpu.memory_space<semaphore_mem>>)
      } else {
      }
      %mul3A_448 = arith.constant 4 : i32
      %mul3A_449 = arith.muli %add3A_228, %mul3A_448 : i32
      %add3A_450 = arith.constant 3 : i32
      %add3A_451 = arith.addi %mul3A_449, %add3A_450 : i32
      %add3A_452 = arith.addi %mul3A_2, %add3A_451 : i32
      %mul3A_453 = arith.constant 384 : i32
      %mul3A_454 = arith.muli %add3A_452, %mul3A_453 : i32
      %dma_wait3A_455 = arith.constant 3 : i32
      %dma_wait3A_456 = arith.constant 3 : i32
      %dma_wait3A_457 = arith.constant 0 : i32
      %dma_wait3A_458 = tpu.memref_slice %arg5[%dma_wait3A_455, %dma_wait3A_457] : memref<4x384xi32, #tpu.memory_space<vmem>> -> memref<1x384xi32, #tpu.memory_space<vmem>>
      %dma_wait3A_459 = tpu.memref_squeeze %dma_wait3A_458 : memref<1x384xi32, #tpu.memory_space<vmem>> -> memref<384xi32, #tpu.memory_space<vmem>>
      %dma_wait3A_460 = tpu.memref_slice %arg3[%mul3A_454] : memref<294912xi32, #tpu.memory_space<hbm>> -> memref<384xi32, #tpu.memory_space<hbm>>
      %dma_wait3A_461 = tpu.memref_slice %arg7[%dma_wait3A_456] : memref<4x!tpu.dma_semaphore, #tpu.memory_space<semaphore_mem>> -> memref<1x!tpu.dma_semaphore, #tpu.memory_space<semaphore_mem>>
      %dma_wait3A_462 = tpu.memref_squeeze %dma_wait3A_461 : memref<1x!tpu.dma_semaphore, #tpu.memory_space<semaphore_mem>> -> memref<!tpu.dma_semaphore, #tpu.memory_space<semaphore_mem>>
      %dma_wait3A_463 = arith.constant 0 : i32
      %dma_wait3A_464 = tpu.memref_slice %arg5[%dma_wait3A_455, %dma_wait3A_463] : memref<4x384xi32, #tpu.memory_space<vmem>> -> memref<1x384xi32, #tpu.memory_space<vmem>>
      %dma_wait3A_465 = tpu.memref_squeeze %dma_wait3A_464 : memref<1x384xi32, #tpu.memory_space<vmem>> -> memref<384xi32, #tpu.memory_space<vmem>>
      %dma_wait3A_466 = tpu.memref_slice %arg3[%mul3A_454] : memref<294912xi32, #tpu.memory_space<hbm>> -> memref<384xi32, #tpu.memory_space<hbm>>
      tpu.wait_dma2 semaphore(%dma_wait3A_462 : memref<!tpu.dma_semaphore, #tpu.memory_space<semaphore_mem>>) src(%dma_wait3A_466 : memref<384xi32, #tpu.memory_space<hbm>>) dst(%dma_wait3A_465 : memref<384xi32, #tpu.memory_space<vmem>>)
      %gt3A_467 = arith.constant 0 : i32
      %gt3A_468 = arith.cmpi sgt, %add3A_228, %gt3A_467 : i32
      %convert_element_type3A_469 = arith.extui %gt3A_468 : i1 to i32
      %cond3A_470 = arith.constant 0 : i32
      %cond3A_471 = arith.cmpi ne, %convert_element_type3A_469, %cond3A_470 : i32
      scf.if %cond3A_471 {
        %sub3A = arith.constant 4 : i32
        %sub3A_522 = arith.subi %add3A_451, %sub3A : i32
        %add3A_523 = arith.addi %mul3A_2, %sub3A_522 : i32
        %dma_wait3A_524 = arith.constant 3 : i32
        %dma_wait3A_525 = arith.constant 3 : i32
        %dma_wait3A_526 = arith.constant 0 : i32
        %dma_wait3A_527 = arith.constant 0 : i32
        %dma_wait3A_528 = tpu.memref_slice %arg6[%dma_wait3A_524, %dma_wait3A_526, %dma_wait3A_527] : memref<4x384x64xf32, #tpu.memory_space<vmem>> -> memref<1x384x64xf32, #tpu.memory_space<vmem>>
        %dma_wait3A_529 = tpu.memref_squeeze %dma_wait3A_528 : memref<1x384x64xf32, #tpu.memory_space<vmem>> -> memref<384x64xf32, #tpu.memory_space<vmem>>
        %dma_wait3A_530 = arith.constant 0 : i32
        %dma_wait3A_531 = arith.constant 0 : i32
        %dma_wait3A_532 = tpu.memref_slice %arg4[%add3A_523, %dma_wait3A_530, %dma_wait3A_531] : memref<768x384x64xf32, #tpu.memory_space<hbm>> -> memref<1x384x64xf32, #tpu.memory_space<hbm>>
        %dma_wait3A_533 = tpu.memref_squeeze %dma_wait3A_532 : memref<1x384x64xf32, #tpu.memory_space<hbm>> -> memref<384x64xf32, #tpu.memory_space<hbm>>
        %dma_wait3A_534 = tpu.memref_slice %arg9[%dma_wait3A_525] : memref<4x!tpu.dma_semaphore, #tpu.memory_space<semaphore_mem>> -> memref<1x!tpu.dma_semaphore, #tpu.memory_space<semaphore_mem>>
        %dma_wait3A_535 = tpu.memref_squeeze %dma_wait3A_534 : memref<1x!tpu.dma_semaphore, #tpu.memory_space<semaphore_mem>> -> memref<!tpu.dma_semaphore, #tpu.memory_space<semaphore_mem>>
        %dma_wait3A_536 = arith.constant 0 : i32
        %dma_wait3A_537 = arith.constant 0 : i32
        %dma_wait3A_538 = tpu.memref_slice %arg4[%add3A_523, %dma_wait3A_536, %dma_wait3A_537] : memref<768x384x64xf32, #tpu.memory_space<hbm>> -> memref<1x384x64xf32, #tpu.memory_space<hbm>>
        %dma_wait3A_539 = tpu.memref_squeeze %dma_wait3A_538 : memref<1x384x64xf32, #tpu.memory_space<hbm>> -> memref<384x64xf32, #tpu.memory_space<hbm>>
        %dma_wait3A_540 = arith.constant 0 : i32
        %dma_wait3A_541 = arith.constant 0 : i32
        %dma_wait3A_542 = tpu.memref_slice %arg6[%dma_wait3A_524, %dma_wait3A_540, %dma_wait3A_541] : memref<4x384x64xf32, #tpu.memory_space<vmem>> -> memref<1x384x64xf32, #tpu.memory_space<vmem>>
        %dma_wait3A_543 = tpu.memref_squeeze %dma_wait3A_542 : memref<1x384x64xf32, #tpu.memory_space<vmem>> -> memref<384x64xf32, #tpu.memory_space<vmem>>
        tpu.wait_dma2 semaphore(%dma_wait3A_535 : memref<!tpu.dma_semaphore, #tpu.memory_space<semaphore_mem>>) src(%dma_wait3A_543 : memref<384x64xf32, #tpu.memory_space<vmem>>) dst(%dma_wait3A_539 : memref<384x64xf32, #tpu.memory_space<hbm>>)
      } else {
      }
      %dma_start3A_472 = arith.constant 3 : i32
      %dma_start3A_473 = arith.constant 3 : i32
      %dma_start3A_474 = arith.constant 3 : i32
      %dma_start3A_475 = arith.constant 0 : i32
      %dma_start3A_476 = arith.constant 0 : i32
      %dma_start3A_477 = tpu.memref_slice %arg6[%dma_start3A_473, %dma_start3A_475, %dma_start3A_476] : memref<4x384x64xf32, #tpu.memory_space<vmem>> -> memref<1x128x64xf32, #tpu.memory_space<vmem>>
      %dma_start3A_478 = tpu.memref_squeeze %dma_start3A_477 : memref<1x128x64xf32, #tpu.memory_space<vmem>> -> memref<128x64xf32, #tpu.memory_space<vmem>>
      %dma_start3A_479 = arith.constant 0 : i32
      %dma_start3A_480 = tpu.memref_slice %arg5[%dma_start3A_472, %dma_start3A_479] : memref<4x384xi32, #tpu.memory_space<vmem>> -> memref<1x128xi32, #tpu.memory_space<vmem>>
      %dma_start3A_481 = tpu.memref_squeeze %dma_start3A_480 : memref<1x128xi32, #tpu.memory_space<vmem>> -> memref<128xi32, #tpu.memory_space<vmem>>
      %dma_start3A_482 = arith.constant 0 : i32
      %dma_start3A_483 = arith.constant 0 : i32
      %dma_start3A_484 = tpu.memref_slice %arg2[%dma_start3A_482, %dma_start3A_483] : memref<1000000x64xf32, #tpu.memory_space<hbm>> -> memref<1000000x64xf32, #tpu.memory_space<hbm>>
      %dma_start3A_485 = tpu.memref_slice %arg8[%dma_start3A_474] : memref<4x!tpu.dma_semaphore, #tpu.memory_space<semaphore_mem>> -> memref<1x!tpu.dma_semaphore, #tpu.memory_space<semaphore_mem>>
      %dma_start3A_486 = tpu.memref_squeeze %dma_start3A_485 : memref<1x!tpu.dma_semaphore, #tpu.memory_space<semaphore_mem>> -> memref<!tpu.dma_semaphore, #tpu.memory_space<semaphore_mem>>
      tpu.enqueue_indirect_dma source(%dma_start3A_484 : memref<1000000x64xf32, #tpu.memory_space<hbm>>) target(%dma_start3A_478 : memref<128x64xf32, #tpu.memory_space<vmem>>) offsets(%dma_start3A_481 : memref<128xi32, #tpu.memory_space<vmem>>) semaphore(%dma_start3A_486 : memref<!tpu.dma_semaphore, #tpu.memory_space<semaphore_mem>>)
      %dma_start3A_487 = arith.constant 3 : i32
      %dma_start3A_488 = arith.constant 3 : i32
      %dma_start3A_489 = arith.constant 3 : i32
      %dma_start3A_490 = arith.constant 128 : i32
      %dma_start3A_491 = arith.constant 0 : i32
      %dma_start3A_492 = tpu.memref_slice %arg6[%dma_start3A_488, %dma_start3A_490, %dma_start3A_491] : memref<4x384x64xf32, #tpu.memory_space<vmem>> -> memref<1x128x64xf32, #tpu.memory_space<vmem>>
      %dma_start3A_493 = tpu.memref_squeeze %dma_start3A_492 : memref<1x128x64xf32, #tpu.memory_space<vmem>> -> memref<128x64xf32, #tpu.memory_space<vmem>>
      %dma_start3A_494 = arith.constant 128 : i32
      %dma_start3A_495 = tpu.memref_slice %arg5[%dma_start3A_487, %dma_start3A_494] : memref<4x384xi32, #tpu.memory_space<vmem>> -> memref<1x128xi32, #tpu.memory_space<vmem>>
      %dma_start3A_496 = tpu.memref_squeeze %dma_start3A_495 : memref<1x128xi32, #tpu.memory_space<vmem>> -> memref<128xi32, #tpu.memory_space<vmem>>
      %dma_start3A_497 = arith.constant 0 : i32
      %dma_start3A_498 = arith.constant 0 : i32
      %dma_start3A_499 = tpu.memref_slice %arg2[%dma_start3A_497, %dma_start3A_498] : memref<1000000x64xf32, #tpu.memory_space<hbm>> -> memref<1000000x64xf32, #tpu.memory_space<hbm>>
      %dma_start3A_500 = tpu.memref_slice %arg8[%dma_start3A_489] : memref<4x!tpu.dma_semaphore, #tpu.memory_space<semaphore_mem>> -> memref<1x!tpu.dma_semaphore, #tpu.memory_space<semaphore_mem>>
      %dma_start3A_501 = tpu.memref_squeeze %dma_start3A_500 : memref<1x!tpu.dma_semaphore, #tpu.memory_space<semaphore_mem>> -> memref<!tpu.dma_semaphore, #tpu.memory_space<semaphore_mem>>
      tpu.enqueue_indirect_dma source(%dma_start3A_499 : memref<1000000x64xf32, #tpu.memory_space<hbm>>) target(%dma_start3A_493 : memref<128x64xf32, #tpu.memory_space<vmem>>) offsets(%dma_start3A_496 : memref<128xi32, #tpu.memory_space<vmem>>) semaphore(%dma_start3A_501 : memref<!tpu.dma_semaphore, #tpu.memory_space<semaphore_mem>>)
      %dma_start3A_502 = arith.constant 3 : i32
      %dma_start3A_503 = arith.constant 3 : i32
      %dma_start3A_504 = arith.constant 3 : i32
      %dma_start3A_505 = arith.constant 256 : i32
      %dma_start3A_506 = arith.constant 0 : i32
      %dma_start3A_507 = tpu.memref_slice %arg6[%dma_start3A_503, %dma_start3A_505, %dma_start3A_506] : memref<4x384x64xf32, #tpu.memory_space<vmem>> -> memref<1x128x64xf32, #tpu.memory_space<vmem>>
      %dma_start3A_508 = tpu.memref_squeeze %dma_start3A_507 : memref<1x128x64xf32, #tpu.memory_space<vmem>> -> memref<128x64xf32, #tpu.memory_space<vmem>>
      %dma_start3A_509 = arith.constant 256 : i32
      %dma_start3A_510 = tpu.memref_slice %arg5[%dma_start3A_502, %dma_start3A_509] : memref<4x384xi32, #tpu.memory_space<vmem>> -> memref<1x128xi32, #tpu.memory_space<vmem>>
      %dma_start3A_511 = tpu.memref_squeeze %dma_start3A_510 : memref<1x128xi32, #tpu.memory_space<vmem>> -> memref<128xi32, #tpu.memory_space<vmem>>
      %dma_start3A_512 = arith.constant 0 : i32
      %dma_start3A_513 = arith.constant 0 : i32
      %dma_start3A_514 = tpu.memref_slice %arg2[%dma_start3A_512, %dma_start3A_513] : memref<1000000x64xf32, #tpu.memory_space<hbm>> -> memref<1000000x64xf32, #tpu.memory_space<hbm>>
      %dma_start3A_515 = tpu.memref_slice %arg8[%dma_start3A_504] : memref<4x!tpu.dma_semaphore, #tpu.memory_space<semaphore_mem>> -> memref<1x!tpu.dma_semaphore, #tpu.memory_space<semaphore_mem>>
      %dma_start3A_516 = tpu.memref_squeeze %dma_start3A_515 : memref<1x!tpu.dma_semaphore, #tpu.memory_space<semaphore_mem>> -> memref<!tpu.dma_semaphore, #tpu.memory_space<semaphore_mem>>
      tpu.enqueue_indirect_dma source(%dma_start3A_514 : memref<1000000x64xf32, #tpu.memory_space<hbm>>) target(%dma_start3A_508 : memref<128x64xf32, #tpu.memory_space<vmem>>) offsets(%dma_start3A_511 : memref<128xi32, #tpu.memory_space<vmem>>) semaphore(%dma_start3A_516 : memref<!tpu.dma_semaphore, #tpu.memory_space<semaphore_mem>>)
      %gt3A_517 = arith.constant 0 : i32
      %gt3A_518 = arith.cmpi sgt, %add3A_451, %gt3A_517 : i32
      %convert_element_type3A_519 = arith.extui %gt3A_518 : i1 to i32
      %cond3A_520 = arith.constant 0 : i32
      %cond3A_521 = arith.cmpi ne, %convert_element_type3A_519, %cond3A_520 : i32
      scf.if %cond3A_521 {
        %dma_wait3A_522 = arith.constant 2 : i32
        %dma_wait3A_523 = arith.constant 2 : i32
        %dma_wait3A_524 = arith.constant 2 : i32
        %dma_wait3A_525 = arith.constant 0 : i32
        %dma_wait3A_526 = arith.constant 0 : i32
        %dma_wait3A_527 = tpu.memref_slice %arg6[%dma_wait3A_523, %dma_wait3A_525, %dma_wait3A_526] : memref<4x384x64xf32, #tpu.memory_space<vmem>> -> memref<1x128x64xf32, #tpu.memory_space<vmem>>
        %dma_wait3A_528 = tpu.memref_squeeze %dma_wait3A_527 : memref<1x128x64xf32, #tpu.memory_space<vmem>> -> memref<128x64xf32, #tpu.memory_space<vmem>>
        %dma_wait3A_529 = arith.constant 0 : i32
        %dma_wait3A_530 = tpu.memref_slice %arg5[%dma_wait3A_522, %dma_wait3A_529] : memref<4x384xi32, #tpu.memory_space<vmem>> -> memref<1x128xi32, #tpu.memory_space<vmem>>
        %dma_wait3A_531 = tpu.memref_squeeze %dma_wait3A_530 : memref<1x128xi32, #tpu.memory_space<vmem>> -> memref<128xi32, #tpu.memory_space<vmem>>
        %dma_wait3A_532 = arith.constant 0 : i32
        %dma_wait3A_533 = arith.constant 0 : i32
        %dma_wait3A_534 = tpu.memref_slice %arg2[%dma_wait3A_532, %dma_wait3A_533] : memref<1000000x64xf32, #tpu.memory_space<hbm>> -> memref<1000000x64xf32, #tpu.memory_space<hbm>>
        %dma_wait3A_535 = tpu.memref_slice %arg8[%dma_wait3A_524] : memref<4x!tpu.dma_semaphore, #tpu.memory_space<semaphore_mem>> -> memref<1x!tpu.dma_semaphore, #tpu.memory_space<semaphore_mem>>
        %dma_wait3A_536 = tpu.memref_squeeze %dma_wait3A_535 : memref<1x!tpu.dma_semaphore, #tpu.memory_space<semaphore_mem>> -> memref<!tpu.dma_semaphore, #tpu.memory_space<semaphore_mem>>
        tpu.wait_indirect_dma semaphore(%dma_wait3A_536 : memref<!tpu.dma_semaphore, #tpu.memory_space<semaphore_mem>>) src(%dma_wait3A_534 : memref<1000000x64xf32, #tpu.memory_space<hbm>>) dst(%dma_wait3A_528 : memref<128x64xf32, #tpu.memory_space<vmem>>)
        %dma_wait3A_537 = arith.constant 2 : i32
        %dma_wait3A_538 = arith.constant 2 : i32
        %dma_wait3A_539 = arith.constant 2 : i32
        %dma_wait3A_540 = arith.constant 128 : i32
        %dma_wait3A_541 = arith.constant 0 : i32
        %dma_wait3A_542 = tpu.memref_slice %arg6[%dma_wait3A_538, %dma_wait3A_540, %dma_wait3A_541] : memref<4x384x64xf32, #tpu.memory_space<vmem>> -> memref<1x128x64xf32, #tpu.memory_space<vmem>>
        %dma_wait3A_543 = tpu.memref_squeeze %dma_wait3A_542 : memref<1x128x64xf32, #tpu.memory_space<vmem>> -> memref<128x64xf32, #tpu.memory_space<vmem>>
        %dma_wait3A_544 = arith.constant 128 : i32
        %dma_wait3A_545 = tpu.memref_slice %arg5[%dma_wait3A_537, %dma_wait3A_544] : memref<4x384xi32, #tpu.memory_space<vmem>> -> memref<1x128xi32, #tpu.memory_space<vmem>>
        %dma_wait3A_546 = tpu.memref_squeeze %dma_wait3A_545 : memref<1x128xi32, #tpu.memory_space<vmem>> -> memref<128xi32, #tpu.memory_space<vmem>>
        %dma_wait3A_547 = arith.constant 0 : i32
        %dma_wait3A_548 = arith.constant 0 : i32
        %dma_wait3A_549 = tpu.memref_slice %arg2[%dma_wait3A_547, %dma_wait3A_548] : memref<1000000x64xf32, #tpu.memory_space<hbm>> -> memref<1000000x64xf32, #tpu.memory_space<hbm>>
        %dma_wait3A_550 = tpu.memref_slice %arg8[%dma_wait3A_539] : memref<4x!tpu.dma_semaphore, #tpu.memory_space<semaphore_mem>> -> memref<1x!tpu.dma_semaphore, #tpu.memory_space<semaphore_mem>>
        %dma_wait3A_551 = tpu.memref_squeeze %dma_wait3A_550 : memref<1x!tpu.dma_semaphore, #tpu.memory_space<semaphore_mem>> -> memref<!tpu.dma_semaphore, #tpu.memory_space<semaphore_mem>>
        tpu.wait_indirect_dma semaphore(%dma_wait3A_551 : memref<!tpu.dma_semaphore, #tpu.memory_space<semaphore_mem>>) src(%dma_wait3A_549 : memref<1000000x64xf32, #tpu.memory_space<hbm>>) dst(%dma_wait3A_543 : memref<128x64xf32, #tpu.memory_space<vmem>>)
        %dma_wait3A_552 = arith.constant 2 : i32
        %dma_wait3A_553 = arith.constant 2 : i32
        %dma_wait3A_554 = arith.constant 2 : i32
        %dma_wait3A_555 = arith.constant 256 : i32
        %dma_wait3A_556 = arith.constant 0 : i32
        %dma_wait3A_557 = tpu.memref_slice %arg6[%dma_wait3A_553, %dma_wait3A_555, %dma_wait3A_556] : memref<4x384x64xf32, #tpu.memory_space<vmem>> -> memref<1x128x64xf32, #tpu.memory_space<vmem>>
        %dma_wait3A_558 = tpu.memref_squeeze %dma_wait3A_557 : memref<1x128x64xf32, #tpu.memory_space<vmem>> -> memref<128x64xf32, #tpu.memory_space<vmem>>
        %dma_wait3A_559 = arith.constant 256 : i32
        %dma_wait3A_560 = tpu.memref_slice %arg5[%dma_wait3A_552, %dma_wait3A_559] : memref<4x384xi32, #tpu.memory_space<vmem>> -> memref<1x128xi32, #tpu.memory_space<vmem>>
        %dma_wait3A_561 = tpu.memref_squeeze %dma_wait3A_560 : memref<1x128xi32, #tpu.memory_space<vmem>> -> memref<128xi32, #tpu.memory_space<vmem>>
        %dma_wait3A_562 = arith.constant 0 : i32
        %dma_wait3A_563 = arith.constant 0 : i32
        %dma_wait3A_564 = tpu.memref_slice %arg2[%dma_wait3A_562, %dma_wait3A_563] : memref<1000000x64xf32, #tpu.memory_space<hbm>> -> memref<1000000x64xf32, #tpu.memory_space<hbm>>
        %dma_wait3A_565 = tpu.memref_slice %arg8[%dma_wait3A_554] : memref<4x!tpu.dma_semaphore, #tpu.memory_space<semaphore_mem>> -> memref<1x!tpu.dma_semaphore, #tpu.memory_space<semaphore_mem>>
        %dma_wait3A_566 = tpu.memref_squeeze %dma_wait3A_565 : memref<1x!tpu.dma_semaphore, #tpu.memory_space<semaphore_mem>> -> memref<!tpu.dma_semaphore, #tpu.memory_space<semaphore_mem>>
        tpu.wait_indirect_dma semaphore(%dma_wait3A_566 : memref<!tpu.dma_semaphore, #tpu.memory_space<semaphore_mem>>) src(%dma_wait3A_564 : memref<1000000x64xf32, #tpu.memory_space<hbm>>) dst(%dma_wait3A_558 : memref<128x64xf32, #tpu.memory_space<vmem>>)
        %sub3A = arith.constant 1 : i32
        %sub3A_567 = arith.subi %add3A_451, %sub3A : i32
        %add3A_568 = arith.constant 4 : i32
        %add3A_569 = arith.addi %sub3A_567, %add3A_568 : i32
        %lt3A = arith.constant 24 : i32
        %lt3A_570 = arith.cmpi slt, %add3A_569, %lt3A : i32
        %convert_element_type3A_571 = arith.extui %lt3A_570 : i1 to i32
        %cond3A_572 = arith.constant 0 : i32
        %cond3A_573 = arith.cmpi ne, %convert_element_type3A_571, %cond3A_572 : i32
        scf.if %cond3A_573 {
          %sub3A_597 = arith.constant 1 : i32
          %sub3A_598 = arith.subi %add3A_451, %sub3A_597 : i32
          %add3A_599 = arith.constant 4 : i32
          %add3A_600 = arith.addi %sub3A_598, %add3A_599 : i32
          %add3A_601 = arith.addi %mul3A_2, %add3A_600 : i32
          %mul3A_602 = arith.constant 384 : i32
          %mul3A_603 = arith.muli %add3A_601, %mul3A_602 : i32
          %dma_start3A_604 = arith.constant 2 : i32
          %dma_start3A_605 = arith.constant 2 : i32
          %dma_start3A_606 = arith.constant 0 : i32
          %dma_start3A_607 = tpu.memref_slice %arg5[%dma_start3A_604, %dma_start3A_606] : memref<4x384xi32, #tpu.memory_space<vmem>> -> memref<1x384xi32, #tpu.memory_space<vmem>>
          %dma_start3A_608 = tpu.memref_squeeze %dma_start3A_607 : memref<1x384xi32, #tpu.memory_space<vmem>> -> memref<384xi32, #tpu.memory_space<vmem>>
          %dma_start3A_609 = tpu.memref_slice %arg3[%mul3A_603] : memref<294912xi32, #tpu.memory_space<hbm>> -> memref<384xi32, #tpu.memory_space<hbm>>
          %dma_start3A_610 = tpu.memref_slice %arg7[%dma_start3A_605] : memref<4x!tpu.dma_semaphore, #tpu.memory_space<semaphore_mem>> -> memref<1x!tpu.dma_semaphore, #tpu.memory_space<semaphore_mem>>
          %dma_start3A_611 = tpu.memref_squeeze %dma_start3A_610 : memref<1x!tpu.dma_semaphore, #tpu.memory_space<semaphore_mem>> -> memref<!tpu.dma_semaphore, #tpu.memory_space<semaphore_mem>>
          %dma_start3A_612 = arith.constant 0 : i32
          %dma_start3A_613 = tpu.memref_slice %arg5[%dma_start3A_604, %dma_start3A_612] : memref<4x384xi32, #tpu.memory_space<vmem>> -> memref<1x384xi32, #tpu.memory_space<vmem>>
          %dma_start3A_614 = tpu.memref_squeeze %dma_start3A_613 : memref<1x384xi32, #tpu.memory_space<vmem>> -> memref<384xi32, #tpu.memory_space<vmem>>
          %dma_start3A_615 = tpu.memref_slice %arg3[%mul3A_603] : memref<294912xi32, #tpu.memory_space<hbm>> -> memref<384xi32, #tpu.memory_space<hbm>>
          tpu.enqueue_dma source(%dma_start3A_615 : memref<384xi32, #tpu.memory_space<hbm>>) target(%dma_start3A_614 : memref<384xi32, #tpu.memory_space<vmem>>) target_semaphore(%dma_start3A_611 : memref<!tpu.dma_semaphore, #tpu.memory_space<semaphore_mem>>)
        } else {
        }
        %sub3A_574 = arith.constant 1 : i32
        %sub3A_575 = arith.subi %add3A_451, %sub3A_574 : i32
        %add3A_576 = arith.addi %mul3A_2, %sub3A_575 : i32
        %dma_start3A_577 = arith.constant 2 : i32
        %dma_start3A_578 = arith.constant 2 : i32
        %dma_start3A_579 = arith.constant 0 : i32
        %dma_start3A_580 = arith.constant 0 : i32
        %dma_start3A_581 = tpu.memref_slice %arg6[%dma_start3A_577, %dma_start3A_579, %dma_start3A_580] : memref<4x384x64xf32, #tpu.memory_space<vmem>> -> memref<1x384x64xf32, #tpu.memory_space<vmem>>
        %dma_start3A_582 = tpu.memref_squeeze %dma_start3A_581 : memref<1x384x64xf32, #tpu.memory_space<vmem>> -> memref<384x64xf32, #tpu.memory_space<vmem>>
        %dma_start3A_583 = arith.constant 0 : i32
        %dma_start3A_584 = arith.constant 0 : i32
        %dma_start3A_585 = tpu.memref_slice %arg4[%add3A_576, %dma_start3A_583, %dma_start3A_584] : memref<768x384x64xf32, #tpu.memory_space<hbm>> -> memref<1x384x64xf32, #tpu.memory_space<hbm>>
        %dma_start3A_586 = tpu.memref_squeeze %dma_start3A_585 : memref<1x384x64xf32, #tpu.memory_space<hbm>> -> memref<384x64xf32, #tpu.memory_space<hbm>>
        %dma_start3A_587 = tpu.memref_slice %arg9[%dma_start3A_578] : memref<4x!tpu.dma_semaphore, #tpu.memory_space<semaphore_mem>> -> memref<1x!tpu.dma_semaphore, #tpu.memory_space<semaphore_mem>>
        %dma_start3A_588 = tpu.memref_squeeze %dma_start3A_587 : memref<1x!tpu.dma_semaphore, #tpu.memory_space<semaphore_mem>> -> memref<!tpu.dma_semaphore, #tpu.memory_space<semaphore_mem>>
        %dma_start3A_589 = arith.constant 0 : i32
        %dma_start3A_590 = arith.constant 0 : i32
        %dma_start3A_591 = tpu.memref_slice %arg4[%add3A_576, %dma_start3A_589, %dma_start3A_590] : memref<768x384x64xf32, #tpu.memory_space<hbm>> -> memref<1x384x64xf32, #tpu.memory_space<hbm>>
        %dma_start3A_592 = tpu.memref_squeeze %dma_start3A_591 : memref<1x384x64xf32, #tpu.memory_space<hbm>> -> memref<384x64xf32, #tpu.memory_space<hbm>>
        %dma_start3A_593 = arith.constant 0 : i32
        %dma_start3A_594 = arith.constant 0 : i32
        %dma_start3A_595 = tpu.memref_slice %arg6[%dma_start3A_577, %dma_start3A_593, %dma_start3A_594] : memref<4x384x64xf32, #tpu.memory_space<vmem>> -> memref<1x384x64xf32, #tpu.memory_space<vmem>>
        %dma_start3A_596 = tpu.memref_squeeze %dma_start3A_595 : memref<1x384x64xf32, #tpu.memory_space<vmem>> -> memref<384x64xf32, #tpu.memory_space<vmem>>
        tpu.enqueue_dma source(%dma_start3A_596 : memref<384x64xf32, #tpu.memory_space<vmem>>) target(%dma_start3A_592 : memref<384x64xf32, #tpu.memory_space<hbm>>) target_semaphore(%dma_start3A_588 : memref<!tpu.dma_semaphore, #tpu.memory_space<semaphore_mem>>)
      } else {
      }
    }
    %scan3A_69 = arith.constant 6 : i32
    %dma_wait3A = arith.constant 3 : i32
    %dma_wait3A_70 = arith.constant 3 : i32
    %dma_wait3A_71 = arith.constant 3 : i32
    %dma_wait3A_72 = arith.constant 0 : i32
    %dma_wait3A_73 = arith.constant 0 : i32
    %dma_wait3A_74 = tpu.memref_slice %arg6[%dma_wait3A_70, %dma_wait3A_72, %dma_wait3A_73] : memref<4x384x64xf32, #tpu.memory_space<vmem>> -> memref<1x128x64xf32, #tpu.memory_space<vmem>>
    %dma_wait3A_75 = tpu.memref_squeeze %dma_wait3A_74 : memref<1x128x64xf32, #tpu.memory_space<vmem>> -> memref<128x64xf32, #tpu.memory_space<vmem>>
    %dma_wait3A_76 = arith.constant 0 : i32
    %dma_wait3A_77 = tpu.memref_slice %arg5[%dma_wait3A, %dma_wait3A_76] : memref<4x384xi32, #tpu.memory_space<vmem>> -> memref<1x128xi32, #tpu.memory_space<vmem>>
    %dma_wait3A_78 = tpu.memref_squeeze %dma_wait3A_77 : memref<1x128xi32, #tpu.memory_space<vmem>> -> memref<128xi32, #tpu.memory_space<vmem>>
    %dma_wait3A_79 = arith.constant 0 : i32
    %dma_wait3A_80 = arith.constant 0 : i32
    %dma_wait3A_81 = tpu.memref_slice %arg2[%dma_wait3A_79, %dma_wait3A_80] : memref<1000000x64xf32, #tpu.memory_space<hbm>> -> memref<1000000x64xf32, #tpu.memory_space<hbm>>
    %dma_wait3A_82 = tpu.memref_slice %arg8[%dma_wait3A_71] : memref<4x!tpu.dma_semaphore, #tpu.memory_space<semaphore_mem>> -> memref<1x!tpu.dma_semaphore, #tpu.memory_space<semaphore_mem>>
    %dma_wait3A_83 = tpu.memref_squeeze %dma_wait3A_82 : memref<1x!tpu.dma_semaphore, #tpu.memory_space<semaphore_mem>> -> memref<!tpu.dma_semaphore, #tpu.memory_space<semaphore_mem>>
    tpu.wait_indirect_dma semaphore(%dma_wait3A_83 : memref<!tpu.dma_semaphore, #tpu.memory_space<semaphore_mem>>) src(%dma_wait3A_81 : memref<1000000x64xf32, #tpu.memory_space<hbm>>) dst(%dma_wait3A_75 : memref<128x64xf32, #tpu.memory_space<vmem>>)
    %dma_wait3A_84 = arith.constant 3 : i32
    %dma_wait3A_85 = arith.constant 3 : i32
    %dma_wait3A_86 = arith.constant 3 : i32
    %dma_wait3A_87 = arith.constant 128 : i32
    %dma_wait3A_88 = arith.constant 0 : i32
    %dma_wait3A_89 = tpu.memref_slice %arg6[%dma_wait3A_85, %dma_wait3A_87, %dma_wait3A_88] : memref<4x384x64xf32, #tpu.memory_space<vmem>> -> memref<1x128x64xf32, #tpu.memory_space<vmem>>
    %dma_wait3A_90 = tpu.memref_squeeze %dma_wait3A_89 : memref<1x128x64xf32, #tpu.memory_space<vmem>> -> memref<128x64xf32, #tpu.memory_space<vmem>>
    %dma_wait3A_91 = arith.constant 128 : i32
    %dma_wait3A_92 = tpu.memref_slice %arg5[%dma_wait3A_84, %dma_wait3A_91] : memref<4x384xi32, #tpu.memory_space<vmem>> -> memref<1x128xi32, #tpu.memory_space<vmem>>
    %dma_wait3A_93 = tpu.memref_squeeze %dma_wait3A_92 : memref<1x128xi32, #tpu.memory_space<vmem>> -> memref<128xi32, #tpu.memory_space<vmem>>
    %dma_wait3A_94 = arith.constant 0 : i32
    %dma_wait3A_95 = arith.constant 0 : i32
    %dma_wait3A_96 = tpu.memref_slice %arg2[%dma_wait3A_94, %dma_wait3A_95] : memref<1000000x64xf32, #tpu.memory_space<hbm>> -> memref<1000000x64xf32, #tpu.memory_space<hbm>>
    %dma_wait3A_97 = tpu.memref_slice %arg8[%dma_wait3A_86] : memref<4x!tpu.dma_semaphore, #tpu.memory_space<semaphore_mem>> -> memref<1x!tpu.dma_semaphore, #tpu.memory_space<semaphore_mem>>
    %dma_wait3A_98 = tpu.memref_squeeze %dma_wait3A_97 : memref<1x!tpu.dma_semaphore, #tpu.memory_space<semaphore_mem>> -> memref<!tpu.dma_semaphore, #tpu.memory_space<semaphore_mem>>
    tpu.wait_indirect_dma semaphore(%dma_wait3A_98 : memref<!tpu.dma_semaphore, #tpu.memory_space<semaphore_mem>>) src(%dma_wait3A_96 : memref<1000000x64xf32, #tpu.memory_space<hbm>>) dst(%dma_wait3A_90 : memref<128x64xf32, #tpu.memory_space<vmem>>)
    %dma_wait3A_99 = arith.constant 3 : i32
    %dma_wait3A_100 = arith.constant 3 : i32
    %dma_wait3A_101 = arith.constant 3 : i32
    %dma_wait3A_102 = arith.constant 256 : i32
    %dma_wait3A_103 = arith.constant 0 : i32
    %dma_wait3A_104 = tpu.memref_slice %arg6[%dma_wait3A_100, %dma_wait3A_102, %dma_wait3A_103] : memref<4x384x64xf32, #tpu.memory_space<vmem>> -> memref<1x128x64xf32, #tpu.memory_space<vmem>>
    %dma_wait3A_105 = tpu.memref_squeeze %dma_wait3A_104 : memref<1x128x64xf32, #tpu.memory_space<vmem>> -> memref<128x64xf32, #tpu.memory_space<vmem>>
    %dma_wait3A_106 = arith.constant 256 : i32
    %dma_wait3A_107 = tpu.memref_slice %arg5[%dma_wait3A_99, %dma_wait3A_106] : memref<4x384xi32, #tpu.memory_space<vmem>> -> memref<1x128xi32, #tpu.memory_space<vmem>>
    %dma_wait3A_108 = tpu.memref_squeeze %dma_wait3A_107 : memref<1x128xi32, #tpu.memory_space<vmem>> -> memref<128xi32, #tpu.memory_space<vmem>>
    %dma_wait3A_109 = arith.constant 0 : i32
    %dma_wait3A_110 = arith.constant 0 : i32
    %dma_wait3A_111 = tpu.memref_slice %arg2[%dma_wait3A_109, %dma_wait3A_110] : memref<1000000x64xf32, #tpu.memory_space<hbm>> -> memref<1000000x64xf32, #tpu.memory_space<hbm>>
    %dma_wait3A_112 = tpu.memref_slice %arg8[%dma_wait3A_101] : memref<4x!tpu.dma_semaphore, #tpu.memory_space<semaphore_mem>> -> memref<1x!tpu.dma_semaphore, #tpu.memory_space<semaphore_mem>>
    %dma_wait3A_113 = tpu.memref_squeeze %dma_wait3A_112 : memref<1x!tpu.dma_semaphore, #tpu.memory_space<semaphore_mem>> -> memref<!tpu.dma_semaphore, #tpu.memory_space<semaphore_mem>>
    tpu.wait_indirect_dma semaphore(%dma_wait3A_113 : memref<!tpu.dma_semaphore, #tpu.memory_space<semaphore_mem>>) src(%dma_wait3A_111 : memref<1000000x64xf32, #tpu.memory_space<hbm>>) dst(%dma_wait3A_105 : memref<128x64xf32, #tpu.memory_space<vmem>>)
    %add3A_114 = arith.constant 23 : i32
    %add3A_115 = arith.addi %mul3A_2, %add3A_114 : i32
    %dma_start3A_116 = arith.constant 3 : i32
    %dma_start3A_117 = arith.constant 3 : i32
    %dma_start3A_118 = arith.constant 0 : i32
    %dma_start3A_119 = arith.constant 0 : i32
    %dma_start3A_120 = tpu.memref_slice %arg6[%dma_start3A_116, %dma_start3A_118, %dma_start3A_119] : memref<4x384x64xf32, #tpu.memory_space<vmem>> -> memref<1x384x64xf32, #tpu.memory_space<vmem>>
    %dma_start3A_121 = tpu.memref_squeeze %dma_start3A_120 : memref<1x384x64xf32, #tpu.memory_space<vmem>> -> memref<384x64xf32, #tpu.memory_space<vmem>>
    %dma_start3A_122 = arith.constant 0 : i32
    %dma_start3A_123 = arith.constant 0 : i32
    %dma_start3A_124 = tpu.memref_slice %arg4[%add3A_115, %dma_start3A_122, %dma_start3A_123] : memref<768x384x64xf32, #tpu.memory_space<hbm>> -> memref<1x384x64xf32, #tpu.memory_space<hbm>>
    %dma_start3A_125 = tpu.memref_squeeze %dma_start3A_124 : memref<1x384x64xf32, #tpu.memory_space<hbm>> -> memref<384x64xf32, #tpu.memory_space<hbm>>
    %dma_start3A_126 = tpu.memref_slice %arg9[%dma_start3A_117] : memref<4x!tpu.dma_semaphore, #tpu.memory_space<semaphore_mem>> -> memref<1x!tpu.dma_semaphore, #tpu.memory_space<semaphore_mem>>
    %dma_start3A_127 = tpu.memref_squeeze %dma_start3A_126 : memref<1x!tpu.dma_semaphore, #tpu.memory_space<semaphore_mem>> -> memref<!tpu.dma_semaphore, #tpu.memory_space<semaphore_mem>>
    %dma_start3A_128 = arith.constant 0 : i32
    %dma_start3A_129 = arith.constant 0 : i32
    %dma_start3A_130 = tpu.memref_slice %arg4[%add3A_115, %dma_start3A_128, %dma_start3A_129] : memref<768x384x64xf32, #tpu.memory_space<hbm>> -> memref<1x384x64xf32, #tpu.memory_space<hbm>>
    %dma_start3A_131 = tpu.memref_squeeze %dma_start3A_130 : memref<1x384x64xf32, #tpu.memory_space<hbm>> -> memref<384x64xf32, #tpu.memory_space<hbm>>
    %dma_start3A_132 = arith.constant 0 : i32
    %dma_start3A_133 = arith.constant 0 : i32
    %dma_start3A_134 = tpu.memref_slice %arg6[%dma_start3A_116, %dma_start3A_132, %dma_start3A_133] : memref<4x384x64xf32, #tpu.memory_space<vmem>> -> memref<1x384x64xf32, #tpu.memory_space<vmem>>
    %dma_start3A_135 = tpu.memref_squeeze %dma_start3A_134 : memref<1x384x64xf32, #tpu.memory_space<vmem>> -> memref<384x64xf32, #tpu.memory_space<vmem>>
    tpu.enqueue_dma source(%dma_start3A_135 : memref<384x64xf32, #tpu.memory_space<vmem>>) target(%dma_start3A_131 : memref<384x64xf32, #tpu.memory_space<hbm>>) target_semaphore(%dma_start3A_127 : memref<!tpu.dma_semaphore, #tpu.memory_space<semaphore_mem>>)
    %add3A_136 = arith.constant 20 : i32
    %add3A_137 = arith.addi %mul3A_2, %add3A_136 : i32
    %dma_wait3A_138 = arith.constant 0 : i32
    %dma_wait3A_139 = arith.constant 0 : i32
    %dma_wait3A_140 = arith.constant 0 : i32
    %dma_wait3A_141 = arith.constant 0 : i32
    %dma_wait3A_142 = tpu.memref_slice %arg6[%dma_wait3A_138, %dma_wait3A_140, %dma_wait3A_141] : memref<4x384x64xf32, #tpu.memory_space<vmem>> -> memref<1x384x64xf32, #tpu.memory_space<vmem>>
    %dma_wait3A_143 = tpu.memref_squeeze %dma_wait3A_142 : memref<1x384x64xf32, #tpu.memory_space<vmem>> -> memref<384x64xf32, #tpu.memory_space<vmem>>
    %dma_wait3A_144 = arith.constant 0 : i32
    %dma_wait3A_145 = arith.constant 0 : i32
    %dma_wait3A_146 = tpu.memref_slice %arg4[%add3A_137, %dma_wait3A_144, %dma_wait3A_145] : memref<768x384x64xf32, #tpu.memory_space<hbm>> -> memref<1x384x64xf32, #tpu.memory_space<hbm>>
    %dma_wait3A_147 = tpu.memref_squeeze %dma_wait3A_146 : memref<1x384x64xf32, #tpu.memory_space<hbm>> -> memref<384x64xf32, #tpu.memory_space<hbm>>
    %dma_wait3A_148 = tpu.memref_slice %arg9[%dma_wait3A_139] : memref<4x!tpu.dma_semaphore, #tpu.memory_space<semaphore_mem>> -> memref<1x!tpu.dma_semaphore, #tpu.memory_space<semaphore_mem>>
    %dma_wait3A_149 = tpu.memref_squeeze %dma_wait3A_148 : memref<1x!tpu.dma_semaphore, #tpu.memory_space<semaphore_mem>> -> memref<!tpu.dma_semaphore, #tpu.memory_space<semaphore_mem>>
    %dma_wait3A_150 = arith.constant 0 : i32
    %dma_wait3A_151 = arith.constant 0 : i32
    %dma_wait3A_152 = tpu.memref_slice %arg4[%add3A_137, %dma_wait3A_150, %dma_wait3A_151] : memref<768x384x64xf32, #tpu.memory_space<hbm>> -> memref<1x384x64xf32, #tpu.memory_space<hbm>>
    %dma_wait3A_153 = tpu.memref_squeeze %dma_wait3A_152 : memref<1x384x64xf32, #tpu.memory_space<hbm>> -> memref<384x64xf32, #tpu.memory_space<hbm>>
    %dma_wait3A_154 = arith.constant 0 : i32
    %dma_wait3A_155 = arith.constant 0 : i32
    %dma_wait3A_156 = tpu.memref_slice %arg6[%dma_wait3A_138, %dma_wait3A_154, %dma_wait3A_155] : memref<4x384x64xf32, #tpu.memory_space<vmem>> -> memref<1x384x64xf32, #tpu.memory_space<vmem>>
    %dma_wait3A_157 = tpu.memref_squeeze %dma_wait3A_156 : memref<1x384x64xf32, #tpu.memory_space<vmem>> -> memref<384x64xf32, #tpu.memory_space<vmem>>
    tpu.wait_dma2 semaphore(%dma_wait3A_149 : memref<!tpu.dma_semaphore, #tpu.memory_space<semaphore_mem>>) src(%dma_wait3A_157 : memref<384x64xf32, #tpu.memory_space<vmem>>) dst(%dma_wait3A_153 : memref<384x64xf32, #tpu.memory_space<hbm>>)
    %add3A_158 = arith.constant 21 : i32
    %add3A_159 = arith.addi %mul3A_2, %add3A_158 : i32
    %dma_wait3A_160 = arith.constant 1 : i32
    %dma_wait3A_161 = arith.constant 1 : i32
    %dma_wait3A_162 = arith.constant 0 : i32
    %dma_wait3A_163 = arith.constant 0 : i32
    %dma_wait3A_164 = tpu.memref_slice %arg6[%dma_wait3A_160, %dma_wait3A_162, %dma_wait3A_163] : memref<4x384x64xf32, #tpu.memory_space<vmem>> -> memref<1x384x64xf32, #tpu.memory_space<vmem>>
    %dma_wait3A_165 = tpu.memref_squeeze %dma_wait3A_164 : memref<1x384x64xf32, #tpu.memory_space<vmem>> -> memref<384x64xf32, #tpu.memory_space<vmem>>
    %dma_wait3A_166 = arith.constant 0 : i32
    %dma_wait3A_167 = arith.constant 0 : i32
    %dma_wait3A_168 = tpu.memref_slice %arg4[%add3A_159, %dma_wait3A_166, %dma_wait3A_167] : memref<768x384x64xf32, #tpu.memory_space<hbm>> -> memref<1x384x64xf32, #tpu.memory_space<hbm>>
    %dma_wait3A_169 = tpu.memref_squeeze %dma_wait3A_168 : memref<1x384x64xf32, #tpu.memory_space<hbm>> -> memref<384x64xf32, #tpu.memory_space<hbm>>
    %dma_wait3A_170 = tpu.memref_slice %arg9[%dma_wait3A_161] : memref<4x!tpu.dma_semaphore, #tpu.memory_space<semaphore_mem>> -> memref<1x!tpu.dma_semaphore, #tpu.memory_space<semaphore_mem>>
    %dma_wait3A_171 = tpu.memref_squeeze %dma_wait3A_170 : memref<1x!tpu.dma_semaphore, #tpu.memory_space<semaphore_mem>> -> memref<!tpu.dma_semaphore, #tpu.memory_space<semaphore_mem>>
    %dma_wait3A_172 = arith.constant 0 : i32
    %dma_wait3A_173 = arith.constant 0 : i32
    %dma_wait3A_174 = tpu.memref_slice %arg4[%add3A_159, %dma_wait3A_172, %dma_wait3A_173] : memref<768x384x64xf32, #tpu.memory_space<hbm>> -> memref<1x384x64xf32, #tpu.memory_space<hbm>>
    %dma_wait3A_175 = tpu.memref_squeeze %dma_wait3A_174 : memref<1x384x64xf32, #tpu.memory_space<hbm>> -> memref<384x64xf32, #tpu.memory_space<hbm>>
    %dma_wait3A_176 = arith.constant 0 : i32
    %dma_wait3A_177 = arith.constant 0 : i32
    %dma_wait3A_178 = tpu.memref_slice %arg6[%dma_wait3A_160, %dma_wait3A_176, %dma_wait3A_177] : memref<4x384x64xf32, #tpu.memory_space<vmem>> -> memref<1x384x64xf32, #tpu.memory_space<vmem>>
    %dma_wait3A_179 = tpu.memref_squeeze %dma_wait3A_178 : memref<1x384x64xf32, #tpu.memory_space<vmem>> -> memref<384x64xf32, #tpu.memory_space<vmem>>
    tpu.wait_dma2 semaphore(%dma_wait3A_171 : memref<!tpu.dma_semaphore, #tpu.memory_space<semaphore_mem>>) src(%dma_wait3A_179 : memref<384x64xf32, #tpu.memory_space<vmem>>) dst(%dma_wait3A_175 : memref<384x64xf32, #tpu.memory_space<hbm>>)
    %add3A_180 = arith.constant 22 : i32
    %add3A_181 = arith.addi %mul3A_2, %add3A_180 : i32
    %dma_wait3A_182 = arith.constant 2 : i32
    %dma_wait3A_183 = arith.constant 2 : i32
    %dma_wait3A_184 = arith.constant 0 : i32
    %dma_wait3A_185 = arith.constant 0 : i32
    %dma_wait3A_186 = tpu.memref_slice %arg6[%dma_wait3A_182, %dma_wait3A_184, %dma_wait3A_185] : memref<4x384x64xf32, #tpu.memory_space<vmem>> -> memref<1x384x64xf32, #tpu.memory_space<vmem>>
    %dma_wait3A_187 = tpu.memref_squeeze %dma_wait3A_186 : memref<1x384x64xf32, #tpu.memory_space<vmem>> -> memref<384x64xf32, #tpu.memory_space<vmem>>
    %dma_wait3A_188 = arith.constant 0 : i32
    %dma_wait3A_189 = arith.constant 0 : i32
    %dma_wait3A_190 = tpu.memref_slice %arg4[%add3A_181, %dma_wait3A_188, %dma_wait3A_189] : memref<768x384x64xf32, #tpu.memory_space<hbm>> -> memref<1x384x64xf32, #tpu.memory_space<hbm>>
    %dma_wait3A_191 = tpu.memref_squeeze %dma_wait3A_190 : memref<1x384x64xf32, #tpu.memory_space<hbm>> -> memref<384x64xf32, #tpu.memory_space<hbm>>
    %dma_wait3A_192 = tpu.memref_slice %arg9[%dma_wait3A_183] : memref<4x!tpu.dma_semaphore, #tpu.memory_space<semaphore_mem>> -> memref<1x!tpu.dma_semaphore, #tpu.memory_space<semaphore_mem>>
    %dma_wait3A_193 = tpu.memref_squeeze %dma_wait3A_192 : memref<1x!tpu.dma_semaphore, #tpu.memory_space<semaphore_mem>> -> memref<!tpu.dma_semaphore, #tpu.memory_space<semaphore_mem>>
    %dma_wait3A_194 = arith.constant 0 : i32
    %dma_wait3A_195 = arith.constant 0 : i32
    %dma_wait3A_196 = tpu.memref_slice %arg4[%add3A_181, %dma_wait3A_194, %dma_wait3A_195] : memref<768x384x64xf32, #tpu.memory_space<hbm>> -> memref<1x384x64xf32, #tpu.memory_space<hbm>>
    %dma_wait3A_197 = tpu.memref_squeeze %dma_wait3A_196 : memref<1x384x64xf32, #tpu.memory_space<hbm>> -> memref<384x64xf32, #tpu.memory_space<hbm>>
    %dma_wait3A_198 = arith.constant 0 : i32
    %dma_wait3A_199 = arith.constant 0 : i32
    %dma_wait3A_200 = tpu.memref_slice %arg6[%dma_wait3A_182, %dma_wait3A_198, %dma_wait3A_199] : memref<4x384x64xf32, #tpu.memory_space<vmem>> -> memref<1x384x64xf32, #tpu.memory_space<vmem>>
    %dma_wait3A_201 = tpu.memref_squeeze %dma_wait3A_200 : memref<1x384x64xf32, #tpu.memory_space<vmem>> -> memref<384x64xf32, #tpu.memory_space<vmem>>
    tpu.wait_dma2 semaphore(%dma_wait3A_193 : memref<!tpu.dma_semaphore, #tpu.memory_space<semaphore_mem>>) src(%dma_wait3A_201 : memref<384x64xf32, #tpu.memory_space<vmem>>) dst(%dma_wait3A_197 : memref<384x64xf32, #tpu.memory_space<hbm>>)
    %add3A_202 = arith.constant 23 : i32
    %add3A_203 = arith.addi %mul3A_2, %add3A_202 : i32
    %dma_wait3A_204 = arith.constant 3 : i32
    %dma_wait3A_205 = arith.constant 3 : i32
    %dma_wait3A_206 = arith.constant 0 : i32
    %dma_wait3A_207 = arith.constant 0 : i32
    %dma_wait3A_208 = tpu.memref_slice %arg6[%dma_wait3A_204, %dma_wait3A_206, %dma_wait3A_207] : memref<4x384x64xf32, #tpu.memory_space<vmem>> -> memref<1x384x64xf32, #tpu.memory_space<vmem>>
    %dma_wait3A_209 = tpu.memref_squeeze %dma_wait3A_208 : memref<1x384x64xf32, #tpu.memory_space<vmem>> -> memref<384x64xf32, #tpu.memory_space<vmem>>
    %dma_wait3A_210 = arith.constant 0 : i32
    %dma_wait3A_211 = arith.constant 0 : i32
    %dma_wait3A_212 = tpu.memref_slice %arg4[%add3A_203, %dma_wait3A_210, %dma_wait3A_211] : memref<768x384x64xf32, #tpu.memory_space<hbm>> -> memref<1x384x64xf32, #tpu.memory_space<hbm>>
    %dma_wait3A_213 = tpu.memref_squeeze %dma_wait3A_212 : memref<1x384x64xf32, #tpu.memory_space<hbm>> -> memref<384x64xf32, #tpu.memory_space<hbm>>
    %dma_wait3A_214 = tpu.memref_slice %arg9[%dma_wait3A_205] : memref<4x!tpu.dma_semaphore, #tpu.memory_space<semaphore_mem>> -> memref<1x!tpu.dma_semaphore, #tpu.memory_space<semaphore_mem>>
    %dma_wait3A_215 = tpu.memref_squeeze %dma_wait3A_214 : memref<1x!tpu.dma_semaphore, #tpu.memory_space<semaphore_mem>> -> memref<!tpu.dma_semaphore, #tpu.memory_space<semaphore_mem>>
    %dma_wait3A_216 = arith.constant 0 : i32
    %dma_wait3A_217 = arith.constant 0 : i32
    %dma_wait3A_218 = tpu.memref_slice %arg4[%add3A_203, %dma_wait3A_216, %dma_wait3A_217] : memref<768x384x64xf32, #tpu.memory_space<hbm>> -> memref<1x384x64xf32, #tpu.memory_space<hbm>>
    %dma_wait3A_219 = tpu.memref_squeeze %dma_wait3A_218 : memref<1x384x64xf32, #tpu.memory_space<hbm>> -> memref<384x64xf32, #tpu.memory_space<hbm>>
    %dma_wait3A_220 = arith.constant 0 : i32
    %dma_wait3A_221 = arith.constant 0 : i32
    %dma_wait3A_222 = tpu.memref_slice %arg6[%dma_wait3A_204, %dma_wait3A_220, %dma_wait3A_221] : memref<4x384x64xf32, #tpu.memory_space<vmem>> -> memref<1x384x64xf32, #tpu.memory_space<vmem>>
    %dma_wait3A_223 = tpu.memref_squeeze %dma_wait3A_222 : memref<1x384x64xf32, #tpu.memory_space<vmem>> -> memref<384x64xf32, #tpu.memory_space<vmem>>
    tpu.wait_dma2 semaphore(%dma_wait3A_215 : memref<!tpu.dma_semaphore, #tpu.memory_space<semaphore_mem>>) src(%dma_wait3A_223 : memref<384x64xf32, #tpu.memory_space<vmem>>) dst(%dma_wait3A_219 : memref<384x64xf32, #tpu.memory_space<hbm>>)
    return
  }
}

module attributes {stable_mosaic.version = 14 : i64} {
  func.func @body(%arg0: i32, %arg1: memref<18432x128xf32, #tpu.memory_space<vmem>>, %arg2: memref<2304x200xbf16, #tpu.memory_space<vmem>>, %arg3: memref<1x200xf32, #tpu.memory_space<vmem>>, %arg4: memref<200x3xbf16, #tpu.memory_space<vmem>>, %arg5: memref<1x3xf32, #tpu.memory_space<vmem>>, %arg6: memref<1024x3xf32, #tpu.memory_space<vmem>>) attributes {dimension_semantics = [#tpu.dimension_semantics<arbitrary>], iteration_bounds = array<i64: 8>, scalar_prefetch = 0 : i64, scratch_operands = 0 : i64, tpu.core_type = #tpu.core_type<tc>, window_params = [{transform_indices = @transform_0, window_bounds = array<i64: 18432, 128>}, {pipeline_mode = #tpu.pipeline_mode<synchronous>, transform_indices = @transform_1, window_bounds = array<i64: 2304, 200>}, {pipeline_mode = #tpu.pipeline_mode<synchronous>, transform_indices = @transform_2, window_bounds = array<i64: 1, 200>}, {pipeline_mode = #tpu.pipeline_mode<synchronous>, transform_indices = @transform_3, window_bounds = array<i64: 200, 3>}, {pipeline_mode = #tpu.pipeline_mode<synchronous>, transform_indices = @transform_4, window_bounds = array<i64: 1, 3>}, {transform_indices = @transform_5, window_bounds = array<i64: 1024, 3>}]} {
    %broadcast_in_dim3A = arith.constant 0.000000e+00 : f32
    %broadcast_in_dim3A_0 = vector.broadcast %broadcast_in_dim3A : f32 to vector<1024x200xf32>
    %get3A = arith.constant 0 : index
    %get3A_1 = arith.constant 0 : index
    %get3A_2 = tpu.strided_load %arg1[%get3A, %get3A_1] {strides = array<i32: 18, 1>} : memref<18432x128xf32, #tpu.memory_space<vmem>>, vector<1024x128xf32>
    %convert_element_type3A = arith.truncf %get3A_2 : vector<1024x128xf32> to vector<1024x128xbf16>
    %get3A_3 = arith.constant 0 : index
    %get3A_4 = arith.constant 0 : index
    %get3A_5 = vector.load %arg2[%get3A_3, %get3A_4] : memref<2304x200xbf16, #tpu.memory_space<vmem>>, vector<128x200xbf16>
    %dot_general3A = arith.constant dense<0.000000e+00> : vector<1024x200xf32>
    %dot_general3A_6 = tpu.matmul %convert_element_type3A, %get3A_5, %dot_general3A {dimension_numbers = #tpu.dot_dimension_numbers<[1], [0], [0], [1], [0, 0, 1, 1], [], []>, transpose_lhs_hint = false} : vector<1024x128xbf16>, vector<128x200xbf16>, vector<1024x200xf32> -> vector<1024x200xf32>
    %add3A = arith.addf %broadcast_in_dim3A_0, %dot_general3A_6 : vector<1024x200xf32>
    %get3A_7 = arith.constant 1 : index
    %get3A_8 = arith.constant 0 : index
    %get3A_9 = tpu.strided_load %arg1[%get3A_7, %get3A_8] {strides = array<i32: 18, 1>} : memref<18432x128xf32, #tpu.memory_space<vmem>>, vector<1024x128xf32>
    %convert_element_type3A_10 = arith.truncf %get3A_9 : vector<1024x128xf32> to vector<1024x128xbf16>
    %get3A_11 = arith.constant 128 : index
    %get3A_12 = arith.constant 0 : index
    %get3A_13 = vector.load %arg2[%get3A_11, %get3A_12] : memref<2304x200xbf16, #tpu.memory_space<vmem>>, vector<128x200xbf16>
    %dot_general3A_14 = arith.constant dense<0.000000e+00> : vector<1024x200xf32>
    %dot_general3A_15 = tpu.matmul %convert_element_type3A_10, %get3A_13, %dot_general3A_14 {dimension_numbers = #tpu.dot_dimension_numbers<[1], [0], [0], [1], [0, 0, 1, 1], [], []>, transpose_lhs_hint = false} : vector<1024x128xbf16>, vector<128x200xbf16>, vector<1024x200xf32> -> vector<1024x200xf32>
    %add3A_16 = arith.addf %add3A, %dot_general3A_15 : vector<1024x200xf32>
    %get3A_17 = arith.constant 2 : index
    %get3A_18 = arith.constant 0 : index
    %get3A_19 = tpu.strided_load %arg1[%get3A_17, %get3A_18] {strides = array<i32: 18, 1>} : memref<18432x128xf32, #tpu.memory_space<vmem>>, vector<1024x128xf32>
    %convert_element_type3A_20 = arith.truncf %get3A_19 : vector<1024x128xf32> to vector<1024x128xbf16>
    %get3A_21 = arith.constant 256 : index
    %get3A_22 = arith.constant 0 : index
    %get3A_23 = vector.load %arg2[%get3A_21, %get3A_22] : memref<2304x200xbf16, #tpu.memory_space<vmem>>, vector<128x200xbf16>
    %dot_general3A_24 = arith.constant dense<0.000000e+00> : vector<1024x200xf32>
    %dot_general3A_25 = tpu.matmul %convert_element_type3A_20, %get3A_23, %dot_general3A_24 {dimension_numbers = #tpu.dot_dimension_numbers<[1], [0], [0], [1], [0, 0, 1, 1], [], []>, transpose_lhs_hint = false} : vector<1024x128xbf16>, vector<128x200xbf16>, vector<1024x200xf32> -> vector<1024x200xf32>
    %add3A_26 = arith.addf %add3A_16, %dot_general3A_25 : vector<1024x200xf32>
    %get3A_27 = arith.constant 3 : index
    %get3A_28 = arith.constant 0 : index
    %get3A_29 = tpu.strided_load %arg1[%get3A_27, %get3A_28] {strides = array<i32: 18, 1>} : memref<18432x128xf32, #tpu.memory_space<vmem>>, vector<1024x128xf32>
    %convert_element_type3A_30 = arith.truncf %get3A_29 : vector<1024x128xf32> to vector<1024x128xbf16>
    %get3A_31 = arith.constant 384 : index
    %get3A_32 = arith.constant 0 : index
    %get3A_33 = vector.load %arg2[%get3A_31, %get3A_32] : memref<2304x200xbf16, #tpu.memory_space<vmem>>, vector<128x200xbf16>
    %dot_general3A_34 = arith.constant dense<0.000000e+00> : vector<1024x200xf32>
    %dot_general3A_35 = tpu.matmul %convert_element_type3A_30, %get3A_33, %dot_general3A_34 {dimension_numbers = #tpu.dot_dimension_numbers<[1], [0], [0], [1], [0, 0, 1, 1], [], []>, transpose_lhs_hint = false} : vector<1024x128xbf16>, vector<128x200xbf16>, vector<1024x200xf32> -> vector<1024x200xf32>
    %add3A_36 = arith.addf %add3A_26, %dot_general3A_35 : vector<1024x200xf32>
    %get3A_37 = arith.constant 4 : index
    %get3A_38 = arith.constant 0 : index
    %get3A_39 = tpu.strided_load %arg1[%get3A_37, %get3A_38] {strides = array<i32: 18, 1>} : memref<18432x128xf32, #tpu.memory_space<vmem>>, vector<1024x128xf32>
    %convert_element_type3A_40 = arith.truncf %get3A_39 : vector<1024x128xf32> to vector<1024x128xbf16>
    %get3A_41 = arith.constant 512 : index
    %get3A_42 = arith.constant 0 : index
    %get3A_43 = vector.load %arg2[%get3A_41, %get3A_42] : memref<2304x200xbf16, #tpu.memory_space<vmem>>, vector<128x200xbf16>
    %dot_general3A_44 = arith.constant dense<0.000000e+00> : vector<1024x200xf32>
    %dot_general3A_45 = tpu.matmul %convert_element_type3A_40, %get3A_43, %dot_general3A_44 {dimension_numbers = #tpu.dot_dimension_numbers<[1], [0], [0], [1], [0, 0, 1, 1], [], []>, transpose_lhs_hint = false} : vector<1024x128xbf16>, vector<128x200xbf16>, vector<1024x200xf32> -> vector<1024x200xf32>
    %add3A_46 = arith.addf %add3A_36, %dot_general3A_45 : vector<1024x200xf32>
    %get3A_47 = arith.constant 5 : index
    %get3A_48 = arith.constant 0 : index
    %get3A_49 = tpu.strided_load %arg1[%get3A_47, %get3A_48] {strides = array<i32: 18, 1>} : memref<18432x128xf32, #tpu.memory_space<vmem>>, vector<1024x128xf32>
    %convert_element_type3A_50 = arith.truncf %get3A_49 : vector<1024x128xf32> to vector<1024x128xbf16>
    %get3A_51 = arith.constant 640 : index
    %get3A_52 = arith.constant 0 : index
    %get3A_53 = vector.load %arg2[%get3A_51, %get3A_52] : memref<2304x200xbf16, #tpu.memory_space<vmem>>, vector<128x200xbf16>
    %dot_general3A_54 = arith.constant dense<0.000000e+00> : vector<1024x200xf32>
    %dot_general3A_55 = tpu.matmul %convert_element_type3A_50, %get3A_53, %dot_general3A_54 {dimension_numbers = #tpu.dot_dimension_numbers<[1], [0], [0], [1], [0, 0, 1, 1], [], []>, transpose_lhs_hint = false} : vector<1024x128xbf16>, vector<128x200xbf16>, vector<1024x200xf32> -> vector<1024x200xf32>
    %add3A_56 = arith.addf %add3A_46, %dot_general3A_55 : vector<1024x200xf32>
    %get3A_57 = arith.constant 6 : index
    %get3A_58 = arith.constant 0 : index
    %get3A_59 = tpu.strided_load %arg1[%get3A_57, %get3A_58] {strides = array<i32: 18, 1>} : memref<18432x128xf32, #tpu.memory_space<vmem>>, vector<1024x128xf32>
    %convert_element_type3A_60 = arith.truncf %get3A_59 : vector<1024x128xf32> to vector<1024x128xbf16>
    %get3A_61 = arith.constant 768 : index
    %get3A_62 = arith.constant 0 : index
    %get3A_63 = vector.load %arg2[%get3A_61, %get3A_62] : memref<2304x200xbf16, #tpu.memory_space<vmem>>, vector<128x200xbf16>
    %dot_general3A_64 = arith.constant dense<0.000000e+00> : vector<1024x200xf32>
    %dot_general3A_65 = tpu.matmul %convert_element_type3A_60, %get3A_63, %dot_general3A_64 {dimension_numbers = #tpu.dot_dimension_numbers<[1], [0], [0], [1], [0, 0, 1, 1], [], []>, transpose_lhs_hint = false} : vector<1024x128xbf16>, vector<128x200xbf16>, vector<1024x200xf32> -> vector<1024x200xf32>
    %add3A_66 = arith.addf %add3A_56, %dot_general3A_65 : vector<1024x200xf32>
    %get3A_67 = arith.constant 7 : index
    %get3A_68 = arith.constant 0 : index
    %get3A_69 = tpu.strided_load %arg1[%get3A_67, %get3A_68] {strides = array<i32: 18, 1>} : memref<18432x128xf32, #tpu.memory_space<vmem>>, vector<1024x128xf32>
    %convert_element_type3A_70 = arith.truncf %get3A_69 : vector<1024x128xf32> to vector<1024x128xbf16>
    %get3A_71 = arith.constant 896 : index
    %get3A_72 = arith.constant 0 : index
    %get3A_73 = vector.load %arg2[%get3A_71, %get3A_72] : memref<2304x200xbf16, #tpu.memory_space<vmem>>, vector<128x200xbf16>
    %dot_general3A_74 = arith.constant dense<0.000000e+00> : vector<1024x200xf32>
    %dot_general3A_75 = tpu.matmul %convert_element_type3A_70, %get3A_73, %dot_general3A_74 {dimension_numbers = #tpu.dot_dimension_numbers<[1], [0], [0], [1], [0, 0, 1, 1], [], []>, transpose_lhs_hint = false} : vector<1024x128xbf16>, vector<128x200xbf16>, vector<1024x200xf32> -> vector<1024x200xf32>
    %add3A_76 = arith.addf %add3A_66, %dot_general3A_75 : vector<1024x200xf32>
    %get3A_77 = arith.constant 8 : index
    %get3A_78 = arith.constant 0 : index
    %get3A_79 = tpu.strided_load %arg1[%get3A_77, %get3A_78] {strides = array<i32: 18, 1>} : memref<18432x128xf32, #tpu.memory_space<vmem>>, vector<1024x128xf32>
    %convert_element_type3A_80 = arith.truncf %get3A_79 : vector<1024x128xf32> to vector<1024x128xbf16>
    %get3A_81 = arith.constant 1024 : index
    %get3A_82 = arith.constant 0 : index
    %get3A_83 = vector.load %arg2[%get3A_81, %get3A_82] : memref<2304x200xbf16, #tpu.memory_space<vmem>>, vector<128x200xbf16>
    %dot_general3A_84 = arith.constant dense<0.000000e+00> : vector<1024x200xf32>
    %dot_general3A_85 = tpu.matmul %convert_element_type3A_80, %get3A_83, %dot_general3A_84 {dimension_numbers = #tpu.dot_dimension_numbers<[1], [0], [0], [1], [0, 0, 1, 1], [], []>, transpose_lhs_hint = false} : vector<1024x128xbf16>, vector<128x200xbf16>, vector<1024x200xf32> -> vector<1024x200xf32>
    %add3A_86 = arith.addf %add3A_76, %dot_general3A_85 : vector<1024x200xf32>
    %get3A_87 = arith.constant 9 : index
    %get3A_88 = arith.constant 0 : index
    %get3A_89 = tpu.strided_load %arg1[%get3A_87, %get3A_88] {strides = array<i32: 18, 1>} : memref<18432x128xf32, #tpu.memory_space<vmem>>, vector<1024x128xf32>
    %convert_element_type3A_90 = arith.truncf %get3A_89 : vector<1024x128xf32> to vector<1024x128xbf16>
    %get3A_91 = arith.constant 1152 : index
    %get3A_92 = arith.constant 0 : index
    %get3A_93 = vector.load %arg2[%get3A_91, %get3A_92] : memref<2304x200xbf16, #tpu.memory_space<vmem>>, vector<128x200xbf16>
    %dot_general3A_94 = arith.constant dense<0.000000e+00> : vector<1024x200xf32>
    %dot_general3A_95 = tpu.matmul %convert_element_type3A_90, %get3A_93, %dot_general3A_94 {dimension_numbers = #tpu.dot_dimension_numbers<[1], [0], [0], [1], [0, 0, 1, 1], [], []>, transpose_lhs_hint = false} : vector<1024x128xbf16>, vector<128x200xbf16>, vector<1024x200xf32> -> vector<1024x200xf32>
    %add3A_96 = arith.addf %add3A_86, %dot_general3A_95 : vector<1024x200xf32>
    %get3A_97 = arith.constant 10 : index
    %get3A_98 = arith.constant 0 : index
    %get3A_99 = tpu.strided_load %arg1[%get3A_97, %get3A_98] {strides = array<i32: 18, 1>} : memref<18432x128xf32, #tpu.memory_space<vmem>>, vector<1024x128xf32>
    %convert_element_type3A_100 = arith.truncf %get3A_99 : vector<1024x128xf32> to vector<1024x128xbf16>
    %get3A_101 = arith.constant 1280 : index
    %get3A_102 = arith.constant 0 : index
    %get3A_103 = vector.load %arg2[%get3A_101, %get3A_102] : memref<2304x200xbf16, #tpu.memory_space<vmem>>, vector<128x200xbf16>
    %dot_general3A_104 = arith.constant dense<0.000000e+00> : vector<1024x200xf32>
    %dot_general3A_105 = tpu.matmul %convert_element_type3A_100, %get3A_103, %dot_general3A_104 {dimension_numbers = #tpu.dot_dimension_numbers<[1], [0], [0], [1], [0, 0, 1, 1], [], []>, transpose_lhs_hint = false} : vector<1024x128xbf16>, vector<128x200xbf16>, vector<1024x200xf32> -> vector<1024x200xf32>
    %add3A_106 = arith.addf %add3A_96, %dot_general3A_105 : vector<1024x200xf32>
    %get3A_107 = arith.constant 11 : index
    %get3A_108 = arith.constant 0 : index
    %get3A_109 = tpu.strided_load %arg1[%get3A_107, %get3A_108] {strides = array<i32: 18, 1>} : memref<18432x128xf32, #tpu.memory_space<vmem>>, vector<1024x128xf32>
    %convert_element_type3A_110 = arith.truncf %get3A_109 : vector<1024x128xf32> to vector<1024x128xbf16>
    %get3A_111 = arith.constant 1408 : index
    %get3A_112 = arith.constant 0 : index
    %get3A_113 = vector.load %arg2[%get3A_111, %get3A_112] : memref<2304x200xbf16, #tpu.memory_space<vmem>>, vector<128x200xbf16>
    %dot_general3A_114 = arith.constant dense<0.000000e+00> : vector<1024x200xf32>
    %dot_general3A_115 = tpu.matmul %convert_element_type3A_110, %get3A_113, %dot_general3A_114 {dimension_numbers = #tpu.dot_dimension_numbers<[1], [0], [0], [1], [0, 0, 1, 1], [], []>, transpose_lhs_hint = false} : vector<1024x128xbf16>, vector<128x200xbf16>, vector<1024x200xf32> -> vector<1024x200xf32>
    %add3A_116 = arith.addf %add3A_106, %dot_general3A_115 : vector<1024x200xf32>
    %get3A_117 = arith.constant 12 : index
    %get3A_118 = arith.constant 0 : index
    %get3A_119 = tpu.strided_load %arg1[%get3A_117, %get3A_118] {strides = array<i32: 18, 1>} : memref<18432x128xf32, #tpu.memory_space<vmem>>, vector<1024x128xf32>
    %convert_element_type3A_120 = arith.truncf %get3A_119 : vector<1024x128xf32> to vector<1024x128xbf16>
    %get3A_121 = arith.constant 1536 : index
    %get3A_122 = arith.constant 0 : index
    %get3A_123 = vector.load %arg2[%get3A_121, %get3A_122] : memref<2304x200xbf16, #tpu.memory_space<vmem>>, vector<128x200xbf16>
    %dot_general3A_124 = arith.constant dense<0.000000e+00> : vector<1024x200xf32>
    %dot_general3A_125 = tpu.matmul %convert_element_type3A_120, %get3A_123, %dot_general3A_124 {dimension_numbers = #tpu.dot_dimension_numbers<[1], [0], [0], [1], [0, 0, 1, 1], [], []>, transpose_lhs_hint = false} : vector<1024x128xbf16>, vector<128x200xbf16>, vector<1024x200xf32> -> vector<1024x200xf32>
    %add3A_126 = arith.addf %add3A_116, %dot_general3A_125 : vector<1024x200xf32>
    %get3A_127 = arith.constant 13 : index
    %get3A_128 = arith.constant 0 : index
    %get3A_129 = tpu.strided_load %arg1[%get3A_127, %get3A_128] {strides = array<i32: 18, 1>} : memref<18432x128xf32, #tpu.memory_space<vmem>>, vector<1024x128xf32>
    %convert_element_type3A_130 = arith.truncf %get3A_129 : vector<1024x128xf32> to vector<1024x128xbf16>
    %get3A_131 = arith.constant 1664 : index
    %get3A_132 = arith.constant 0 : index
    %get3A_133 = vector.load %arg2[%get3A_131, %get3A_132] : memref<2304x200xbf16, #tpu.memory_space<vmem>>, vector<128x200xbf16>
    %dot_general3A_134 = arith.constant dense<0.000000e+00> : vector<1024x200xf32>
    %dot_general3A_135 = tpu.matmul %convert_element_type3A_130, %get3A_133, %dot_general3A_134 {dimension_numbers = #tpu.dot_dimension_numbers<[1], [0], [0], [1], [0, 0, 1, 1], [], []>, transpose_lhs_hint = false} : vector<1024x128xbf16>, vector<128x200xbf16>, vector<1024x200xf32> -> vector<1024x200xf32>
    %add3A_136 = arith.addf %add3A_126, %dot_general3A_135 : vector<1024x200xf32>
    %get3A_137 = arith.constant 14 : index
    %get3A_138 = arith.constant 0 : index
    %get3A_139 = tpu.strided_load %arg1[%get3A_137, %get3A_138] {strides = array<i32: 18, 1>} : memref<18432x128xf32, #tpu.memory_space<vmem>>, vector<1024x128xf32>
    %convert_element_type3A_140 = arith.truncf %get3A_139 : vector<1024x128xf32> to vector<1024x128xbf16>
    %get3A_141 = arith.constant 1792 : index
    %get3A_142 = arith.constant 0 : index
    %get3A_143 = vector.load %arg2[%get3A_141, %get3A_142] : memref<2304x200xbf16, #tpu.memory_space<vmem>>, vector<128x200xbf16>
    %dot_general3A_144 = arith.constant dense<0.000000e+00> : vector<1024x200xf32>
    %dot_general3A_145 = tpu.matmul %convert_element_type3A_140, %get3A_143, %dot_general3A_144 {dimension_numbers = #tpu.dot_dimension_numbers<[1], [0], [0], [1], [0, 0, 1, 1], [], []>, transpose_lhs_hint = false} : vector<1024x128xbf16>, vector<128x200xbf16>, vector<1024x200xf32> -> vector<1024x200xf32>
    %add3A_146 = arith.addf %add3A_136, %dot_general3A_145 : vector<1024x200xf32>
    %get3A_147 = arith.constant 15 : index
    %get3A_148 = arith.constant 0 : index
    %get3A_149 = tpu.strided_load %arg1[%get3A_147, %get3A_148] {strides = array<i32: 18, 1>} : memref<18432x128xf32, #tpu.memory_space<vmem>>, vector<1024x128xf32>
    %convert_element_type3A_150 = arith.truncf %get3A_149 : vector<1024x128xf32> to vector<1024x128xbf16>
    %get3A_151 = arith.constant 1920 : index
    %get3A_152 = arith.constant 0 : index
    %get3A_153 = vector.load %arg2[%get3A_151, %get3A_152] : memref<2304x200xbf16, #tpu.memory_space<vmem>>, vector<128x200xbf16>
    %dot_general3A_154 = arith.constant dense<0.000000e+00> : vector<1024x200xf32>
    %dot_general3A_155 = tpu.matmul %convert_element_type3A_150, %get3A_153, %dot_general3A_154 {dimension_numbers = #tpu.dot_dimension_numbers<[1], [0], [0], [1], [0, 0, 1, 1], [], []>, transpose_lhs_hint = false} : vector<1024x128xbf16>, vector<128x200xbf16>, vector<1024x200xf32> -> vector<1024x200xf32>
    %add3A_156 = arith.addf %add3A_146, %dot_general3A_155 : vector<1024x200xf32>
    %get3A_157 = arith.constant 16 : index
    %get3A_158 = arith.constant 0 : index
    %get3A_159 = tpu.strided_load %arg1[%get3A_157, %get3A_158] {strides = array<i32: 18, 1>} : memref<18432x128xf32, #tpu.memory_space<vmem>>, vector<1024x128xf32>
    %convert_element_type3A_160 = arith.truncf %get3A_159 : vector<1024x128xf32> to vector<1024x128xbf16>
    %get3A_161 = arith.constant 2048 : index
    %get3A_162 = arith.constant 0 : index
    %get3A_163 = vector.load %arg2[%get3A_161, %get3A_162] : memref<2304x200xbf16, #tpu.memory_space<vmem>>, vector<128x200xbf16>
    %dot_general3A_164 = arith.constant dense<0.000000e+00> : vector<1024x200xf32>
    %dot_general3A_165 = tpu.matmul %convert_element_type3A_160, %get3A_163, %dot_general3A_164 {dimension_numbers = #tpu.dot_dimension_numbers<[1], [0], [0], [1], [0, 0, 1, 1], [], []>, transpose_lhs_hint = false} : vector<1024x128xbf16>, vector<128x200xbf16>, vector<1024x200xf32> -> vector<1024x200xf32>
    %add3A_166 = arith.addf %add3A_156, %dot_general3A_165 : vector<1024x200xf32>
    %get3A_167 = arith.constant 17 : index
    %get3A_168 = arith.constant 0 : index
    %get3A_169 = tpu.strided_load %arg1[%get3A_167, %get3A_168] {strides = array<i32: 18, 1>} : memref<18432x128xf32, #tpu.memory_space<vmem>>, vector<1024x128xf32>
    %convert_element_type3A_170 = arith.truncf %get3A_169 : vector<1024x128xf32> to vector<1024x128xbf16>
    %get3A_171 = arith.constant 2176 : index
    %get3A_172 = arith.constant 0 : index
    %get3A_173 = vector.load %arg2[%get3A_171, %get3A_172] : memref<2304x200xbf16, #tpu.memory_space<vmem>>, vector<128x200xbf16>
    %dot_general3A_174 = arith.constant dense<0.000000e+00> : vector<1024x200xf32>
    %dot_general3A_175 = tpu.matmul %convert_element_type3A_170, %get3A_173, %dot_general3A_174 {dimension_numbers = #tpu.dot_dimension_numbers<[1], [0], [0], [1], [0, 0, 1, 1], [], []>, transpose_lhs_hint = false} : vector<1024x128xbf16>, vector<128x200xbf16>, vector<1024x200xf32> -> vector<1024x200xf32>
    %add3A_176 = arith.addf %add3A_166, %dot_general3A_175 : vector<1024x200xf32>
    %get3A_177 = arith.constant 0 : index
    %get3A_178 = arith.constant 0 : index
    %get3A_179 = vector.load %arg3[%get3A_177, %get3A_178] : memref<1x200xf32, #tpu.memory_space<vmem>>, vector<1x200xf32>
    %add3A_180 = vector.broadcast %get3A_179 : vector<1x200xf32> to vector<1024x200xf32>
    %add3A_181 = arith.addf %add3A_176, %add3A_180 : vector<1024x200xf32>
    %max3A = arith.constant 0.000000e+00 : f32
    %max3A_182 = vector.broadcast %max3A : f32 to vector<1024x200xf32>
    %max3A_183 = arith.maximumf %add3A_181, %max3A_182 : vector<1024x200xf32>
    %convert_element_type3A_184 = arith.truncf %max3A_183 : vector<1024x200xf32> to vector<1024x200xbf16>
    %get3A_185 = arith.constant 0 : index
    %get3A_186 = arith.constant 0 : index
    %get3A_187 = vector.load %arg4[%get3A_185, %get3A_186] : memref<200x3xbf16, #tpu.memory_space<vmem>>, vector<200x3xbf16>
    %dot_general3A_188 = arith.constant dense<0.000000e+00> : vector<1024x3xf32>
    %dot_general3A_189 = tpu.matmul %convert_element_type3A_184, %get3A_187, %dot_general3A_188 {dimension_numbers = #tpu.dot_dimension_numbers<[1], [0], [0], [1], [0, 0, 1, 1], [], []>, transpose_lhs_hint = false} : vector<1024x200xbf16>, vector<200x3xbf16>, vector<1024x3xf32> -> vector<1024x3xf32>
    %get3A_190 = arith.constant 0 : index
    %get3A_191 = arith.constant 0 : index
    %get3A_192 = vector.load %arg5[%get3A_190, %get3A_191] : memref<1x3xf32, #tpu.memory_space<vmem>>, vector<1x3xf32>
    %add3A_193 = vector.broadcast %get3A_192 : vector<1x3xf32> to vector<1024x3xf32>
    %add3A_194 = arith.addf %dot_general3A_189, %add3A_193 : vector<1024x3xf32>
    %swap3A = arith.constant 0 : index
    %swap3A_195 = arith.constant 0 : index
    %swap3A_196 = vector.load %arg6[%swap3A, %swap3A_195] : memref<1024x3xf32, #tpu.memory_space<vmem>>, vector<1024x3xf32>
    tpu.vector_store %arg6[%swap3A, %swap3A_195], %add3A_194 {strides = array<i32>} : memref<1024x3xf32, #tpu.memory_space<vmem>>, vector<1024x3xf32>,
    return
  }
  func.func @transform_0(%arg0: i32) -> (i32, i32) {
    %c0_i32 = arith.constant 0 : i32
    %c0_i32_0 = arith.constant 0 : i32
    return %arg0, %c0_i32 : i32, i32
  }
  func.func @transform_1(%arg0: i32) -> (i32, i32) {
    %c0_i32 = arith.constant 0 : i32
    %c0_i32_0 = arith.constant 0 : i32
    %c0_i32_1 = arith.constant 0 : i32
    return %c0_i32, %c0_i32_0 : i32, i32
  }
  func.func @transform_2(%arg0: i32) -> (i32, i32) {
    %c0_i32 = arith.constant 0 : i32
    %c0_i32_0 = arith.constant 0 : i32
    %c0_i32_1 = arith.constant 0 : i32
    return %c0_i32, %c0_i32_0 : i32, i32
  }
  func.func @transform_3(%arg0: i32) -> (i32, i32) {
    %c0_i32 = arith.constant 0 : i32
    %c0_i32_0 = arith.constant 0 : i32
    %c0_i32_1 = arith.constant 0 : i32
    return %c0_i32, %c0_i32_0 : i32, i32
  }
  func.func @transform_4(%arg0: i32) -> (i32, i32) {
    %c0_i32 = arith.constant 0 : i32
    %c0_i32_0 = arith.constant 0 : i32
    %c0_i32_1 = arith.constant 0 : i32
    return %c0_i32, %c0_i32_0 : i32, i32
  }
  func.func @transform_5(%arg0: i32) -> (i32, i32) {
    %c0_i32 = arith.constant 0 : i32
    %c0_i32_0 = arith.constant 0 : i32
    return %arg0, %c0_i32 : i32, i32
  }
}

</mosaic_0001>

<sc_bundles>
// kernel: kernel.6.cloned.1.call-start
scs
__scs_entry_jumppad:
0x0: {  	(pc) =	sbr.rel $0x88, $3  }
0x1: {  	(tag) =	ssettag $0x0;
	lr =	simm.s32 $0x1  }
0x2: {  	[smem:$0x3F9B] =	sst lr;
	_ =	strace $0xD0000000  }
0x3: {  	_ = 	snop  }
0x4: {  	_ = 	snop  }
0x5: {  	_ = 	snop  }
0x6: {  	_ = 	snop  }
0x7: {  	_ = 	snop  }
__scs_overlays_trampoline_lowered:
0x8: {  	[smem:$0x3FAA] =	sst s0  }
0x9: {  	[smem:$0x3FAB] =	sst s1  }
0xa: {  	[smem:$0x3FAC] =	sst s2  }
0xb: {  	[smem:$0x3FAD] =	sst s3  }
0xc: {  	[smem:$0x3FAE] =	sst s4  }
0xd: {  	[smem:$0x3FAF] =	sst s5  }
0xe: {  	[smem:$0x3FB0] =	sst s6  }
0xf: {  	[smem:$0x3FB1] =	sst s7  }
0x10: {  	[smem:$0x3FB2] =	sst s8  }
0x11: {  	[smem:$0x3FB3] =	sst s9;
	s0 =	simm.s32 @!p0 $0x0  }
0x12: {  	s1 =	sld [smem:$0x3F99];
	s0 =	simm.s32 @p0 $0x1  }
0x13: {  	[smem:$0x3FB4] =	sst s0;
	s0 =	simm.s32 @!p1 $0x0  }
0x14: {  	s2 =	sld [smem:$0x3F98];
	s0 =	simm.s32 @p1 $0x1  }
0x15: {  	[smem:$0x3FB5] =	sst s0;
	s0 =	simm.s32 @!p2 $0x0  }
0x16: {  	s3 =	sld [smem:$0x3FDB];
	s0 =	simm.s32 @p2 $0x1  }
0x17: {  	s4 =	simm.s32 $0x1BF5;
	[smem:$0x3FB7] =	sst s0  }
0x18: {  	s0 =	sld [smem:$0x3F9A];
	_ =	swait.ge [sflag:s4], $0x0  }
0x19: {  	s7 =	sld [smem:$0x3F9B]  }
0x1a: {  	s8 =	sadd.s32 $0xFFFFE003, lr  }
0x1b: {  	s9 =	sadd.s32 $0xFFFFFEF7, lr;
	s5 =	simm.s32 $0xFFFFFFFF;
	p2 =	slt.u32 s8, $0xFFFFF086  }
0x1c: {  	p1 =	slt.u32 s9, $0xF7A;
	s5 =	simm.s32 @!p2 $0x0  }
0x1d: {  	s5 =	simm.s32 @p1 $0x1;
	p0 =	seq.s32 s7, s2  }
0x1e: {  	s7 =	smul.u32 @!p0 $0xF7A, s2;
	p2 =	seq.s32 @!p0 s5, $0x0  }
0x1f: {  	s9 =	smul.u32 $0xF7A, s1;
	s8 =	simm.s32 @!p0 $0x1BF5;
	p2 =	por !p2, p0  }
0x20: {  	[sflag:s8] =	ssyncset.s32 @!p0 $0xFFFFF086;
	s6 =	sadd.s32 @!p0 s3, s7;
	s7 =	simm.s32 @!p0 $0x108  }
0x21: {  	s3 =	sadd.s32 s3, s9;
	s6 =	sadd.s32 @!p0 $0x88, s6;
	s7 =	simm.s32 @p2 $0x1082  }
0x22: {  	[simem:s7], [sflag:s8] =	dma.local @!p0 [hbm:s6], $0xF7A  }
0x23: {  	s9 =	sor.u32 $0xD0000000, s2;
	s6 =	simm.s32 $0x108;
	_ =	swait.ge @!p0 [sflag:s8], $0x0  }
0x24: {  	s3 =	sadd.s32 $0x88, s3;
	s6 =	simm.s32 @!p1 $0x1082;
	[sflag:s4] =	ssyncset.s32 $0xFFFFF086  }
0x25: {  	[simem:s6], [sflag:s4] =	dma.local [hbm:s3], $0xF7A  }
0x26: {  	[smem:$0x3F9B] =	sst s1;
	(tag) =	ssettag s2;
	_ =	strace s9  }
0x27: {  	s1 =	sld [smem:$0x3FAB]  }
0x28: {  	s2 =	sld [smem:$0x3FAC]  }
0x29: {  	s4 =	sld [smem:$0x3FAE]  }
0x2a: {  	p0 =	seq.s32 s5, $0x0;
	s5 =	sld [smem:$0x3FAF]  }
0x2b: {  	s6 =	sld [smem:$0x3FB0]  }
0x2c: {  	s7 =	sld [smem:$0x3FB1]  }
0x2d: {  	s3 =	simm.s32 $0x108;
	s8 =	sld [smem:$0x3FB2]  }
0x2e: {  	s3 =	simm.s32 @!p0 $0x1082;
	s9 =	sld [smem:$0x3FB3]  }
0x2f: {  	lr =	sadd.s32 s0, s3;
	s0 =	sld [smem:$0x3FAA]  }
0x30: {  	s3 =	sld [smem:$0x3FAD]  }
0x31: {  	[smem:$0x3FB6] =	sst s10  }
0x32: {  	s10 =	sld [smem:$0x3FB4];
	_ =	sdelay $0x3  }
0x33: {  	p0 =	seq.s32 s10, $0x1;
	s10 =	sld [smem:$0x3FB6];
	_ =	sdelay $0x3  }
0x34: {  	[smem:$0x3FB6] =	sst s10  }
0x35: {  	s10 =	sld [smem:$0x3FB5];
	_ =	sdelay $0x3  }
0x36: {  	p1 =	seq.s32 s10, $0x1;
	s10 =	sld [smem:$0x3FB6];
	_ =	sdelay $0x3  }
0x37: {  	[smem:$0x3FB6] =	sst s10  }
0x38: {  	s10 =	sld [smem:$0x3FB7]  }
0x39: {  	_ = 	snop;
	(pc) =	sbr.ind lr, $3  }
0x3a: {  	_ = 	snop  }
0x3b: {  	_ = 	snop  }
0x3c: {  	p2 =	seq.s32 s10, $0x1;
	s10 =	sld [smem:$0x3FB6]  }
0x3d: {  	_ =	shalt  }
0x3e: {  	_ =	shalt  }
0x3f: {  	_ =	shalt  }
0x40: {  	_ =	shalt  }
0x41: {  	_ =	shalt  }
0x42: {  	_ =	shalt  }
0x43: {  	_ =	shalt  }
0x44: {  	_ =	shalt  }
0x45: {  	_ =	shalt  }
0x46: {  	_ =	shalt  }
0x47: {  	_ =	shalt  }
0x48: {  	_ =	shalt  }
0x49: {  	_ =	shalt  }
0x4a: {  	_ =	shalt  }
0x4b: {  	_ =	shalt  }
0x4c: {  	_ =	shalt  }
0x4d: {  	_ =	shalt  }
0x4e: {  	_ =	shalt  }
0x4f: {  	_ =	shalt  }
0x50: {  	_ =	shalt  }
0x51: {  	_ =	shalt  }
0x52: {  	_ =	shalt  }
0x53: {  	_ =	shalt  }
0x54: {  	_ =	shalt  }
0x55: {  	_ =	shalt  }
0x56: {  	_ =	shalt  }
0x57: {  	_ =	shalt  }
0x58: {  	_ =	shalt  }
0x59: {  	_ =	shalt  }
0x5a: {  	_ =	shalt  }
0x5b: {  	_ =	shalt  }
0x5c: {  	_ =	shalt  }
0x5d: {  	_ =	shalt  }
0x5e: {  	_ =	shalt  }
0x5f: {  	_ =	shalt  }
0x60: {  	_ =	shalt  }
0x61: {  	_ =	shalt  }
0x62: {  	_ =	shalt  }
0x63: {  	_ =	shalt  }
0x64: {  	_ =	shalt  }
0x65: {  	_ =	shalt  }
0x66: {  	_ =	shalt  }
0x67: {  	_ =	shalt  }
0x68: {  	_ =	shalt  }
0x69: {  	_ =	shalt  }
0x6a: {  	_ =	shalt  }
0x6b: {  	_ =	shalt  }
0x6c: {  	_ =	shalt  }
0x6d: {  	_ =	shalt  }
0x6e: {  	_ =	shalt  }
0x6f: {  	_ =	shalt  }
0x70: {  	_ =	shalt  }
0x71: {  	_ =	shalt  }
0x72: {  	_ =	shalt  }
0x73: {  	_ =	shalt  }
0x74: {  	_ =	shalt  }
0x75: {  	_ =	shalt  }
0x76: {  	_ =	shalt  }
0x77: {  	_ =	shalt  }
0x78: {  	_ =	shalt  }
0x79: {  	_ =	shalt  }
0x7a: {  	_ =	shalt  }
0x7b: {  	_ =	shalt  }
0x7c: {  	_ =	shalt  }
0x7d: {  	_ =	shalt  }
0x7e: {  	_ =	shalt  }
0x7f: {  	_ =	shalt  }
0x80: {  	_ =	shalt  }
0x81: {  	_ =	shalt  }
0x82: {  	_ =	shalt  }
0x83: {  	_ =	shalt  }
0x84: {  	_ =	shalt  }
0x85: {  	_ =	shalt  }
0x86: {  	_ =	shalt  }
0x87: {  	_ =	shalt  }
.Lfunc_end0:
.L_simem_size_0:
called_computation_lowered:
.L_overlay_start_0:
0x88: {  	s2 =	sld [smem:$0x3FD9]  }
0x89: {  	s3 =	sld [smem:$0x3FFE];
	_ =	sdelay $0x1  }
0x8a: {  	s1 =	srdreg.scid  }
0x8b: {  	s0 =	sand.u32 $0x1, s1  }
0x8c: {  	s17 =	sshll.u32 s0, $0xA;
	s2 =	sadd.s32 s3, s2  }
0x8d: {  	s2 =	sadd.s32 s2, s17  }
0x8e: {  	[smem:$0x3FC2] =	sst s2  }
0x8f: {  	_ = 	snop  }
0x90: {  	(tm) =	ssettm $0x1  }
0x91: {  	s18 =	sld [smem:$0x3FFB];
	_ =	sdelay $0x3  }
0x92: {  	_ =	strace s18  }
0x93: {  	s2 =	sld [smem:$0x3FFC];
	_ =	sdelay $0x3  }
0x94: {  	_ =	strace s2  }
0x95: {  	s2 =	sld [smem:$0x3FFD];
	_ =	sdelay $0x3  }
0x96: {  	_ =	strace s2  }
0x97: {  	_ =	strace $0x8FFFFFFF  }
0x98: {  	s19 =	sld [smem:$0x3FDB];
	_ =	sdelay $0x1  }
0x99: {  	s20 =	simm.s32 $_scs_section_size  }
0x9a: {  	s4 =	simm.s32 $_size__tile_overlayer_lowered;
	s5 =	simm.s32 $_tile_overlayer_lowered  }
0x9b: {  	s6 =	simm.s32 $0x1BFF;
	s21 =	sshll.u32 s5, $0x1;
	s3 =	sadd.s32 s20, s19  }
0x9c: {  	s22 =	simm.s32 $0x0;
	s4 =	sshll.u32 s4, $0x1;
	s5 =	sadd.s32 s21, s3  }
0x9d: {  	[timem:s22], [sflag:s6] =	dma.local [hbm:s5], s4  }
0x9e: {  	_ =	swait.ge [sflag:s6], s4  }
0x9f: {  	s4 =	ssub.s32 $0x0, s4;
	[sflag:s6] =	ssyncset.done $0x0  }
0xa0: {  	[sflag:s6] =	ssyncadd.s32 s4;
	_ =	sdelay $0x1  }
0xa1: {  	s23 =	simm.s32 $0x1B8B  }
0xa2: {  	_ =	swait.ge [sflag:s23], $0x1  }
0xa3: {  	[sflag:s23] =	ssyncset.done $0x0  }
0xa4: {  	[sflag:s23] =	ssyncadd.s32 $0xFFFFFFFF  }
0xa5: {  	s4 =	sld [smem:$0x0]  }
0xa6: {  	s5 =	sand.u32 $0xFFFFFFFE, s1  }
0xa7: {  	p0 =	sne.s32 s1, s5  }
0xa8: {  	s5 =	sshll.u32 @p0 s5, $0xE  }
0xa9: {  	s5 =	sadd.s32 @p0 $0x11B8D, s5;
	s6 =	sshll.u32 @p0 s4, $0x11  }
0xaa: {  	s5 =	sor.u32 @p0 s6, s5  }
0xab: {  	[sflag:s5] =	ssyncadd.remote.s32 @p0 $0x1;
	_ =	sdelay $0x1  }
0xac: {  	s5 =	simm.s32 @p0 $0x1B8D  }
0xad: {  	_ =	swait.eq @p0 [sflag:s5], $0x1  }
0xae: {  	[sflag:s5] =	ssyncadd.s32 @p0 $0xFFFFFFFF  }
0xaf: {  	s6 =	sshll.u32 @!p0 s1, $0xE  }
0xb0: {  	s6 =	sor.u32 @!p0 $0x4000, s6;
	s5 =	simm.s32 @!p0 $0x1B8D  }
0xb1: {  	s4 =	sshll.u32 @!p0 s4, $0x11;
	s6 =	sadd.s32 @!p0 $0x11B8D, s6;
	_ =	swait.eq @!p0 [sflag:s5], $0x1  }
0xb2: {  	s4 =	sor.u32 @!p0 s4, s6;
	[sflag:s5] =	ssyncadd.s32 @!p0 $0xFFFFFFFF  }
0xb3: {  	s25 =	simm.s32 $0x1B8E;
	s24 =	sld [smem:$0x3FFE];
	[sflag:s4] =	ssyncadd.remote.s32 @!p0 $0x1  }
0xb4: {  	s26 =	simm.s32 $execute0_lowered;
	[smem:$0x3FD2] =	sst s25  }
0xb5: {  	s5 =	sshll.u32 s26, $0x1;
	_ =	strace $0x80000049;
	[dreg:$0x1] =	wrdreg $0xFFFFFFFF  }
0xb6: {  	s28 =	simm.s32 $_size_execute0_lowered;
	s3 =	sadd.s32 s3, s5;
	[dreg:$0x0] =	wrdreg $0x0  }
0xb7: {  	s5 =	sshll.u32 s28, $0x1;
	[dreg:$0x2] =	wrdreg s3  }
0xb8: {  	[dreg:$0x3] =	wrdreg s5  }
0xb9: {  	[dreg:$0x4] =	wrdreg $0xC0  }
0xba: {  	_ =	task [dreg:s22], $0x5FFFF  }
0xbb: {  	[dreg:$0x1] =	wrdreg $0xFFFFFFFF  }
0xbc: {  	[dreg:$0x0] =	wrdreg $0x60  }
0xbd: {  	[dreg:$0x2] =	wrdreg s24  }
0xbe: {  	[dreg:$0x3] =	wrdreg $0x9  }
0xbf: {  	_ =	task.clear_ibuf [dreg:s22], $0x4FFFF;
	_ =	strace $0x90000049  }
0xc0: {  	s29 =	simm.s32 $0x9;
	_ =	strace $0x8000004B  }
0xc1: {  	_ =	swait.ge [sflag:s29], $0x1  }
0xc2: {  	[sflag:s29] =	ssyncadd.s32 $0xFFFFFFFF  }
0xc3: {  	_ =	strace $0x9000004B  }
0xc4: {  	_ =	sfence  }
0xc5: {  	s30 =	sld [smem:$0x0];
	_ =	sdelay $0x2  }
0xc6: {  	s31 =	sshll.u32 s1, $0xD;
	s1 =	sshrl.u32 s1, $0x2  }
0xc7: {  	s4 =	sand.u32 $0x4000, s31;
	s1 =	sadd.s32 s1, s30  }
0xc8: {  	s0 =	sor.u32 s4, s0;
	s1 =	sshll.u32 s1, $0x11  }
0xc9: {  	s0 =	sor.u32 s1, s0  }
0xca: {  	s0 =	sadd.s32 $0x8F2B, s0  }
0xcb: {  	[sflag:s0] =	ssyncadd.remote.s32 $0x1  }
0xcc: {  	_ =	sfence.sel $0xFFFF  }
0xcd: {  	[dreg:$0x0] =	wrdreg $0xFFFFFFFF;
	(pc) =	sbr.abs _section_cstart, $3  }
0xce: {  	[dreg:$0x1] =	wrdreg $0xFFFFFFFF  }
0xcf: {  	_ =	task.clear_ibuf [dreg:s22], $0x2FFFF;
	_ =	strace $0x9FFFFFFF  }
0xd0: {  	(tm) =	ssettm $0x7FFFFFFF  }
0xd1: {  	_ =	shalt  }
tec
execute0_lowered:
.L_overlay_start_1:
0x0: {  	(tag) =	ssettag $0x1  }
0x1: {  	s0 =	rddreg [dreg:$0x0]  }
0x2: {  	s2 =	simm.s32 $0x0;
	s1 =	srdreg.scid;
	s11 =	stileid.u32  }
0x3: {  	s17 =	simm.s32 $0x200;
	s18 =	simm.s32 $0x8600;
	s19 =	simm.s32 $0x280  }
0x4: {  	s20 =	simm.s32 $0xA600;
	s21 =	simm.s32 $0x600;
	s22 =	simm.s32 $0x380  }
0x5: {  	s23 =	simm.s32 $0xE600;
	s24 =	simm.s32 $0x400;
	s25 =	simm.s32 $0x10600  }
0x6: {  	s28 =	simm.s32 $0x7;
	[smem:$0x7FF] =	sst s2;
	s1 =	sand.u32 $0x1, s1  }
0x7: {  	s3 =	sshll.u32 s11, $0x1;
	_ =	strace $0x8000004A;
	[dreg:$0x2] =	wrdreg s17  }
0x8: {  	s7 =	sadd.s32 $0x24A600, s0;
	s29 =	smul.u32 $0x900, s11;
	[dreg:$0x3] =	wrdreg s18  }
0x9: {  	s4 =	sadd.s32 $0x253600, s0;
	s13 =	smul.u32 $0x24000, s11;
	[dreg:$0x4] =	wrdreg s19  }
0xa: {  	s14 =	smul.u32 $0x30, s11;
	s5 =	sor.u32 s1, s3;
	[dreg:$0x5] =	wrdreg s20  }
0xb: {  	s3 =	sadd.s32 $0xF43A00, s0;
	s31 =	smul.u32 $0x480, s1;
	[dreg:$0x6] =	wrdreg s21  }
0xc: {  	s26 =	ssub.s32 $0x2, s1;
	s12 =	smul.u32 $0x12000, s1;
	[dreg:$0x7] =	wrdreg s22  }
0xd: {  	s1 =	smul.u32 $0x18, s1;
	s17 =	simm.s32 $0x1;
	[dreg:$0x8] =	wrdreg s23  }
0xe: {  	s18 =	simm.s32 $0x2;
	[dreg:$0x9] =	wrdreg s24;
	s19 =	simm.s32 $0x80  }
0xf: {  	[dreg:$0xa] =	wrdreg s25;
	s20 =	simm.s32 $0x6600;
	s21 =	simm.s32 $0x5  }
0x10: {  	s22 =	simm.s32 $0x3;
	s23 =	simm.s32 $0xC600;
	s6 =	smul.u32 $0x480, s5  }
0x11: {  	s24 =	simm.s32 $0x6;
	s25 =	simm.s32 $0x4;
	s8 =	smul.u32 $0x2400, s5  }
0x12: {  	s5 =	smul.u32 $0x90000, s5;
	s9 =	sshrl.u32 s26, $0x1;
	s15 =	sadd.s32 s29, s7  }
0x13: {  	s16 =	sadd.s32 s13, s4;
	s29 =	simm.s32 $0x14600;
	s0 =	ssub.s32 s26, s9  }
0x14: {  	s11 =	sadd.s32 s31, s15;
	s26 =	simm.s32 $0x500;
	[dreg:$0xc] =	wrdreg s29  }
0x15: {  	s1 =	sadd.s32 s1, s14;
	s31 =	simm.s32 $0x16600;
	[dreg:$0xb] =	wrdreg s26  }
0x16: {  	s10 =	sadd.s32 s7, s6;
	s8 =	sshrl.u32 s8, $0x3;
	[dreg:$0xe] =	wrdreg s31  }
0x17: {  	s5 =	sshrl.u32 s5, $0x3;
	s0 =	smax.u32 s0, $0x1;
	[dreg:$0xf] =	wrdreg s10  }
0x18: {  	s1 =	smul.u32 $0x6000, s1;
	s30 =	sadd.s32 $0x30, s10;
	[dreg:$0x14] =	wrdreg s0  }
0x19: {  	s10 =	sadd.s32 $0x60, s10;
	s8 =	sadd.s32 s7, s8;
	[dreg:$0x10] =	wrdreg s30  }
0x1a: {  	s5 =	sadd.s32 s4, s5;
	[dreg:$0x11] =	wrdreg s10;
	s8 =	sadd.s32 $0x90, s8  }
0x1b: {  	s0 =	sadd.s32 s12, s16;
	s5 =	sadd.s32 $0x11400, s5;
	[dreg:$0x12] =	wrdreg s8  }
0x1c: {  	s14 =	simm.s32 $0x180;
	s0 =	sadd.s32 $0x1800, s0;
	[dreg:$0x13] =	wrdreg s5  }
0x1d: {  	s15 =	simm.s32 $0x300;
	s1 =	sadd.s32 $0xFFFFA000, s1;
	[dreg:$0x15] =	wrdreg s0  }
0x1e: {  	s26 =	simm.s32 $0x12600;
	s30 =	simm.s32 $0x580;
	[dreg:$0x16] =	wrdreg s1  }
0x1f: {  	s6 =	simm.s32 $0x0;
	s16 =	simm.s32 $0x480;
	[dreg:$0xd] =	wrdreg s30  }
.LBB2_1:
0x20: {  	s0 =	rddreg [dreg:$0xf]  }
0x21: {  	[tilespmem:s2], [sflag:$0x1] =	stream.linear.gather [hbm4b:s0+s2], $0x180, $0x38;
	[tilespmem:$0x18600] =	vst v63  }
0x22: {  	s30 =	rddreg [dreg:$0x10]  }
0x23: {  	[tilespmem:s14], [sflag:$0x2] =	stream.linear.gather [hbm4b:s30+s2], $0x180, $0x38;
	[tilespmem:$0x18600] =	vst v63  }
0x24: {  	s1 =	rddreg [dreg:$0x11]  }
0x25: {  	[tilespmem:s15], [sflag:$0x3] =	stream.linear.gather [hbm4b:s1+s2], $0x180, $0x38;
	[tilespmem:$0x18600] =	vst v63  }
0x26: {  	s5 =	rddreg [dreg:$0x12]  }
0x27: {  	[tilespmem:s16], [sflag:$0x4] =	stream.linear.gather [hbm4b:s5+s2], $0x180, $0x38;
	[tilespmem:$0x18600] =	vst v63  }
0x28: {  	p0 =	por $0x1, $0x1;
	_ =	swait.ge [sflag:s17], $0x180  }
0x29: {  	s0 =	simm.s32 @p0 $0x80;
	[sflag:s17] =	ssyncset.done $0x0  }
0x2a: {  	s1 =	simm.s32 @p0 $0x0;
	s5 =	simm.s32 @p0 $0x600;
	[sflag:s17] =	ssyncadd.s32 $0xFFFFFE80  }
0x2b: {  	[tilespmem:s5], [sflag:$0x5] =	stream.indirect.gather @p0 [hbm4b:s3+s0], $0x40, s1, s0, $0xb8;
	[tilespmem:$0x18600] =	vst v63  }
0x2c: {  	s1 =	simm.s32 @p0 $0x2600  }
0x2d: {  	[tilespmem:s1], [sflag:$0x5] =	stream.indirect.gather @p0 [hbm4b:s3+s0], $0x40, s0, s0, $0xb8;
	[tilespmem:$0x18600] =	vst v63  }
0x2e: {  	s7 =	simm.s32 @!p0 $0x9;
	s5 =	simm.s32 @p0 $0x4600;
	s1 =	simm.s32 @p0 $0x100  }
0x2f: {  	[tilespmem:s5], [sflag:$0x5] =	stream.indirect.gather @p0 [hbm4b:s3+s0], $0x40, s1, s0, $0xb8;
	[tilespmem:$0x18600] =	vst v63  }
0x30: {  	_ =	swait.ge @!p0 [sflag:s7], $0x6000  }
0x31: {  	s0 =	simm.s32 @!p0 $0x600;
	[sflag:s7] =	ssyncset.done @!p0 $0x0  }
0x32: {  	s1 =	simm.s32 @!p0 $0x80;
	s5 =	simm.s32 @!p0 $0x0;
	[sflag:s7] =	ssyncadd.s32 @!p0 $0xFFFFA000  }
0x33: {  	[tilespmem:s0], [sflag:$0x5] =	stream.indirect.gather @!p0 [hbm4b:s3+s1], $0x40, s5, s1, $0xb8;
	[tilespmem:$0x18600] =	vst v63  }
0x34: {  	s0 =	simm.s32 @!p0 $0x2600  }
0x35: {  	[tilespmem:s0], [sflag:$0x5] =	stream.indirect.gather @!p0 [hbm4b:s3+s1], $0x40, s1, s1, $0xb8;
	[tilespmem:$0x18600] =	vst v63  }
0x36: {  	s8 =	simm.s32 @!p0 $0x8;
	s7 =	simm.s32 @!p0 $0x4600;
	s0 =	simm.s32 @!p0 $0x100  }
0x37: {  	[tilespmem:s7], [sflag:$0x5] =	stream.indirect.gather @!p0 [hbm4b:s3+s1], $0x40, s0, s1, $0xb8;
	[tilespmem:$0x18600] =	vst v63  }
0x38: {  	_ =	swait.ge @!p0 [sflag:s8], $0x2000  }
0x39: {  	[sflag:s8] =	ssyncset.done @!p0 $0x0  }
0x3a: {  	[sflag:s8] =	ssyncadd.s32 @!p0 $0xFFFFE000  }
0x3b: {  	_ =	swait.ge @!p0 [sflag:s8], $0x2000  }
0x3c: {  	[sflag:s8] =	ssyncset.done @!p0 $0x0  }
0x3d: {  	[sflag:s8] =	ssyncadd.s32 @!p0 $0xFFFFE000  }
0x3e: {  	s0 =	sadd.s32 @!p0 $0x0, s11;
	_ =	swait.ge @!p0 [sflag:s8], $0x2000  }
0x3f: {  	s7 =	simm.s32 @!p0 $0x480;
	[sflag:s8] =	ssyncset.done @!p0 $0x0;
	s12 =	rddreg [dreg:$0x16]  }
0x40: {  	s0 =	sadd.s32 @!p0 $0x90, s0;
	s1 =	sshrl.u32 @!p0 s12, $0x3;
	[sflag:s8] =	ssyncadd.s32 @!p0 $0xFFFFE000  }
0x41: {  	[tilespmem:s7], [sflag:$0x4] =	stream.linear.gather @!p0 [hbm4b:s0+s5], $0x180, $0x38;
	[tilespmem:$0x18600] =	vst v63  }
0x42: {  	s0 =	sadd.s32 @!p0 s4, s1;
	s1 =	simm.s32 @!p0 $0x12600  }
0x43: {  	[hbm4b:s0+s5] =	stream.linear.scatter @!p0 [tilespmem:s1], [sflag:$0xC], $0x6000, $0x38;
	[tilespmem:$0x18600] =	vst v63  }
0x44: {  	_ =	swait.ge [sflag:s18], $0x180  }
0x45: {  	[sflag:s18] =	ssyncset.done $0x0  }
0x46: {  	s0 =	simm.s32 @!p0 $0xA;
	[sflag:s18] =	ssyncadd.s32 $0xFFFFFE80  }
0x47: {  	_ =	swait.ge @!p0 [sflag:s0], $0x6000  }
0x48: {  	s7 =	rddreg [dreg:$0x2];
	[sflag:s0] =	ssyncset.done @!p0 $0x0  }
0x49: {  	s8 =	rddreg [dreg:$0x3];
	[sflag:s0] =	ssyncadd.s32 @!p0 $0xFFFFA000  }
0x4a: {  	[tilespmem:s20], [sflag:$0x6] =	stream.indirect.gather [hbm4b:s3+s19], $0x40, s14, s19, $0xb8;
	[tilespmem:$0x18600] =	vst v63  }
0x4b: {  	s9 =	rddreg [dreg:$0x5]  }
0x4c: {  	[tilespmem:s8], [sflag:$0x6] =	stream.indirect.gather [hbm4b:s3+s19], $0x40, s7, s19, $0xb8;
	[tilespmem:$0x18600] =	vst v63  }
0x4d: {  	s10 =	rddreg [dreg:$0x4]  }
0x4e: {  	[tilespmem:s9], [sflag:$0x6] =	stream.indirect.gather [hbm4b:s3+s19], $0x40, s10, s19, $0xb8;
	[tilespmem:$0x18600] =	vst v63  }
0x4f: {  	_ =	swait.ge [sflag:s21], $0x2000  }
0x50: {  	[sflag:s21] =	ssyncset.done $0x0  }
0x51: {  	[sflag:s21] =	ssyncadd.s32 $0xFFFFE000  }
0x52: {  	_ =	swait.ge [sflag:s21], $0x2000  }
0x53: {  	[sflag:s21] =	ssyncset.done $0x0  }
0x54: {  	[sflag:s21] =	ssyncadd.s32 $0xFFFFE000  }
0x55: {  	p2 =	por $0x0, $0x0;
	_ =	swait.ge [sflag:s21], $0x2000  }
0x56: {  	s5 =	simm.s32 @!p2 $0x0;
	s0 =	sadd.s32 @!p2 $0x0, s11;
	[sflag:s21] =	ssyncset.done $0x0  }
0x57: {  	s1 =	sadd.s32 @!p2 $0xC0, s0;
	s10 =	rddreg [dreg:$0x15];
	[sflag:s21] =	ssyncadd.s32 $0xFFFFE000  }
0x58: {  	[tilespmem:s5], [sflag:$0x1] =	stream.linear.gather @!p2 [hbm4b:s1+s5], $0x180, $0x38;
	[tilespmem:$0x18600] =	vst v63  }
0x59: {  	s13 =	rddreg [dreg:$0x6];
	s29 =	sadd.s32 $0xFFFFE800, s10  }
0x5a: {  	[hbm4b:s29+s2] =	stream.linear.scatter [tilespmem:s13], [sflag:$0x9], $0x6000, $0x38;
	[tilespmem:$0x18600] =	vst v63  }
0x5b: {  	_ =	swait.ge [sflag:s22], $0x180  }
0x5c: {  	[sflag:s22] =	ssyncset.done $0x0  }
0x5d: {  	s1 =	simm.s32 @!p0 $0xB;
	[sflag:s22] =	ssyncadd.s32 $0xFFFFFE80  }
0x5e: {  	_ =	swait.ge @!p0 [sflag:s1], $0x6000  }
0x5f: {  	s30 =	rddreg [dreg:$0x9];
	[sflag:s1] =	ssyncset.done @!p0 $0x0  }
0x60: {  	s13 =	rddreg [dreg:$0x7];
	[sflag:s1] =	ssyncadd.s32 @!p0 $0xFFFFA000  }
0x61: {  	[tilespmem:s23], [sflag:$0x7] =	stream.indirect.gather [hbm4b:s3+s19], $0x40, s15, s19, $0xb8;
	[tilespmem:$0x18600] =	vst v63  }
0x62: {  	s29 =	rddreg [dreg:$0x8]  }
0x63: {  	[tilespmem:s29], [sflag:$0x7] =	stream.indirect.gather [hbm4b:s3+s19], $0x40, s13, s19, $0xb8;
	[tilespmem:$0x18600] =	vst v63  }
0x64: {  	s9 =	rddreg [dreg:$0xa]  }
0x65: {  	[tilespmem:s9], [sflag:$0x7] =	stream.indirect.gather [hbm4b:s3+s19], $0x40, s30, s19, $0xb8;
	[tilespmem:$0x18600] =	vst v63  }
0x66: {  	_ =	swait.ge [sflag:s24], $0x2000  }
0x67: {  	[sflag:s24] =	ssyncset.done $0x0  }
0x68: {  	[sflag:s24] =	ssyncadd.s32 $0xFFFFE000  }
0x69: {  	_ =	swait.ge [sflag:s24], $0x2000  }
0x6a: {  	[sflag:s24] =	ssyncset.done $0x0  }
0x6b: {  	[sflag:s24] =	ssyncadd.s32 $0xFFFFE000  }
0x6c: {  	_ =	swait.ge [sflag:s24], $0x2000  }
0x6d: {  	[sflag:s24] =	ssyncset.done $0x0  }
0x6e: {  	s7 =	simm.s32 @!p2 $0x180;
	s1 =	sadd.s32 @!p2 $0xF0, s0;
	[sflag:s24] =	ssyncadd.s32 $0xFFFFE000  }
0x6f: {  	[tilespmem:s7], [sflag:$0x2] =	stream.linear.gather @!p2 [hbm4b:s1+s5], $0x180, $0x38;
	[tilespmem:$0x18600] =	vst v63  }
0x70: {  	s30 =	sadd.s32 $0xFFFFF400, s10  }
0x71: {  	[hbm4b:s30+s2] =	stream.linear.scatter [tilespmem:s20], [sflag:$0xA], $0x6000, $0x38;
	[tilespmem:$0x18600] =	vst v63  }
0x72: {  	_ =	swait.ge [sflag:s25], $0x180  }
0x73: {  	[sflag:s25] =	ssyncset.done $0x0  }
0x74: {  	s31 =	sadd.s32 @!p2 $0x120, s0;
	s1 =	simm.s32 @!p0 $0xC;
	[sflag:s25] =	ssyncadd.s32 $0xFFFFFE80  }
0x75: {  	s8 =	sadd.s32 $0x18000, s12;
	s12 =	smov.u32 s10;
	_ =	swait.ge @!p0 [sflag:s1], $0x6000  }
0x76: {  	s9 =	smov.u32 s10;
	[sflag:s1] =	ssyncset.done @!p0 $0x0;
	s0 =	rddreg [dreg:$0xb]  }
0x77: {  	s7 =	simm.s32 $0xC0;
	[sflag:s1] =	ssyncadd.s32 @!p0 $0xFFFFA000;
	s1 =	rddreg [dreg:$0xc]  }
.LBB2_2:
0x78: {  	[tilespmem:s26], [sflag:$0x8] =	stream.indirect.gather [hbm4b:s3+s19], $0x40, s16, s19, $0xb8;
	[tilespmem:$0x18600] =	vst v63  }
0x79: {  	s13 =	rddreg [dreg:$0xe]  }
0x7a: {  	[tilespmem:s1], [sflag:$0x8] =	stream.indirect.gather [hbm4b:s3+s19], $0x40, s0, s19, $0xb8;
	[tilespmem:$0x18600] =	vst v63  }
0x7b: {  	s10 =	rddreg [dreg:$0xd]  }
0x7c: {  	[tilespmem:s13], [sflag:$0x8] =	stream.indirect.gather [hbm4b:s3+s19], $0x40, s10, s19, $0xb8;
	[tilespmem:$0x18600] =	vst v63  }
0x7d: {  	_ =	swait.ge [sflag:s28], $0x2000  }
0x7e: {  	[sflag:s28] =	ssyncset.done $0x0  }
0x7f: {  	[sflag:s28] =	ssyncadd.s32 $0xFFFFE000  }
0x80: {  	_ =	swait.ge [sflag:s28], $0x2000  }
0x81: {  	[sflag:s28] =	ssyncset.done $0x0  }
0x82: {  	[sflag:s28] =	ssyncadd.s32 $0xFFFFE000  }
0x83: {  	_ =	swait.ge [sflag:s28], $0x2000  }
0x84: {  	[sflag:s28] =	ssyncset.done $0x0  }
0x85: {  	s0 =	simm.s32 @!p2 $0x300;
	[sflag:s28] =	ssyncadd.s32 $0xFFFFE000  }
0x86: {  	[tilespmem:s0], [sflag:$0x3] =	stream.linear.gather @!p2 [hbm4b:s31+s5], $0x180, $0x38;
	[tilespmem:$0x18600] =	vst v63  }
0x87: {  	s30 =	smov.u32 s7  }
0x88: {  	[hbm4b:s9+s2] =	stream.linear.scatter [tilespmem:s23], [sflag:$0xB], $0x6000, $0x38;
	[tilespmem:$0x18600] =	vst v63  }
0x89: {  	p1 =	seq.s32 s30, $0x0;
	_ =	swait.ge [sflag:s17], $0x180  }
0x8a: {  	s1 =	simm.s32 @p1 $0x0;
	[sflag:s17] =	ssyncset.done $0x0  }
0x8b: {  	s0 =	simm.s32 @p1 $0x80;
	s5 =	simm.s32 @p1 $0x600;
	[sflag:s17] =	ssyncadd.s32 $0xFFFFFE80  }
0x8c: {  	[tilespmem:s5], [sflag:$0x5] =	stream.indirect.gather @p1 [hbm4b:s3+s0], $0x40, s1, s0, $0xb8;
	[tilespmem:$0x18600] =	vst v63  }
0x8d: {  	s1 =	simm.s32 @p1 $0x2600  }
0x8e: {  	[tilespmem:s1], [sflag:$0x5] =	stream.indirect.gather @p1 [hbm4b:s3+s0], $0x40, s0, s0, $0xb8;
	[tilespmem:$0x18600] =	vst v63  }
0x8f: {  	s13 =	simm.s32 @p1 $0x4600;
	s31 =	simm.s32 @!p1 $0x9;
	s1 =	simm.s32 @p1 $0x100  }
0x90: {  	[tilespmem:s13], [sflag:$0x5] =	stream.indirect.gather @p1 [hbm4b:s3+s0], $0x40, s1, s0, $0xb8;
	[tilespmem:$0x18600] =	vst v63  }
0x91: {  	_ =	swait.ge @!p1 [sflag:s31], $0x6000  }
0x92: {  	s0 =	simm.s32 @!p1 $0x600;
	[sflag:s31] =	ssyncset.done @!p1 $0x0  }
0x93: {  	s1 =	simm.s32 @!p1 $0x80;
	s13 =	simm.s32 @!p1 $0x0;
	[sflag:s31] =	ssyncadd.s32 @!p1 $0xFFFFA000  }
0x94: {  	[tilespmem:s0], [sflag:$0x5] =	stream.indirect.gather @!p1 [hbm4b:s3+s1], $0x40, s13, s1, $0xb8;
	[tilespmem:$0x18600] =	vst v63  }
0x95: {  	s0 =	simm.s32 @!p1 $0x2600  }
0x96: {  	[tilespmem:s0], [sflag:$0x5] =	stream.indirect.gather @!p1 [hbm4b:s3+s1], $0x40, s1, s1, $0xb8;
	[tilespmem:$0x18600] =	vst v63  }
0x97: {  	s29 =	simm.s32 @!p1 $0x8;
	s31 =	simm.s32 @!p1 $0x4600;
	s0 =	simm.s32 @!p1 $0x100  }
0x98: {  	[tilespmem:s31], [sflag:$0x5] =	stream.indirect.gather @!p1 [hbm4b:s3+s1], $0x40, s0, s1, $0xb8;
	[tilespmem:$0x18600] =	vst v63  }
0x99: {  	_ =	swait.ge @!p1 [sflag:s29], $0x2000  }
0x9a: {  	[sflag:s29] =	ssyncset.done @!p1 $0x0  }
0x9b: {  	[sflag:s29] =	ssyncadd.s32 @!p1 $0xFFFFE000  }
0x9c: {  	_ =	swait.ge @!p1 [sflag:s29], $0x2000  }
0x9d: {  	[sflag:s29] =	ssyncset.done @!p1 $0x0  }
0x9e: {  	[sflag:s29] =	ssyncadd.s32 @!p1 $0xFFFFE000  }
0x9f: {  	s9 =	sadd.s32 @!p1 s30, s11;
	_ =	swait.ge @!p1 [sflag:s29], $0x2000  }
0xa0: {  	s10 =	sadd.s32 @!p1 $0x90, s9;
	[sflag:s29] =	ssyncset.done @!p1 $0x0  }
0xa1: {  	s9 =	sshrl.u32 @!p1 s8, $0x3;
	s0 =	simm.s32 @!p1 $0x480;
	[sflag:s29] =	ssyncadd.s32 @!p1 $0xFFFFE000  }
0xa2: {  	[tilespmem:s0], [sflag:$0x4] =	stream.linear.gather @!p1 [hbm4b:s10+s13], $0x180, $0x38;
	[tilespmem:$0x18600] =	vst v63  }
0xa3: {  	s5 =	sadd.s32 @!p1 s4, s9;
	s0 =	simm.s32 @!p1 $0x12600  }
0xa4: {  	[hbm4b:s5+s13] =	stream.linear.scatter @!p1 [tilespmem:s0], [sflag:$0xC], $0x6000, $0x38;
	[tilespmem:$0x18600] =	vst v63  }
0xa5: {  	_ =	swait.ge [sflag:s18], $0x180  }
0xa6: {  	[sflag:s18] =	ssyncset.done $0x0  }
0xa7: {  	s0 =	simm.s32 @!p1 $0xA;
	[sflag:s18] =	ssyncadd.s32 $0xFFFFFE80  }
0xa8: {  	_ =	swait.ge @!p1 [sflag:s0], $0x6000  }
0xa9: {  	[sflag:s0] =	ssyncset.done @!p1 $0x0;
	s5 =	rddreg [dreg:$0x2]  }
0xaa: {  	s10 =	rddreg [dreg:$0x3];
	[sflag:s0] =	ssyncadd.s32 @!p1 $0xFFFFA000  }
0xab: {  	[tilespmem:s20], [sflag:$0x6] =	stream.indirect.gather [hbm4b:s3+s19], $0x40, s14, s19, $0xb8;
	[tilespmem:$0x18600] =	vst v63  }
0xac: {  	s13 =	rddreg [dreg:$0x5]  }
0xad: {  	[tilespmem:s10], [sflag:$0x6] =	stream.indirect.gather [hbm4b:s3+s19], $0x40, s5, s19, $0xb8;
	[tilespmem:$0x18600] =	vst v63  }
0xae: {  	s29 =	rddreg [dreg:$0x4]  }
0xaf: {  	[tilespmem:s13], [sflag:$0x6] =	stream.indirect.gather [hbm4b:s3+s19], $0x40, s29, s19, $0xb8;
	[tilespmem:$0x18600] =	vst v63  }
0xb0: {  	_ =	swait.ge [sflag:s21], $0x2000  }
0xb1: {  	[sflag:s21] =	ssyncset.done $0x0  }
0xb2: {  	[sflag:s21] =	ssyncadd.s32 $0xFFFFE000  }
0xb3: {  	_ =	swait.ge [sflag:s21], $0x2000  }
0xb4: {  	[sflag:s21] =	ssyncset.done $0x0  }
0xb5: {  	[sflag:s21] =	ssyncadd.s32 $0xFFFFE000  }
0xb6: {  	p2 =	seq.s32 s30, $0x3C0;
	_ =	swait.ge [sflag:s21], $0x2000  }
0xb7: {  	s12 =	sadd.s32 $0x3000, s12;
	s0 =	sadd.s32 @!p2 s30, s11;
	[sflag:s21] =	ssyncset.done $0x0  }
0xb8: {  	s1 =	sadd.s32 @!p2 $0xC0, s0;
	s5 =	simm.s32 @!p2 $0x0;
	[sflag:s21] =	ssyncadd.s32 $0xFFFFE000  }
0xb9: {  	[tilespmem:s5], [sflag:$0x1] =	stream.linear.gather @!p2 [hbm4b:s1+s5], $0x180, $0x38;
	[tilespmem:$0x18600] =	vst v63  }
0xba: {  	s29 =	sadd.s32 $0xFFFFE800, s12;
	s30 =	rddreg [dreg:$0x6]  }
0xbb: {  	[hbm4b:s29+s2] =	stream.linear.scatter [tilespmem:s30], [sflag:$0x9], $0x6000, $0x38;
	[tilespmem:$0x18600] =	vst v63  }
0xbc: {  	_ =	swait.ge [sflag:s22], $0x180  }
0xbd: {  	s31 =	sadd.s32 @!p2 $0x120, s0;
	[sflag:s22] =	ssyncset.done $0x0  }
0xbe: {  	s13 =	sadd.s32 @!p2 $0xF0, s0;
	s0 =	simm.s32 @!p1 $0xB;
	[sflag:s22] =	ssyncadd.s32 $0xFFFFFE80  }
0xbf: {  	_ =	swait.ge @!p1 [sflag:s0], $0x6000  }
0xc0: {  	[sflag:s0] =	ssyncset.done @!p1 $0x0;
	s1 =	rddreg [dreg:$0x9]  }
0xc1: {  	s10 =	rddreg [dreg:$0x8];
	[sflag:s0] =	ssyncadd.s32 @!p1 $0xFFFFA000  }
0xc2: {  	[tilespmem:s23], [sflag:$0x7] =	stream.indirect.gather [hbm4b:s3+s19], $0x40, s15, s19, $0xb8;
	[tilespmem:$0x18600] =	vst v63  }
0xc3: {  	s0 =	rddreg [dreg:$0x7]  }
0xc4: {  	[tilespmem:s10], [sflag:$0x7] =	stream.indirect.gather [hbm4b:s3+s19], $0x40, s0, s19, $0xb8;
	[tilespmem:$0x18600] =	vst v63  }
0xc5: {  	s30 =	rddreg [dreg:$0xa]  }
0xc6: {  	[tilespmem:s30], [sflag:$0x7] =	stream.indirect.gather [hbm4b:s3+s19], $0x40, s1, s19, $0xb8;
	[tilespmem:$0x18600] =	vst v63  }
0xc7: {  	_ =	swait.ge [sflag:s24], $0x2000  }
0xc8: {  	[sflag:s24] =	ssyncset.done $0x0  }
0xc9: {  	[sflag:s24] =	ssyncadd.s32 $0xFFFFE000  }
0xca: {  	_ =	swait.ge [sflag:s24], $0x2000  }
0xcb: {  	[sflag:s24] =	ssyncset.done $0x0  }
0xcc: {  	[sflag:s24] =	ssyncadd.s32 $0xFFFFE000  }
0xcd: {  	_ =	swait.ge [sflag:s24], $0x2000  }
0xce: {  	[sflag:s24] =	ssyncset.done $0x0  }
0xcf: {  	s0 =	simm.s32 @!p2 $0x180;
	[sflag:s24] =	ssyncadd.s32 $0xFFFFE000  }
0xd0: {  	[tilespmem:s0], [sflag:$0x2] =	stream.linear.gather @!p2 [hbm4b:s13+s5], $0x180, $0x38;
	[tilespmem:$0x18600] =	vst v63  }
0xd1: {  	s7 =	sadd.s32 $0xC0, s7;
	s30 =	sadd.s32 $0xFFFFF400, s12  }
0xd2: {  	[hbm4b:s30+s2] =	stream.linear.scatter [tilespmem:s20], [sflag:$0xA], $0x6000, $0x38;
	[tilespmem:$0x18600] =	vst v63  }
0xd3: {  	p0 =	sne.s32 s7, $0x480;
	_ =	swait.ge [sflag:s25], $0x180  }
.Ltmp0:
0xd4: {  	[sflag:s25] =	ssyncset.done $0x0;
	(pc) =	sbr.rel @p0 .LBB2_2-.Ltmp0, $4  }
0xd5: {  	s1 =	simm.s32 @!p1 $0xC;
	[sflag:s25] =	ssyncadd.s32 $0xFFFFFE80  }
0xd6: {  	_ =	swait.ge @!p1 [sflag:s1], $0x6000  }
0xd7: {  	s8 =	sadd.s32 $0x18000, s8;
	[sflag:s1] =	ssyncset.done @!p1 $0x0;
	s0 =	rddreg [dreg:$0xb]  }
0xd8: {  	s9 =	smov.u32 s12;
	[sflag:s1] =	ssyncadd.s32 @!p1 $0xFFFFA000;
	s1 =	rddreg [dreg:$0xc]  }
0xd9: {  	[tilespmem:s26], [sflag:$0x8] =	stream.indirect.gather [hbm4b:s3+s19], $0x40, s16, s19, $0xb8;
	[tilespmem:$0x18600] =	vst v63  }
0xda: {  	s7 =	rddreg [dreg:$0xe]  }
0xdb: {  	[tilespmem:s1], [sflag:$0x8] =	stream.indirect.gather [hbm4b:s3+s19], $0x40, s0, s19, $0xb8;
	[tilespmem:$0x18600] =	vst v63  }
0xdc: {  	s8 =	rddreg [dreg:$0xd]  }
0xdd: {  	[tilespmem:s7], [sflag:$0x8] =	stream.indirect.gather [hbm4b:s3+s19], $0x40, s8, s19, $0xb8;
	[tilespmem:$0x18600] =	vst v63  }
0xde: {  	_ =	swait.ge [sflag:s28], $0x2000  }
0xdf: {  	[sflag:s28] =	ssyncset.done $0x0  }
0xe0: {  	[sflag:s28] =	ssyncadd.s32 $0xFFFFE000  }
0xe1: {  	_ =	swait.ge [sflag:s28], $0x2000  }
0xe2: {  	[sflag:s28] =	ssyncset.done $0x0  }
0xe3: {  	[sflag:s28] =	ssyncadd.s32 $0xFFFFE000  }
0xe4: {  	_ =	swait.ge [sflag:s28], $0x2000  }
0xe5: {  	[sflag:s28] =	ssyncset.done $0x0  }
0xe6: {  	s0 =	simm.s32 @!p2 $0x300;
	[sflag:s28] =	ssyncadd.s32 $0xFFFFE000  }
0xe7: {  	[tilespmem:s0], [sflag:$0x3] =	stream.linear.gather @!p2 [hbm4b:s31+s5], $0x180, $0x38;
	[tilespmem:$0x18600] =	vst v63  }
0xe8: {  	_ = 	snop  }
0xe9: {  	[hbm4b:s9+s2] =	stream.linear.scatter [tilespmem:s23], [sflag:$0xB], $0x6000, $0x38;
	[tilespmem:$0x18600] =	vst v63  }
0xea: {  	s9 =	simm.s32 $0x8  }
0xeb: {  	_ =	swait.ge [sflag:s9], $0x2000  }
0xec: {  	[sflag:s9] =	ssyncset.done $0x0  }
0xed: {  	[sflag:s9] =	ssyncadd.s32 $0xFFFFE000  }
0xee: {  	_ =	swait.ge [sflag:s9], $0x2000  }
0xef: {  	[sflag:s9] =	ssyncset.done $0x0  }
0xf0: {  	[sflag:s9] =	ssyncadd.s32 $0xFFFFE000  }
0xf1: {  	_ =	swait.ge [sflag:s9], $0x2000  }
0xf2: {  	[sflag:s9] =	ssyncset.done $0x0  }
0xf3: {  	s12 =	simm.s32 $0x9;
	s10 =	rddreg [dreg:$0x13];
	[sflag:s9] =	ssyncadd.s32 $0xFFFFE000  }
0xf4: {  	[hbm4b:s10+s2] =	stream.linear.scatter [tilespmem:s26], [sflag:$0xC], $0x6000, $0x38;
	[tilespmem:$0x18600] =	vst v63  }
0xf5: {  	_ =	swait.ge [sflag:s12], $0x6000  }
0xf6: {  	[sflag:s12] =	ssyncset.done $0x0  }
0xf7: {  	s13 =	simm.s32 $0xA;
	[sflag:s12] =	ssyncadd.s32 $0xFFFFA000  }
0xf8: {  	_ =	swait.ge [sflag:s13], $0x6000  }
0xf9: {  	[sflag:s13] =	ssyncset.done $0x0  }
0xfa: {  	s29 =	simm.s32 $0xB;
	[sflag:s13] =	ssyncadd.s32 $0xFFFFA000  }
0xfb: {  	_ =	swait.ge [sflag:s29], $0x6000  }
0xfc: {  	[sflag:s29] =	ssyncset.done $0x0  }
0xfd: {  	s30 =	simm.s32 $0xC;
	[sflag:s29] =	ssyncadd.s32 $0xFFFFA000  }
0xfe: {  	_ =	swait.ge [sflag:s30], $0x6000  }
0xff: {  	s6 =	sadd.s32 $0x1, s6;
	s31 =	rddreg [dreg:$0x14]  }
0x100: {  	p0 =	sne.s32 s6, s31  }
.Ltmp1:
0x101: {  	_ = 	snop;
	(pc) =	sbr.rel @p0 .LBB2_1-.Ltmp1, $3  }
0x102: {  	_ =	sdelay $0x1  }
0x103: {  	[sflag:s30] =	ssyncset.done $0x0  }
0x104: {  	[sflag:s30] =	ssyncadd.s32 $0xFFFFA000  }
0x105: {  	_ =	sfence.sel $0x180000  }
0x106: {  	[bflag:$0x0] =	sbarrier.arrive $0xFFFF  }
0x107: {  	_ =	strace $0x9000004A  }
0x108: {  	s0 =	stileid.u32;
	[bflag:$0x2] =	sbarrier.arrive $0xFFFF  }
0x109: {  	p0 =	sne.s32 s0, $0x0;
	s0 =	rddreg [dreg:$0x1]  }
0x10a: {  	s0 =	sadd.s32 @!p0 $0x100000, s0  }
0x10b: {  	[sflag:s0] =	ssyncadd.tile.s32 @!p0 $0x1;
	_ =	shalt  }
.Lfunc_end2:
_tile_overlayer_lowered:
.L_overlay_start_2:
0x10c: {  	(tag) =	ssettag $0x2  }
0x10d: {  	s0 =	rddreg [dreg:$0x0];
	s2 =	stileid.u32  }
0x10e: {  	s1 =	rddreg [dreg:$0x1];
	p0 =	sne.s32 s2, $0x0  }
0x10f: {  	s3 =	rddreg [dreg:$0x2];
	[bflag:$0x3] =	sbarrier.arrive $0xFFFF;
	s2 =	simm.s32 @!p0 $0x1C0D  }
0x110: {  	[timem:s3], [sflag:s2] =	dma.local @!p0 [hbm:s0], s1  }
0x111: {  	s0 =	simm.s32 @!p0 $0xD  }
0x112: {  	_ =	swait.ge @!p0 [sflag:s0], s1  }
0x113: {  	s1 =	ssub.s32 @!p0 $0x0, s1;
	[sflag:s0] =	ssyncset.done @!p0 $0x0  }
0x114: {  	[sflag:s0] =	ssyncadd.s32 @!p0 s1  }
0x115: {  	[bflag:$0x3] =	sbarrier.arrive $0xFFFF  }
0x116: {  	_ =	shalt  }

// kernel: kernel.9.cloned.1.call-start
scs
__scs_entry_jumppad:
0x0: {  	(pc) =	sbr.rel $0x88, $3  }
0x1: {  	(tag) =	ssettag $0x0;
	lr =	simm.s32 $0x1  }
0x2: {  	[smem:$0x3F9B] =	sst lr;
	_ =	strace $0xD0000000  }
0x3: {  	_ = 	snop  }
0x4: {  	_ = 	snop  }
0x5: {  	_ = 	snop  }
0x6: {  	_ = 	snop  }
0x7: {  	_ = 	snop  }
__scs_overlays_trampoline_lowered:
0x8: {  	[smem:$0x3FAA] =	sst s0  }
0x9: {  	[smem:$0x3FAB] =	sst s1  }
0xa: {  	[smem:$0x3FAC] =	sst s2  }
0xb: {  	[smem:$0x3FAD] =	sst s3  }
0xc: {  	[smem:$0x3FAE] =	sst s4  }
0xd: {  	[smem:$0x3FAF] =	sst s5  }
0xe: {  	[smem:$0x3FB0] =	sst s6  }
0xf: {  	[smem:$0x3FB1] =	sst s7  }
0x10: {  	[smem:$0x3FB2] =	sst s8  }
0x11: {  	[smem:$0x3FB3] =	sst s9;
	s0 =	simm.s32 @!p0 $0x0  }
0x12: {  	s1 =	sld [smem:$0x3F99];
	s0 =	simm.s32 @p0 $0x1  }
0x13: {  	[smem:$0x3FB4] =	sst s0;
	s0 =	simm.s32 @!p1 $0x0  }
0x14: {  	s2 =	sld [smem:$0x3F98];
	s0 =	simm.s32 @p1 $0x1  }
0x15: {  	[smem:$0x3FB5] =	sst s0;
	s0 =	simm.s32 @!p2 $0x0  }
0x16: {  	s3 =	sld [smem:$0x3FDB];
	s0 =	simm.s32 @p2 $0x1  }
0x17: {  	s4 =	simm.s32 $0x1BF5;
	[smem:$0x3FB7] =	sst s0  }
0x18: {  	s0 =	sld [smem:$0x3F9A];
	_ =	swait.ge [sflag:s4], $0x0  }
0x19: {  	s7 =	sld [smem:$0x3F9B]  }
0x1a: {  	s8 =	sadd.s32 $0xFFFFE003, lr  }
0x1b: {  	s9 =	sadd.s32 $0xFFFFFEF7, lr;
	s5 =	simm.s32 $0xFFFFFFFF;
	p2 =	slt.u32 s8, $0xFFFFF086  }
0x1c: {  	p1 =	slt.u32 s9, $0xF7A;
	s5 =	simm.s32 @!p2 $0x0  }
0x1d: {  	s5 =	simm.s32 @p1 $0x1;
	p0 =	seq.s32 s7, s2  }
0x1e: {  	s7 =	smul.u32 @!p0 $0xF7A, s2;
	p2 =	seq.s32 @!p0 s5, $0x0  }
0x1f: {  	s9 =	smul.u32 $0xF7A, s1;
	s8 =	simm.s32 @!p0 $0x1BF5;
	p2 =	por !p2, p0  }
0x20: {  	[sflag:s8] =	ssyncset.s32 @!p0 $0xFFFFF086;
	s6 =	sadd.s32 @!p0 s3, s7;
	s7 =	simm.s32 @!p0 $0x108  }
0x21: {  	s3 =	sadd.s32 s3, s9;
	s6 =	sadd.s32 @!p0 $0x88, s6;
	s7 =	simm.s32 @p2 $0x1082  }
0x22: {  	[simem:s7], [sflag:s8] =	dma.local @!p0 [hbm:s6], $0xF7A  }
0x23: {  	s9 =	sor.u32 $0xD0000000, s2;
	s6 =	simm.s32 $0x108;
	_ =	swait.ge @!p0 [sflag:s8], $0x0  }
0x24: {  	s3 =	sadd.s32 $0x88, s3;
	s6 =	simm.s32 @!p1 $0x1082;
	[sflag:s4] =	ssyncset.s32 $0xFFFFF086  }
0x25: {  	[simem:s6], [sflag:s4] =	dma.local [hbm:s3], $0xF7A  }
0x26: {  	[smem:$0x3F9B] =	sst s1;
	(tag) =	ssettag s2;
	_ =	strace s9  }
0x27: {  	s1 =	sld [smem:$0x3FAB]  }
0x28: {  	s2 =	sld [smem:$0x3FAC]  }
0x29: {  	s4 =	sld [smem:$0x3FAE]  }
0x2a: {  	p0 =	seq.s32 s5, $0x0;
	s5 =	sld [smem:$0x3FAF]  }
0x2b: {  	s6 =	sld [smem:$0x3FB0]  }
0x2c: {  	s7 =	sld [smem:$0x3FB1]  }
0x2d: {  	s3 =	simm.s32 $0x108;
	s8 =	sld [smem:$0x3FB2]  }
0x2e: {  	s3 =	simm.s32 @!p0 $0x1082;
	s9 =	sld [smem:$0x3FB3]  }
0x2f: {  	lr =	sadd.s32 s0, s3;
	s0 =	sld [smem:$0x3FAA]  }
0x30: {  	s3 =	sld [smem:$0x3FAD]  }
0x31: {  	[smem:$0x3FB6] =	sst s10  }
0x32: {  	s10 =	sld [smem:$0x3FB4];
	_ =	sdelay $0x3  }
0x33: {  	p0 =	seq.s32 s10, $0x1;
	s10 =	sld [smem:$0x3FB6];
	_ =	sdelay $0x3  }
0x34: {  	[smem:$0x3FB6] =	sst s10  }
0x35: {  	s10 =	sld [smem:$0x3FB5];
	_ =	sdelay $0x3  }
0x36: {  	p1 =	seq.s32 s10, $0x1;
	s10 =	sld [smem:$0x3FB6];
	_ =	sdelay $0x3  }
0x37: {  	[smem:$0x3FB6] =	sst s10  }
0x38: {  	s10 =	sld [smem:$0x3FB7]  }
0x39: {  	_ = 	snop;
	(pc) =	sbr.ind lr, $3  }
0x3a: {  	_ = 	snop  }
0x3b: {  	_ = 	snop  }
0x3c: {  	p2 =	seq.s32 s10, $0x1;
	s10 =	sld [smem:$0x3FB6]  }
0x3d: {  	_ =	shalt  }
0x3e: {  	_ =	shalt  }
0x3f: {  	_ =	shalt  }
0x40: {  	_ =	shalt  }
0x41: {  	_ =	shalt  }
0x42: {  	_ =	shalt  }
0x43: {  	_ =	shalt  }
0x44: {  	_ =	shalt  }
0x45: {  	_ =	shalt  }
0x46: {  	_ =	shalt  }
0x47: {  	_ =	shalt  }
0x48: {  	_ =	shalt  }
0x49: {  	_ =	shalt  }
0x4a: {  	_ =	shalt  }
0x4b: {  	_ =	shalt  }
0x4c: {  	_ =	shalt  }
0x4d: {  	_ =	shalt  }
0x4e: {  	_ =	shalt  }
0x4f: {  	_ =	shalt  }
0x50: {  	_ =	shalt  }
0x51: {  	_ =	shalt  }
0x52: {  	_ =	shalt  }
0x53: {  	_ =	shalt  }
0x54: {  	_ =	shalt  }
0x55: {  	_ =	shalt  }
0x56: {  	_ =	shalt  }
0x57: {  	_ =	shalt  }
0x58: {  	_ =	shalt  }
0x59: {  	_ =	shalt  }
0x5a: {  	_ =	shalt  }
0x5b: {  	_ =	shalt  }
0x5c: {  	_ =	shalt  }
0x5d: {  	_ =	shalt  }
0x5e: {  	_ =	shalt  }
0x5f: {  	_ =	shalt  }
0x60: {  	_ =	shalt  }
0x61: {  	_ =	shalt  }
0x62: {  	_ =	shalt  }
0x63: {  	_ =	shalt  }
0x64: {  	_ =	shalt  }
0x65: {  	_ =	shalt  }
0x66: {  	_ =	shalt  }
0x67: {  	_ =	shalt  }
0x68: {  	_ =	shalt  }
0x69: {  	_ =	shalt  }
0x6a: {  	_ =	shalt  }
0x6b: {  	_ =	shalt  }
0x6c: {  	_ =	shalt  }
0x6d: {  	_ =	shalt  }
0x6e: {  	_ =	shalt  }
0x6f: {  	_ =	shalt  }
0x70: {  	_ =	shalt  }
0x71: {  	_ =	shalt  }
0x72: {  	_ =	shalt  }
0x73: {  	_ =	shalt  }
0x74: {  	_ =	shalt  }
0x75: {  	_ =	shalt  }
0x76: {  	_ =	shalt  }
0x77: {  	_ =	shalt  }
0x78: {  	_ =	shalt  }
0x79: {  	_ =	shalt  }
0x7a: {  	_ =	shalt  }
0x7b: {  	_ =	shalt  }
0x7c: {  	_ =	shalt  }
0x7d: {  	_ =	shalt  }
0x7e: {  	_ =	shalt  }
0x7f: {  	_ =	shalt  }
0x80: {  	_ =	shalt  }
0x81: {  	_ =	shalt  }
0x82: {  	_ =	shalt  }
0x83: {  	_ =	shalt  }
0x84: {  	_ =	shalt  }
0x85: {  	_ =	shalt  }
0x86: {  	_ =	shalt  }
0x87: {  	_ =	shalt  }
.Lfunc_end0:
.L_simem_size_0:
called_computation.1_lowered:
.L_overlay_start_0:
0x88: {  	s2 =	sld [smem:$0x3FD9]  }
0x89: {  	s3 =	sld [smem:$0x3FFE];
	_ =	sdelay $0x1  }
0x8a: {  	s1 =	srdreg.scid  }
0x8b: {  	s0 =	sand.u32 $0x1, s1  }
0x8c: {  	s16 =	sshll.u32 s0, $0xA;
	s2 =	sadd.s32 s3, s2  }
0x8d: {  	s2 =	sadd.s32 s2, s16  }
0x8e: {  	[smem:$0x3FC2] =	sst s2  }
0x8f: {  	_ = 	snop  }
0x90: {  	(tm) =	ssettm $0x1  }
0x91: {  	s17 =	sld [smem:$0x3FFB];
	_ =	sdelay $0x3  }
0x92: {  	_ =	strace s17  }
0x93: {  	s2 =	sld [smem:$0x3FFC];
	_ =	sdelay $0x3  }
0x94: {  	_ =	strace s2  }
0x95: {  	s2 =	sld [smem:$0x3FFD];
	_ =	sdelay $0x3  }
0x96: {  	_ =	strace s2  }
0x97: {  	_ =	strace $0x8FFFFFFF  }
0x98: {  	s18 =	sld [smem:$0x3FDB];
	_ =	sdelay $0x1  }
0x99: {  	s19 =	simm.s32 $_scs_section_size  }
0x9a: {  	s4 =	simm.s32 $_size__tile_overlayer_lowered;
	s5 =	simm.s32 $_tile_overlayer_lowered  }
0x9b: {  	s22 =	simm.s32 $0x1BFF;
	s21 =	sshll.u32 s5, $0x1;
	s2 =	sadd.s32 s19, s18  }
0x9c: {  	s6 =	simm.s32 $0x0;
	s20 =	sshll.u32 s4, $0x1;
	s4 =	sadd.s32 s21, s2  }
0x9d: {  	[timem:s6], [sflag:s22] =	dma.local [hbm:s4], s20  }
0x9e: {  	_ =	swait.ge [sflag:s22], s20  }
0x9f: {  	s3 =	ssub.s32 $0x0, s20;
	[sflag:s22] =	ssyncset.done $0x0  }
0xa0: {  	[sflag:s22] =	ssyncadd.s32 s3;
	_ =	sdelay $0x1  }
0xa1: {  	s23 =	simm.s32 $0x1B8B  }
0xa2: {  	_ =	swait.ge [sflag:s23], $0x1  }
0xa3: {  	[sflag:s23] =	ssyncset.done $0x0  }
0xa4: {  	s25 =	simm.s32 $0x1B8E;
	s24 =	sld [smem:$0x3FFE];
	[sflag:s23] =	ssyncadd.s32 $0xFFFFFFFF  }
0xa5: {  	s26 =	simm.s32 $execute0_lowered;
	[smem:$0x3FD2] =	sst s25  }
0xa6: {  	s4 =	sshll.u32 s26, $0x1;
	_ =	strace $0x80000046;
	[dreg:$0x1] =	wrdreg $0xFFFFFFFF  }
0xa7: {  	s28 =	simm.s32 $_size_execute0_lowered;
	s2 =	sadd.s32 s2, s4;
	[dreg:$0x0] =	wrdreg $0x0  }
0xa8: {  	s4 =	sshll.u32 s28, $0x1;
	[dreg:$0x2] =	wrdreg s2  }
0xa9: {  	[dreg:$0x3] =	wrdreg s4  }
0xaa: {  	[dreg:$0x4] =	wrdreg $0xC0  }
0xab: {  	_ =	task [dreg:s6], $0x5FFFF  }
0xac: {  	[dreg:$0x1] =	wrdreg $0xFFFFFFFF  }
0xad: {  	[dreg:$0x0] =	wrdreg $0x60  }
0xae: {  	[dreg:$0x2] =	wrdreg s24  }
0xaf: {  	[dreg:$0x3] =	wrdreg $0xA  }
0xb0: {  	_ =	task.clear_ibuf [dreg:s6], $0x4FFFF;
	_ =	strace $0x90000046  }
0xb1: {  	s29 =	simm.s32 $0xA;
	_ =	strace $0x80000048  }
0xb2: {  	_ =	swait.ge [sflag:s29], $0x1  }
0xb3: {  	[sflag:s29] =	ssyncadd.s32 $0xFFFFFFFF  }
0xb4: {  	_ =	strace $0x90000048  }
0xb5: {  	_ =	sfence  }
0xb6: {  	s30 =	sld [smem:$0x0];
	_ =	sdelay $0x2  }
0xb7: {  	s31 =	sshll.u32 s1, $0xD;
	s1 =	sshrl.u32 s1, $0x2  }
0xb8: {  	s3 =	sand.u32 $0x4000, s31;
	s1 =	sadd.s32 s1, s30  }
0xb9: {  	s0 =	sor.u32 s3, s0;
	s1 =	sshll.u32 s1, $0x11  }
0xba: {  	s0 =	sor.u32 s1, s0  }
0xbb: {  	s0 =	sadd.s32 $0x8F2B, s0  }
0xbc: {  	[sflag:s0] =	ssyncadd.remote.s32 $0x1  }
0xbd: {  	_ =	sfence.sel $0xFFFF  }
0xbe: {  	[dreg:$0x0] =	wrdreg $0xFFFFFFFF;
	(pc) =	sbr.abs _section_cstart, $3  }
0xbf: {  	[dreg:$0x1] =	wrdreg $0xFFFFFFFF  }
0xc0: {  	_ =	task.clear_ibuf [dreg:s6], $0x2FFFF;
	_ =	strace $0x9FFFFFFF  }
0xc1: {  	(tm) =	ssettm $0x7FFFFFFF  }
tec
execute0_lowered:
.L_overlay_start_1:
0x0: {  	(tag) =	ssettag $0x1  }
0x1: {  	s0 =	rddreg [dreg:$0x0]  }
0x2: {  	s1 =	srdreg.scid;
	s11 =	stileid.u32;
	s2 =	simm.s32 $0x0  }
0x3: {  	s17 =	simm.s32 $0x200;
	s18 =	simm.s32 $0x8600;
	s19 =	simm.s32 $0x280  }
0x4: {  	s20 =	simm.s32 $0xA600;
	s21 =	simm.s32 $0x600;
	s22 =	simm.s32 $0x380  }
0x5: {  	s23 =	simm.s32 $0xE600;
	s24 =	simm.s32 $0x400;
	s25 =	simm.s32 $0x10600  }
0x6: {  	s28 =	simm.s32 $0x7;
	s1 =	sand.u32 $0x1, s1;
	[smem:$0x7FF] =	sst s2  }
0x7: {  	s3 =	sshll.u32 s11, $0x1;
	_ =	strace $0x80000047;
	[dreg:$0x2] =	wrdreg s17  }
0x8: {  	s7 =	sadd.s32 $0x1600, s0;
	s29 =	smul.u32 $0x900, s11;
	[dreg:$0x3] =	wrdreg s18  }
0x9: {  	s4 =	sadd.s32 $0xA600, s0;
	s13 =	smul.u32 $0x24000, s11;
	[dreg:$0x4] =	wrdreg s19  }
0xa: {  	s14 =	smul.u32 $0x30, s11;
	s5 =	sor.u32 s1, s3;
	[dreg:$0x5] =	wrdreg s20  }
0xb: {  	s3 =	sadd.s32 $0xF43A00, s0;
	s31 =	smul.u32 $0x480, s1;
	[dreg:$0x6] =	wrdreg s21  }
0xc: {  	s26 =	ssub.s32 $0x2, s1;
	s12 =	smul.u32 $0x12000, s1;
	[dreg:$0x7] =	wrdreg s22  }
0xd: {  	s1 =	smul.u32 $0x18, s1;
	s17 =	simm.s32 $0x1;
	[dreg:$0x8] =	wrdreg s23  }
0xe: {  	s18 =	simm.s32 $0x2;
	[dreg:$0x9] =	wrdreg s24;
	s19 =	simm.s32 $0x80  }
0xf: {  	[dreg:$0xa] =	wrdreg s25;
	s20 =	simm.s32 $0x6600;
	s21 =	simm.s32 $0x5  }
0x10: {  	s22 =	simm.s32 $0x3;
	s23 =	simm.s32 $0xC600;
	s6 =	smul.u32 $0x480, s5  }
0x11: {  	s24 =	simm.s32 $0x6;
	s25 =	simm.s32 $0x4;
	s8 =	smul.u32 $0x2400, s5  }
0x12: {  	s5 =	smul.u32 $0x90000, s5;
	s9 =	sshrl.u32 s26, $0x1;
	s15 =	sadd.s32 s29, s7  }
0x13: {  	s16 =	sadd.s32 s13, s4;
	s29 =	simm.s32 $0x14600;
	s0 =	ssub.s32 s26, s9  }
0x14: {  	s11 =	sadd.s32 s31, s15;
	s26 =	simm.s32 $0x500;
	[dreg:$0xc] =	wrdreg s29  }
0x15: {  	s1 =	sadd.s32 s1, s14;
	s31 =	simm.s32 $0x16600;
	[dreg:$0xb] =	wrdreg s26  }
0x16: {  	s10 =	sadd.s32 s7, s6;
	s8 =	sshrl.u32 s8, $0x3;
	[dreg:$0xe] =	wrdreg s31  }
0x17: {  	s5 =	sshrl.u32 s5, $0x3;
	s0 =	smax.u32 s0, $0x1;
	[dreg:$0xf] =	wrdreg s10  }
0x18: {  	s1 =	smul.u32 $0x6000, s1;
	s30 =	sadd.s32 $0x30, s10;
	[dreg:$0x14] =	wrdreg s0  }
0x19: {  	s10 =	sadd.s32 $0x60, s10;
	s8 =	sadd.s32 s7, s8;
	[dreg:$0x10] =	wrdreg s30  }
0x1a: {  	s5 =	sadd.s32 s4, s5;
	[dreg:$0x11] =	wrdreg s10;
	s8 =	sadd.s32 $0x90, s8  }
0x1b: {  	s0 =	sadd.s32 s12, s16;
	s5 =	sadd.s32 $0x11400, s5;
	[dreg:$0x12] =	wrdreg s8  }
0x1c: {  	s14 =	simm.s32 $0x180;
	s0 =	sadd.s32 $0x1800, s0;
	[dreg:$0x13] =	wrdreg s5  }
0x1d: {  	s15 =	simm.s32 $0x300;
	s1 =	sadd.s32 $0xFFFFA000, s1;
	[dreg:$0x15] =	wrdreg s0  }
0x1e: {  	s26 =	simm.s32 $0x12600;
	s30 =	simm.s32 $0x580;
	[dreg:$0x16] =	wrdreg s1  }
0x1f: {  	s6 =	simm.s32 $0x0;
	s16 =	simm.s32 $0x480;
	[dreg:$0xd] =	wrdreg s30  }
.LBB2_1:
0x20: {  	s0 =	rddreg [dreg:$0xf]  }
0x21: {  	[tilespmem:s2], [sflag:$0x1] =	stream.linear.gather [hbm4b:s0+s2], $0x180, $0x38;
	[tilespmem:$0x18600] =	vst v63  }
0x22: {  	s30 =	rddreg [dreg:$0x10]  }
0x23: {  	[tilespmem:s14], [sflag:$0x2] =	stream.linear.gather [hbm4b:s30+s2], $0x180, $0x38;
	[tilespmem:$0x18600] =	vst v63  }
0x24: {  	s1 =	rddreg [dreg:$0x11]  }
0x25: {  	[tilespmem:s15], [sflag:$0x3] =	stream.linear.gather [hbm4b:s1+s2], $0x180, $0x38;
	[tilespmem:$0x18600] =	vst v63  }
0x26: {  	s5 =	rddreg [dreg:$0x12]  }
0x27: {  	[tilespmem:s16], [sflag:$0x4] =	stream.linear.gather [hbm4b:s5+s2], $0x180, $0x38;
	[tilespmem:$0x18600] =	vst v63  }
0x28: {  	p0 =	por $0x1, $0x1;
	_ =	swait.ge [sflag:s17], $0x180  }
0x29: {  	s0 =	simm.s32 @p0 $0x80;
	[sflag:s17] =	ssyncset.done $0x0  }
0x2a: {  	s1 =	simm.s32 @p0 $0x0;
	s5 =	simm.s32 @p0 $0x600;
	[sflag:s17] =	ssyncadd.s32 $0xFFFFFE80  }
0x2b: {  	[tilespmem:s5], [sflag:$0x5] =	stream.indirect.gather @p0 [hbm4b:s3+s0], $0x40, s1, s0, $0xb8;
	[tilespmem:$0x18600] =	vst v63  }
0x2c: {  	s1 =	simm.s32 @p0 $0x2600  }
0x2d: {  	[tilespmem:s1], [sflag:$0x5] =	stream.indirect.gather @p0 [hbm4b:s3+s0], $0x40, s0, s0, $0xb8;
	[tilespmem:$0x18600] =	vst v63  }
0x2e: {  	s7 =	simm.s32 @!p0 $0x9;
	s5 =	simm.s32 @p0 $0x4600;
	s1 =	simm.s32 @p0 $0x100  }
0x2f: {  	[tilespmem:s5], [sflag:$0x5] =	stream.indirect.gather @p0 [hbm4b:s3+s0], $0x40, s1, s0, $0xb8;
	[tilespmem:$0x18600] =	vst v63  }
0x30: {  	_ =	swait.ge @!p0 [sflag:s7], $0x6000  }
0x31: {  	s0 =	simm.s32 @!p0 $0x600;
	[sflag:s7] =	ssyncset.done @!p0 $0x0  }
0x32: {  	s1 =	simm.s32 @!p0 $0x80;
	s5 =	simm.s32 @!p0 $0x0;
	[sflag:s7] =	ssyncadd.s32 @!p0 $0xFFFFA000  }
0x33: {  	[tilespmem:s0], [sflag:$0x5] =	stream.indirect.gather @!p0 [hbm4b:s3+s1], $0x40, s5, s1, $0xb8;
	[tilespmem:$0x18600] =	vst v63  }
0x34: {  	s0 =	simm.s32 @!p0 $0x2600  }
0x35: {  	[tilespmem:s0], [sflag:$0x5] =	stream.indirect.gather @!p0 [hbm4b:s3+s1], $0x40, s1, s1, $0xb8;
	[tilespmem:$0x18600] =	vst v63  }
0x36: {  	s8 =	simm.s32 @!p0 $0x8;
	s7 =	simm.s32 @!p0 $0x4600;
	s0 =	simm.s32 @!p0 $0x100  }
0x37: {  	[tilespmem:s7], [sflag:$0x5] =	stream.indirect.gather @!p0 [hbm4b:s3+s1], $0x40, s0, s1, $0xb8;
	[tilespmem:$0x18600] =	vst v63  }
0x38: {  	_ =	swait.ge @!p0 [sflag:s8], $0x2000  }
0x39: {  	[sflag:s8] =	ssyncset.done @!p0 $0x0  }
0x3a: {  	[sflag:s8] =	ssyncadd.s32 @!p0 $0xFFFFE000  }
0x3b: {  	_ =	swait.ge @!p0 [sflag:s8], $0x2000  }
0x3c: {  	[sflag:s8] =	ssyncset.done @!p0 $0x0  }
0x3d: {  	[sflag:s8] =	ssyncadd.s32 @!p0 $0xFFFFE000  }
0x3e: {  	s0 =	sadd.s32 @!p0 $0x0, s11;
	_ =	swait.ge @!p0 [sflag:s8], $0x2000  }
0x3f: {  	s7 =	simm.s32 @!p0 $0x480;
	[sflag:s8] =	ssyncset.done @!p0 $0x0;
	s12 =	rddreg [dreg:$0x16]  }
0x40: {  	s0 =	sadd.s32 @!p0 $0x90, s0;
	s1 =	sshrl.u32 @!p0 s12, $0x3;
	[sflag:s8] =	ssyncadd.s32 @!p0 $0xFFFFE000  }
0x41: {  	[tilespmem:s7], [sflag:$0x4] =	stream.linear.gather @!p0 [hbm4b:s0+s5], $0x180, $0x38;
	[tilespmem:$0x18600] =	vst v63  }
0x42: {  	s0 =	sadd.s32 @!p0 s4, s1;
	s1 =	simm.s32 @!p0 $0x12600  }
0x43: {  	[hbm4b:s0+s5] =	stream.linear.scatter @!p0 [tilespmem:s1], [sflag:$0xC], $0x6000, $0x38;
	[tilespmem:$0x18600] =	vst v63  }
0x44: {  	_ =	swait.ge [sflag:s18], $0x180  }
0x45: {  	[sflag:s18] =	ssyncset.done $0x0  }
0x46: {  	s0 =	simm.s32 @!p0 $0xA;
	[sflag:s18] =	ssyncadd.s32 $0xFFFFFE80  }
0x47: {  	_ =	swait.ge @!p0 [sflag:s0], $0x6000  }
0x48: {  	s7 =	rddreg [dreg:$0x2];
	[sflag:s0] =	ssyncset.done @!p0 $0x0  }
0x49: {  	s8 =	rddreg [dreg:$0x3];
	[sflag:s0] =	ssyncadd.s32 @!p0 $0xFFFFA000  }
0x4a: {  	[tilespmem:s20], [sflag:$0x6] =	stream.indirect.gather [hbm4b:s3+s19], $0x40, s14, s19, $0xb8;
	[tilespmem:$0x18600] =	vst v63  }
0x4b: {  	s9 =	rddreg [dreg:$0x5]  }
0x4c: {  	[tilespmem:s8], [sflag:$0x6] =	stream.indirect.gather [hbm4b:s3+s19], $0x40, s7, s19, $0xb8;
	[tilespmem:$0x18600] =	vst v63  }
0x4d: {  	s10 =	rddreg [dreg:$0x4]  }
0x4e: {  	[tilespmem:s9], [sflag:$0x6] =	stream.indirect.gather [hbm4b:s3+s19], $0x40, s10, s19, $0xb8;
	[tilespmem:$0x18600] =	vst v63  }
0x4f: {  	_ =	swait.ge [sflag:s21], $0x2000  }
0x50: {  	[sflag:s21] =	ssyncset.done $0x0  }
0x51: {  	[sflag:s21] =	ssyncadd.s32 $0xFFFFE000  }
0x52: {  	_ =	swait.ge [sflag:s21], $0x2000  }
0x53: {  	[sflag:s21] =	ssyncset.done $0x0  }
0x54: {  	[sflag:s21] =	ssyncadd.s32 $0xFFFFE000  }
0x55: {  	p2 =	por $0x0, $0x0;
	_ =	swait.ge [sflag:s21], $0x2000  }
0x56: {  	s5 =	simm.s32 @!p2 $0x0;
	s0 =	sadd.s32 @!p2 $0x0, s11;
	[sflag:s21] =	ssyncset.done $0x0  }
0x57: {  	s1 =	sadd.s32 @!p2 $0xC0, s0;
	s10 =	rddreg [dreg:$0x15];
	[sflag:s21] =	ssyncadd.s32 $0xFFFFE000  }
0x58: {  	[tilespmem:s5], [sflag:$0x1] =	stream.linear.gather @!p2 [hbm4b:s1+s5], $0x180, $0x38;
	[tilespmem:$0x18600] =	vst v63  }
0x59: {  	s13 =	rddreg [dreg:$0x6];
	s29 =	sadd.s32 $0xFFFFE800, s10  }
0x5a: {  	[hbm4b:s29+s2] =	stream.linear.scatter [tilespmem:s13], [sflag:$0x9], $0x6000, $0x38;
	[tilespmem:$0x18600] =	vst v63  }
0x5b: {  	_ =	swait.ge [sflag:s22], $0x180  }
0x5c: {  	[sflag:s22] =	ssyncset.done $0x0  }
0x5d: {  	s1 =	simm.s32 @!p0 $0xB;
	[sflag:s22] =	ssyncadd.s32 $0xFFFFFE80  }
0x5e: {  	_ =	swait.ge @!p0 [sflag:s1], $0x6000  }
0x5f: {  	s30 =	rddreg [dreg:$0x9];
	[sflag:s1] =	ssyncset.done @!p0 $0x0  }
0x60: {  	s13 =	rddreg [dreg:$0x7];
	[sflag:s1] =	ssyncadd.s32 @!p0 $0xFFFFA000  }
0x61: {  	[tilespmem:s23], [sflag:$0x7] =	stream.indirect.gather [hbm4b:s3+s19], $0x40, s15, s19, $0xb8;
	[tilespmem:$0x18600] =	vst v63  }
0x62: {  	s29 =	rddreg [dreg:$0x8]  }
0x63: {  	[tilespmem:s29], [sflag:$0x7] =	stream.indirect.gather [hbm4b:s3+s19], $0x40, s13, s19, $0xb8;
	[tilespmem:$0x18600] =	vst v63  }
0x64: {  	s9 =	rddreg [dreg:$0xa]  }
0x65: {  	[tilespmem:s9], [sflag:$0x7] =	stream.indirect.gather [hbm4b:s3+s19], $0x40, s30, s19, $0xb8;
	[tilespmem:$0x18600] =	vst v63  }
0x66: {  	_ =	swait.ge [sflag:s24], $0x2000  }
0x67: {  	[sflag:s24] =	ssyncset.done $0x0  }
0x68: {  	[sflag:s24] =	ssyncadd.s32 $0xFFFFE000  }
0x69: {  	_ =	swait.ge [sflag:s24], $0x2000  }
0x6a: {  	[sflag:s24] =	ssyncset.done $0x0  }
0x6b: {  	[sflag:s24] =	ssyncadd.s32 $0xFFFFE000  }
0x6c: {  	_ =	swait.ge [sflag:s24], $0x2000  }
0x6d: {  	[sflag:s24] =	ssyncset.done $0x0  }
0x6e: {  	s7 =	simm.s32 @!p2 $0x180;
	s1 =	sadd.s32 @!p2 $0xF0, s0;
	[sflag:s24] =	ssyncadd.s32 $0xFFFFE000  }
0x6f: {  	[tilespmem:s7], [sflag:$0x2] =	stream.linear.gather @!p2 [hbm4b:s1+s5], $0x180, $0x38;
	[tilespmem:$0x18600] =	vst v63  }
0x70: {  	s30 =	sadd.s32 $0xFFFFF400, s10  }
0x71: {  	[hbm4b:s30+s2] =	stream.linear.scatter [tilespmem:s20], [sflag:$0xA], $0x6000, $0x38;
	[tilespmem:$0x18600] =	vst v63  }
0x72: {  	_ =	swait.ge [sflag:s25], $0x180  }
0x73: {  	[sflag:s25] =	ssyncset.done $0x0  }
0x74: {  	s31 =	sadd.s32 @!p2 $0x120, s0;
	s1 =	simm.s32 @!p0 $0xC;
	[sflag:s25] =	ssyncadd.s32 $0xFFFFFE80  }
0x75: {  	s8 =	sadd.s32 $0x18000, s12;
	s12 =	smov.u32 s10;
	_ =	swait.ge @!p0 [sflag:s1], $0x6000  }
0x76: {  	s9 =	smov.u32 s10;
	[sflag:s1] =	ssyncset.done @!p0 $0x0;
	s0 =	rddreg [dreg:$0xb]  }
0x77: {  	s7 =	simm.s32 $0xC0;
	[sflag:s1] =	ssyncadd.s32 @!p0 $0xFFFFA000;
	s1 =	rddreg [dreg:$0xc]  }
.LBB2_2:
0x78: {  	[tilespmem:s26], [sflag:$0x8] =	stream.indirect.gather [hbm4b:s3+s19], $0x40, s16, s19, $0xb8;
	[tilespmem:$0x18600] =	vst v63  }
0x79: {  	s13 =	rddreg [dreg:$0xe]  }
0x7a: {  	[tilespmem:s1], [sflag:$0x8] =	stream.indirect.gather [hbm4b:s3+s19], $0x40, s0, s19, $0xb8;
	[tilespmem:$0x18600] =	vst v63  }
0x7b: {  	s10 =	rddreg [dreg:$0xd]  }
0x7c: {  	[tilespmem:s13], [sflag:$0x8] =	stream.indirect.gather [hbm4b:s3+s19], $0x40, s10, s19, $0xb8;
	[tilespmem:$0x18600] =	vst v63  }
0x7d: {  	_ =	swait.ge [sflag:s28], $0x2000  }
0x7e: {  	[sflag:s28] =	ssyncset.done $0x0  }
0x7f: {  	[sflag:s28] =	ssyncadd.s32 $0xFFFFE000  }
0x80: {  	_ =	swait.ge [sflag:s28], $0x2000  }
0x81: {  	[sflag:s28] =	ssyncset.done $0x0  }
0x82: {  	[sflag:s28] =	ssyncadd.s32 $0xFFFFE000  }
0x83: {  	_ =	swait.ge [sflag:s28], $0x2000  }
0x84: {  	[sflag:s28] =	ssyncset.done $0x0  }
0x85: {  	s0 =	simm.s32 @!p2 $0x300;
	[sflag:s28] =	ssyncadd.s32 $0xFFFFE000  }
0x86: {  	[tilespmem:s0], [sflag:$0x3] =	stream.linear.gather @!p2 [hbm4b:s31+s5], $0x180, $0x38;
	[tilespmem:$0x18600] =	vst v63  }
0x87: {  	s30 =	smov.u32 s7  }
0x88: {  	[hbm4b:s9+s2] =	stream.linear.scatter [tilespmem:s23], [sflag:$0xB], $0x6000, $0x38;
	[tilespmem:$0x18600] =	vst v63  }
0x89: {  	p1 =	seq.s32 s30, $0x0;
	_ =	swait.ge [sflag:s17], $0x180  }
0x8a: {  	s1 =	simm.s32 @p1 $0x0;
	[sflag:s17] =	ssyncset.done $0x0  }
0x8b: {  	s0 =	simm.s32 @p1 $0x80;
	s5 =	simm.s32 @p1 $0x600;
	[sflag:s17] =	ssyncadd.s32 $0xFFFFFE80  }
0x8c: {  	[tilespmem:s5], [sflag:$0x5] =	stream.indirect.gather @p1 [hbm4b:s3+s0], $0x40, s1, s0, $0xb8;
	[tilespmem:$0x18600] =	vst v63  }
0x8d: {  	s1 =	simm.s32 @p1 $0x2600  }
0x8e: {  	[tilespmem:s1], [sflag:$0x5] =	stream.indirect.gather @p1 [hbm4b:s3+s0], $0x40, s0, s0, $0xb8;
	[tilespmem:$0x18600] =	vst v63  }
0x8f: {  	s13 =	simm.s32 @p1 $0x4600;
	s31 =	simm.s32 @!p1 $0x9;
	s1 =	simm.s32 @p1 $0x100  }
0x90: {  	[tilespmem:s13], [sflag:$0x5] =	stream.indirect.gather @p1 [hbm4b:s3+s0], $0x40, s1, s0, $0xb8;
	[tilespmem:$0x18600] =	vst v63  }
0x91: {  	_ =	swait.ge @!p1 [sflag:s31], $0x6000  }
0x92: {  	s0 =	simm.s32 @!p1 $0x600;
	[sflag:s31] =	ssyncset.done @!p1 $0x0  }
0x93: {  	s1 =	simm.s32 @!p1 $0x80;
	s13 =	simm.s32 @!p1 $0x0;
	[sflag:s31] =	ssyncadd.s32 @!p1 $0xFFFFA000  }
0x94: {  	[tilespmem:s0], [sflag:$0x5] =	stream.indirect.gather @!p1 [hbm4b:s3+s1], $0x40, s13, s1, $0xb8;
	[tilespmem:$0x18600] =	vst v63  }
0x95: {  	s0 =	simm.s32 @!p1 $0x2600  }
0x96: {  	[tilespmem:s0], [sflag:$0x5] =	stream.indirect.gather @!p1 [hbm4b:s3+s1], $0x40, s1, s1, $0xb8;
	[tilespmem:$0x18600] =	vst v63  }
0x97: {  	s29 =	simm.s32 @!p1 $0x8;
	s31 =	simm.s32 @!p1 $0x4600;
	s0 =	simm.s32 @!p1 $0x100  }
0x98: {  	[tilespmem:s31], [sflag:$0x5] =	stream.indirect.gather @!p1 [hbm4b:s3+s1], $0x40, s0, s1, $0xb8;
	[tilespmem:$0x18600] =	vst v63  }
0x99: {  	_ =	swait.ge @!p1 [sflag:s29], $0x2000  }
0x9a: {  	[sflag:s29] =	ssyncset.done @!p1 $0x0  }
0x9b: {  	[sflag:s29] =	ssyncadd.s32 @!p1 $0xFFFFE000  }
0x9c: {  	_ =	swait.ge @!p1 [sflag:s29], $0x2000  }
0x9d: {  	[sflag:s29] =	ssyncset.done @!p1 $0x0  }
0x9e: {  	[sflag:s29] =	ssyncadd.s32 @!p1 $0xFFFFE000  }
0x9f: {  	s9 =	sadd.s32 @!p1 s30, s11;
	_ =	swait.ge @!p1 [sflag:s29], $0x2000  }
0xa0: {  	s10 =	sadd.s32 @!p1 $0x90, s9;
	[sflag:s29] =	ssyncset.done @!p1 $0x0  }
0xa1: {  	s9 =	sshrl.u32 @!p1 s8, $0x3;
	s0 =	simm.s32 @!p1 $0x480;
	[sflag:s29] =	ssyncadd.s32 @!p1 $0xFFFFE000  }
0xa2: {  	[tilespmem:s0], [sflag:$0x4] =	stream.linear.gather @!p1 [hbm4b:s10+s13], $0x180, $0x38;
	[tilespmem:$0x18600] =	vst v63  }
0xa3: {  	s5 =	sadd.s32 @!p1 s4, s9;
	s0 =	simm.s32 @!p1 $0x12600  }
0xa4: {  	[hbm4b:s5+s13] =	stream.linear.scatter @!p1 [tilespmem:s0], [sflag:$0xC], $0x6000, $0x38;
	[tilespmem:$0x18600] =	vst v63  }
0xa5: {  	_ =	swait.ge [sflag:s18], $0x180  }
0xa6: {  	[sflag:s18] =	ssyncset.done $0x0  }
0xa7: {  	s0 =	simm.s32 @!p1 $0xA;
	[sflag:s18] =	ssyncadd.s32 $0xFFFFFE80  }
0xa8: {  	_ =	swait.ge @!p1 [sflag:s0], $0x6000  }
0xa9: {  	[sflag:s0] =	ssyncset.done @!p1 $0x0;
	s5 =	rddreg [dreg:$0x2]  }
0xaa: {  	s10 =	rddreg [dreg:$0x3];
	[sflag:s0] =	ssyncadd.s32 @!p1 $0xFFFFA000  }
0xab: {  	[tilespmem:s20], [sflag:$0x6] =	stream.indirect.gather [hbm4b:s3+s19], $0x40, s14, s19, $0xb8;
	[tilespmem:$0x18600] =	vst v63  }
0xac: {  	s13 =	rddreg [dreg:$0x5]  }
0xad: {  	[tilespmem:s10], [sflag:$0x6] =	stream.indirect.gather [hbm4b:s3+s19], $0x40, s5, s19, $0xb8;
	[tilespmem:$0x18600] =	vst v63  }
0xae: {  	s29 =	rddreg [dreg:$0x4]  }
0xaf: {  	[tilespmem:s13], [sflag:$0x6] =	stream.indirect.gather [hbm4b:s3+s19], $0x40, s29, s19, $0xb8;
	[tilespmem:$0x18600] =	vst v63  }
0xb0: {  	_ =	swait.ge [sflag:s21], $0x2000  }
0xb1: {  	[sflag:s21] =	ssyncset.done $0x0  }
0xb2: {  	[sflag:s21] =	ssyncadd.s32 $0xFFFFE000  }
0xb3: {  	_ =	swait.ge [sflag:s21], $0x2000  }
0xb4: {  	[sflag:s21] =	ssyncset.done $0x0  }
0xb5: {  	[sflag:s21] =	ssyncadd.s32 $0xFFFFE000  }
0xb6: {  	p2 =	seq.s32 s30, $0x3C0;
	_ =	swait.ge [sflag:s21], $0x2000  }
0xb7: {  	s12 =	sadd.s32 $0x3000, s12;
	s0 =	sadd.s32 @!p2 s30, s11;
	[sflag:s21] =	ssyncset.done $0x0  }
0xb8: {  	s1 =	sadd.s32 @!p2 $0xC0, s0;
	s5 =	simm.s32 @!p2 $0x0;
	[sflag:s21] =	ssyncadd.s32 $0xFFFFE000  }
0xb9: {  	[tilespmem:s5], [sflag:$0x1] =	stream.linear.gather @!p2 [hbm4b:s1+s5], $0x180, $0x38;
	[tilespmem:$0x18600] =	vst v63  }
0xba: {  	s29 =	sadd.s32 $0xFFFFE800, s12;
	s30 =	rddreg [dreg:$0x6]  }
0xbb: {  	[hbm4b:s29+s2] =	stream.linear.scatter [tilespmem:s30], [sflag:$0x9], $0x6000, $0x38;
	[tilespmem:$0x18600] =	vst v63  }
0xbc: {  	_ =	swait.ge [sflag:s22], $0x180  }
0xbd: {  	s31 =	sadd.s32 @!p2 $0x120, s0;
	[sflag:s22] =	ssyncset.done $0x0  }
0xbe: {  	s13 =	sadd.s32 @!p2 $0xF0, s0;
	s0 =	simm.s32 @!p1 $0xB;
	[sflag:s22] =	ssyncadd.s32 $0xFFFFFE80  }
0xbf: {  	_ =	swait.ge @!p1 [sflag:s0], $0x6000  }
0xc0: {  	[sflag:s0] =	ssyncset.done @!p1 $0x0;
	s1 =	rddreg [dreg:$0x9]  }
0xc1: {  	s10 =	rddreg [dreg:$0x8];
	[sflag:s0] =	ssyncadd.s32 @!p1 $0xFFFFA000  }
0xc2: {  	[tilespmem:s23], [sflag:$0x7] =	stream.indirect.gather [hbm4b:s3+s19], $0x40, s15, s19, $0xb8;
	[tilespmem:$0x18600] =	vst v63  }
0xc3: {  	s0 =	rddreg [dreg:$0x7]  }
0xc4: {  	[tilespmem:s10], [sflag:$0x7] =	stream.indirect.gather [hbm4b:s3+s19], $0x40, s0, s19, $0xb8;
	[tilespmem:$0x18600] =	vst v63  }
0xc5: {  	s30 =	rddreg [dreg:$0xa]  }
0xc6: {  	[tilespmem:s30], [sflag:$0x7] =	stream.indirect.gather [hbm4b:s3+s19], $0x40, s1, s19, $0xb8;
	[tilespmem:$0x18600] =	vst v63  }
0xc7: {  	_ =	swait.ge [sflag:s24], $0x2000  }
0xc8: {  	[sflag:s24] =	ssyncset.done $0x0  }
0xc9: {  	[sflag:s24] =	ssyncadd.s32 $0xFFFFE000  }
0xca: {  	_ =	swait.ge [sflag:s24], $0x2000  }
0xcb: {  	[sflag:s24] =	ssyncset.done $0x0  }
0xcc: {  	[sflag:s24] =	ssyncadd.s32 $0xFFFFE000  }
0xcd: {  	_ =	swait.ge [sflag:s24], $0x2000  }
0xce: {  	[sflag:s24] =	ssyncset.done $0x0  }
0xcf: {  	s0 =	simm.s32 @!p2 $0x180;
	[sflag:s24] =	ssyncadd.s32 $0xFFFFE000  }
0xd0: {  	[tilespmem:s0], [sflag:$0x2] =	stream.linear.gather @!p2 [hbm4b:s13+s5], $0x180, $0x38;
	[tilespmem:$0x18600] =	vst v63  }
0xd1: {  	s7 =	sadd.s32 $0xC0, s7;
	s30 =	sadd.s32 $0xFFFFF400, s12  }
0xd2: {  	[hbm4b:s30+s2] =	stream.linear.scatter [tilespmem:s20], [sflag:$0xA], $0x6000, $0x38;
	[tilespmem:$0x18600] =	vst v63  }
0xd3: {  	p0 =	sne.s32 s7, $0x480;
	_ =	swait.ge [sflag:s25], $0x180  }
.Ltmp0:
0xd4: {  	[sflag:s25] =	ssyncset.done $0x0;
	(pc) =	sbr.rel @p0 .LBB2_2-.Ltmp0, $4  }
0xd5: {  	s1 =	simm.s32 @!p1 $0xC;
	[sflag:s25] =	ssyncadd.s32 $0xFFFFFE80  }
0xd6: {  	_ =	swait.ge @!p1 [sflag:s1], $0x6000  }
0xd7: {  	s8 =	sadd.s32 $0x18000, s8;
	[sflag:s1] =	ssyncset.done @!p1 $0x0;
	s0 =	rddreg [dreg:$0xb]  }
0xd8: {  	s9 =	smov.u32 s12;
	[sflag:s1] =	ssyncadd.s32 @!p1 $0xFFFFA000;
	s1 =	rddreg [dreg:$0xc]  }
0xd9: {  	[tilespmem:s26], [sflag:$0x8] =	stream.indirect.gather [hbm4b:s3+s19], $0x40, s16, s19, $0xb8;
	[tilespmem:$0x18600] =	vst v63  }
0xda: {  	s7 =	rddreg [dreg:$0xe]  }
0xdb: {  	[tilespmem:s1], [sflag:$0x8] =	stream.indirect.gather [hbm4b:s3+s19], $0x40, s0, s19, $0xb8;
	[tilespmem:$0x18600] =	vst v63  }
0xdc: {  	s8 =	rddreg [dreg:$0xd]  }
0xdd: {  	[tilespmem:s7], [sflag:$0x8] =	stream.indirect.gather [hbm4b:s3+s19], $0x40, s8, s19, $0xb8;
	[tilespmem:$0x18600] =	vst v63  }
0xde: {  	_ =	swait.ge [sflag:s28], $0x2000  }
0xdf: {  	[sflag:s28] =	ssyncset.done $0x0  }
0xe0: {  	[sflag:s28] =	ssyncadd.s32 $0xFFFFE000  }
0xe1: {  	_ =	swait.ge [sflag:s28], $0x2000  }
0xe2: {  	[sflag:s28] =	ssyncset.done $0x0  }
0xe3: {  	[sflag:s28] =	ssyncadd.s32 $0xFFFFE000  }
0xe4: {  	_ =	swait.ge [sflag:s28], $0x2000  }
0xe5: {  	[sflag:s28] =	ssyncset.done $0x0  }
0xe6: {  	s0 =	simm.s32 @!p2 $0x300;
	[sflag:s28] =	ssyncadd.s32 $0xFFFFE000  }
0xe7: {  	[tilespmem:s0], [sflag:$0x3] =	stream.linear.gather @!p2 [hbm4b:s31+s5], $0x180, $0x38;
	[tilespmem:$0x18600] =	vst v63  }
0xe8: {  	_ = 	snop  }
0xe9: {  	[hbm4b:s9+s2] =	stream.linear.scatter [tilespmem:s23], [sflag:$0xB], $0x6000, $0x38;
	[tilespmem:$0x18600] =	vst v63  }
0xea: {  	s9 =	simm.s32 $0x8  }
0xeb: {  	_ =	swait.ge [sflag:s9], $0x2000  }
0xec: {  	[sflag:s9] =	ssyncset.done $0x0  }
0xed: {  	[sflag:s9] =	ssyncadd.s32 $0xFFFFE000  }
0xee: {  	_ =	swait.ge [sflag:s9], $0x2000  }
0xef: {  	[sflag:s9] =	ssyncset.done $0x0  }
0xf0: {  	[sflag:s9] =	ssyncadd.s32 $0xFFFFE000  }
0xf1: {  	_ =	swait.ge [sflag:s9], $0x2000  }
0xf2: {  	[sflag:s9] =	ssyncset.done $0x0  }
0xf3: {  	s12 =	simm.s32 $0x9;
	s10 =	rddreg [dreg:$0x13];
	[sflag:s9] =	ssyncadd.s32 $0xFFFFE000  }
0xf4: {  	[hbm4b:s10+s2] =	stream.linear.scatter [tilespmem:s26], [sflag:$0xC], $0x6000, $0x38;
	[tilespmem:$0x18600] =	vst v63  }
0xf5: {  	_ =	swait.ge [sflag:s12], $0x6000  }
0xf6: {  	[sflag:s12] =	ssyncset.done $0x0  }
0xf7: {  	s13 =	simm.s32 $0xA;
	[sflag:s12] =	ssyncadd.s32 $0xFFFFA000  }
0xf8: {  	_ =	swait.ge [sflag:s13], $0x6000  }
0xf9: {  	[sflag:s13] =	ssyncset.done $0x0  }
0xfa: {  	s29 =	simm.s32 $0xB;
	[sflag:s13] =	ssyncadd.s32 $0xFFFFA000  }
0xfb: {  	_ =	swait.ge [sflag:s29], $0x6000  }
0xfc: {  	[sflag:s29] =	ssyncset.done $0x0  }
0xfd: {  	s30 =	simm.s32 $0xC;
	[sflag:s29] =	ssyncadd.s32 $0xFFFFA000  }
0xfe: {  	_ =	swait.ge [sflag:s30], $0x6000  }
0xff: {  	s6 =	sadd.s32 $0x1, s6;
	s31 =	rddreg [dreg:$0x14]  }
0x100: {  	p0 =	sne.s32 s6, s31  }
.Ltmp1:
0x101: {  	_ = 	snop;
	(pc) =	sbr.rel @p0 .LBB2_1-.Ltmp1, $3  }
0x102: {  	_ =	sdelay $0x1  }
0x103: {  	[sflag:s30] =	ssyncset.done $0x0  }
0x104: {  	[sflag:s30] =	ssyncadd.s32 $0xFFFFA000  }
0x105: {  	_ =	sfence.sel $0x180000  }
0x106: {  	[bflag:$0x0] =	sbarrier.arrive $0xFFFF  }
0x107: {  	_ =	strace $0x90000047  }
0x108: {  	s0 =	stileid.u32;
	[bflag:$0x2] =	sbarrier.arrive $0xFFFF  }
0x109: {  	p0 =	sne.s32 s0, $0x0;
	s0 =	rddreg [dreg:$0x1]  }
0x10a: {  	s0 =	sadd.s32 @!p0 $0x100000, s0  }
0x10b: {  	[sflag:s0] =	ssyncadd.tile.s32 @!p0 $0x1;
	_ =	shalt  }
.Lfunc_end2:
_tile_overlayer_lowered:
.L_overlay_start_2:
0x10c: {  	(tag) =	ssettag $0x2  }
0x10d: {  	s0 =	rddreg [dreg:$0x0];
	s2 =	stileid.u32  }
0x10e: {  	s1 =	rddreg [dreg:$0x1];
	p0 =	sne.s32 s2, $0x0  }
0x10f: {  	s3 =	rddreg [dreg:$0x2];
	[bflag:$0x3] =	sbarrier.arrive $0xFFFF;
	s2 =	simm.s32 @!p0 $0x1C0D  }
0x110: {  	[timem:s3], [sflag:s2] =	dma.local @!p0 [hbm:s0], s1  }
0x111: {  	s0 =	simm.s32 @!p0 $0xD  }
0x112: {  	_ =	swait.ge @!p0 [sflag:s0], s1  }
0x113: {  	s1 =	ssub.s32 @!p0 $0x0, s1;
	[sflag:s0] =	ssyncset.done @!p0 $0x0  }
0x114: {  	[sflag:s0] =	ssyncadd.s32 @!p0 s1  }
0x115: {  	[bflag:$0x3] =	sbarrier.arrive $0xFFFF  }
0x116: {  	_ =	shalt  }

</sc_bundles>
